<compile_context>
chip_gen: v7x
topology: tpu7x:2x2x1
jax: 0.10.2.dev20260603
libtpu: 0.0.44.dev20260713+nightly
codegen_flags: <defaults>
</compile_context>

<pallas_src>
import dataclasses
import functools

import jax
import jax.numpy as jnp
from jax import lax
from jax.experimental import pallas as pl
from jax.experimental.pallas import tpu as pltpu
from jax.experimental.pallas import tpu_sc as plsc

HIDDEN = 4096
KDIM = 128
KEY_NUM = 128
VALUE_NUM = KEY_NUM * KEY_NUM
VDIM = 1024
KNN = 32
HEAD = 2
RANK = 2
MHEAD = 2
NGROUP = HEAD * MHEAD
EPS = 1e-5
NEG = -1e30


TB = 256


def _ln_last(v, scale):
    m = jnp.mean(v, axis=-1, keepdims=True)
    c = v - m
    var = jnp.mean(c * c, axis=-1, keepdims=True)
    return c * lax.rsqrt(var + EPS) * scale


def _topk_stage1(s_r0, s_r1):
    cur0 = s_r0 + s_r1
    iota_k = lax.broadcasted_iota(jnp.int32, (TB, KEY_NUM), 1).astype(
        jnp.float32)
    iota_o = lax.broadcasted_iota(jnp.int32, (TB, KNN), 1)
    z = jnp.zeros((TB, KNN), jnp.float32)

    def body(j, carry):
        cur, i_f, g0, g1 = carry
        mval = jnp.max(cur, axis=-1, keepdims=True)
        eq = cur == mval
        idxf = jnp.min(jnp.where(eq, iota_k, 1e9), axis=-1, keepdims=True)
        onehot = iota_k == idxf
        cur = jnp.where(onehot, NEG, cur)
        oh = onehot.astype(jnp.float32)
        v0 = jnp.sum(oh * s_r0, axis=-1, keepdims=True)
        v1 = jnp.sum(oh * s_r1, axis=-1, keepdims=True)
        colj = iota_o == j
        return (cur,
                jnp.where(colj, idxf, i_f),
                jnp.where(colj, v0, g0),
                jnp.where(colj, v1, g1))

    _, i_f, g0, g1 = lax.fori_loop(0, KNN, body, (cur0, z, z, z))
    return i_f, g0, g1


def _stage_a_body(x_ref, wqt_ref, kmat_ref, qn_ref, kn_ref, c_ref,
                  w_ref, vi_ref):
    q = jnp.dot(x_ref[...].astype(jnp.bfloat16),
                wqt_ref[...].astype(jnp.bfloat16),
                preferred_element_type=jnp.float32)
    q1 = _ln_last(q[:, :KDIM], qn_ref[...])
    q2 = _ln_last(q[:, KDIM:], qn_ref[...])

    kmat = kmat_ref[...]
    km = jnp.mean(kmat, axis=1, keepdims=True)
    kc = kmat - km
    kv = jnp.mean(kc * kc, axis=1, keepdims=True)
    knorm = (kc * lax.rsqrt(kv + EPS) * kn_ref[...]).astype(jnp.bfloat16)
    s1 = jnp.dot(q1.astype(jnp.bfloat16), knorm[0],
                 preferred_element_type=jnp.float32)
    s2 = jnp.dot(q2.astype(jnp.bfloat16), knorm[1],
                 preferred_element_type=jnp.float32)

    NN = KNN * KNN
    row_i = lax.broadcasted_iota(jnp.int32, (KNN, NN), 0)
    col_i = lax.broadcasted_iota(jnp.int32, (KNN, NN), 1)
    e_a = (row_i == (col_i // KNN)).astype(jnp.bfloat16)
    e_b = (row_i == (col_i % KNN)).astype(jnp.bfloat16)

    iota_nn = lax.broadcasted_iota(jnp.int32, (TB, NN), 1).astype(jnp.float32)
    iota_kn = lax.broadcasted_iota(jnp.int32, (TB, KNN), 1).astype(jnp.float32)
    iota_ko = lax.broadcasted_iota(jnp.int32, (TB, KNN), 1)

    for h in range(HEAD):
        c0 = KEY_NUM * h
        i1f, g1a, g1b = _topk_stage1(s1[:, c0:c0 + KEY_NUM],
                                     s1[:, c0 + HEAD * KEY_NUM:
                                         c0 + HEAD * KEY_NUM + KEY_NUM])
        i2f, g2a, g2b = _topk_stage1(s2[:, c0:c0 + KEY_NUM],
                                     s2[:, c0 + HEAD * KEY_NUM:
                                         c0 + HEAD * KEY_NUM + KEY_NUM])
        g1ab = g1a.astype(jnp.bfloat16).astype(jnp.float32)
        g1bb = g1b.astype(jnp.bfloat16).astype(jnp.float32)
        g2a_e = jnp.dot(g2a.astype(jnp.bfloat16), e_b,
                        preferred_element_type=jnp.float32)
        g2b_e = jnp.dot(g2b.astype(jnp.bfloat16), e_b,
                        preferred_element_type=jnp.float32)
        for m in range(MHEAD):
            cm = [[lax.convert_element_type(
                       lax.convert_element_type(
                           c_ref[((m * HEAD + h) * RANK + r) * RANK + s],
                           jnp.bfloat16), jnp.float32)
                   for s in range(RANK)] for r in range(RANK)]
            u0 = g1ab * cm[0][0] + g1bb * cm[1][0]
            u1 = g1ab * cm[0][1] + g1bb * cm[1][1]
            u0e = jnp.dot(u0.astype(jnp.bfloat16), e_a,
                          preferred_element_type=jnp.float32)
            u1e = jnp.dot(u1.astype(jnp.bfloat16), e_a,
                          preferred_element_type=jnp.float32)
            cur0 = u0e * g2a_e + u1e * g2b_e

            g = h * MHEAD + m
            z = jnp.zeros((TB, KNN), jnp.float32)

            def body2(j, carry, i1f=i1f, i2f=i2f):
                cur, tvals, viacc = carry
                mval = jnp.max(cur, axis=-1, keepdims=True)
                eq = cur == mval
                idxf = jnp.min(jnp.where(eq, iota_nn, 1e9),
                               axis=-1, keepdims=True)
                onehot = iota_nn == idxf
                cur = jnp.where(onehot, NEG, cur)
                a_f = jnp.floor(idxf * (1.0 / KNN))
                b_f = idxf - a_f * KNN
                oh_a = (iota_kn == a_f).astype(jnp.float32)
                oh_b = (iota_kn == b_f).astype(jnp.float32)
                sel1 = jnp.sum(oh_a * i1f, axis=-1, keepdims=True)
                sel2 = jnp.sum(oh_b * i2f, axis=-1, keepdims=True)
                colj = iota_ko == j
                return (cur,
                        jnp.where(colj, mval, tvals),
                        jnp.where(colj, sel1 * KEY_NUM + sel2, viacc))

            _, tvals, viacc = lax.fori_loop(0, KNN, body2, (cur0, z, z))
            ex = jnp.exp(tvals - jnp.max(tvals, axis=-1, keepdims=True))
            w = ex / jnp.sum(ex, axis=-1, keepdims=True) * (1.0 / NGROUP)
            w_ref[:, g * KNN:(g + 1) * KNN] = w
            vi_ref[:, g * KNN:(g + 1) * KNN] = viacc.astype(jnp.int32)


def _stage_a(x, wqt, kmat, qn, kn, cflat):
    t = x.shape[0]
    grid = t // TB
    return pl.pallas_call(
        _stage_a_body,
        grid=(grid,),
        in_specs=[
            pl.BlockSpec((TB, HIDDEN), lambda i: (i, 0)),
            pl.BlockSpec((HIDDEN, 2 * KDIM), lambda i: (0, 0)),
            pl.BlockSpec((2, KDIM, RANK * HEAD * KEY_NUM), lambda i: (0, 0, 0)),
            pl.BlockSpec((1, KDIM), lambda i: (0, 0)),
            pl.BlockSpec((1, KDIM, 1), lambda i: (0, 0, 0)),
            pl.BlockSpec(memory_space=pltpu.SMEM),
        ],
        out_specs=[
            pl.BlockSpec((TB, NGROUP * KNN), lambda i: (i, 0)),
            pl.BlockSpec((TB, NGROUP * KNN), lambda i: (i, 0)),
        ],
        out_shape=[
            jax.ShapeDtypeStruct((t, NGROUP * KNN), jnp.float32),
            jax.ShapeDtypeStruct((t, NGROUP * KNN), jnp.int32),
        ],
        compiler_params=pltpu.CompilerParams(
            dimension_semantics=("parallel",)),
    )(x, wqt, kmat, qn, kn, cflat)



NC, NS, NLANE = 2, 16, 16
NW = NC * NS
CH = 32
NBUF = 2


def _round_vals_body(v_ref, o_ref):
    o_ref[...] = v_ref[...].astype(jnp.bfloat16).astype(jnp.float32)


def _round_vals(values):
    rb = 512
    return pl.pallas_call(
        _round_vals_body,
        grid=(VALUE_NUM // rb,),
        in_specs=[pl.BlockSpec((rb, VDIM), lambda i: (i, 0))],
        out_specs=pl.BlockSpec((rb, VDIM), lambda i: (i, 0)),
        out_shape=jax.ShapeDtypeStruct((VALUE_NUM, VDIM), jnp.float32),
        compiler_params=pltpu.CompilerParams(
            dimension_semantics=("parallel",)),
    )(values)


def _bf16_round16(x):
    u = lax.bitcast_convert_type(x, jnp.uint32)
    r = (u + jnp.uint32(0x7FFF) + ((u >> jnp.uint32(16)) & jnp.uint32(1))) \
        & jnp.uint32(0xFFFF0000)
    return lax.bitcast_convert_type(r, jnp.float32)


def _sc_gather_combine(values, shuffle, vi_flat, w_flat):
    b = vi_flat.shape[0]
    bpw = b // NW
    tpw = bpw // (NGROUP * KNN)
    t_total = b // (NGROUP * KNN)
    nch = bpw // CH
    cpt = (NGROUP * KNN) // CH
    mesh = plsc.VectorSubcoreMesh(core_axis_name="c", subcore_axis_name="s")
    cp = pltpu.CompilerParams()
    if "needs_layout_passes" in pltpu.CompilerParams.__dataclass_fields__:
        cp = dataclasses.replace(cp, needs_layout_passes=False)

    @functools.partial(
        pl.kernel,
        mesh=mesh,
        compiler_params=cp,
        out_type=jax.ShapeDtypeStruct((t_total, VDIM), jnp.float32),
        scratch_types=[
            pltpu.VMEM((VALUE_NUM,), jnp.int32),
            pltpu.VMEM((bpw,), jnp.int32),
            pltpu.VMEM((bpw,), jnp.int32),
            pltpu.VMEM((bpw,), jnp.float32),
            pltpu.VMEM((NBUF * CH, VDIM), jnp.float32),
            pltpu.VMEM((1, VDIM), jnp.float32),
            pltpu.SemaphoreType.DMA,
            pltpu.SemaphoreType.DMA,
        ],
    )
    def k(values_hbm, shuf_hbm, vi_hbm, w_hbm, out_hbm,
          shuf_v, vi_v, vidx_v, w_v, rows_v, acc_v, gsem0, gsem1):
        wid = lax.axis_index("s") * NC + lax.axis_index("c")
        base = wid * bpw
        tok0 = wid * tpw
        pltpu.sync_copy(shuf_hbm, shuf_v)
        pltpu.sync_copy(vi_hbm.at[pl.ds(base, bpw)], vi_v)
        pltpu.sync_copy(w_hbm.at[pl.ds(base, bpw)], w_v)

        @pl.loop(0, bpw, step=NLANE)
        def _resolve(i):
            idx = vi_v[pl.ds(i, NLANE)]
            vidx_v[pl.ds(i, NLANE)] = plsc.load_gather(shuf_v, [idx])

        gsems = [gsem0, gsem1]
        for sl in range(NBUF):
            pltpu.async_copy(values_hbm.at[vidx_v.at[pl.ds(sl * CH, CH)]],
                             rows_v.at[pl.ds(sl * CH, CH)], gsems[sl])

        @pl.loop(0, nch, step=NBUF)
        def _chunks(c):
            for sl in range(NBUF):
                cur = c + sl
                tok = cur // cpt
                phase = cur - tok * cpt
                pltpu.make_async_copy(
                    values_hbm.at[vidx_v.at[pl.ds(cur * CH, CH)]],
                    rows_v.at[pl.ds(sl * CH, CH)], gsems[sl]).wait()
                wvecs = [_bf16_round16(plsc.load_gather(
                            w_v, [jnp.full((NLANE,), cur * CH + j,
                                           jnp.int32)]))
                         for j in range(CH)]
                keep = jnp.full((NLANE,), phase > 0)

                @pl.loop(0, VDIM, step=NLANE)
                def _acc(l):
                    sl16 = pl.ds(l, NLANE)
                    a0 = jnp.where(keep, acc_v[0, sl16],
                                   jnp.zeros((NLANE,), jnp.float32))
                    a1 = jnp.zeros((NLANE,), jnp.float32)
                    for j in range(CH):
                        term = wvecs[j] * rows_v[sl * CH + j, sl16]
                        if j % 2 == 0:
                            a0 = a0 + term
                        else:
                            a1 = a1 + term
                    acc_v[0, sl16] = a0 + a1

                @pl.when(phase == cpt - 1)
                def _():
                    pltpu.sync_copy(acc_v, out_hbm.at[pl.ds(tok0 + tok, 1)])

                @pl.when(cur + NBUF < nch)
                def _():
                    pltpu.async_copy(
                        values_hbm.at[vidx_v.at[pl.ds((cur + NBUF) * CH, CH)]],
                        rows_v.at[pl.ds(sl * CH, CH)], gsems[sl])

    return k(values, shuffle, vi_flat, w_flat)


def _sc_gather(values, shuffle, vi_flat):
    b = vi_flat.shape[0]
    bpw = b // NW
    mesh = plsc.VectorSubcoreMesh(core_axis_name="c", subcore_axis_name="s")
    cp = pltpu.CompilerParams()
    if "needs_layout_passes" in pltpu.CompilerParams.__dataclass_fields__:
        cp = dataclasses.replace(cp, needs_layout_passes=False)

    @functools.partial(
        pl.kernel,
        mesh=mesh,
        compiler_params=cp,
        out_type=jax.ShapeDtypeStruct((b, VDIM), jnp.float32),
        scratch_types=[
            pltpu.VMEM((VALUE_NUM,), jnp.int32),
            pltpu.VMEM((bpw,), jnp.int32),
            pltpu.VMEM((bpw,), jnp.int32),
            pltpu.VMEM((NBUF, CH, VDIM), jnp.float32),
            pltpu.SemaphoreType.DMA,
            pltpu.SemaphoreType.DMA,
            pltpu.SemaphoreType.DMA,
            pltpu.SemaphoreType.DMA,
        ],
    )
    def k(values_hbm, shuf_hbm, vi_hbm, out_hbm,
          shuf_v, vi_v, vidx_v, rows_v, gsem0, gsem1, wsem0, wsem1):
        wid = lax.axis_index("s") * NC + lax.axis_index("c")
        base = wid * bpw
        pltpu.sync_copy(shuf_hbm, shuf_v)
        pltpu.sync_copy(vi_hbm.at[pl.ds(base, bpw)], vi_v)

        @pl.loop(0, bpw, step=NLANE)
        def _resolve(i):
            idx = vi_v[pl.ds(i, NLANE)]
            vidx_v[pl.ds(i, NLANE)] = plsc.load_gather(shuf_v, [idx])

        gsems = [gsem0, gsem1]
        wsems = [wsem0, wsem1]
        nch = bpw // CH

        for sl in range(NBUF):
            pltpu.async_copy(values_hbm.at[vidx_v.at[pl.ds(sl * CH, CH)]],
                             rows_v.at[sl], gsems[sl])

        @pl.loop(0, nch, step=NBUF)
        def _chunks(c):
            for sl in range(NBUF):
                cur = c + sl
                pltpu.make_async_copy(
                    values_hbm.at[vidx_v.at[pl.ds(cur * CH, CH)]],
                    rows_v.at[sl], gsems[sl]).wait()
                pltpu.async_copy(
                    rows_v.at[sl],
                    out_hbm.at[pl.ds(base + cur * CH, CH)], wsems[sl])
                prev = cur - 1
                psl = (sl + NBUF - 1) % NBUF

                @pl.when((prev >= 0) & (prev + NBUF < nch))
                def _():
                    pltpu.make_async_copy(
                        rows_v.at[psl],
                        out_hbm.at[pl.ds(base + prev * CH, CH)],
                        wsems[psl]).wait()
                    pltpu.async_copy(
                        values_hbm.at[vidx_v.at[pl.ds((prev + NBUF) * CH, CH)]],
                        rows_v.at[psl], gsems[psl])

        for sl in range(NBUF):
            cur = nch - NBUF + sl
            pltpu.make_async_copy(
                rows_v.at[(cur % NBUF)],
                out_hbm.at[pl.ds(base + cur * CH, CH)],
                wsems[(cur % NBUF)]).wait()

    return k(values, shuffle, vi_flat)



TC_B = 16


def _stage_c_body(rows_ref, w_ref, wvt_ref, out_ref):
    rows3 = rows_ref[...].astype(jnp.bfloat16).astype(jnp.float32).reshape(
        TC_B, NGROUP * KNN, VDIM)
    w3 = w_ref[...].astype(jnp.bfloat16).astype(jnp.float32).reshape(
        TC_B, NGROUP * KNN, 1)
    agg = jnp.sum(rows3 * w3, axis=1)
    out_ref[...] = jnp.dot(agg.astype(jnp.bfloat16), wvt_ref[...],
                           preferred_element_type=jnp.float32)


def _stage_c(rows, w, wvt):
    t = w.shape[0]
    grid = t // TC_B
    nr = NGROUP * KNN
    return pl.pallas_call(
        _stage_c_body,
        grid=(grid,),
        in_specs=[
            pl.BlockSpec((TC_B * nr, VDIM), lambda i: (i, 0)),
            pl.BlockSpec((TC_B, nr), lambda i: (i, 0)),
            pl.BlockSpec((VDIM, HIDDEN), lambda i: (0, 0)),
        ],
        out_specs=pl.BlockSpec((TC_B, HIDDEN), lambda i: (i, 0)),
        out_shape=jax.ShapeDtypeStruct((t, HIDDEN), jnp.float32),
        compiler_params=pltpu.CompilerParams(
            dimension_semantics=("parallel",)),
    )(rows, w.astype(jnp.float32), wvt)




def _stage_proj_body(agg_ref, wvt_ref, out_ref):
    out_ref[...] = jnp.dot(agg_ref[...].astype(jnp.bfloat16), wvt_ref[...],
                           preferred_element_type=jnp.float32)


def _stage_proj(agg, wvt):
    t = agg.shape[0]
    tb = 256
    return pl.pallas_call(
        _stage_proj_body,
        grid=(t // tb,),
        in_specs=[
            pl.BlockSpec((tb, VDIM), lambda i: (i, 0)),
            pl.BlockSpec((VDIM, HIDDEN), lambda i: (0, 0)),
        ],
        out_specs=pl.BlockSpec((tb, HIDDEN), lambda i: (i, 0)),
        out_shape=jax.ShapeDtypeStruct((t, HIDDEN), jnp.float32),
        compiler_params=pltpu.CompilerParams(
            dimension_semantics=("parallel",)),
    )(agg, wvt)


def kernel(x, Wq, keys, Wv, core0, core1, qn_scale, kn_scale, values,
           shuffle_index):
    t = x.shape[0]
    wqt = Wq.T
    kmat = jnp.transpose(keys, (1, 3, 4, 0, 2)).reshape(
        2, KDIM, RANK * HEAD * KEY_NUM)
    qn = qn_scale.reshape(1, KDIM)
    kn = kn_scale.reshape(1, KDIM, 1)
    cflat = jnp.stack([core0, core1], axis=0).reshape(-1)

    w, vi = _stage_a(x, wqt, kmat, qn, kn, cflat)
    agg = _sc_gather_combine(_round_vals(values), shuffle_index,
                             vi.reshape(-1), w.reshape(-1))
    wvt = Wv.T.astype(jnp.bfloat16)
    return _stage_proj(agg, wvt)

# --- scband reference (transcript-rebuilt; emitter-appended) ---
"""Pipeline reference for scband-ultra-mem-layer-v2-7670811590919 (READ-ONLY COPY).

The authoritative reference and input builder live on the scoring server;
editing this copy changes nothing except your own understanding.
"""

import jax, jax.numpy as jnp
import numpy as np

HIDDEN = 4096
KDIM = 128
KNUM = 128
KEY_NUM = 128
VALUE_NUM = KNUM * KNUM
VDIM = 1024
KNN = 32
HEAD = 2
RANK = 2
MHEAD = 2
T = 2048


def layernorm(x, scale, eps=1e-5):
    m = x.mean(-1, keepdims=True)
    v = ((x - m) ** 2).mean(-1, keepdims=True)
    return (x - m) / jnp.sqrt(v + eps) * scale


def setup_inputs(seed: int = 0) -> dict:
    key = jax.random.key(seed)
    ks = jax.random.split(key, 10)
    x = jax.random.normal(ks[0], (T, HIDDEN), jnp.float32)
    Wq = jax.random.normal(ks[1], (2 * KDIM, HIDDEN), jnp.float32) * 0.02
    keys = jax.random.normal(ks[2], (HEAD, 2, KEY_NUM, KDIM, RANK), jnp.float32)
    Wv = jax.random.normal(ks[3], (HIDDEN, VDIM), jnp.float32) * 0.02
    core0 = jax.random.normal(ks[4], (HEAD, RANK, RANK), jnp.float32)
    core1 = jax.random.normal(ks[5], (HEAD, RANK, RANK), jnp.float32)
    qn_scale = jnp.ones((KDIM,), jnp.float32)
    kn_scale = jnp.ones((KDIM,), jnp.float32)
    values = jax.random.normal(ks[6], (VALUE_NUM, VDIM), jnp.float32) * 0.02
    shuffle_index = jnp.asarray(np.random.default_rng(0).permutation(VALUE_NUM), jnp.int32)
    return {"x": x, "Wq": Wq, "keys": keys, "Wv": Wv, "core0": core0, "core1": core1,
            "qn_scale": qn_scale, "kn_scale": kn_scale, "values": values,
            "shuffle_index": shuffle_index}


def reference(x, Wq, keys, Wv, core0, core1, qn_scale, kn_scale, values, shuffle_index):
    # query projection and split into two half-queries (product-key memory)
    q = x @ Wq.T                       # [T, 2*KDIM]
    q = q.reshape(-1, 2, KDIM)
    q = layernorm(q, qn_scale)
    # normalize keys over kdim axis; keys: [H, 2, K, D, R]
    k = jnp.moveaxis(keys, 3, -1)      # [H, 2, K, R, D]
    k = layernorm(k, kn_scale)
    k = jnp.moveaxis(k, -1, 3)         # [H, 2, K, D, R]
    # per-rank key/query inner products (ParallelKeyQueryInnerProduct)
    s1 = jnp.einsum('td,hkdr->thkr', q[:, 0], k[:, 0])   # [T, H, K, R]
    s2 = jnp.einsum('td,hkdr->thkr', q[:, 1], k[:, 1])
    s1a = s1.sum(-1)
    s2a = s2.sum(-1)
    _, i1 = jax.lax.top_k(s1a, KNN)    # [T, H, KNN]
    _, i2 = jax.lax.top_k(s2a, KNN)
    g1 = jnp.take_along_axis(s1, i1[..., None], axis=2)  # [T, H, KNN, R]
    g2 = jnp.take_along_axis(s2, i2[..., None], axis=2)
    # tucker-core combination over the cartesian product of candidates
    cores = jnp.stack([core0, core1], axis=0)            # [M, H, R, R]
    sc = jnp.einsum('thar,mhrs,thbs->thmab', g1, cores, g2)  # [T, H, M, KNN, KNN]
    Tn = sc.shape[0]
    sc = sc.reshape(Tn, HEAD * MHEAD, KNN * KNN)
    top_s, top_i = jax.lax.top_k(sc, KNN)                # [T, H*M, KNN]
    a = top_i // KNN
    b = top_i % KNN
    i1e = jnp.repeat(i1[:, :, None, :], MHEAD, axis=2).reshape(Tn, HEAD * MHEAD, KNN)
    i2e = jnp.repeat(i2[:, :, None, :], MHEAD, axis=2).reshape(Tn, HEAD * MHEAD, KNN)
    sel1 = jnp.take_along_axis(i1e, a, axis=-1)
    sel2 = jnp.take_along_axis(i2e, b, axis=-1)
    vi = sel1 * KEY_NUM + sel2                           # virtual value index
    vidx = shuffle_index[vi]                             # shuffled -> real value index
    w = jax.nn.softmax(top_s, axis=-1)
    vrows = values[vidx]                                 # [T, H*M, KNN, VDIM]
    agg = jnp.einsum('tgk,tgkd->td', w, vrows) / float(HEAD * MHEAD)
    out = agg @ Wv.T                                     # [T, HIDDEN]
    return out

if __name__ == "__main__":
    import jax
    _d = setup_inputs()
    print(jax.jit(kernel)(*tuple(_d.values())))

</pallas_src>

<mosaic_0001>
#map = affine_map<(d0, d1) -> (0, 0)>
#map1 = affine_map<(d0, d1) -> (0)>
module attributes {stable_mosaic.version = 14 : i64} {
  func.func @k(%arg0: i32, %arg1: i32, %arg2: memref<16384x1024xf32, #tpu.memory_space<hbm>>, %arg3: memref<16384xi32, #tpu.memory_space<hbm>>, %arg4: memref<262144xi32, #tpu.memory_space<hbm>>, %arg5: memref<262144xf32, #tpu.memory_space<hbm>>, %arg6: memref<2048x1024xf32, #tpu.memory_space<hbm>>, %arg7: memref<16384xi32, #tpu.memory_space<vmem>>, %arg8: memref<8192xi32, #tpu.memory_space<vmem>>, %arg9: memref<8192xi32, #tpu.memory_space<vmem>>, %arg10: memref<8192xf32, #tpu.memory_space<vmem>>, %arg11: memref<64x1024xf32, #tpu.memory_space<vmem>>, %arg12: memref<1x1024xf32, #tpu.memory_space<vmem>>, %arg13: memref<!tpu.dma_semaphore, #tpu.memory_space<semaphore_mem>>, %arg14: memref<!tpu.dma_semaphore, #tpu.memory_space<semaphore_mem>>) attributes {dimension_semantics = [#tpu.dimension_semantics<core_parallel>, #tpu.dimension_semantics<subcore_parallel>], iteration_bounds = array<i64: 2, 16>, scalar_prefetch = 0 : i64, scratch_operands = 8 : i64, tpu.core_type = #tpu.core_type<sc_vector_subcore>, window_params = [{transform_indices = #map}, {transform_indices = #map1}, {transform_indices = #map1}, {transform_indices = #map1}, {transform_indices = #map}]} {
    %mul3A = arith.constant 2 : i32
    %mul3A_0 = arith.muli %arg1, %mul3A : i32
    %add3A = arith.addi %mul3A_0, %arg0 : i32
    %mul3A_1 = arith.constant 8192 : i32
    %mul3A_2 = arith.muli %add3A, %mul3A_1 : i32
    %mul3A_3 = arith.constant 64 : i32
    %mul3A_4 = arith.muli %add3A, %mul3A_3 : i32
    "tpu.region"() ({
      %run_scoped3A = tpu.sem_alloc : memref<!tpu.dma_semaphore, #tpu.memory_space<semaphore_mem>>
      tpu.enqueue_dma source(%arg3 : memref<16384xi32, #tpu.memory_space<hbm>>) target(%arg7 : memref<16384xi32, #tpu.memory_space<vmem>>) target_semaphore(%run_scoped3A : memref<!tpu.dma_semaphore, #tpu.memory_space<semaphore_mem>>)
      tpu.wait_dma2 semaphore(%run_scoped3A : memref<!tpu.dma_semaphore, #tpu.memory_space<semaphore_mem>>) src(%arg3 : memref<16384xi32, #tpu.memory_space<hbm>>) dst(%arg7 : memref<16384xi32, #tpu.memory_space<vmem>>)
      tpu.yield
    }) : () -> ()
    "tpu.region"() ({
      %run_scoped3A = tpu.sem_alloc : memref<!tpu.dma_semaphore, #tpu.memory_space<semaphore_mem>>
      %dma_start3A_29 = tpu.memref_slice %arg4[%mul3A_2] : memref<262144xi32, #tpu.memory_space<hbm>> -> memref<8192xi32, #tpu.memory_space<hbm>>
      %dma_start3A_30 = tpu.memref_slice %arg4[%mul3A_2] : memref<262144xi32, #tpu.memory_space<hbm>> -> memref<8192xi32, #tpu.memory_space<hbm>>
      tpu.enqueue_dma source(%dma_start3A_30 : memref<8192xi32, #tpu.memory_space<hbm>>) target(%arg8 : memref<8192xi32, #tpu.memory_space<vmem>>) target_semaphore(%run_scoped3A : memref<!tpu.dma_semaphore, #tpu.memory_space<semaphore_mem>>)
      %dma_wait3A = tpu.memref_slice %arg4[%mul3A_2] : memref<262144xi32, #tpu.memory_space<hbm>> -> memref<8192xi32, #tpu.memory_space<hbm>>
      %dma_wait3A_31 = tpu.memref_slice %arg4[%mul3A_2] : memref<262144xi32, #tpu.memory_space<hbm>> -> memref<8192xi32, #tpu.memory_space<hbm>>
      tpu.wait_dma2 semaphore(%run_scoped3A : memref<!tpu.dma_semaphore, #tpu.memory_space<semaphore_mem>>) src(%dma_wait3A_31 : memref<8192xi32, #tpu.memory_space<hbm>>) dst(%arg8 : memref<8192xi32, #tpu.memory_space<vmem>>)
      tpu.yield
    }) : () -> ()
    "tpu.region"() ({
      %run_scoped3A = tpu.sem_alloc : memref<!tpu.dma_semaphore, #tpu.memory_space<semaphore_mem>>
      %dma_start3A_29 = tpu.memref_slice %arg5[%mul3A_2] : memref<262144xf32, #tpu.memory_space<hbm>> -> memref<8192xf32, #tpu.memory_space<hbm>>
      %dma_start3A_30 = tpu.memref_slice %arg5[%mul3A_2] : memref<262144xf32, #tpu.memory_space<hbm>> -> memref<8192xf32, #tpu.memory_space<hbm>>
      tpu.enqueue_dma source(%dma_start3A_30 : memref<8192xf32, #tpu.memory_space<hbm>>) target(%arg10 : memref<8192xf32, #tpu.memory_space<vmem>>) target_semaphore(%run_scoped3A : memref<!tpu.dma_semaphore, #tpu.memory_space<semaphore_mem>>)
      %dma_wait3A = tpu.memref_slice %arg5[%mul3A_2] : memref<262144xf32, #tpu.memory_space<hbm>> -> memref<8192xf32, #tpu.memory_space<hbm>>
      %dma_wait3A_31 = tpu.memref_slice %arg5[%mul3A_2] : memref<262144xf32, #tpu.memory_space<hbm>> -> memref<8192xf32, #tpu.memory_space<hbm>>
      tpu.wait_dma2 semaphore(%run_scoped3A : memref<!tpu.dma_semaphore, #tpu.memory_space<semaphore_mem>>) src(%dma_wait3A_31 : memref<8192xf32, #tpu.memory_space<hbm>>) dst(%arg10 : memref<8192xf32, #tpu.memory_space<vmem>>)
      tpu.yield
    }) : () -> ()
    %scan3A = arith.constant 0 : i32
    %scan3A_5 = arith.constant 512 : i32
    %scan3A_6 = arith.addi %scan3A, %scan3A_5 : i32
    %scan3A_7 = arith.constant 1 : i32
    scf.for %scan3A_29 = %scan3A to %scan3A_6 step %scan3A_7  : i32 {
      %mul3A_30 = arith.constant 16 : i32
      %mul3A_31 = arith.muli %scan3A_29, %mul3A_30 : i32
      %add3A_32 = arith.constant 0 : i32
      %add3A_33 = arith.addi %add3A_32, %mul3A_31 : i32
      %get3A = arith.index_cast %add3A_33 : i32 to index
      %get3A_34 = tpu.vector_load %arg8[%get3A] {strides = array<i32>} : memref<8192xi32, #tpu.memory_space<vmem>>, vector<16xi32>,
      %gather3A = tpu.vector_load_idx %arg7[%get3A_34] : memref<16384xi32, #tpu.memory_space<vmem>>[vector<16xi32>], vector<16xi32>,
      %swap3A = arith.index_cast %add3A_33 : i32 to index
      %swap3A_35 = tpu.vector_load %arg9[%swap3A] {strides = array<i32>} : memref<8192xi32, #tpu.memory_space<vmem>>, vector<16xi32>,
      tpu.vector_store %arg9[%swap3A], %gather3A {strides = array<i32>} : memref<8192xi32, #tpu.memory_space<vmem>>, vector<16xi32>,
    }
    %scan3A_8 = arith.constant 512 : i32
    %dma_start3A = arith.constant 0 : i32
    %dma_start3A_9 = arith.constant 0 : i32
    %dma_start3A_10 = tpu.memref_slice %arg11[%dma_start3A, %dma_start3A_9] : memref<64x1024xf32, #tpu.memory_space<vmem>> -> memref<32x1024xf32, #tpu.memory_space<vmem>>
    %dma_start3A_11 = arith.constant 0 : i32
    %dma_start3A_12 = tpu.memref_slice %arg9[%dma_start3A_11] : memref<8192xi32, #tpu.memory_space<vmem>> -> memref<32xi32, #tpu.memory_space<vmem>>
    %dma_start3A_13 = arith.constant 0 : i32
    %dma_start3A_14 = arith.constant 0 : i32
    %dma_start3A_15 = tpu.memref_slice %arg2[%dma_start3A_13, %dma_start3A_14] : memref<16384x1024xf32, #tpu.memory_space<hbm>> -> memref<16384x1024xf32, #tpu.memory_space<hbm>>
    tpu.enqueue_indirect_dma source(%dma_start3A_15 : memref<16384x1024xf32, #tpu.memory_space<hbm>>) target(%dma_start3A_10 : memref<32x1024xf32, #tpu.memory_space<vmem>>) offsets(%dma_start3A_12 : memref<32xi32, #tpu.memory_space<vmem>>) semaphore(%arg13 : memref<!tpu.dma_semaphore, #tpu.memory_space<semaphore_mem>>)
    %dma_start3A_16 = arith.constant 32 : i32
    %dma_start3A_17 = arith.constant 0 : i32
    %dma_start3A_18 = tpu.memref_slice %arg11[%dma_start3A_16, %dma_start3A_17] : memref<64x1024xf32, #tpu.memory_space<vmem>> -> memref<32x1024xf32, #tpu.memory_space<vmem>>
    %dma_start3A_19 = arith.constant 32 : i32
    %dma_start3A_20 = tpu.memref_slice %arg9[%dma_start3A_19] : memref<8192xi32, #tpu.memory_space<vmem>> -> memref<32xi32, #tpu.memory_space<vmem>>
    %dma_start3A_21 = arith.constant 0 : i32
    %dma_start3A_22 = arith.constant 0 : i32
    %dma_start3A_23 = tpu.memref_slice %arg2[%dma_start3A_21, %dma_start3A_22] : memref<16384x1024xf32, #tpu.memory_space<hbm>> -> memref<16384x1024xf32, #tpu.memory_space<hbm>>
    tpu.enqueue_indirect_dma source(%dma_start3A_23 : memref<16384x1024xf32, #tpu.memory_space<hbm>>) target(%dma_start3A_18 : memref<32x1024xf32, #tpu.memory_space<vmem>>) offsets(%dma_start3A_20 : memref<32xi32, #tpu.memory_space<vmem>>) semaphore(%arg14 : memref<!tpu.dma_semaphore, #tpu.memory_space<semaphore_mem>>)
    %scan3A_24 = arith.constant 0 : i32
    %scan3A_25 = arith.constant 128 : i32
    %scan3A_26 = arith.addi %scan3A_24, %scan3A_25 : i32
    %scan3A_27 = arith.constant 1 : i32
    scf.for %scan3A_29 = %scan3A_24 to %scan3A_26 step %scan3A_27  : i32 {
      %mul3A_30 = arith.constant 2 : i32
      %mul3A_31 = arith.muli %scan3A_29, %mul3A_30 : i32
      %add3A_32 = arith.constant 0 : i32
      %add3A_33 = arith.addi %add3A_32, %mul3A_31 : i32
      %add3A_34 = arith.constant 0 : i32
      %add3A_35 = arith.addi %add3A_33, %add3A_34 : i32
      %jit3A = arith.constant 4 : i32
      %div3A = arith.divsi %add3A_35, %jit3A : i32
      %sign3A = arith.constant 0 : i32
      %sign3A_36 = arith.cmpi sgt, %add3A_35, %sign3A : i32
      %sign3A_37 = arith.extui %sign3A_36 : i1 to i32
      %sign3A_38 = arith.constant 0 : i32
      %sign3A_39 = arith.cmpi slt, %add3A_35, %sign3A_38 : i32
      %sign3A_40 = arith.extui %sign3A_39 : i1 to i32
      %sign3A_41 = arith.subi %sign3A_37, %sign3A_40 : i32
      %sign3A_42 = arith.constant 0 : i32
      %sign3A_43 = arith.cmpi sgt, %jit3A, %sign3A_42 : i32
      %sign3A_44 = arith.extui %sign3A_43 : i1 to i32
      %sign3A_45 = arith.constant 0 : i32
      %sign3A_46 = arith.cmpi slt, %jit3A, %sign3A_45 : i32
      %sign3A_47 = arith.extui %sign3A_46 : i1 to i32
      %sign3A_48 = arith.subi %sign3A_44, %sign3A_47 : i32
      %ne3A = arith.cmpi ne, %sign3A_41, %sign3A_48 : i32
      %rem3A = arith.remsi %add3A_35, %jit3A : i32
      %ne3A_49 = arith.constant 0 : i32
      %ne3A_50 = arith.cmpi ne, %rem3A, %ne3A_49 : i32
      %and3A = arith.andi %ne3A, %ne3A_50 : i1
      %sub3A = arith.constant 1 : i32
      %sub3A_51 = arith.subi %div3A, %sub3A : i32
      %select_n3A = arith.select %and3A, %sub3A_51, %div3A : i32
      %mul3A_52 = arith.constant 4 : i32
      %mul3A_53 = arith.muli %select_n3A, %mul3A_52 : i32
      %sub3A_54 = arith.subi %add3A_35, %mul3A_53 : i32
      %mul3A_55 = arith.constant 32 : i32
      %mul3A_56 = arith.muli %add3A_35, %mul3A_55 : i32
      %dma_wait3A = arith.constant 0 : i32
      %dma_wait3A_57 = arith.constant 0 : i32
      %dma_wait3A_58 = tpu.memref_slice %arg11[%dma_wait3A, %dma_wait3A_57] : memref<64x1024xf32, #tpu.memory_space<vmem>> -> memref<32x1024xf32, #tpu.memory_space<vmem>>
      %dma_wait3A_59 = tpu.memref_slice %arg9[%mul3A_56] : memref<8192xi32, #tpu.memory_space<vmem>> -> memref<32xi32, #tpu.memory_space<vmem>>
      %dma_wait3A_60 = arith.constant 0 : i32
      %dma_wait3A_61 = arith.constant 0 : i32
      %dma_wait3A_62 = tpu.memref_slice %arg2[%dma_wait3A_60, %dma_wait3A_61] : memref<16384x1024xf32, #tpu.memory_space<hbm>> -> memref<16384x1024xf32, #tpu.memory_space<hbm>>
      tpu.wait_indirect_dma semaphore(%arg13 : memref<!tpu.dma_semaphore, #tpu.memory_space<semaphore_mem>>) src(%dma_wait3A_62 : memref<16384x1024xf32, #tpu.memory_space<hbm>>) dst(%dma_wait3A_58 : memref<32x1024xf32, #tpu.memory_space<vmem>>)
      %mul3A_63 = arith.constant 32 : i32
      %mul3A_64 = arith.muli %add3A_35, %mul3A_63 : i32
      %add3A_65 = arith.constant 0 : i32
      %add3A_66 = arith.addi %mul3A_64, %add3A_65 : i32
      %broadcast_in_dim3A = vector.broadcast %add3A_66 : i32 to vector<16xi32>
      %gather3A = tpu.vector_load_idx %arg10[%broadcast_in_dim3A] : memref<8192xf32, #tpu.memory_space<vmem>>[vector<16xi32>], vector<16xf32>,
      %bitcast_convert_type3A = tpu.bitcast %gather3A : vector<16xf32> -> vector<16xi32>
      %add3A_67 = arith.constant 32767 : i32
      %add3A_68 = vector.broadcast %add3A_67 : i32 to vector<16xi32>
      %add3A_69 = arith.addi %bitcast_convert_type3A, %add3A_68 : vector<16xi32>
      %shift_right_logical3A = arith.constant 16 : i32
      %shift_right_logical3A_70 = vector.broadcast %shift_right_logical3A : i32 to vector<16xi32>
      %shift_right_logical3A_71 = arith.shrui %bitcast_convert_type3A, %shift_right_logical3A_70 : vector<16xi32>
      %and3A_72 = arith.constant 1 : i32
      %and3A_73 = vector.broadcast %and3A_72 : i32 to vector<16xi32>
      %and3A_74 = arith.andi %shift_right_logical3A_71, %and3A_73 : vector<16xi32>
      %add3A_75 = arith.addi %add3A_69, %and3A_74 : vector<16xi32>
      %and3A_76 = arith.constant -65536 : i32
      %and3A_77 = vector.broadcast %and3A_76 : i32 to vector<16xi32>
      %and3A_78 = arith.andi %add3A_75, %and3A_77 : vector<16xi32>
      %bitcast_convert_type3A_79 = tpu.bitcast %and3A_78 : vector<16xi32> -> vector<16xf32>
      %mul3A_80 = arith.constant 32 : i32
      %mul3A_81 = arith.muli %add3A_35, %mul3A_80 : i32
      %add3A_82 = arith.constant 1 : i32
      %add3A_83 = arith.addi %mul3A_81, %add3A_82 : i32
      %broadcast_in_dim3A_84 = vector.broadcast %add3A_83 : i32 to vector<16xi32>
      %gather3A_85 = tpu.vector_load_idx %arg10[%broadcast_in_dim3A_84] : memref<8192xf32, #tpu.memory_space<vmem>>[vector<16xi32>], vector<16xf32>,
      %bitcast_convert_type3A_86 = tpu.bitcast %gather3A_85 : vector<16xf32> -> vector<16xi32>
      %add3A_87 = arith.constant 32767 : i32
      %add3A_88 = vector.broadcast %add3A_87 : i32 to vector<16xi32>
      %add3A_89 = arith.addi %bitcast_convert_type3A_86, %add3A_88 : vector<16xi32>
      %shift_right_logical3A_90 = arith.constant 16 : i32
      %shift_right_logical3A_91 = vector.broadcast %shift_right_logical3A_90 : i32 to vector<16xi32>
      %shift_right_logical3A_92 = arith.shrui %bitcast_convert_type3A_86, %shift_right_logical3A_91 : vector<16xi32>
      %and3A_93 = arith.constant 1 : i32
      %and3A_94 = vector.broadcast %and3A_93 : i32 to vector<16xi32>
      %and3A_95 = arith.andi %shift_right_logical3A_92, %and3A_94 : vector<16xi32>
      %add3A_96 = arith.addi %add3A_89, %and3A_95 : vector<16xi32>
      %and3A_97 = arith.constant -65536 : i32
      %and3A_98 = vector.broadcast %and3A_97 : i32 to vector<16xi32>
      %and3A_99 = arith.andi %add3A_96, %and3A_98 : vector<16xi32>
      %bitcast_convert_type3A_100 = tpu.bitcast %and3A_99 : vector<16xi32> -> vector<16xf32>
      %mul3A_101 = arith.constant 32 : i32
      %mul3A_102 = arith.muli %add3A_35, %mul3A_101 : i32
      %add3A_103 = arith.constant 2 : i32
      %add3A_104 = arith.addi %mul3A_102, %add3A_103 : i32
      %broadcast_in_dim3A_105 = vector.broadcast %add3A_104 : i32 to vector<16xi32>
      %gather3A_106 = tpu.vector_load_idx %arg10[%broadcast_in_dim3A_105] : memref<8192xf32, #tpu.memory_space<vmem>>[vector<16xi32>], vector<16xf32>,
      %bitcast_convert_type3A_107 = tpu.bitcast %gather3A_106 : vector<16xf32> -> vector<16xi32>
      %add3A_108 = arith.constant 32767 : i32
      %add3A_109 = vector.broadcast %add3A_108 : i32 to vector<16xi32>
      %add3A_110 = arith.addi %bitcast_convert_type3A_107, %add3A_109 : vector<16xi32>
      %shift_right_logical3A_111 = arith.constant 16 : i32
      %shift_right_logical3A_112 = vector.broadcast %shift_right_logical3A_111 : i32 to vector<16xi32>
      %shift_right_logical3A_113 = arith.shrui %bitcast_convert_type3A_107, %shift_right_logical3A_112 : vector<16xi32>
      %and3A_114 = arith.constant 1 : i32
      %and3A_115 = vector.broadcast %and3A_114 : i32 to vector<16xi32>
      %and3A_116 = arith.andi %shift_right_logical3A_113, %and3A_115 : vector<16xi32>
      %add3A_117 = arith.addi %add3A_110, %and3A_116 : vector<16xi32>
      %and3A_118 = arith.constant -65536 : i32
      %and3A_119 = vector.broadcast %and3A_118 : i32 to vector<16xi32>
      %and3A_120 = arith.andi %add3A_117, %and3A_119 : vector<16xi32>
      %bitcast_convert_type3A_121 = tpu.bitcast %and3A_120 : vector<16xi32> -> vector<16xf32>
      %mul3A_122 = arith.constant 32 : i32
      %mul3A_123 = arith.muli %add3A_35, %mul3A_122 : i32
      %add3A_124 = arith.constant 3 : i32
      %add3A_125 = arith.addi %mul3A_123, %add3A_124 : i32
      %broadcast_in_dim3A_126 = vector.broadcast %add3A_125 : i32 to vector<16xi32>
      %gather3A_127 = tpu.vector_load_idx %arg10[%broadcast_in_dim3A_126] : memref<8192xf32, #tpu.memory_space<vmem>>[vector<16xi32>], vector<16xf32>,
      %bitcast_convert_type3A_128 = tpu.bitcast %gather3A_127 : vector<16xf32> -> vector<16xi32>
      %add3A_129 = arith.constant 32767 : i32
      %add3A_130 = vector.broadcast %add3A_129 : i32 to vector<16xi32>
      %add3A_131 = arith.addi %bitcast_convert_type3A_128, %add3A_130 : vector<16xi32>
      %shift_right_logical3A_132 = arith.constant 16 : i32
      %shift_right_logical3A_133 = vector.broadcast %shift_right_logical3A_132 : i32 to vector<16xi32>
      %shift_right_logical3A_134 = arith.shrui %bitcast_convert_type3A_128, %shift_right_logical3A_133 : vector<16xi32>
      %and3A_135 = arith.constant 1 : i32
      %and3A_136 = vector.broadcast %and3A_135 : i32 to vector<16xi32>
      %and3A_137 = arith.andi %shift_right_logical3A_134, %and3A_136 : vector<16xi32>
      %add3A_138 = arith.addi %add3A_131, %and3A_137 : vector<16xi32>
      %and3A_139 = arith.constant -65536 : i32
      %and3A_140 = vector.broadcast %and3A_139 : i32 to vector<16xi32>
      %and3A_141 = arith.andi %add3A_138, %and3A_140 : vector<16xi32>
      %bitcast_convert_type3A_142 = tpu.bitcast %and3A_141 : vector<16xi32> -> vector<16xf32>
      %mul3A_143 = arith.constant 32 : i32
      %mul3A_144 = arith.muli %add3A_35, %mul3A_143 : i32
      %add3A_145 = arith.constant 4 : i32
      %add3A_146 = arith.addi %mul3A_144, %add3A_145 : i32
      %broadcast_in_dim3A_147 = vector.broadcast %add3A_146 : i32 to vector<16xi32>
      %gather3A_148 = tpu.vector_load_idx %arg10[%broadcast_in_dim3A_147] : memref<8192xf32, #tpu.memory_space<vmem>>[vector<16xi32>], vector<16xf32>,
      %bitcast_convert_type3A_149 = tpu.bitcast %gather3A_148 : vector<16xf32> -> vector<16xi32>
      %add3A_150 = arith.constant 32767 : i32
      %add3A_151 = vector.broadcast %add3A_150 : i32 to vector<16xi32>
      %add3A_152 = arith.addi %bitcast_convert_type3A_149, %add3A_151 : vector<16xi32>
      %shift_right_logical3A_153 = arith.constant 16 : i32
      %shift_right_logical3A_154 = vector.broadcast %shift_right_logical3A_153 : i32 to vector<16xi32>
      %shift_right_logical3A_155 = arith.shrui %bitcast_convert_type3A_149, %shift_right_logical3A_154 : vector<16xi32>
      %and3A_156 = arith.constant 1 : i32
      %and3A_157 = vector.broadcast %and3A_156 : i32 to vector<16xi32>
      %and3A_158 = arith.andi %shift_right_logical3A_155, %and3A_157 : vector<16xi32>
      %add3A_159 = arith.addi %add3A_152, %and3A_158 : vector<16xi32>
      %and3A_160 = arith.constant -65536 : i32
      %and3A_161 = vector.broadcast %and3A_160 : i32 to vector<16xi32>
      %and3A_162 = arith.andi %add3A_159, %and3A_161 : vector<16xi32>
      %bitcast_convert_type3A_163 = tpu.bitcast %and3A_162 : vector<16xi32> -> vector<16xf32>
      %mul3A_164 = arith.constant 32 : i32
      %mul3A_165 = arith.muli %add3A_35, %mul3A_164 : i32
      %add3A_166 = arith.constant 5 : i32
      %add3A_167 = arith.addi %mul3A_165, %add3A_166 : i32
      %broadcast_in_dim3A_168 = vector.broadcast %add3A_167 : i32 to vector<16xi32>
      %gather3A_169 = tpu.vector_load_idx %arg10[%broadcast_in_dim3A_168] : memref<8192xf32, #tpu.memory_space<vmem>>[vector<16xi32>], vector<16xf32>,
      %bitcast_convert_type3A_170 = tpu.bitcast %gather3A_169 : vector<16xf32> -> vector<16xi32>
      %add3A_171 = arith.constant 32767 : i32
      %add3A_172 = vector.broadcast %add3A_171 : i32 to vector<16xi32>
      %add3A_173 = arith.addi %bitcast_convert_type3A_170, %add3A_172 : vector<16xi32>
      %shift_right_logical3A_174 = arith.constant 16 : i32
      %shift_right_logical3A_175 = vector.broadcast %shift_right_logical3A_174 : i32 to vector<16xi32>
      %shift_right_logical3A_176 = arith.shrui %bitcast_convert_type3A_170, %shift_right_logical3A_175 : vector<16xi32>
      %and3A_177 = arith.constant 1 : i32
      %and3A_178 = vector.broadcast %and3A_177 : i32 to vector<16xi32>
      %and3A_179 = arith.andi %shift_right_logical3A_176, %and3A_178 : vector<16xi32>
      %add3A_180 = arith.addi %add3A_173, %and3A_179 : vector<16xi32>
      %and3A_181 = arith.constant -65536 : i32
      %and3A_182 = vector.broadcast %and3A_181 : i32 to vector<16xi32>
      %and3A_183 = arith.andi %add3A_180, %and3A_182 : vector<16xi32>
      %bitcast_convert_type3A_184 = tpu.bitcast %and3A_183 : vector<16xi32> -> vector<16xf32>
      %mul3A_185 = arith.constant 32 : i32
      %mul3A_186 = arith.muli %add3A_35, %mul3A_185 : i32
      %add3A_187 = arith.constant 6 : i32
      %add3A_188 = arith.addi %mul3A_186, %add3A_187 : i32
      %broadcast_in_dim3A_189 = vector.broadcast %add3A_188 : i32 to vector<16xi32>
      %gather3A_190 = tpu.vector_load_idx %arg10[%broadcast_in_dim3A_189] : memref<8192xf32, #tpu.memory_space<vmem>>[vector<16xi32>], vector<16xf32>,
      %bitcast_convert_type3A_191 = tpu.bitcast %gather3A_190 : vector<16xf32> -> vector<16xi32>
      %add3A_192 = arith.constant 32767 : i32
      %add3A_193 = vector.broadcast %add3A_192 : i32 to vector<16xi32>
      %add3A_194 = arith.addi %bitcast_convert_type3A_191, %add3A_193 : vector<16xi32>
      %shift_right_logical3A_195 = arith.constant 16 : i32
      %shift_right_logical3A_196 = vector.broadcast %shift_right_logical3A_195 : i32 to vector<16xi32>
      %shift_right_logical3A_197 = arith.shrui %bitcast_convert_type3A_191, %shift_right_logical3A_196 : vector<16xi32>
      %and3A_198 = arith.constant 1 : i32
      %and3A_199 = vector.broadcast %and3A_198 : i32 to vector<16xi32>
      %and3A_200 = arith.andi %shift_right_logical3A_197, %and3A_199 : vector<16xi32>
      %add3A_201 = arith.addi %add3A_194, %and3A_200 : vector<16xi32>
      %and3A_202 = arith.constant -65536 : i32
      %and3A_203 = vector.broadcast %and3A_202 : i32 to vector<16xi32>
      %and3A_204 = arith.andi %add3A_201, %and3A_203 : vector<16xi32>
      %bitcast_convert_type3A_205 = tpu.bitcast %and3A_204 : vector<16xi32> -> vector<16xf32>
      %mul3A_206 = arith.constant 32 : i32
      %mul3A_207 = arith.muli %add3A_35, %mul3A_206 : i32
      %add3A_208 = arith.constant 7 : i32
      %add3A_209 = arith.addi %mul3A_207, %add3A_208 : i32
      %broadcast_in_dim3A_210 = vector.broadcast %add3A_209 : i32 to vector<16xi32>
      %gather3A_211 = tpu.vector_load_idx %arg10[%broadcast_in_dim3A_210] : memref<8192xf32, #tpu.memory_space<vmem>>[vector<16xi32>], vector<16xf32>,
      %bitcast_convert_type3A_212 = tpu.bitcast %gather3A_211 : vector<16xf32> -> vector<16xi32>
      %add3A_213 = arith.constant 32767 : i32
      %add3A_214 = vector.broadcast %add3A_213 : i32 to vector<16xi32>
      %add3A_215 = arith.addi %bitcast_convert_type3A_212, %add3A_214 : vector<16xi32>
      %shift_right_logical3A_216 = arith.constant 16 : i32
      %shift_right_logical3A_217 = vector.broadcast %shift_right_logical3A_216 : i32 to vector<16xi32>
      %shift_right_logical3A_218 = arith.shrui %bitcast_convert_type3A_212, %shift_right_logical3A_217 : vector<16xi32>
      %and3A_219 = arith.constant 1 : i32
      %and3A_220 = vector.broadcast %and3A_219 : i32 to vector<16xi32>
      %and3A_221 = arith.andi %shift_right_logical3A_218, %and3A_220 : vector<16xi32>
      %add3A_222 = arith.addi %add3A_215, %and3A_221 : vector<16xi32>
      %and3A_223 = arith.constant -65536 : i32
      %and3A_224 = vector.broadcast %and3A_223 : i32 to vector<16xi32>
      %and3A_225 = arith.andi %add3A_222, %and3A_224 : vector<16xi32>
      %bitcast_convert_type3A_226 = tpu.bitcast %and3A_225 : vector<16xi32> -> vector<16xf32>
      %mul3A_227 = arith.constant 32 : i32
      %mul3A_228 = arith.muli %add3A_35, %mul3A_227 : i32
      %add3A_229 = arith.constant 8 : i32
      %add3A_230 = arith.addi %mul3A_228, %add3A_229 : i32
      %broadcast_in_dim3A_231 = vector.broadcast %add3A_230 : i32 to vector<16xi32>
      %gather3A_232 = tpu.vector_load_idx %arg10[%broadcast_in_dim3A_231] : memref<8192xf32, #tpu.memory_space<vmem>>[vector<16xi32>], vector<16xf32>,
      %bitcast_convert_type3A_233 = tpu.bitcast %gather3A_232 : vector<16xf32> -> vector<16xi32>
      %add3A_234 = arith.constant 32767 : i32
      %add3A_235 = vector.broadcast %add3A_234 : i32 to vector<16xi32>
      %add3A_236 = arith.addi %bitcast_convert_type3A_233, %add3A_235 : vector<16xi32>
      %shift_right_logical3A_237 = arith.constant 16 : i32
      %shift_right_logical3A_238 = vector.broadcast %shift_right_logical3A_237 : i32 to vector<16xi32>
      %shift_right_logical3A_239 = arith.shrui %bitcast_convert_type3A_233, %shift_right_logical3A_238 : vector<16xi32>
      %and3A_240 = arith.constant 1 : i32
      %and3A_241 = vector.broadcast %and3A_240 : i32 to vector<16xi32>
      %and3A_242 = arith.andi %shift_right_logical3A_239, %and3A_241 : vector<16xi32>
      %add3A_243 = arith.addi %add3A_236, %and3A_242 : vector<16xi32>
      %and3A_244 = arith.constant -65536 : i32
      %and3A_245 = vector.broadcast %and3A_244 : i32 to vector<16xi32>
      %and3A_246 = arith.andi %add3A_243, %and3A_245 : vector<16xi32>
      %bitcast_convert_type3A_247 = tpu.bitcast %and3A_246 : vector<16xi32> -> vector<16xf32>
      %mul3A_248 = arith.constant 32 : i32
      %mul3A_249 = arith.muli %add3A_35, %mul3A_248 : i32
      %add3A_250 = arith.constant 9 : i32
      %add3A_251 = arith.addi %mul3A_249, %add3A_250 : i32
      %broadcast_in_dim3A_252 = vector.broadcast %add3A_251 : i32 to vector<16xi32>
      %gather3A_253 = tpu.vector_load_idx %arg10[%broadcast_in_dim3A_252] : memref<8192xf32, #tpu.memory_space<vmem>>[vector<16xi32>], vector<16xf32>,
      %bitcast_convert_type3A_254 = tpu.bitcast %gather3A_253 : vector<16xf32> -> vector<16xi32>
      %add3A_255 = arith.constant 32767 : i32
      %add3A_256 = vector.broadcast %add3A_255 : i32 to vector<16xi32>
      %add3A_257 = arith.addi %bitcast_convert_type3A_254, %add3A_256 : vector<16xi32>
      %shift_right_logical3A_258 = arith.constant 16 : i32
      %shift_right_logical3A_259 = vector.broadcast %shift_right_logical3A_258 : i32 to vector<16xi32>
      %shift_right_logical3A_260 = arith.shrui %bitcast_convert_type3A_254, %shift_right_logical3A_259 : vector<16xi32>
      %and3A_261 = arith.constant 1 : i32
      %and3A_262 = vector.broadcast %and3A_261 : i32 to vector<16xi32>
      %and3A_263 = arith.andi %shift_right_logical3A_260, %and3A_262 : vector<16xi32>
      %add3A_264 = arith.addi %add3A_257, %and3A_263 : vector<16xi32>
      %and3A_265 = arith.constant -65536 : i32
      %and3A_266 = vector.broadcast %and3A_265 : i32 to vector<16xi32>
      %and3A_267 = arith.andi %add3A_264, %and3A_266 : vector<16xi32>
      %bitcast_convert_type3A_268 = tpu.bitcast %and3A_267 : vector<16xi32> -> vector<16xf32>
      %mul3A_269 = arith.constant 32 : i32
      %mul3A_270 = arith.muli %add3A_35, %mul3A_269 : i32
      %add3A_271 = arith.constant 10 : i32
      %add3A_272 = arith.addi %mul3A_270, %add3A_271 : i32
      %broadcast_in_dim3A_273 = vector.broadcast %add3A_272 : i32 to vector<16xi32>
      %gather3A_274 = tpu.vector_load_idx %arg10[%broadcast_in_dim3A_273] : memref<8192xf32, #tpu.memory_space<vmem>>[vector<16xi32>], vector<16xf32>,
      %bitcast_convert_type3A_275 = tpu.bitcast %gather3A_274 : vector<16xf32> -> vector<16xi32>
      %add3A_276 = arith.constant 32767 : i32
      %add3A_277 = vector.broadcast %add3A_276 : i32 to vector<16xi32>
      %add3A_278 = arith.addi %bitcast_convert_type3A_275, %add3A_277 : vector<16xi32>
      %shift_right_logical3A_279 = arith.constant 16 : i32
      %shift_right_logical3A_280 = vector.broadcast %shift_right_logical3A_279 : i32 to vector<16xi32>
      %shift_right_logical3A_281 = arith.shrui %bitcast_convert_type3A_275, %shift_right_logical3A_280 : vector<16xi32>
      %and3A_282 = arith.constant 1 : i32
      %and3A_283 = vector.broadcast %and3A_282 : i32 to vector<16xi32>
      %and3A_284 = arith.andi %shift_right_logical3A_281, %and3A_283 : vector<16xi32>
      %add3A_285 = arith.addi %add3A_278, %and3A_284 : vector<16xi32>
      %and3A_286 = arith.constant -65536 : i32
      %and3A_287 = vector.broadcast %and3A_286 : i32 to vector<16xi32>
      %and3A_288 = arith.andi %add3A_285, %and3A_287 : vector<16xi32>
      %bitcast_convert_type3A_289 = tpu.bitcast %and3A_288 : vector<16xi32> -> vector<16xf32>
      %mul3A_290 = arith.constant 32 : i32
      %mul3A_291 = arith.muli %add3A_35, %mul3A_290 : i32
      %add3A_292 = arith.constant 11 : i32
      %add3A_293 = arith.addi %mul3A_291, %add3A_292 : i32
      %broadcast_in_dim3A_294 = vector.broadcast %add3A_293 : i32 to vector<16xi32>
      %gather3A_295 = tpu.vector_load_idx %arg10[%broadcast_in_dim3A_294] : memref<8192xf32, #tpu.memory_space<vmem>>[vector<16xi32>], vector<16xf32>,
      %bitcast_convert_type3A_296 = tpu.bitcast %gather3A_295 : vector<16xf32> -> vector<16xi32>
      %add3A_297 = arith.constant 32767 : i32
      %add3A_298 = vector.broadcast %add3A_297 : i32 to vector<16xi32>
      %add3A_299 = arith.addi %bitcast_convert_type3A_296, %add3A_298 : vector<16xi32>
      %shift_right_logical3A_300 = arith.constant 16 : i32
      %shift_right_logical3A_301 = vector.broadcast %shift_right_logical3A_300 : i32 to vector<16xi32>
      %shift_right_logical3A_302 = arith.shrui %bitcast_convert_type3A_296, %shift_right_logical3A_301 : vector<16xi32>
      %and3A_303 = arith.constant 1 : i32
      %and3A_304 = vector.broadcast %and3A_303 : i32 to vector<16xi32>
      %and3A_305 = arith.andi %shift_right_logical3A_302, %and3A_304 : vector<16xi32>
      %add3A_306 = arith.addi %add3A_299, %and3A_305 : vector<16xi32>
      %and3A_307 = arith.constant -65536 : i32
      %and3A_308 = vector.broadcast %and3A_307 : i32 to vector<16xi32>
      %and3A_309 = arith.andi %add3A_306, %and3A_308 : vector<16xi32>
      %bitcast_convert_type3A_310 = tpu.bitcast %and3A_309 : vector<16xi32> -> vector<16xf32>
      %mul3A_311 = arith.constant 32 : i32
      %mul3A_312 = arith.muli %add3A_35, %mul3A_311 : i32
      %add3A_313 = arith.constant 12 : i32
      %add3A_314 = arith.addi %mul3A_312, %add3A_313 : i32
      %broadcast_in_dim3A_315 = vector.broadcast %add3A_314 : i32 to vector<16xi32>
      %gather3A_316 = tpu.vector_load_idx %arg10[%broadcast_in_dim3A_315] : memref<8192xf32, #tpu.memory_space<vmem>>[vector<16xi32>], vector<16xf32>,
      %bitcast_convert_type3A_317 = tpu.bitcast %gather3A_316 : vector<16xf32> -> vector<16xi32>
      %add3A_318 = arith.constant 32767 : i32
      %add3A_319 = vector.broadcast %add3A_318 : i32 to vector<16xi32>
      %add3A_320 = arith.addi %bitcast_convert_type3A_317, %add3A_319 : vector<16xi32>
      %shift_right_logical3A_321 = arith.constant 16 : i32
      %shift_right_logical3A_322 = vector.broadcast %shift_right_logical3A_321 : i32 to vector<16xi32>
      %shift_right_logical3A_323 = arith.shrui %bitcast_convert_type3A_317, %shift_right_logical3A_322 : vector<16xi32>
      %and3A_324 = arith.constant 1 : i32
      %and3A_325 = vector.broadcast %and3A_324 : i32 to vector<16xi32>
      %and3A_326 = arith.andi %shift_right_logical3A_323, %and3A_325 : vector<16xi32>
      %add3A_327 = arith.addi %add3A_320, %and3A_326 : vector<16xi32>
      %and3A_328 = arith.constant -65536 : i32
      %and3A_329 = vector.broadcast %and3A_328 : i32 to vector<16xi32>
      %and3A_330 = arith.andi %add3A_327, %and3A_329 : vector<16xi32>
      %bitcast_convert_type3A_331 = tpu.bitcast %and3A_330 : vector<16xi32> -> vector<16xf32>
      %mul3A_332 = arith.constant 32 : i32
      %mul3A_333 = arith.muli %add3A_35, %mul3A_332 : i32
      %add3A_334 = arith.constant 13 : i32
      %add3A_335 = arith.addi %mul3A_333, %add3A_334 : i32
      %broadcast_in_dim3A_336 = vector.broadcast %add3A_335 : i32 to vector<16xi32>
      %gather3A_337 = tpu.vector_load_idx %arg10[%broadcast_in_dim3A_336] : memref<8192xf32, #tpu.memory_space<vmem>>[vector<16xi32>], vector<16xf32>,
      %bitcast_convert_type3A_338 = tpu.bitcast %gather3A_337 : vector<16xf32> -> vector<16xi32>
      %add3A_339 = arith.constant 32767 : i32
      %add3A_340 = vector.broadcast %add3A_339 : i32 to vector<16xi32>
      %add3A_341 = arith.addi %bitcast_convert_type3A_338, %add3A_340 : vector<16xi32>
      %shift_right_logical3A_342 = arith.constant 16 : i32
      %shift_right_logical3A_343 = vector.broadcast %shift_right_logical3A_342 : i32 to vector<16xi32>
      %shift_right_logical3A_344 = arith.shrui %bitcast_convert_type3A_338, %shift_right_logical3A_343 : vector<16xi32>
      %and3A_345 = arith.constant 1 : i32
      %and3A_346 = vector.broadcast %and3A_345 : i32 to vector<16xi32>
      %and3A_347 = arith.andi %shift_right_logical3A_344, %and3A_346 : vector<16xi32>
      %add3A_348 = arith.addi %add3A_341, %and3A_347 : vector<16xi32>
      %and3A_349 = arith.constant -65536 : i32
      %and3A_350 = vector.broadcast %and3A_349 : i32 to vector<16xi32>
      %and3A_351 = arith.andi %add3A_348, %and3A_350 : vector<16xi32>
      %bitcast_convert_type3A_352 = tpu.bitcast %and3A_351 : vector<16xi32> -> vector<16xf32>
      %mul3A_353 = arith.constant 32 : i32
      %mul3A_354 = arith.muli %add3A_35, %mul3A_353 : i32
      %add3A_355 = arith.constant 14 : i32
      %add3A_356 = arith.addi %mul3A_354, %add3A_355 : i32
      %broadcast_in_dim3A_357 = vector.broadcast %add3A_356 : i32 to vector<16xi32>
      %gather3A_358 = tpu.vector_load_idx %arg10[%broadcast_in_dim3A_357] : memref<8192xf32, #tpu.memory_space<vmem>>[vector<16xi32>], vector<16xf32>,
      %bitcast_convert_type3A_359 = tpu.bitcast %gather3A_358 : vector<16xf32> -> vector<16xi32>
      %add3A_360 = arith.constant 32767 : i32
      %add3A_361 = vector.broadcast %add3A_360 : i32 to vector<16xi32>
      %add3A_362 = arith.addi %bitcast_convert_type3A_359, %add3A_361 : vector<16xi32>
      %shift_right_logical3A_363 = arith.constant 16 : i32
      %shift_right_logical3A_364 = vector.broadcast %shift_right_logical3A_363 : i32 to vector<16xi32>
      %shift_right_logical3A_365 = arith.shrui %bitcast_convert_type3A_359, %shift_right_logical3A_364 : vector<16xi32>
      %and3A_366 = arith.constant 1 : i32
      %and3A_367 = vector.broadcast %and3A_366 : i32 to vector<16xi32>
      %and3A_368 = arith.andi %shift_right_logical3A_365, %and3A_367 : vector<16xi32>
      %add3A_369 = arith.addi %add3A_362, %and3A_368 : vector<16xi32>
      %and3A_370 = arith.constant -65536 : i32
      %and3A_371 = vector.broadcast %and3A_370 : i32 to vector<16xi32>
      %and3A_372 = arith.andi %add3A_369, %and3A_371 : vector<16xi32>
      %bitcast_convert_type3A_373 = tpu.bitcast %and3A_372 : vector<16xi32> -> vector<16xf32>
      %mul3A_374 = arith.constant 32 : i32
      %mul3A_375 = arith.muli %add3A_35, %mul3A_374 : i32
      %add3A_376 = arith.constant 15 : i32
      %add3A_377 = arith.addi %mul3A_375, %add3A_376 : i32
      %broadcast_in_dim3A_378 = vector.broadcast %add3A_377 : i32 to vector<16xi32>
      %gather3A_379 = tpu.vector_load_idx %arg10[%broadcast_in_dim3A_378] : memref<8192xf32, #tpu.memory_space<vmem>>[vector<16xi32>], vector<16xf32>,
      %bitcast_convert_type3A_380 = tpu.bitcast %gather3A_379 : vector<16xf32> -> vector<16xi32>
      %add3A_381 = arith.constant 32767 : i32
      %add3A_382 = vector.broadcast %add3A_381 : i32 to vector<16xi32>
      %add3A_383 = arith.addi %bitcast_convert_type3A_380, %add3A_382 : vector<16xi32>
      %shift_right_logical3A_384 = arith.constant 16 : i32
      %shift_right_logical3A_385 = vector.broadcast %shift_right_logical3A_384 : i32 to vector<16xi32>
      %shift_right_logical3A_386 = arith.shrui %bitcast_convert_type3A_380, %shift_right_logical3A_385 : vector<16xi32>
      %and3A_387 = arith.constant 1 : i32
      %and3A_388 = vector.broadcast %and3A_387 : i32 to vector<16xi32>
      %and3A_389 = arith.andi %shift_right_logical3A_386, %and3A_388 : vector<16xi32>
      %add3A_390 = arith.addi %add3A_383, %and3A_389 : vector<16xi32>
      %and3A_391 = arith.constant -65536 : i32
      %and3A_392 = vector.broadcast %and3A_391 : i32 to vector<16xi32>
      %and3A_393 = arith.andi %add3A_390, %and3A_392 : vector<16xi32>
      %bitcast_convert_type3A_394 = tpu.bitcast %and3A_393 : vector<16xi32> -> vector<16xf32>
      %mul3A_395 = arith.constant 32 : i32
      %mul3A_396 = arith.muli %add3A_35, %mul3A_395 : i32
      %add3A_397 = arith.constant 16 : i32
      %add3A_398 = arith.addi %mul3A_396, %add3A_397 : i32
      %broadcast_in_dim3A_399 = vector.broadcast %add3A_398 : i32 to vector<16xi32>
      %gather3A_400 = tpu.vector_load_idx %arg10[%broadcast_in_dim3A_399] : memref<8192xf32, #tpu.memory_space<vmem>>[vector<16xi32>], vector<16xf32>,
      %bitcast_convert_type3A_401 = tpu.bitcast %gather3A_400 : vector<16xf32> -> vector<16xi32>
      %add3A_402 = arith.constant 32767 : i32
      %add3A_403 = vector.broadcast %add3A_402 : i32 to vector<16xi32>
      %add3A_404 = arith.addi %bitcast_convert_type3A_401, %add3A_403 : vector<16xi32>
      %shift_right_logical3A_405 = arith.constant 16 : i32
      %shift_right_logical3A_406 = vector.broadcast %shift_right_logical3A_405 : i32 to vector<16xi32>
      %shift_right_logical3A_407 = arith.shrui %bitcast_convert_type3A_401, %shift_right_logical3A_406 : vector<16xi32>
      %and3A_408 = arith.constant 1 : i32
      %and3A_409 = vector.broadcast %and3A_408 : i32 to vector<16xi32>
      %and3A_410 = arith.andi %shift_right_logical3A_407, %and3A_409 : vector<16xi32>
      %add3A_411 = arith.addi %add3A_404, %and3A_410 : vector<16xi32>
      %and3A_412 = arith.constant -65536 : i32
      %and3A_413 = vector.broadcast %and3A_412 : i32 to vector<16xi32>
      %and3A_414 = arith.andi %add3A_411, %and3A_413 : vector<16xi32>
      %bitcast_convert_type3A_415 = tpu.bitcast %and3A_414 : vector<16xi32> -> vector<16xf32>
      %mul3A_416 = arith.constant 32 : i32
      %mul3A_417 = arith.muli %add3A_35, %mul3A_416 : i32
      %add3A_418 = arith.constant 17 : i32
      %add3A_419 = arith.addi %mul3A_417, %add3A_418 : i32
      %broadcast_in_dim3A_420 = vector.broadcast %add3A_419 : i32 to vector<16xi32>
      %gather3A_421 = tpu.vector_load_idx %arg10[%broadcast_in_dim3A_420] : memref<8192xf32, #tpu.memory_space<vmem>>[vector<16xi32>], vector<16xf32>,
      %bitcast_convert_type3A_422 = tpu.bitcast %gather3A_421 : vector<16xf32> -> vector<16xi32>
      %add3A_423 = arith.constant 32767 : i32
      %add3A_424 = vector.broadcast %add3A_423 : i32 to vector<16xi32>
      %add3A_425 = arith.addi %bitcast_convert_type3A_422, %add3A_424 : vector<16xi32>
      %shift_right_logical3A_426 = arith.constant 16 : i32
      %shift_right_logical3A_427 = vector.broadcast %shift_right_logical3A_426 : i32 to vector<16xi32>
      %shift_right_logical3A_428 = arith.shrui %bitcast_convert_type3A_422, %shift_right_logical3A_427 : vector<16xi32>
      %and3A_429 = arith.constant 1 : i32
      %and3A_430 = vector.broadcast %and3A_429 : i32 to vector<16xi32>
      %and3A_431 = arith.andi %shift_right_logical3A_428, %and3A_430 : vector<16xi32>
      %add3A_432 = arith.addi %add3A_425, %and3A_431 : vector<16xi32>
      %and3A_433 = arith.constant -65536 : i32
      %and3A_434 = vector.broadcast %and3A_433 : i32 to vector<16xi32>
      %and3A_435 = arith.andi %add3A_432, %and3A_434 : vector<16xi32>
      %bitcast_convert_type3A_436 = tpu.bitcast %and3A_435 : vector<16xi32> -> vector<16xf32>
      %mul3A_437 = arith.constant 32 : i32
      %mul3A_438 = arith.muli %add3A_35, %mul3A_437 : i32
      %add3A_439 = arith.constant 18 : i32
      %add3A_440 = arith.addi %mul3A_438, %add3A_439 : i32
      %broadcast_in_dim3A_441 = vector.broadcast %add3A_440 : i32 to vector<16xi32>
      %gather3A_442 = tpu.vector_load_idx %arg10[%broadcast_in_dim3A_441] : memref<8192xf32, #tpu.memory_space<vmem>>[vector<16xi32>], vector<16xf32>,
      %bitcast_convert_type3A_443 = tpu.bitcast %gather3A_442 : vector<16xf32> -> vector<16xi32>
      %add3A_444 = arith.constant 32767 : i32
      %add3A_445 = vector.broadcast %add3A_444 : i32 to vector<16xi32>
      %add3A_446 = arith.addi %bitcast_convert_type3A_443, %add3A_445 : vector<16xi32>
      %shift_right_logical3A_447 = arith.constant 16 : i32
      %shift_right_logical3A_448 = vector.broadcast %shift_right_logical3A_447 : i32 to vector<16xi32>
      %shift_right_logical3A_449 = arith.shrui %bitcast_convert_type3A_443, %shift_right_logical3A_448 : vector<16xi32>
      %and3A_450 = arith.constant 1 : i32
      %and3A_451 = vector.broadcast %and3A_450 : i32 to vector<16xi32>
      %and3A_452 = arith.andi %shift_right_logical3A_449, %and3A_451 : vector<16xi32>
      %add3A_453 = arith.addi %add3A_446, %and3A_452 : vector<16xi32>
      %and3A_454 = arith.constant -65536 : i32
      %and3A_455 = vector.broadcast %and3A_454 : i32 to vector<16xi32>
      %and3A_456 = arith.andi %add3A_453, %and3A_455 : vector<16xi32>
      %bitcast_convert_type3A_457 = tpu.bitcast %and3A_456 : vector<16xi32> -> vector<16xf32>
      %mul3A_458 = arith.constant 32 : i32
      %mul3A_459 = arith.muli %add3A_35, %mul3A_458 : i32
      %add3A_460 = arith.constant 19 : i32
      %add3A_461 = arith.addi %mul3A_459, %add3A_460 : i32
      %broadcast_in_dim3A_462 = vector.broadcast %add3A_461 : i32 to vector<16xi32>
      %gather3A_463 = tpu.vector_load_idx %arg10[%broadcast_in_dim3A_462] : memref<8192xf32, #tpu.memory_space<vmem>>[vector<16xi32>], vector<16xf32>,
      %bitcast_convert_type3A_464 = tpu.bitcast %gather3A_463 : vector<16xf32> -> vector<16xi32>
      %add3A_465 = arith.constant 32767 : i32
      %add3A_466 = vector.broadcast %add3A_465 : i32 to vector<16xi32>
      %add3A_467 = arith.addi %bitcast_convert_type3A_464, %add3A_466 : vector<16xi32>
      %shift_right_logical3A_468 = arith.constant 16 : i32
      %shift_right_logical3A_469 = vector.broadcast %shift_right_logical3A_468 : i32 to vector<16xi32>
      %shift_right_logical3A_470 = arith.shrui %bitcast_convert_type3A_464, %shift_right_logical3A_469 : vector<16xi32>
      %and3A_471 = arith.constant 1 : i32
      %and3A_472 = vector.broadcast %and3A_471 : i32 to vector<16xi32>
      %and3A_473 = arith.andi %shift_right_logical3A_470, %and3A_472 : vector<16xi32>
      %add3A_474 = arith.addi %add3A_467, %and3A_473 : vector<16xi32>
      %and3A_475 = arith.constant -65536 : i32
      %and3A_476 = vector.broadcast %and3A_475 : i32 to vector<16xi32>
      %and3A_477 = arith.andi %add3A_474, %and3A_476 : vector<16xi32>
      %bitcast_convert_type3A_478 = tpu.bitcast %and3A_477 : vector<16xi32> -> vector<16xf32>
      %mul3A_479 = arith.constant 32 : i32
      %mul3A_480 = arith.muli %add3A_35, %mul3A_479 : i32
      %add3A_481 = arith.constant 20 : i32
      %add3A_482 = arith.addi %mul3A_480, %add3A_481 : i32
      %broadcast_in_dim3A_483 = vector.broadcast %add3A_482 : i32 to vector<16xi32>
      %gather3A_484 = tpu.vector_load_idx %arg10[%broadcast_in_dim3A_483] : memref<8192xf32, #tpu.memory_space<vmem>>[vector<16xi32>], vector<16xf32>,
      %bitcast_convert_type3A_485 = tpu.bitcast %gather3A_484 : vector<16xf32> -> vector<16xi32>
      %add3A_486 = arith.constant 32767 : i32
      %add3A_487 = vector.broadcast %add3A_486 : i32 to vector<16xi32>
      %add3A_488 = arith.addi %bitcast_convert_type3A_485, %add3A_487 : vector<16xi32>
      %shift_right_logical3A_489 = arith.constant 16 : i32
      %shift_right_logical3A_490 = vector.broadcast %shift_right_logical3A_489 : i32 to vector<16xi32>
      %shift_right_logical3A_491 = arith.shrui %bitcast_convert_type3A_485, %shift_right_logical3A_490 : vector<16xi32>
      %and3A_492 = arith.constant 1 : i32
      %and3A_493 = vector.broadcast %and3A_492 : i32 to vector<16xi32>
      %and3A_494 = arith.andi %shift_right_logical3A_491, %and3A_493 : vector<16xi32>
      %add3A_495 = arith.addi %add3A_488, %and3A_494 : vector<16xi32>
      %and3A_496 = arith.constant -65536 : i32
      %and3A_497 = vector.broadcast %and3A_496 : i32 to vector<16xi32>
      %and3A_498 = arith.andi %add3A_495, %and3A_497 : vector<16xi32>
      %bitcast_convert_type3A_499 = tpu.bitcast %and3A_498 : vector<16xi32> -> vector<16xf32>
      %mul3A_500 = arith.constant 32 : i32
      %mul3A_501 = arith.muli %add3A_35, %mul3A_500 : i32
      %add3A_502 = arith.constant 21 : i32
      %add3A_503 = arith.addi %mul3A_501, %add3A_502 : i32
      %broadcast_in_dim3A_504 = vector.broadcast %add3A_503 : i32 to vector<16xi32>
      %gather3A_505 = tpu.vector_load_idx %arg10[%broadcast_in_dim3A_504] : memref<8192xf32, #tpu.memory_space<vmem>>[vector<16xi32>], vector<16xf32>,
      %bitcast_convert_type3A_506 = tpu.bitcast %gather3A_505 : vector<16xf32> -> vector<16xi32>
      %add3A_507 = arith.constant 32767 : i32
      %add3A_508 = vector.broadcast %add3A_507 : i32 to vector<16xi32>
      %add3A_509 = arith.addi %bitcast_convert_type3A_506, %add3A_508 : vector<16xi32>
      %shift_right_logical3A_510 = arith.constant 16 : i32
      %shift_right_logical3A_511 = vector.broadcast %shift_right_logical3A_510 : i32 to vector<16xi32>
      %shift_right_logical3A_512 = arith.shrui %bitcast_convert_type3A_506, %shift_right_logical3A_511 : vector<16xi32>
      %and3A_513 = arith.constant 1 : i32
      %and3A_514 = vector.broadcast %and3A_513 : i32 to vector<16xi32>
      %and3A_515 = arith.andi %shift_right_logical3A_512, %and3A_514 : vector<16xi32>
      %add3A_516 = arith.addi %add3A_509, %and3A_515 : vector<16xi32>
      %and3A_517 = arith.constant -65536 : i32
      %and3A_518 = vector.broadcast %and3A_517 : i32 to vector<16xi32>
      %and3A_519 = arith.andi %add3A_516, %and3A_518 : vector<16xi32>
      %bitcast_convert_type3A_520 = tpu.bitcast %and3A_519 : vector<16xi32> -> vector<16xf32>
      %mul3A_521 = arith.constant 32 : i32
      %mul3A_522 = arith.muli %add3A_35, %mul3A_521 : i32
      %add3A_523 = arith.constant 22 : i32
      %add3A_524 = arith.addi %mul3A_522, %add3A_523 : i32
      %broadcast_in_dim3A_525 = vector.broadcast %add3A_524 : i32 to vector<16xi32>
      %gather3A_526 = tpu.vector_load_idx %arg10[%broadcast_in_dim3A_525] : memref<8192xf32, #tpu.memory_space<vmem>>[vector<16xi32>], vector<16xf32>,
      %bitcast_convert_type3A_527 = tpu.bitcast %gather3A_526 : vector<16xf32> -> vector<16xi32>
      %add3A_528 = arith.constant 32767 : i32
      %add3A_529 = vector.broadcast %add3A_528 : i32 to vector<16xi32>
      %add3A_530 = arith.addi %bitcast_convert_type3A_527, %add3A_529 : vector<16xi32>
      %shift_right_logical3A_531 = arith.constant 16 : i32
      %shift_right_logical3A_532 = vector.broadcast %shift_right_logical3A_531 : i32 to vector<16xi32>
      %shift_right_logical3A_533 = arith.shrui %bitcast_convert_type3A_527, %shift_right_logical3A_532 : vector<16xi32>
      %and3A_534 = arith.constant 1 : i32
      %and3A_535 = vector.broadcast %and3A_534 : i32 to vector<16xi32>
      %and3A_536 = arith.andi %shift_right_logical3A_533, %and3A_535 : vector<16xi32>
      %add3A_537 = arith.addi %add3A_530, %and3A_536 : vector<16xi32>
      %and3A_538 = arith.constant -65536 : i32
      %and3A_539 = vector.broadcast %and3A_538 : i32 to vector<16xi32>
      %and3A_540 = arith.andi %add3A_537, %and3A_539 : vector<16xi32>
      %bitcast_convert_type3A_541 = tpu.bitcast %and3A_540 : vector<16xi32> -> vector<16xf32>
      %mul3A_542 = arith.constant 32 : i32
      %mul3A_543 = arith.muli %add3A_35, %mul3A_542 : i32
      %add3A_544 = arith.constant 23 : i32
      %add3A_545 = arith.addi %mul3A_543, %add3A_544 : i32
      %broadcast_in_dim3A_546 = vector.broadcast %add3A_545 : i32 to vector<16xi32>
      %gather3A_547 = tpu.vector_load_idx %arg10[%broadcast_in_dim3A_546] : memref<8192xf32, #tpu.memory_space<vmem>>[vector<16xi32>], vector<16xf32>,
      %bitcast_convert_type3A_548 = tpu.bitcast %gather3A_547 : vector<16xf32> -> vector<16xi32>
      %add3A_549 = arith.constant 32767 : i32
      %add3A_550 = vector.broadcast %add3A_549 : i32 to vector<16xi32>
      %add3A_551 = arith.addi %bitcast_convert_type3A_548, %add3A_550 : vector<16xi32>
      %shift_right_logical3A_552 = arith.constant 16 : i32
      %shift_right_logical3A_553 = vector.broadcast %shift_right_logical3A_552 : i32 to vector<16xi32>
      %shift_right_logical3A_554 = arith.shrui %bitcast_convert_type3A_548, %shift_right_logical3A_553 : vector<16xi32>
      %and3A_555 = arith.constant 1 : i32
      %and3A_556 = vector.broadcast %and3A_555 : i32 to vector<16xi32>
      %and3A_557 = arith.andi %shift_right_logical3A_554, %and3A_556 : vector<16xi32>
      %add3A_558 = arith.addi %add3A_551, %and3A_557 : vector<16xi32>
      %and3A_559 = arith.constant -65536 : i32
      %and3A_560 = vector.broadcast %and3A_559 : i32 to vector<16xi32>
      %and3A_561 = arith.andi %add3A_558, %and3A_560 : vector<16xi32>
      %bitcast_convert_type3A_562 = tpu.bitcast %and3A_561 : vector<16xi32> -> vector<16xf32>
      %mul3A_563 = arith.constant 32 : i32
      %mul3A_564 = arith.muli %add3A_35, %mul3A_563 : i32
      %add3A_565 = arith.constant 24 : i32
      %add3A_566 = arith.addi %mul3A_564, %add3A_565 : i32
      %broadcast_in_dim3A_567 = vector.broadcast %add3A_566 : i32 to vector<16xi32>
      %gather3A_568 = tpu.vector_load_idx %arg10[%broadcast_in_dim3A_567] : memref<8192xf32, #tpu.memory_space<vmem>>[vector<16xi32>], vector<16xf32>,
      %bitcast_convert_type3A_569 = tpu.bitcast %gather3A_568 : vector<16xf32> -> vector<16xi32>
      %add3A_570 = arith.constant 32767 : i32
      %add3A_571 = vector.broadcast %add3A_570 : i32 to vector<16xi32>
      %add3A_572 = arith.addi %bitcast_convert_type3A_569, %add3A_571 : vector<16xi32>
      %shift_right_logical3A_573 = arith.constant 16 : i32
      %shift_right_logical3A_574 = vector.broadcast %shift_right_logical3A_573 : i32 to vector<16xi32>
      %shift_right_logical3A_575 = arith.shrui %bitcast_convert_type3A_569, %shift_right_logical3A_574 : vector<16xi32>
      %and3A_576 = arith.constant 1 : i32
      %and3A_577 = vector.broadcast %and3A_576 : i32 to vector<16xi32>
      %and3A_578 = arith.andi %shift_right_logical3A_575, %and3A_577 : vector<16xi32>
      %add3A_579 = arith.addi %add3A_572, %and3A_578 : vector<16xi32>
      %and3A_580 = arith.constant -65536 : i32
      %and3A_581 = vector.broadcast %and3A_580 : i32 to vector<16xi32>
      %and3A_582 = arith.andi %add3A_579, %and3A_581 : vector<16xi32>
      %bitcast_convert_type3A_583 = tpu.bitcast %and3A_582 : vector<16xi32> -> vector<16xf32>
      %mul3A_584 = arith.constant 32 : i32
      %mul3A_585 = arith.muli %add3A_35, %mul3A_584 : i32
      %add3A_586 = arith.constant 25 : i32
      %add3A_587 = arith.addi %mul3A_585, %add3A_586 : i32
      %broadcast_in_dim3A_588 = vector.broadcast %add3A_587 : i32 to vector<16xi32>
      %gather3A_589 = tpu.vector_load_idx %arg10[%broadcast_in_dim3A_588] : memref<8192xf32, #tpu.memory_space<vmem>>[vector<16xi32>], vector<16xf32>,
      %bitcast_convert_type3A_590 = tpu.bitcast %gather3A_589 : vector<16xf32> -> vector<16xi32>
      %add3A_591 = arith.constant 32767 : i32
      %add3A_592 = vector.broadcast %add3A_591 : i32 to vector<16xi32>
      %add3A_593 = arith.addi %bitcast_convert_type3A_590, %add3A_592 : vector<16xi32>
      %shift_right_logical3A_594 = arith.constant 16 : i32
      %shift_right_logical3A_595 = vector.broadcast %shift_right_logical3A_594 : i32 to vector<16xi32>
      %shift_right_logical3A_596 = arith.shrui %bitcast_convert_type3A_590, %shift_right_logical3A_595 : vector<16xi32>
      %and3A_597 = arith.constant 1 : i32
      %and3A_598 = vector.broadcast %and3A_597 : i32 to vector<16xi32>
      %and3A_599 = arith.andi %shift_right_logical3A_596, %and3A_598 : vector<16xi32>
      %add3A_600 = arith.addi %add3A_593, %and3A_599 : vector<16xi32>
      %and3A_601 = arith.constant -65536 : i32
      %and3A_602 = vector.broadcast %and3A_601 : i32 to vector<16xi32>
      %and3A_603 = arith.andi %add3A_600, %and3A_602 : vector<16xi32>
      %bitcast_convert_type3A_604 = tpu.bitcast %and3A_603 : vector<16xi32> -> vector<16xf32>
      %mul3A_605 = arith.constant 32 : i32
      %mul3A_606 = arith.muli %add3A_35, %mul3A_605 : i32
      %add3A_607 = arith.constant 26 : i32
      %add3A_608 = arith.addi %mul3A_606, %add3A_607 : i32
      %broadcast_in_dim3A_609 = vector.broadcast %add3A_608 : i32 to vector<16xi32>
      %gather3A_610 = tpu.vector_load_idx %arg10[%broadcast_in_dim3A_609] : memref<8192xf32, #tpu.memory_space<vmem>>[vector<16xi32>], vector<16xf32>,
      %bitcast_convert_type3A_611 = tpu.bitcast %gather3A_610 : vector<16xf32> -> vector<16xi32>
      %add3A_612 = arith.constant 32767 : i32
      %add3A_613 = vector.broadcast %add3A_612 : i32 to vector<16xi32>
      %add3A_614 = arith.addi %bitcast_convert_type3A_611, %add3A_613 : vector<16xi32>
      %shift_right_logical3A_615 = arith.constant 16 : i32
      %shift_right_logical3A_616 = vector.broadcast %shift_right_logical3A_615 : i32 to vector<16xi32>
      %shift_right_logical3A_617 = arith.shrui %bitcast_convert_type3A_611, %shift_right_logical3A_616 : vector<16xi32>
      %and3A_618 = arith.constant 1 : i32
      %and3A_619 = vector.broadcast %and3A_618 : i32 to vector<16xi32>
      %and3A_620 = arith.andi %shift_right_logical3A_617, %and3A_619 : vector<16xi32>
      %add3A_621 = arith.addi %add3A_614, %and3A_620 : vector<16xi32>
      %and3A_622 = arith.constant -65536 : i32
      %and3A_623 = vector.broadcast %and3A_622 : i32 to vector<16xi32>
      %and3A_624 = arith.andi %add3A_621, %and3A_623 : vector<16xi32>
      %bitcast_convert_type3A_625 = tpu.bitcast %and3A_624 : vector<16xi32> -> vector<16xf32>
      %mul3A_626 = arith.constant 32 : i32
      %mul3A_627 = arith.muli %add3A_35, %mul3A_626 : i32
      %add3A_628 = arith.constant 27 : i32
      %add3A_629 = arith.addi %mul3A_627, %add3A_628 : i32
      %broadcast_in_dim3A_630 = vector.broadcast %add3A_629 : i32 to vector<16xi32>
      %gather3A_631 = tpu.vector_load_idx %arg10[%broadcast_in_dim3A_630] : memref<8192xf32, #tpu.memory_space<vmem>>[vector<16xi32>], vector<16xf32>,
      %bitcast_convert_type3A_632 = tpu.bitcast %gather3A_631 : vector<16xf32> -> vector<16xi32>
      %add3A_633 = arith.constant 32767 : i32
      %add3A_634 = vector.broadcast %add3A_633 : i32 to vector<16xi32>
      %add3A_635 = arith.addi %bitcast_convert_type3A_632, %add3A_634 : vector<16xi32>
      %shift_right_logical3A_636 = arith.constant 16 : i32
      %shift_right_logical3A_637 = vector.broadcast %shift_right_logical3A_636 : i32 to vector<16xi32>
      %shift_right_logical3A_638 = arith.shrui %bitcast_convert_type3A_632, %shift_right_logical3A_637 : vector<16xi32>
      %and3A_639 = arith.constant 1 : i32
      %and3A_640 = vector.broadcast %and3A_639 : i32 to vector<16xi32>
      %and3A_641 = arith.andi %shift_right_logical3A_638, %and3A_640 : vector<16xi32>
      %add3A_642 = arith.addi %add3A_635, %and3A_641 : vector<16xi32>
      %and3A_643 = arith.constant -65536 : i32
      %and3A_644 = vector.broadcast %and3A_643 : i32 to vector<16xi32>
      %and3A_645 = arith.andi %add3A_642, %and3A_644 : vector<16xi32>
      %bitcast_convert_type3A_646 = tpu.bitcast %and3A_645 : vector<16xi32> -> vector<16xf32>
      %mul3A_647 = arith.constant 32 : i32
      %mul3A_648 = arith.muli %add3A_35, %mul3A_647 : i32
      %add3A_649 = arith.constant 28 : i32
      %add3A_650 = arith.addi %mul3A_648, %add3A_649 : i32
      %broadcast_in_dim3A_651 = vector.broadcast %add3A_650 : i32 to vector<16xi32>
      %gather3A_652 = tpu.vector_load_idx %arg10[%broadcast_in_dim3A_651] : memref<8192xf32, #tpu.memory_space<vmem>>[vector<16xi32>], vector<16xf32>,
      %bitcast_convert_type3A_653 = tpu.bitcast %gather3A_652 : vector<16xf32> -> vector<16xi32>
      %add3A_654 = arith.constant 32767 : i32
      %add3A_655 = vector.broadcast %add3A_654 : i32 to vector<16xi32>
      %add3A_656 = arith.addi %bitcast_convert_type3A_653, %add3A_655 : vector<16xi32>
      %shift_right_logical3A_657 = arith.constant 16 : i32
      %shift_right_logical3A_658 = vector.broadcast %shift_right_logical3A_657 : i32 to vector<16xi32>
      %shift_right_logical3A_659 = arith.shrui %bitcast_convert_type3A_653, %shift_right_logical3A_658 : vector<16xi32>
      %and3A_660 = arith.constant 1 : i32
      %and3A_661 = vector.broadcast %and3A_660 : i32 to vector<16xi32>
      %and3A_662 = arith.andi %shift_right_logical3A_659, %and3A_661 : vector<16xi32>
      %add3A_663 = arith.addi %add3A_656, %and3A_662 : vector<16xi32>
      %and3A_664 = arith.constant -65536 : i32
      %and3A_665 = vector.broadcast %and3A_664 : i32 to vector<16xi32>
      %and3A_666 = arith.andi %add3A_663, %and3A_665 : vector<16xi32>
      %bitcast_convert_type3A_667 = tpu.bitcast %and3A_666 : vector<16xi32> -> vector<16xf32>
      %mul3A_668 = arith.constant 32 : i32
      %mul3A_669 = arith.muli %add3A_35, %mul3A_668 : i32
      %add3A_670 = arith.constant 29 : i32
      %add3A_671 = arith.addi %mul3A_669, %add3A_670 : i32
      %broadcast_in_dim3A_672 = vector.broadcast %add3A_671 : i32 to vector<16xi32>
      %gather3A_673 = tpu.vector_load_idx %arg10[%broadcast_in_dim3A_672] : memref<8192xf32, #tpu.memory_space<vmem>>[vector<16xi32>], vector<16xf32>,
      %bitcast_convert_type3A_674 = tpu.bitcast %gather3A_673 : vector<16xf32> -> vector<16xi32>
      %add3A_675 = arith.constant 32767 : i32
      %add3A_676 = vector.broadcast %add3A_675 : i32 to vector<16xi32>
      %add3A_677 = arith.addi %bitcast_convert_type3A_674, %add3A_676 : vector<16xi32>
      %shift_right_logical3A_678 = arith.constant 16 : i32
      %shift_right_logical3A_679 = vector.broadcast %shift_right_logical3A_678 : i32 to vector<16xi32>
      %shift_right_logical3A_680 = arith.shrui %bitcast_convert_type3A_674, %shift_right_logical3A_679 : vector<16xi32>
      %and3A_681 = arith.constant 1 : i32
      %and3A_682 = vector.broadcast %and3A_681 : i32 to vector<16xi32>
      %and3A_683 = arith.andi %shift_right_logical3A_680, %and3A_682 : vector<16xi32>
      %add3A_684 = arith.addi %add3A_677, %and3A_683 : vector<16xi32>
      %and3A_685 = arith.constant -65536 : i32
      %and3A_686 = vector.broadcast %and3A_685 : i32 to vector<16xi32>
      %and3A_687 = arith.andi %add3A_684, %and3A_686 : vector<16xi32>
      %bitcast_convert_type3A_688 = tpu.bitcast %and3A_687 : vector<16xi32> -> vector<16xf32>
      %mul3A_689 = arith.constant 32 : i32
      %mul3A_690 = arith.muli %add3A_35, %mul3A_689 : i32
      %add3A_691 = arith.constant 30 : i32
      %add3A_692 = arith.addi %mul3A_690, %add3A_691 : i32
      %broadcast_in_dim3A_693 = vector.broadcast %add3A_692 : i32 to vector<16xi32>
      %gather3A_694 = tpu.vector_load_idx %arg10[%broadcast_in_dim3A_693] : memref<8192xf32, #tpu.memory_space<vmem>>[vector<16xi32>], vector<16xf32>,
      %bitcast_convert_type3A_695 = tpu.bitcast %gather3A_694 : vector<16xf32> -> vector<16xi32>
      %add3A_696 = arith.constant 32767 : i32
      %add3A_697 = vector.broadcast %add3A_696 : i32 to vector<16xi32>
      %add3A_698 = arith.addi %bitcast_convert_type3A_695, %add3A_697 : vector<16xi32>
      %shift_right_logical3A_699 = arith.constant 16 : i32
      %shift_right_logical3A_700 = vector.broadcast %shift_right_logical3A_699 : i32 to vector<16xi32>
      %shift_right_logical3A_701 = arith.shrui %bitcast_convert_type3A_695, %shift_right_logical3A_700 : vector<16xi32>
      %and3A_702 = arith.constant 1 : i32
      %and3A_703 = vector.broadcast %and3A_702 : i32 to vector<16xi32>
      %and3A_704 = arith.andi %shift_right_logical3A_701, %and3A_703 : vector<16xi32>
      %add3A_705 = arith.addi %add3A_698, %and3A_704 : vector<16xi32>
      %and3A_706 = arith.constant -65536 : i32
      %and3A_707 = vector.broadcast %and3A_706 : i32 to vector<16xi32>
      %and3A_708 = arith.andi %add3A_705, %and3A_707 : vector<16xi32>
      %bitcast_convert_type3A_709 = tpu.bitcast %and3A_708 : vector<16xi32> -> vector<16xf32>
      %mul3A_710 = arith.constant 32 : i32
      %mul3A_711 = arith.muli %add3A_35, %mul3A_710 : i32
      %add3A_712 = arith.constant 31 : i32
      %add3A_713 = arith.addi %mul3A_711, %add3A_712 : i32
      %broadcast_in_dim3A_714 = vector.broadcast %add3A_713 : i32 to vector<16xi32>
      %gather3A_715 = tpu.vector_load_idx %arg10[%broadcast_in_dim3A_714] : memref<8192xf32, #tpu.memory_space<vmem>>[vector<16xi32>], vector<16xf32>,
      %bitcast_convert_type3A_716 = tpu.bitcast %gather3A_715 : vector<16xf32> -> vector<16xi32>
      %add3A_717 = arith.constant 32767 : i32
      %add3A_718 = vector.broadcast %add3A_717 : i32 to vector<16xi32>
      %add3A_719 = arith.addi %bitcast_convert_type3A_716, %add3A_718 : vector<16xi32>
      %shift_right_logical3A_720 = arith.constant 16 : i32
      %shift_right_logical3A_721 = vector.broadcast %shift_right_logical3A_720 : i32 to vector<16xi32>
      %shift_right_logical3A_722 = arith.shrui %bitcast_convert_type3A_716, %shift_right_logical3A_721 : vector<16xi32>
      %and3A_723 = arith.constant 1 : i32
      %and3A_724 = vector.broadcast %and3A_723 : i32 to vector<16xi32>
      %and3A_725 = arith.andi %shift_right_logical3A_722, %and3A_724 : vector<16xi32>
      %add3A_726 = arith.addi %add3A_719, %and3A_725 : vector<16xi32>
      %and3A_727 = arith.constant -65536 : i32
      %and3A_728 = vector.broadcast %and3A_727 : i32 to vector<16xi32>
      %and3A_729 = arith.andi %add3A_726, %and3A_728 : vector<16xi32>
      %bitcast_convert_type3A_730 = tpu.bitcast %and3A_729 : vector<16xi32> -> vector<16xf32>
      %gt3A = arith.constant 0 : i32
      %gt3A_731 = arith.cmpi sgt, %sub3A_54, %gt3A : i32
      %broadcast_in_dim3A_732 = vector.broadcast %gt3A_731 : i1 to vector<16xi1>
      %scan3A_733 = arith.constant 0 : i32
      %scan3A_734 = arith.constant 64 : i32
      %scan3A_735 = arith.addi %scan3A_733, %scan3A_734 : i32
      %scan3A_736 = arith.constant 1 : i32
      scf.for %scan3A_1476 = %scan3A_733 to %scan3A_735 step %scan3A_736  : i32 {
        %mul3A_1477 = arith.constant 16 : i32
        %mul3A_1478 = arith.muli %scan3A_1476, %mul3A_1477 : i32
        %add3A_1479 = arith.constant 0 : i32
        %add3A_1480 = arith.addi %add3A_1479, %mul3A_1478 : i32
        %get3A = arith.constant 0 : i32
        %get3A_1481 = arith.index_cast %get3A : i32 to index
        %get3A_1482 = arith.index_cast %add3A_1480 : i32 to index
        %get3A_1483 = tpu.vector_load %arg12[%get3A_1481, %get3A_1482] {strides = array<i32>} : memref<1x1024xf32, #tpu.memory_space<vmem>>, vector<16xf32>,
        %broadcast_in_dim3A_1484 = arith.constant 0.000000e+00 : f32
        %broadcast_in_dim3A_1485 = vector.broadcast %broadcast_in_dim3A_1484 : f32 to vector<16xf32>
        %select_n3A_1486 = arith.select %broadcast_in_dim3A_732, %get3A_1483, %broadcast_in_dim3A_1485 : vector<16xi1>, vector<16xf32>
        %broadcast_in_dim3A_1487 = arith.constant 0.000000e+00 : f32
        %broadcast_in_dim3A_1488 = vector.broadcast %broadcast_in_dim3A_1487 : f32 to vector<16xf32>
        %get3A_1489 = arith.constant 0 : i32
        %get3A_1490 = arith.index_cast %get3A_1489 : i32 to index
        %get3A_1491 = arith.index_cast %add3A_1480 : i32 to index
        %get3A_1492 = tpu.vector_load %arg11[%get3A_1490, %get3A_1491] {strides = array<i32>} : memref<64x1024xf32, #tpu.memory_space<vmem>>, vector<16xf32>,
        %mul3A_1493 = arith.mulf %bitcast_convert_type3A_79, %get3A_1492 : vector<16xf32>
        %add3A_1494 = arith.addf %select_n3A_1486, %mul3A_1493 : vector<16xf32>
        %get3A_1495 = arith.constant 1 : i32
        %get3A_1496 = arith.index_cast %get3A_1495 : i32 to index
        %get3A_1497 = arith.index_cast %add3A_1480 : i32 to index
        %get3A_1498 = tpu.vector_load %arg11[%get3A_1496, %get3A_1497] {strides = array<i32>} : memref<64x1024xf32, #tpu.memory_space<vmem>>, vector<16xf32>,
        %mul3A_1499 = arith.mulf %bitcast_convert_type3A_100, %get3A_1498 : vector<16xf32>
        %add3A_1500 = arith.addf %broadcast_in_dim3A_1488, %mul3A_1499 : vector<16xf32>
        %get3A_1501 = arith.constant 2 : i32
        %get3A_1502 = arith.index_cast %get3A_1501 : i32 to index
        %get3A_1503 = arith.index_cast %add3A_1480 : i32 to index
        %get3A_1504 = tpu.vector_load %arg11[%get3A_1502, %get3A_1503] {strides = array<i32>} : memref<64x1024xf32, #tpu.memory_space<vmem>>, vector<16xf32>,
        %mul3A_1505 = arith.mulf %bitcast_convert_type3A_121, %get3A_1504 : vector<16xf32>
        %add3A_1506 = arith.addf %add3A_1494, %mul3A_1505 : vector<16xf32>
        %get3A_1507 = arith.constant 3 : i32
        %get3A_1508 = arith.index_cast %get3A_1507 : i32 to index
        %get3A_1509 = arith.index_cast %add3A_1480 : i32 to index
        %get3A_1510 = tpu.vector_load %arg11[%get3A_1508, %get3A_1509] {strides = array<i32>} : memref<64x1024xf32, #tpu.memory_space<vmem>>, vector<16xf32>,
        %mul3A_1511 = arith.mulf %bitcast_convert_type3A_142, %get3A_1510 : vector<16xf32>
        %add3A_1512 = arith.addf %add3A_1500, %mul3A_1511 : vector<16xf32>
        %get3A_1513 = arith.constant 4 : i32
        %get3A_1514 = arith.index_cast %get3A_1513 : i32 to index
        %get3A_1515 = arith.index_cast %add3A_1480 : i32 to index
        %get3A_1516 = tpu.vector_load %arg11[%get3A_1514, %get3A_1515] {strides = array<i32>} : memref<64x1024xf32, #tpu.memory_space<vmem>>, vector<16xf32>,
        %mul3A_1517 = arith.mulf %bitcast_convert_type3A_163, %get3A_1516 : vector<16xf32>
        %add3A_1518 = arith.addf %add3A_1506, %mul3A_1517 : vector<16xf32>
        %get3A_1519 = arith.constant 5 : i32
        %get3A_1520 = arith.index_cast %get3A_1519 : i32 to index
        %get3A_1521 = arith.index_cast %add3A_1480 : i32 to index
        %get3A_1522 = tpu.vector_load %arg11[%get3A_1520, %get3A_1521] {strides = array<i32>} : memref<64x1024xf32, #tpu.memory_space<vmem>>, vector<16xf32>,
        %mul3A_1523 = arith.mulf %bitcast_convert_type3A_184, %get3A_1522 : vector<16xf32>
        %add3A_1524 = arith.addf %add3A_1512, %mul3A_1523 : vector<16xf32>
        %get3A_1525 = arith.constant 6 : i32
        %get3A_1526 = arith.index_cast %get3A_1525 : i32 to index
        %get3A_1527 = arith.index_cast %add3A_1480 : i32 to index
        %get3A_1528 = tpu.vector_load %arg11[%get3A_1526, %get3A_1527] {strides = array<i32>} : memref<64x1024xf32, #tpu.memory_space<vmem>>, vector<16xf32>,
        %mul3A_1529 = arith.mulf %bitcast_convert_type3A_205, %get3A_1528 : vector<16xf32>
        %add3A_1530 = arith.addf %add3A_1518, %mul3A_1529 : vector<16xf32>
        %get3A_1531 = arith.constant 7 : i32
        %get3A_1532 = arith.index_cast %get3A_1531 : i32 to index
        %get3A_1533 = arith.index_cast %add3A_1480 : i32 to index
        %get3A_1534 = tpu.vector_load %arg11[%get3A_1532, %get3A_1533] {strides = array<i32>} : memref<64x1024xf32, #tpu.memory_space<vmem>>, vector<16xf32>,
        %mul3A_1535 = arith.mulf %bitcast_convert_type3A_226, %get3A_1534 : vector<16xf32>
        %add3A_1536 = arith.addf %add3A_1524, %mul3A_1535 : vector<16xf32>
        %get3A_1537 = arith.constant 8 : i32
        %get3A_1538 = arith.index_cast %get3A_1537 : i32 to index
        %get3A_1539 = arith.index_cast %add3A_1480 : i32 to index
        %get3A_1540 = tpu.vector_load %arg11[%get3A_1538, %get3A_1539] {strides = array<i32>} : memref<64x1024xf32, #tpu.memory_space<vmem>>, vector<16xf32>,
        %mul3A_1541 = arith.mulf %bitcast_convert_type3A_247, %get3A_1540 : vector<16xf32>
        %add3A_1542 = arith.addf %add3A_1530, %mul3A_1541 : vector<16xf32>
        %get3A_1543 = arith.constant 9 : i32
        %get3A_1544 = arith.index_cast %get3A_1543 : i32 to index
        %get3A_1545 = arith.index_cast %add3A_1480 : i32 to index
        %get3A_1546 = tpu.vector_load %arg11[%get3A_1544, %get3A_1545] {strides = array<i32>} : memref<64x1024xf32, #tpu.memory_space<vmem>>, vector<16xf32>,
        %mul3A_1547 = arith.mulf %bitcast_convert_type3A_268, %get3A_1546 : vector<16xf32>
        %add3A_1548 = arith.addf %add3A_1536, %mul3A_1547 : vector<16xf32>
        %get3A_1549 = arith.constant 10 : i32
        %get3A_1550 = arith.index_cast %get3A_1549 : i32 to index
        %get3A_1551 = arith.index_cast %add3A_1480 : i32 to index
        %get3A_1552 = tpu.vector_load %arg11[%get3A_1550, %get3A_1551] {strides = array<i32>} : memref<64x1024xf32, #tpu.memory_space<vmem>>, vector<16xf32>,
        %mul3A_1553 = arith.mulf %bitcast_convert_type3A_289, %get3A_1552 : vector<16xf32>
        %add3A_1554 = arith.addf %add3A_1542, %mul3A_1553 : vector<16xf32>
        %get3A_1555 = arith.constant 11 : i32
        %get3A_1556 = arith.index_cast %get3A_1555 : i32 to index
        %get3A_1557 = arith.index_cast %add3A_1480 : i32 to index
        %get3A_1558 = tpu.vector_load %arg11[%get3A_1556, %get3A_1557] {strides = array<i32>} : memref<64x1024xf32, #tpu.memory_space<vmem>>, vector<16xf32>,
        %mul3A_1559 = arith.mulf %bitcast_convert_type3A_310, %get3A_1558 : vector<16xf32>
        %add3A_1560 = arith.addf %add3A_1548, %mul3A_1559 : vector<16xf32>
        %get3A_1561 = arith.constant 12 : i32
        %get3A_1562 = arith.index_cast %get3A_1561 : i32 to index
        %get3A_1563 = arith.index_cast %add3A_1480 : i32 to index
        %get3A_1564 = tpu.vector_load %arg11[%get3A_1562, %get3A_1563] {strides = array<i32>} : memref<64x1024xf32, #tpu.memory_space<vmem>>, vector<16xf32>,
        %mul3A_1565 = arith.mulf %bitcast_convert_type3A_331, %get3A_1564 : vector<16xf32>
        %add3A_1566 = arith.addf %add3A_1554, %mul3A_1565 : vector<16xf32>
        %get3A_1567 = arith.constant 13 : i32
        %get3A_1568 = arith.index_cast %get3A_1567 : i32 to index
        %get3A_1569 = arith.index_cast %add3A_1480 : i32 to index
        %get3A_1570 = tpu.vector_load %arg11[%get3A_1568, %get3A_1569] {strides = array<i32>} : memref<64x1024xf32, #tpu.memory_space<vmem>>, vector<16xf32>,
        %mul3A_1571 = arith.mulf %bitcast_convert_type3A_352, %get3A_1570 : vector<16xf32>
        %add3A_1572 = arith.addf %add3A_1560, %mul3A_1571 : vector<16xf32>
        %get3A_1573 = arith.constant 14 : i32
        %get3A_1574 = arith.index_cast %get3A_1573 : i32 to index
        %get3A_1575 = arith.index_cast %add3A_1480 : i32 to index
        %get3A_1576 = tpu.vector_load %arg11[%get3A_1574, %get3A_1575] {strides = array<i32>} : memref<64x1024xf32, #tpu.memory_space<vmem>>, vector<16xf32>,
        %mul3A_1577 = arith.mulf %bitcast_convert_type3A_373, %get3A_1576 : vector<16xf32>
        %add3A_1578 = arith.addf %add3A_1566, %mul3A_1577 : vector<16xf32>
        %get3A_1579 = arith.constant 15 : i32
        %get3A_1580 = arith.index_cast %get3A_1579 : i32 to index
        %get3A_1581 = arith.index_cast %add3A_1480 : i32 to index
        %get3A_1582 = tpu.vector_load %arg11[%get3A_1580, %get3A_1581] {strides = array<i32>} : memref<64x1024xf32, #tpu.memory_space<vmem>>, vector<16xf32>,
        %mul3A_1583 = arith.mulf %bitcast_convert_type3A_394, %get3A_1582 : vector<16xf32>
        %add3A_1584 = arith.addf %add3A_1572, %mul3A_1583 : vector<16xf32>
        %get3A_1585 = arith.constant 16 : i32
        %get3A_1586 = arith.index_cast %get3A_1585 : i32 to index
        %get3A_1587 = arith.index_cast %add3A_1480 : i32 to index
        %get3A_1588 = tpu.vector_load %arg11[%get3A_1586, %get3A_1587] {strides = array<i32>} : memref<64x1024xf32, #tpu.memory_space<vmem>>, vector<16xf32>,
        %mul3A_1589 = arith.mulf %bitcast_convert_type3A_415, %get3A_1588 : vector<16xf32>
        %add3A_1590 = arith.addf %add3A_1578, %mul3A_1589 : vector<16xf32>
        %get3A_1591 = arith.constant 17 : i32
        %get3A_1592 = arith.index_cast %get3A_1591 : i32 to index
        %get3A_1593 = arith.index_cast %add3A_1480 : i32 to index
        %get3A_1594 = tpu.vector_load %arg11[%get3A_1592, %get3A_1593] {strides = array<i32>} : memref<64x1024xf32, #tpu.memory_space<vmem>>, vector<16xf32>,
        %mul3A_1595 = arith.mulf %bitcast_convert_type3A_436, %get3A_1594 : vector<16xf32>
        %add3A_1596 = arith.addf %add3A_1584, %mul3A_1595 : vector<16xf32>
        %get3A_1597 = arith.constant 18 : i32
        %get3A_1598 = arith.index_cast %get3A_1597 : i32 to index
        %get3A_1599 = arith.index_cast %add3A_1480 : i32 to index
        %get3A_1600 = tpu.vector_load %arg11[%get3A_1598, %get3A_1599] {strides = array<i32>} : memref<64x1024xf32, #tpu.memory_space<vmem>>, vector<16xf32>,
        %mul3A_1601 = arith.mulf %bitcast_convert_type3A_457, %get3A_1600 : vector<16xf32>
        %add3A_1602 = arith.addf %add3A_1590, %mul3A_1601 : vector<16xf32>
        %get3A_1603 = arith.constant 19 : i32
        %get3A_1604 = arith.index_cast %get3A_1603 : i32 to index
        %get3A_1605 = arith.index_cast %add3A_1480 : i32 to index
        %get3A_1606 = tpu.vector_load %arg11[%get3A_1604, %get3A_1605] {strides = array<i32>} : memref<64x1024xf32, #tpu.memory_space<vmem>>, vector<16xf32>,
        %mul3A_1607 = arith.mulf %bitcast_convert_type3A_478, %get3A_1606 : vector<16xf32>
        %add3A_1608 = arith.addf %add3A_1596, %mul3A_1607 : vector<16xf32>
        %get3A_1609 = arith.constant 20 : i32
        %get3A_1610 = arith.index_cast %get3A_1609 : i32 to index
        %get3A_1611 = arith.index_cast %add3A_1480 : i32 to index
        %get3A_1612 = tpu.vector_load %arg11[%get3A_1610, %get3A_1611] {strides = array<i32>} : memref<64x1024xf32, #tpu.memory_space<vmem>>, vector<16xf32>,
        %mul3A_1613 = arith.mulf %bitcast_convert_type3A_499, %get3A_1612 : vector<16xf32>
        %add3A_1614 = arith.addf %add3A_1602, %mul3A_1613 : vector<16xf32>
        %get3A_1615 = arith.constant 21 : i32
        %get3A_1616 = arith.index_cast %get3A_1615 : i32 to index
        %get3A_1617 = arith.index_cast %add3A_1480 : i32 to index
        %get3A_1618 = tpu.vector_load %arg11[%get3A_1616, %get3A_1617] {strides = array<i32>} : memref<64x1024xf32, #tpu.memory_space<vmem>>, vector<16xf32>,
        %mul3A_1619 = arith.mulf %bitcast_convert_type3A_520, %get3A_1618 : vector<16xf32>
        %add3A_1620 = arith.addf %add3A_1608, %mul3A_1619 : vector<16xf32>
        %get3A_1621 = arith.constant 22 : i32
        %get3A_1622 = arith.index_cast %get3A_1621 : i32 to index
        %get3A_1623 = arith.index_cast %add3A_1480 : i32 to index
        %get3A_1624 = tpu.vector_load %arg11[%get3A_1622, %get3A_1623] {strides = array<i32>} : memref<64x1024xf32, #tpu.memory_space<vmem>>, vector<16xf32>,
        %mul3A_1625 = arith.mulf %bitcast_convert_type3A_541, %get3A_1624 : vector<16xf32>
        %add3A_1626 = arith.addf %add3A_1614, %mul3A_1625 : vector<16xf32>
        %get3A_1627 = arith.constant 23 : i32
        %get3A_1628 = arith.index_cast %get3A_1627 : i32 to index
        %get3A_1629 = arith.index_cast %add3A_1480 : i32 to index
        %get3A_1630 = tpu.vector_load %arg11[%get3A_1628, %get3A_1629] {strides = array<i32>} : memref<64x1024xf32, #tpu.memory_space<vmem>>, vector<16xf32>,
        %mul3A_1631 = arith.mulf %bitcast_convert_type3A_562, %get3A_1630 : vector<16xf32>
        %add3A_1632 = arith.addf %add3A_1620, %mul3A_1631 : vector<16xf32>
        %get3A_1633 = arith.constant 24 : i32
        %get3A_1634 = arith.index_cast %get3A_1633 : i32 to index
        %get3A_1635 = arith.index_cast %add3A_1480 : i32 to index
        %get3A_1636 = tpu.vector_load %arg11[%get3A_1634, %get3A_1635] {strides = array<i32>} : memref<64x1024xf32, #tpu.memory_space<vmem>>, vector<16xf32>,
        %mul3A_1637 = arith.mulf %bitcast_convert_type3A_583, %get3A_1636 : vector<16xf32>
        %add3A_1638 = arith.addf %add3A_1626, %mul3A_1637 : vector<16xf32>
        %get3A_1639 = arith.constant 25 : i32
        %get3A_1640 = arith.index_cast %get3A_1639 : i32 to index
        %get3A_1641 = arith.index_cast %add3A_1480 : i32 to index
        %get3A_1642 = tpu.vector_load %arg11[%get3A_1640, %get3A_1641] {strides = array<i32>} : memref<64x1024xf32, #tpu.memory_space<vmem>>, vector<16xf32>,
        %mul3A_1643 = arith.mulf %bitcast_convert_type3A_604, %get3A_1642 : vector<16xf32>
        %add3A_1644 = arith.addf %add3A_1632, %mul3A_1643 : vector<16xf32>
        %get3A_1645 = arith.constant 26 : i32
        %get3A_1646 = arith.index_cast %get3A_1645 : i32 to index
        %get3A_1647 = arith.index_cast %add3A_1480 : i32 to index
        %get3A_1648 = tpu.vector_load %arg11[%get3A_1646, %get3A_1647] {strides = array<i32>} : memref<64x1024xf32, #tpu.memory_space<vmem>>, vector<16xf32>,
        %mul3A_1649 = arith.mulf %bitcast_convert_type3A_625, %get3A_1648 : vector<16xf32>
        %add3A_1650 = arith.addf %add3A_1638, %mul3A_1649 : vector<16xf32>
        %get3A_1651 = arith.constant 27 : i32
        %get3A_1652 = arith.index_cast %get3A_1651 : i32 to index
        %get3A_1653 = arith.index_cast %add3A_1480 : i32 to index
        %get3A_1654 = tpu.vector_load %arg11[%get3A_1652, %get3A_1653] {strides = array<i32>} : memref<64x1024xf32, #tpu.memory_space<vmem>>, vector<16xf32>,
        %mul3A_1655 = arith.mulf %bitcast_convert_type3A_646, %get3A_1654 : vector<16xf32>
        %add3A_1656 = arith.addf %add3A_1644, %mul3A_1655 : vector<16xf32>
        %get3A_1657 = arith.constant 28 : i32
        %get3A_1658 = arith.index_cast %get3A_1657 : i32 to index
        %get3A_1659 = arith.index_cast %add3A_1480 : i32 to index
        %get3A_1660 = tpu.vector_load %arg11[%get3A_1658, %get3A_1659] {strides = array<i32>} : memref<64x1024xf32, #tpu.memory_space<vmem>>, vector<16xf32>,
        %mul3A_1661 = arith.mulf %bitcast_convert_type3A_667, %get3A_1660 : vector<16xf32>
        %add3A_1662 = arith.addf %add3A_1650, %mul3A_1661 : vector<16xf32>
        %get3A_1663 = arith.constant 29 : i32
        %get3A_1664 = arith.index_cast %get3A_1663 : i32 to index
        %get3A_1665 = arith.index_cast %add3A_1480 : i32 to index
        %get3A_1666 = tpu.vector_load %arg11[%get3A_1664, %get3A_1665] {strides = array<i32>} : memref<64x1024xf32, #tpu.memory_space<vmem>>, vector<16xf32>,
        %mul3A_1667 = arith.mulf %bitcast_convert_type3A_688, %get3A_1666 : vector<16xf32>
        %add3A_1668 = arith.addf %add3A_1656, %mul3A_1667 : vector<16xf32>
        %get3A_1669 = arith.constant 30 : i32
        %get3A_1670 = arith.index_cast %get3A_1669 : i32 to index
        %get3A_1671 = arith.index_cast %add3A_1480 : i32 to index
        %get3A_1672 = tpu.vector_load %arg11[%get3A_1670, %get3A_1671] {strides = array<i32>} : memref<64x1024xf32, #tpu.memory_space<vmem>>, vector<16xf32>,
        %mul3A_1673 = arith.mulf %bitcast_convert_type3A_709, %get3A_1672 : vector<16xf32>
        %add3A_1674 = arith.addf %add3A_1662, %mul3A_1673 : vector<16xf32>
        %get3A_1675 = arith.constant 31 : i32
        %get3A_1676 = arith.index_cast %get3A_1675 : i32 to index
        %get3A_1677 = arith.index_cast %add3A_1480 : i32 to index
        %get3A_1678 = tpu.vector_load %arg11[%get3A_1676, %get3A_1677] {strides = array<i32>} : memref<64x1024xf32, #tpu.memory_space<vmem>>, vector<16xf32>,
        %mul3A_1679 = arith.mulf %bitcast_convert_type3A_730, %get3A_1678 : vector<16xf32>
        %add3A_1680 = arith.addf %add3A_1668, %mul3A_1679 : vector<16xf32>
        %add3A_1681 = arith.addf %add3A_1674, %add3A_1680 : vector<16xf32>
        %swap3A = arith.constant 0 : i32
        %swap3A_1682 = arith.index_cast %swap3A : i32 to index
        %swap3A_1683 = arith.index_cast %add3A_1480 : i32 to index
        %swap3A_1684 = tpu.vector_load %arg12[%swap3A_1682, %swap3A_1683] {strides = array<i32>} : memref<1x1024xf32, #tpu.memory_space<vmem>>, vector<16xf32>,
        tpu.vector_store %arg12[%swap3A_1682, %swap3A_1683], %add3A_1681 {strides = array<i32>} : memref<1x1024xf32, #tpu.memory_space<vmem>>, vector<16xf32>,
      }
      %scan3A_737 = arith.constant 64 : i32
      %eq3A = arith.constant 3 : i32
      %eq3A_738 = arith.cmpi eq, %sub3A_54, %eq3A : i32
      %convert_element_type3A = arith.extui %eq3A_738 : i1 to i32
      %cond3A = arith.constant 0 : i32
      %cond3A_739 = arith.cmpi ne, %convert_element_type3A, %cond3A : i32
      scf.if %cond3A_739 {
        %add3A_1476 = arith.addi %mul3A_4, %select_n3A : i32
        "tpu.region"() ({
          %run_scoped3A = tpu.sem_alloc : memref<!tpu.dma_semaphore, #tpu.memory_space<semaphore_mem>>
          %dma_start3A_1477 = arith.constant 0 : i32
          %dma_start3A_1478 = tpu.memref_slice %arg6[%add3A_1476, %dma_start3A_1477] : memref<2048x1024xf32, #tpu.memory_space<hbm>> -> memref<1x1024xf32, #tpu.memory_space<hbm>>
          %dma_start3A_1479 = arith.constant 0 : i32
          %dma_start3A_1480 = tpu.memref_slice %arg6[%add3A_1476, %dma_start3A_1479] : memref<2048x1024xf32, #tpu.memory_space<hbm>> -> memref<1x1024xf32, #tpu.memory_space<hbm>>
          tpu.enqueue_dma source(%arg12 : memref<1x1024xf32, #tpu.memory_space<vmem>>) target(%dma_start3A_1480 : memref<1x1024xf32, #tpu.memory_space<hbm>>) target_semaphore(%run_scoped3A : memref<!tpu.dma_semaphore, #tpu.memory_space<semaphore_mem>>)
          %dma_wait3A_1481 = arith.constant 0 : i32
          %dma_wait3A_1482 = tpu.memref_slice %arg6[%add3A_1476, %dma_wait3A_1481] : memref<2048x1024xf32, #tpu.memory_space<hbm>> -> memref<1x1024xf32, #tpu.memory_space<hbm>>
          %dma_wait3A_1483 = arith.constant 0 : i32
          %dma_wait3A_1484 = tpu.memref_slice %arg6[%add3A_1476, %dma_wait3A_1483] : memref<2048x1024xf32, #tpu.memory_space<hbm>> -> memref<1x1024xf32, #tpu.memory_space<hbm>>
          tpu.wait_dma2 semaphore(%run_scoped3A : memref<!tpu.dma_semaphore, #tpu.memory_space<semaphore_mem>>) src(%arg12 : memref<1x1024xf32, #tpu.memory_space<vmem>>) dst(%dma_wait3A_1484 : memref<1x1024xf32, #tpu.memory_space<hbm>>)
          tpu.yield
        }) : () -> ()
      } else {
      }
      %add3A_740 = arith.constant 2 : i32
      %add3A_741 = arith.addi %add3A_35, %add3A_740 : i32
      %lt3A = arith.constant 256 : i32
      %lt3A_742 = arith.cmpi slt, %add3A_741, %lt3A : i32
      %convert_element_type3A_743 = arith.extui %lt3A_742 : i1 to i32
      %cond3A_744 = arith.constant 0 : i32
      %cond3A_745 = arith.cmpi ne, %convert_element_type3A_743, %cond3A_744 : i32
      scf.if %cond3A_745 {
        %add3A_1476 = arith.constant 2 : i32
        %add3A_1477 = arith.addi %add3A_35, %add3A_1476 : i32
        %mul3A_1478 = arith.constant 32 : i32
        %mul3A_1479 = arith.muli %add3A_1477, %mul3A_1478 : i32
        %dma_start3A_1480 = arith.constant 0 : i32
        %dma_start3A_1481 = arith.constant 0 : i32
        %dma_start3A_1482 = tpu.memref_slice %arg11[%dma_start3A_1480, %dma_start3A_1481] : memref<64x1024xf32, #tpu.memory_space<vmem>> -> memref<32x1024xf32, #tpu.memory_space<vmem>>
        %dma_start3A_1483 = tpu.memref_slice %arg9[%mul3A_1479] : memref<8192xi32, #tpu.memory_space<vmem>> -> memref<32xi32, #tpu.memory_space<vmem>>
        %dma_start3A_1484 = arith.constant 0 : i32
        %dma_start3A_1485 = arith.constant 0 : i32
        %dma_start3A_1486 = tpu.memref_slice %arg2[%dma_start3A_1484, %dma_start3A_1485] : memref<16384x1024xf32, #tpu.memory_space<hbm>> -> memref<16384x1024xf32, #tpu.memory_space<hbm>>
        tpu.enqueue_indirect_dma source(%dma_start3A_1486 : memref<16384x1024xf32, #tpu.memory_space<hbm>>) target(%dma_start3A_1482 : memref<32x1024xf32, #tpu.memory_space<vmem>>) offsets(%dma_start3A_1483 : memref<32xi32, #tpu.memory_space<vmem>>) semaphore(%arg13 : memref<!tpu.dma_semaphore, #tpu.memory_space<semaphore_mem>>)
      } else {
      }
      %add3A_746 = arith.constant 1 : i32
      %add3A_747 = arith.addi %add3A_33, %add3A_746 : i32
      %jit3A_748 = arith.constant 4 : i32
      %div3A_749 = arith.divsi %add3A_747, %jit3A_748 : i32
      %sign3A_750 = arith.constant 0 : i32
      %sign3A_751 = arith.cmpi sgt, %add3A_747, %sign3A_750 : i32
      %sign3A_752 = arith.extui %sign3A_751 : i1 to i32
      %sign3A_753 = arith.constant 0 : i32
      %sign3A_754 = arith.cmpi slt, %add3A_747, %sign3A_753 : i32
      %sign3A_755 = arith.extui %sign3A_754 : i1 to i32
      %sign3A_756 = arith.subi %sign3A_752, %sign3A_755 : i32
      %sign3A_757 = arith.constant 0 : i32
      %sign3A_758 = arith.cmpi sgt, %jit3A_748, %sign3A_757 : i32
      %sign3A_759 = arith.extui %sign3A_758 : i1 to i32
      %sign3A_760 = arith.constant 0 : i32
      %sign3A_761 = arith.cmpi slt, %jit3A_748, %sign3A_760 : i32
      %sign3A_762 = arith.extui %sign3A_761 : i1 to i32
      %sign3A_763 = arith.subi %sign3A_759, %sign3A_762 : i32
      %ne3A_764 = arith.cmpi ne, %sign3A_756, %sign3A_763 : i32
      %rem3A_765 = arith.remsi %add3A_747, %jit3A_748 : i32
      %ne3A_766 = arith.constant 0 : i32
      %ne3A_767 = arith.cmpi ne, %rem3A_765, %ne3A_766 : i32
      %and3A_768 = arith.andi %ne3A_764, %ne3A_767 : i1
      %sub3A_769 = arith.constant 1 : i32
      %sub3A_770 = arith.subi %div3A_749, %sub3A_769 : i32
      %select_n3A_771 = arith.select %and3A_768, %sub3A_770, %div3A_749 : i32
      %mul3A_772 = arith.constant 4 : i32
      %mul3A_773 = arith.muli %select_n3A_771, %mul3A_772 : i32
      %sub3A_774 = arith.subi %add3A_747, %mul3A_773 : i32
      %mul3A_775 = arith.constant 32 : i32
      %mul3A_776 = arith.muli %add3A_747, %mul3A_775 : i32
      %dma_wait3A_777 = arith.constant 32 : i32
      %dma_wait3A_778 = arith.constant 0 : i32
      %dma_wait3A_779 = tpu.memref_slice %arg11[%dma_wait3A_777, %dma_wait3A_778] : memref<64x1024xf32, #tpu.memory_space<vmem>> -> memref<32x1024xf32, #tpu.memory_space<vmem>>
      %dma_wait3A_780 = tpu.memref_slice %arg9[%mul3A_776] : memref<8192xi32, #tpu.memory_space<vmem>> -> memref<32xi32, #tpu.memory_space<vmem>>
      %dma_wait3A_781 = arith.constant 0 : i32
      %dma_wait3A_782 = arith.constant 0 : i32
      %dma_wait3A_783 = tpu.memref_slice %arg2[%dma_wait3A_781, %dma_wait3A_782] : memref<16384x1024xf32, #tpu.memory_space<hbm>> -> memref<16384x1024xf32, #tpu.memory_space<hbm>>
      tpu.wait_indirect_dma semaphore(%arg14 : memref<!tpu.dma_semaphore, #tpu.memory_space<semaphore_mem>>) src(%dma_wait3A_783 : memref<16384x1024xf32, #tpu.memory_space<hbm>>) dst(%dma_wait3A_779 : memref<32x1024xf32, #tpu.memory_space<vmem>>)
      %mul3A_784 = arith.constant 32 : i32
      %mul3A_785 = arith.muli %add3A_747, %mul3A_784 : i32
      %add3A_786 = arith.constant 0 : i32
      %add3A_787 = arith.addi %mul3A_785, %add3A_786 : i32
      %broadcast_in_dim3A_788 = vector.broadcast %add3A_787 : i32 to vector<16xi32>
      %gather3A_789 = tpu.vector_load_idx %arg10[%broadcast_in_dim3A_788] : memref<8192xf32, #tpu.memory_space<vmem>>[vector<16xi32>], vector<16xf32>,
      %bitcast_convert_type3A_790 = tpu.bitcast %gather3A_789 : vector<16xf32> -> vector<16xi32>
      %add3A_791 = arith.constant 32767 : i32
      %add3A_792 = vector.broadcast %add3A_791 : i32 to vector<16xi32>
      %add3A_793 = arith.addi %bitcast_convert_type3A_790, %add3A_792 : vector<16xi32>
      %shift_right_logical3A_794 = arith.constant 16 : i32
      %shift_right_logical3A_795 = vector.broadcast %shift_right_logical3A_794 : i32 to vector<16xi32>
      %shift_right_logical3A_796 = arith.shrui %bitcast_convert_type3A_790, %shift_right_logical3A_795 : vector<16xi32>
      %and3A_797 = arith.constant 1 : i32
      %and3A_798 = vector.broadcast %and3A_797 : i32 to vector<16xi32>
      %and3A_799 = arith.andi %shift_right_logical3A_796, %and3A_798 : vector<16xi32>
      %add3A_800 = arith.addi %add3A_793, %and3A_799 : vector<16xi32>
      %and3A_801 = arith.constant -65536 : i32
      %and3A_802 = vector.broadcast %and3A_801 : i32 to vector<16xi32>
      %and3A_803 = arith.andi %add3A_800, %and3A_802 : vector<16xi32>
      %bitcast_convert_type3A_804 = tpu.bitcast %and3A_803 : vector<16xi32> -> vector<16xf32>
      %mul3A_805 = arith.constant 32 : i32
      %mul3A_806 = arith.muli %add3A_747, %mul3A_805 : i32
      %add3A_807 = arith.constant 1 : i32
      %add3A_808 = arith.addi %mul3A_806, %add3A_807 : i32
      %broadcast_in_dim3A_809 = vector.broadcast %add3A_808 : i32 to vector<16xi32>
      %gather3A_810 = tpu.vector_load_idx %arg10[%broadcast_in_dim3A_809] : memref<8192xf32, #tpu.memory_space<vmem>>[vector<16xi32>], vector<16xf32>,
      %bitcast_convert_type3A_811 = tpu.bitcast %gather3A_810 : vector<16xf32> -> vector<16xi32>
      %add3A_812 = arith.constant 32767 : i32
      %add3A_813 = vector.broadcast %add3A_812 : i32 to vector<16xi32>
      %add3A_814 = arith.addi %bitcast_convert_type3A_811, %add3A_813 : vector<16xi32>
      %shift_right_logical3A_815 = arith.constant 16 : i32
      %shift_right_logical3A_816 = vector.broadcast %shift_right_logical3A_815 : i32 to vector<16xi32>
      %shift_right_logical3A_817 = arith.shrui %bitcast_convert_type3A_811, %shift_right_logical3A_816 : vector<16xi32>
      %and3A_818 = arith.constant 1 : i32
      %and3A_819 = vector.broadcast %and3A_818 : i32 to vector<16xi32>
      %and3A_820 = arith.andi %shift_right_logical3A_817, %and3A_819 : vector<16xi32>
      %add3A_821 = arith.addi %add3A_814, %and3A_820 : vector<16xi32>
      %and3A_822 = arith.constant -65536 : i32
      %and3A_823 = vector.broadcast %and3A_822 : i32 to vector<16xi32>
      %and3A_824 = arith.andi %add3A_821, %and3A_823 : vector<16xi32>
      %bitcast_convert_type3A_825 = tpu.bitcast %and3A_824 : vector<16xi32> -> vector<16xf32>
      %mul3A_826 = arith.constant 32 : i32
      %mul3A_827 = arith.muli %add3A_747, %mul3A_826 : i32
      %add3A_828 = arith.constant 2 : i32
      %add3A_829 = arith.addi %mul3A_827, %add3A_828 : i32
      %broadcast_in_dim3A_830 = vector.broadcast %add3A_829 : i32 to vector<16xi32>
      %gather3A_831 = tpu.vector_load_idx %arg10[%broadcast_in_dim3A_830] : memref<8192xf32, #tpu.memory_space<vmem>>[vector<16xi32>], vector<16xf32>,
      %bitcast_convert_type3A_832 = tpu.bitcast %gather3A_831 : vector<16xf32> -> vector<16xi32>
      %add3A_833 = arith.constant 32767 : i32
      %add3A_834 = vector.broadcast %add3A_833 : i32 to vector<16xi32>
      %add3A_835 = arith.addi %bitcast_convert_type3A_832, %add3A_834 : vector<16xi32>
      %shift_right_logical3A_836 = arith.constant 16 : i32
      %shift_right_logical3A_837 = vector.broadcast %shift_right_logical3A_836 : i32 to vector<16xi32>
      %shift_right_logical3A_838 = arith.shrui %bitcast_convert_type3A_832, %shift_right_logical3A_837 : vector<16xi32>
      %and3A_839 = arith.constant 1 : i32
      %and3A_840 = vector.broadcast %and3A_839 : i32 to vector<16xi32>
      %and3A_841 = arith.andi %shift_right_logical3A_838, %and3A_840 : vector<16xi32>
      %add3A_842 = arith.addi %add3A_835, %and3A_841 : vector<16xi32>
      %and3A_843 = arith.constant -65536 : i32
      %and3A_844 = vector.broadcast %and3A_843 : i32 to vector<16xi32>
      %and3A_845 = arith.andi %add3A_842, %and3A_844 : vector<16xi32>
      %bitcast_convert_type3A_846 = tpu.bitcast %and3A_845 : vector<16xi32> -> vector<16xf32>
      %mul3A_847 = arith.constant 32 : i32
      %mul3A_848 = arith.muli %add3A_747, %mul3A_847 : i32
      %add3A_849 = arith.constant 3 : i32
      %add3A_850 = arith.addi %mul3A_848, %add3A_849 : i32
      %broadcast_in_dim3A_851 = vector.broadcast %add3A_850 : i32 to vector<16xi32>
      %gather3A_852 = tpu.vector_load_idx %arg10[%broadcast_in_dim3A_851] : memref<8192xf32, #tpu.memory_space<vmem>>[vector<16xi32>], vector<16xf32>,
      %bitcast_convert_type3A_853 = tpu.bitcast %gather3A_852 : vector<16xf32> -> vector<16xi32>
      %add3A_854 = arith.constant 32767 : i32
      %add3A_855 = vector.broadcast %add3A_854 : i32 to vector<16xi32>
      %add3A_856 = arith.addi %bitcast_convert_type3A_853, %add3A_855 : vector<16xi32>
      %shift_right_logical3A_857 = arith.constant 16 : i32
      %shift_right_logical3A_858 = vector.broadcast %shift_right_logical3A_857 : i32 to vector<16xi32>
      %shift_right_logical3A_859 = arith.shrui %bitcast_convert_type3A_853, %shift_right_logical3A_858 : vector<16xi32>
      %and3A_860 = arith.constant 1 : i32
      %and3A_861 = vector.broadcast %and3A_860 : i32 to vector<16xi32>
      %and3A_862 = arith.andi %shift_right_logical3A_859, %and3A_861 : vector<16xi32>
      %add3A_863 = arith.addi %add3A_856, %and3A_862 : vector<16xi32>
      %and3A_864 = arith.constant -65536 : i32
      %and3A_865 = vector.broadcast %and3A_864 : i32 to vector<16xi32>
      %and3A_866 = arith.andi %add3A_863, %and3A_865 : vector<16xi32>
      %bitcast_convert_type3A_867 = tpu.bitcast %and3A_866 : vector<16xi32> -> vector<16xf32>
      %mul3A_868 = arith.constant 32 : i32
      %mul3A_869 = arith.muli %add3A_747, %mul3A_868 : i32
      %add3A_870 = arith.constant 4 : i32
      %add3A_871 = arith.addi %mul3A_869, %add3A_870 : i32
      %broadcast_in_dim3A_872 = vector.broadcast %add3A_871 : i32 to vector<16xi32>
      %gather3A_873 = tpu.vector_load_idx %arg10[%broadcast_in_dim3A_872] : memref<8192xf32, #tpu.memory_space<vmem>>[vector<16xi32>], vector<16xf32>,
      %bitcast_convert_type3A_874 = tpu.bitcast %gather3A_873 : vector<16xf32> -> vector<16xi32>
      %add3A_875 = arith.constant 32767 : i32
      %add3A_876 = vector.broadcast %add3A_875 : i32 to vector<16xi32>
      %add3A_877 = arith.addi %bitcast_convert_type3A_874, %add3A_876 : vector<16xi32>
      %shift_right_logical3A_878 = arith.constant 16 : i32
      %shift_right_logical3A_879 = vector.broadcast %shift_right_logical3A_878 : i32 to vector<16xi32>
      %shift_right_logical3A_880 = arith.shrui %bitcast_convert_type3A_874, %shift_right_logical3A_879 : vector<16xi32>
      %and3A_881 = arith.constant 1 : i32
      %and3A_882 = vector.broadcast %and3A_881 : i32 to vector<16xi32>
      %and3A_883 = arith.andi %shift_right_logical3A_880, %and3A_882 : vector<16xi32>
      %add3A_884 = arith.addi %add3A_877, %and3A_883 : vector<16xi32>
      %and3A_885 = arith.constant -65536 : i32
      %and3A_886 = vector.broadcast %and3A_885 : i32 to vector<16xi32>
      %and3A_887 = arith.andi %add3A_884, %and3A_886 : vector<16xi32>
      %bitcast_convert_type3A_888 = tpu.bitcast %and3A_887 : vector<16xi32> -> vector<16xf32>
      %mul3A_889 = arith.constant 32 : i32
      %mul3A_890 = arith.muli %add3A_747, %mul3A_889 : i32
      %add3A_891 = arith.constant 5 : i32
      %add3A_892 = arith.addi %mul3A_890, %add3A_891 : i32
      %broadcast_in_dim3A_893 = vector.broadcast %add3A_892 : i32 to vector<16xi32>
      %gather3A_894 = tpu.vector_load_idx %arg10[%broadcast_in_dim3A_893] : memref<8192xf32, #tpu.memory_space<vmem>>[vector<16xi32>], vector<16xf32>,
      %bitcast_convert_type3A_895 = tpu.bitcast %gather3A_894 : vector<16xf32> -> vector<16xi32>
      %add3A_896 = arith.constant 32767 : i32
      %add3A_897 = vector.broadcast %add3A_896 : i32 to vector<16xi32>
      %add3A_898 = arith.addi %bitcast_convert_type3A_895, %add3A_897 : vector<16xi32>
      %shift_right_logical3A_899 = arith.constant 16 : i32
      %shift_right_logical3A_900 = vector.broadcast %shift_right_logical3A_899 : i32 to vector<16xi32>
      %shift_right_logical3A_901 = arith.shrui %bitcast_convert_type3A_895, %shift_right_logical3A_900 : vector<16xi32>
      %and3A_902 = arith.constant 1 : i32
      %and3A_903 = vector.broadcast %and3A_902 : i32 to vector<16xi32>
      %and3A_904 = arith.andi %shift_right_logical3A_901, %and3A_903 : vector<16xi32>
      %add3A_905 = arith.addi %add3A_898, %and3A_904 : vector<16xi32>
      %and3A_906 = arith.constant -65536 : i32
      %and3A_907 = vector.broadcast %and3A_906 : i32 to vector<16xi32>
      %and3A_908 = arith.andi %add3A_905, %and3A_907 : vector<16xi32>
      %bitcast_convert_type3A_909 = tpu.bitcast %and3A_908 : vector<16xi32> -> vector<16xf32>
      %mul3A_910 = arith.constant 32 : i32
      %mul3A_911 = arith.muli %add3A_747, %mul3A_910 : i32
      %add3A_912 = arith.constant 6 : i32
      %add3A_913 = arith.addi %mul3A_911, %add3A_912 : i32
      %broadcast_in_dim3A_914 = vector.broadcast %add3A_913 : i32 to vector<16xi32>
      %gather3A_915 = tpu.vector_load_idx %arg10[%broadcast_in_dim3A_914] : memref<8192xf32, #tpu.memory_space<vmem>>[vector<16xi32>], vector<16xf32>,
      %bitcast_convert_type3A_916 = tpu.bitcast %gather3A_915 : vector<16xf32> -> vector<16xi32>
      %add3A_917 = arith.constant 32767 : i32
      %add3A_918 = vector.broadcast %add3A_917 : i32 to vector<16xi32>
      %add3A_919 = arith.addi %bitcast_convert_type3A_916, %add3A_918 : vector<16xi32>
      %shift_right_logical3A_920 = arith.constant 16 : i32
      %shift_right_logical3A_921 = vector.broadcast %shift_right_logical3A_920 : i32 to vector<16xi32>
      %shift_right_logical3A_922 = arith.shrui %bitcast_convert_type3A_916, %shift_right_logical3A_921 : vector<16xi32>
      %and3A_923 = arith.constant 1 : i32
      %and3A_924 = vector.broadcast %and3A_923 : i32 to vector<16xi32>
      %and3A_925 = arith.andi %shift_right_logical3A_922, %and3A_924 : vector<16xi32>
      %add3A_926 = arith.addi %add3A_919, %and3A_925 : vector<16xi32>
      %and3A_927 = arith.constant -65536 : i32
      %and3A_928 = vector.broadcast %and3A_927 : i32 to vector<16xi32>
      %and3A_929 = arith.andi %add3A_926, %and3A_928 : vector<16xi32>
      %bitcast_convert_type3A_930 = tpu.bitcast %and3A_929 : vector<16xi32> -> vector<16xf32>
      %mul3A_931 = arith.constant 32 : i32
      %mul3A_932 = arith.muli %add3A_747, %mul3A_931 : i32
      %add3A_933 = arith.constant 7 : i32
      %add3A_934 = arith.addi %mul3A_932, %add3A_933 : i32
      %broadcast_in_dim3A_935 = vector.broadcast %add3A_934 : i32 to vector<16xi32>
      %gather3A_936 = tpu.vector_load_idx %arg10[%broadcast_in_dim3A_935] : memref<8192xf32, #tpu.memory_space<vmem>>[vector<16xi32>], vector<16xf32>,
      %bitcast_convert_type3A_937 = tpu.bitcast %gather3A_936 : vector<16xf32> -> vector<16xi32>
      %add3A_938 = arith.constant 32767 : i32
      %add3A_939 = vector.broadcast %add3A_938 : i32 to vector<16xi32>
      %add3A_940 = arith.addi %bitcast_convert_type3A_937, %add3A_939 : vector<16xi32>
      %shift_right_logical3A_941 = arith.constant 16 : i32
      %shift_right_logical3A_942 = vector.broadcast %shift_right_logical3A_941 : i32 to vector<16xi32>
      %shift_right_logical3A_943 = arith.shrui %bitcast_convert_type3A_937, %shift_right_logical3A_942 : vector<16xi32>
      %and3A_944 = arith.constant 1 : i32
      %and3A_945 = vector.broadcast %and3A_944 : i32 to vector<16xi32>
      %and3A_946 = arith.andi %shift_right_logical3A_943, %and3A_945 : vector<16xi32>
      %add3A_947 = arith.addi %add3A_940, %and3A_946 : vector<16xi32>
      %and3A_948 = arith.constant -65536 : i32
      %and3A_949 = vector.broadcast %and3A_948 : i32 to vector<16xi32>
      %and3A_950 = arith.andi %add3A_947, %and3A_949 : vector<16xi32>
      %bitcast_convert_type3A_951 = tpu.bitcast %and3A_950 : vector<16xi32> -> vector<16xf32>
      %mul3A_952 = arith.constant 32 : i32
      %mul3A_953 = arith.muli %add3A_747, %mul3A_952 : i32
      %add3A_954 = arith.constant 8 : i32
      %add3A_955 = arith.addi %mul3A_953, %add3A_954 : i32
      %broadcast_in_dim3A_956 = vector.broadcast %add3A_955 : i32 to vector<16xi32>
      %gather3A_957 = tpu.vector_load_idx %arg10[%broadcast_in_dim3A_956] : memref<8192xf32, #tpu.memory_space<vmem>>[vector<16xi32>], vector<16xf32>,
      %bitcast_convert_type3A_958 = tpu.bitcast %gather3A_957 : vector<16xf32> -> vector<16xi32>
      %add3A_959 = arith.constant 32767 : i32
      %add3A_960 = vector.broadcast %add3A_959 : i32 to vector<16xi32>
      %add3A_961 = arith.addi %bitcast_convert_type3A_958, %add3A_960 : vector<16xi32>
      %shift_right_logical3A_962 = arith.constant 16 : i32
      %shift_right_logical3A_963 = vector.broadcast %shift_right_logical3A_962 : i32 to vector<16xi32>
      %shift_right_logical3A_964 = arith.shrui %bitcast_convert_type3A_958, %shift_right_logical3A_963 : vector<16xi32>
      %and3A_965 = arith.constant 1 : i32
      %and3A_966 = vector.broadcast %and3A_965 : i32 to vector<16xi32>
      %and3A_967 = arith.andi %shift_right_logical3A_964, %and3A_966 : vector<16xi32>
      %add3A_968 = arith.addi %add3A_961, %and3A_967 : vector<16xi32>
      %and3A_969 = arith.constant -65536 : i32
      %and3A_970 = vector.broadcast %and3A_969 : i32 to vector<16xi32>
      %and3A_971 = arith.andi %add3A_968, %and3A_970 : vector<16xi32>
      %bitcast_convert_type3A_972 = tpu.bitcast %and3A_971 : vector<16xi32> -> vector<16xf32>
      %mul3A_973 = arith.constant 32 : i32
      %mul3A_974 = arith.muli %add3A_747, %mul3A_973 : i32
      %add3A_975 = arith.constant 9 : i32
      %add3A_976 = arith.addi %mul3A_974, %add3A_975 : i32
      %broadcast_in_dim3A_977 = vector.broadcast %add3A_976 : i32 to vector<16xi32>
      %gather3A_978 = tpu.vector_load_idx %arg10[%broadcast_in_dim3A_977] : memref<8192xf32, #tpu.memory_space<vmem>>[vector<16xi32>], vector<16xf32>,
      %bitcast_convert_type3A_979 = tpu.bitcast %gather3A_978 : vector<16xf32> -> vector<16xi32>
      %add3A_980 = arith.constant 32767 : i32
      %add3A_981 = vector.broadcast %add3A_980 : i32 to vector<16xi32>
      %add3A_982 = arith.addi %bitcast_convert_type3A_979, %add3A_981 : vector<16xi32>
      %shift_right_logical3A_983 = arith.constant 16 : i32
      %shift_right_logical3A_984 = vector.broadcast %shift_right_logical3A_983 : i32 to vector<16xi32>
      %shift_right_logical3A_985 = arith.shrui %bitcast_convert_type3A_979, %shift_right_logical3A_984 : vector<16xi32>
      %and3A_986 = arith.constant 1 : i32
      %and3A_987 = vector.broadcast %and3A_986 : i32 to vector<16xi32>
      %and3A_988 = arith.andi %shift_right_logical3A_985, %and3A_987 : vector<16xi32>
      %add3A_989 = arith.addi %add3A_982, %and3A_988 : vector<16xi32>
      %and3A_990 = arith.constant -65536 : i32
      %and3A_991 = vector.broadcast %and3A_990 : i32 to vector<16xi32>
      %and3A_992 = arith.andi %add3A_989, %and3A_991 : vector<16xi32>
      %bitcast_convert_type3A_993 = tpu.bitcast %and3A_992 : vector<16xi32> -> vector<16xf32>
      %mul3A_994 = arith.constant 32 : i32
      %mul3A_995 = arith.muli %add3A_747, %mul3A_994 : i32
      %add3A_996 = arith.constant 10 : i32
      %add3A_997 = arith.addi %mul3A_995, %add3A_996 : i32
      %broadcast_in_dim3A_998 = vector.broadcast %add3A_997 : i32 to vector<16xi32>
      %gather3A_999 = tpu.vector_load_idx %arg10[%broadcast_in_dim3A_998] : memref<8192xf32, #tpu.memory_space<vmem>>[vector<16xi32>], vector<16xf32>,
      %bitcast_convert_type3A_1000 = tpu.bitcast %gather3A_999 : vector<16xf32> -> vector<16xi32>
      %add3A_1001 = arith.constant 32767 : i32
      %add3A_1002 = vector.broadcast %add3A_1001 : i32 to vector<16xi32>
      %add3A_1003 = arith.addi %bitcast_convert_type3A_1000, %add3A_1002 : vector<16xi32>
      %shift_right_logical3A_1004 = arith.constant 16 : i32
      %shift_right_logical3A_1005 = vector.broadcast %shift_right_logical3A_1004 : i32 to vector<16xi32>
      %shift_right_logical3A_1006 = arith.shrui %bitcast_convert_type3A_1000, %shift_right_logical3A_1005 : vector<16xi32>
      %and3A_1007 = arith.constant 1 : i32
      %and3A_1008 = vector.broadcast %and3A_1007 : i32 to vector<16xi32>
      %and3A_1009 = arith.andi %shift_right_logical3A_1006, %and3A_1008 : vector<16xi32>
      %add3A_1010 = arith.addi %add3A_1003, %and3A_1009 : vector<16xi32>
      %and3A_1011 = arith.constant -65536 : i32
      %and3A_1012 = vector.broadcast %and3A_1011 : i32 to vector<16xi32>
      %and3A_1013 = arith.andi %add3A_1010, %and3A_1012 : vector<16xi32>
      %bitcast_convert_type3A_1014 = tpu.bitcast %and3A_1013 : vector<16xi32> -> vector<16xf32>
      %mul3A_1015 = arith.constant 32 : i32
      %mul3A_1016 = arith.muli %add3A_747, %mul3A_1015 : i32
      %add3A_1017 = arith.constant 11 : i32
      %add3A_1018 = arith.addi %mul3A_1016, %add3A_1017 : i32
      %broadcast_in_dim3A_1019 = vector.broadcast %add3A_1018 : i32 to vector<16xi32>
      %gather3A_1020 = tpu.vector_load_idx %arg10[%broadcast_in_dim3A_1019] : memref<8192xf32, #tpu.memory_space<vmem>>[vector<16xi32>], vector<16xf32>,
      %bitcast_convert_type3A_1021 = tpu.bitcast %gather3A_1020 : vector<16xf32> -> vector<16xi32>
      %add3A_1022 = arith.constant 32767 : i32
      %add3A_1023 = vector.broadcast %add3A_1022 : i32 to vector<16xi32>
      %add3A_1024 = arith.addi %bitcast_convert_type3A_1021, %add3A_1023 : vector<16xi32>
      %shift_right_logical3A_1025 = arith.constant 16 : i32
      %shift_right_logical3A_1026 = vector.broadcast %shift_right_logical3A_1025 : i32 to vector<16xi32>
      %shift_right_logical3A_1027 = arith.shrui %bitcast_convert_type3A_1021, %shift_right_logical3A_1026 : vector<16xi32>
      %and3A_1028 = arith.constant 1 : i32
      %and3A_1029 = vector.broadcast %and3A_1028 : i32 to vector<16xi32>
      %and3A_1030 = arith.andi %shift_right_logical3A_1027, %and3A_1029 : vector<16xi32>
      %add3A_1031 = arith.addi %add3A_1024, %and3A_1030 : vector<16xi32>
      %and3A_1032 = arith.constant -65536 : i32
      %and3A_1033 = vector.broadcast %and3A_1032 : i32 to vector<16xi32>
      %and3A_1034 = arith.andi %add3A_1031, %and3A_1033 : vector<16xi32>
      %bitcast_convert_type3A_1035 = tpu.bitcast %and3A_1034 : vector<16xi32> -> vector<16xf32>
      %mul3A_1036 = arith.constant 32 : i32
      %mul3A_1037 = arith.muli %add3A_747, %mul3A_1036 : i32
      %add3A_1038 = arith.constant 12 : i32
      %add3A_1039 = arith.addi %mul3A_1037, %add3A_1038 : i32
      %broadcast_in_dim3A_1040 = vector.broadcast %add3A_1039 : i32 to vector<16xi32>
      %gather3A_1041 = tpu.vector_load_idx %arg10[%broadcast_in_dim3A_1040] : memref<8192xf32, #tpu.memory_space<vmem>>[vector<16xi32>], vector<16xf32>,
      %bitcast_convert_type3A_1042 = tpu.bitcast %gather3A_1041 : vector<16xf32> -> vector<16xi32>
      %add3A_1043 = arith.constant 32767 : i32
      %add3A_1044 = vector.broadcast %add3A_1043 : i32 to vector<16xi32>
      %add3A_1045 = arith.addi %bitcast_convert_type3A_1042, %add3A_1044 : vector<16xi32>
      %shift_right_logical3A_1046 = arith.constant 16 : i32
      %shift_right_logical3A_1047 = vector.broadcast %shift_right_logical3A_1046 : i32 to vector<16xi32>
      %shift_right_logical3A_1048 = arith.shrui %bitcast_convert_type3A_1042, %shift_right_logical3A_1047 : vector<16xi32>
      %and3A_1049 = arith.constant 1 : i32
      %and3A_1050 = vector.broadcast %and3A_1049 : i32 to vector<16xi32>
      %and3A_1051 = arith.andi %shift_right_logical3A_1048, %and3A_1050 : vector<16xi32>
      %add3A_1052 = arith.addi %add3A_1045, %and3A_1051 : vector<16xi32>
      %and3A_1053 = arith.constant -65536 : i32
      %and3A_1054 = vector.broadcast %and3A_1053 : i32 to vector<16xi32>
      %and3A_1055 = arith.andi %add3A_1052, %and3A_1054 : vector<16xi32>
      %bitcast_convert_type3A_1056 = tpu.bitcast %and3A_1055 : vector<16xi32> -> vector<16xf32>
      %mul3A_1057 = arith.constant 32 : i32
      %mul3A_1058 = arith.muli %add3A_747, %mul3A_1057 : i32
      %add3A_1059 = arith.constant 13 : i32
      %add3A_1060 = arith.addi %mul3A_1058, %add3A_1059 : i32
      %broadcast_in_dim3A_1061 = vector.broadcast %add3A_1060 : i32 to vector<16xi32>
      %gather3A_1062 = tpu.vector_load_idx %arg10[%broadcast_in_dim3A_1061] : memref<8192xf32, #tpu.memory_space<vmem>>[vector<16xi32>], vector<16xf32>,
      %bitcast_convert_type3A_1063 = tpu.bitcast %gather3A_1062 : vector<16xf32> -> vector<16xi32>
      %add3A_1064 = arith.constant 32767 : i32
      %add3A_1065 = vector.broadcast %add3A_1064 : i32 to vector<16xi32>
      %add3A_1066 = arith.addi %bitcast_convert_type3A_1063, %add3A_1065 : vector<16xi32>
      %shift_right_logical3A_1067 = arith.constant 16 : i32
      %shift_right_logical3A_1068 = vector.broadcast %shift_right_logical3A_1067 : i32 to vector<16xi32>
      %shift_right_logical3A_1069 = arith.shrui %bitcast_convert_type3A_1063, %shift_right_logical3A_1068 : vector<16xi32>
      %and3A_1070 = arith.constant 1 : i32
      %and3A_1071 = vector.broadcast %and3A_1070 : i32 to vector<16xi32>
      %and3A_1072 = arith.andi %shift_right_logical3A_1069, %and3A_1071 : vector<16xi32>
      %add3A_1073 = arith.addi %add3A_1066, %and3A_1072 : vector<16xi32>
      %and3A_1074 = arith.constant -65536 : i32
      %and3A_1075 = vector.broadcast %and3A_1074 : i32 to vector<16xi32>
      %and3A_1076 = arith.andi %add3A_1073, %and3A_1075 : vector<16xi32>
      %bitcast_convert_type3A_1077 = tpu.bitcast %and3A_1076 : vector<16xi32> -> vector<16xf32>
      %mul3A_1078 = arith.constant 32 : i32
      %mul3A_1079 = arith.muli %add3A_747, %mul3A_1078 : i32
      %add3A_1080 = arith.constant 14 : i32
      %add3A_1081 = arith.addi %mul3A_1079, %add3A_1080 : i32
      %broadcast_in_dim3A_1082 = vector.broadcast %add3A_1081 : i32 to vector<16xi32>
      %gather3A_1083 = tpu.vector_load_idx %arg10[%broadcast_in_dim3A_1082] : memref<8192xf32, #tpu.memory_space<vmem>>[vector<16xi32>], vector<16xf32>,
      %bitcast_convert_type3A_1084 = tpu.bitcast %gather3A_1083 : vector<16xf32> -> vector<16xi32>
      %add3A_1085 = arith.constant 32767 : i32
      %add3A_1086 = vector.broadcast %add3A_1085 : i32 to vector<16xi32>
      %add3A_1087 = arith.addi %bitcast_convert_type3A_1084, %add3A_1086 : vector<16xi32>
      %shift_right_logical3A_1088 = arith.constant 16 : i32
      %shift_right_logical3A_1089 = vector.broadcast %shift_right_logical3A_1088 : i32 to vector<16xi32>
      %shift_right_logical3A_1090 = arith.shrui %bitcast_convert_type3A_1084, %shift_right_logical3A_1089 : vector<16xi32>
      %and3A_1091 = arith.constant 1 : i32
      %and3A_1092 = vector.broadcast %and3A_1091 : i32 to vector<16xi32>
      %and3A_1093 = arith.andi %shift_right_logical3A_1090, %and3A_1092 : vector<16xi32>
      %add3A_1094 = arith.addi %add3A_1087, %and3A_1093 : vector<16xi32>
      %and3A_1095 = arith.constant -65536 : i32
      %and3A_1096 = vector.broadcast %and3A_1095 : i32 to vector<16xi32>
      %and3A_1097 = arith.andi %add3A_1094, %and3A_1096 : vector<16xi32>
      %bitcast_convert_type3A_1098 = tpu.bitcast %and3A_1097 : vector<16xi32> -> vector<16xf32>
      %mul3A_1099 = arith.constant 32 : i32
      %mul3A_1100 = arith.muli %add3A_747, %mul3A_1099 : i32
      %add3A_1101 = arith.constant 15 : i32
      %add3A_1102 = arith.addi %mul3A_1100, %add3A_1101 : i32
      %broadcast_in_dim3A_1103 = vector.broadcast %add3A_1102 : i32 to vector<16xi32>
      %gather3A_1104 = tpu.vector_load_idx %arg10[%broadcast_in_dim3A_1103] : memref<8192xf32, #tpu.memory_space<vmem>>[vector<16xi32>], vector<16xf32>,
      %bitcast_convert_type3A_1105 = tpu.bitcast %gather3A_1104 : vector<16xf32> -> vector<16xi32>
      %add3A_1106 = arith.constant 32767 : i32
      %add3A_1107 = vector.broadcast %add3A_1106 : i32 to vector<16xi32>
      %add3A_1108 = arith.addi %bitcast_convert_type3A_1105, %add3A_1107 : vector<16xi32>
      %shift_right_logical3A_1109 = arith.constant 16 : i32
      %shift_right_logical3A_1110 = vector.broadcast %shift_right_logical3A_1109 : i32 to vector<16xi32>
      %shift_right_logical3A_1111 = arith.shrui %bitcast_convert_type3A_1105, %shift_right_logical3A_1110 : vector<16xi32>
      %and3A_1112 = arith.constant 1 : i32
      %and3A_1113 = vector.broadcast %and3A_1112 : i32 to vector<16xi32>
      %and3A_1114 = arith.andi %shift_right_logical3A_1111, %and3A_1113 : vector<16xi32>
      %add3A_1115 = arith.addi %add3A_1108, %and3A_1114 : vector<16xi32>
      %and3A_1116 = arith.constant -65536 : i32
      %and3A_1117 = vector.broadcast %and3A_1116 : i32 to vector<16xi32>
      %and3A_1118 = arith.andi %add3A_1115, %and3A_1117 : vector<16xi32>
      %bitcast_convert_type3A_1119 = tpu.bitcast %and3A_1118 : vector<16xi32> -> vector<16xf32>
      %mul3A_1120 = arith.constant 32 : i32
      %mul3A_1121 = arith.muli %add3A_747, %mul3A_1120 : i32
      %add3A_1122 = arith.constant 16 : i32
      %add3A_1123 = arith.addi %mul3A_1121, %add3A_1122 : i32
      %broadcast_in_dim3A_1124 = vector.broadcast %add3A_1123 : i32 to vector<16xi32>
      %gather3A_1125 = tpu.vector_load_idx %arg10[%broadcast_in_dim3A_1124] : memref<8192xf32, #tpu.memory_space<vmem>>[vector<16xi32>], vector<16xf32>,
      %bitcast_convert_type3A_1126 = tpu.bitcast %gather3A_1125 : vector<16xf32> -> vector<16xi32>
      %add3A_1127 = arith.constant 32767 : i32
      %add3A_1128 = vector.broadcast %add3A_1127 : i32 to vector<16xi32>
      %add3A_1129 = arith.addi %bitcast_convert_type3A_1126, %add3A_1128 : vector<16xi32>
      %shift_right_logical3A_1130 = arith.constant 16 : i32
      %shift_right_logical3A_1131 = vector.broadcast %shift_right_logical3A_1130 : i32 to vector<16xi32>
      %shift_right_logical3A_1132 = arith.shrui %bitcast_convert_type3A_1126, %shift_right_logical3A_1131 : vector<16xi32>
      %and3A_1133 = arith.constant 1 : i32
      %and3A_1134 = vector.broadcast %and3A_1133 : i32 to vector<16xi32>
      %and3A_1135 = arith.andi %shift_right_logical3A_1132, %and3A_1134 : vector<16xi32>
      %add3A_1136 = arith.addi %add3A_1129, %and3A_1135 : vector<16xi32>
      %and3A_1137 = arith.constant -65536 : i32
      %and3A_1138 = vector.broadcast %and3A_1137 : i32 to vector<16xi32>
      %and3A_1139 = arith.andi %add3A_1136, %and3A_1138 : vector<16xi32>
      %bitcast_convert_type3A_1140 = tpu.bitcast %and3A_1139 : vector<16xi32> -> vector<16xf32>
      %mul3A_1141 = arith.constant 32 : i32
      %mul3A_1142 = arith.muli %add3A_747, %mul3A_1141 : i32
      %add3A_1143 = arith.constant 17 : i32
      %add3A_1144 = arith.addi %mul3A_1142, %add3A_1143 : i32
      %broadcast_in_dim3A_1145 = vector.broadcast %add3A_1144 : i32 to vector<16xi32>
      %gather3A_1146 = tpu.vector_load_idx %arg10[%broadcast_in_dim3A_1145] : memref<8192xf32, #tpu.memory_space<vmem>>[vector<16xi32>], vector<16xf32>,
      %bitcast_convert_type3A_1147 = tpu.bitcast %gather3A_1146 : vector<16xf32> -> vector<16xi32>
      %add3A_1148 = arith.constant 32767 : i32
      %add3A_1149 = vector.broadcast %add3A_1148 : i32 to vector<16xi32>
      %add3A_1150 = arith.addi %bitcast_convert_type3A_1147, %add3A_1149 : vector<16xi32>
      %shift_right_logical3A_1151 = arith.constant 16 : i32
      %shift_right_logical3A_1152 = vector.broadcast %shift_right_logical3A_1151 : i32 to vector<16xi32>
      %shift_right_logical3A_1153 = arith.shrui %bitcast_convert_type3A_1147, %shift_right_logical3A_1152 : vector<16xi32>
      %and3A_1154 = arith.constant 1 : i32
      %and3A_1155 = vector.broadcast %and3A_1154 : i32 to vector<16xi32>
      %and3A_1156 = arith.andi %shift_right_logical3A_1153, %and3A_1155 : vector<16xi32>
      %add3A_1157 = arith.addi %add3A_1150, %and3A_1156 : vector<16xi32>
      %and3A_1158 = arith.constant -65536 : i32
      %and3A_1159 = vector.broadcast %and3A_1158 : i32 to vector<16xi32>
      %and3A_1160 = arith.andi %add3A_1157, %and3A_1159 : vector<16xi32>
      %bitcast_convert_type3A_1161 = tpu.bitcast %and3A_1160 : vector<16xi32> -> vector<16xf32>
      %mul3A_1162 = arith.constant 32 : i32
      %mul3A_1163 = arith.muli %add3A_747, %mul3A_1162 : i32
      %add3A_1164 = arith.constant 18 : i32
      %add3A_1165 = arith.addi %mul3A_1163, %add3A_1164 : i32
      %broadcast_in_dim3A_1166 = vector.broadcast %add3A_1165 : i32 to vector<16xi32>
      %gather3A_1167 = tpu.vector_load_idx %arg10[%broadcast_in_dim3A_1166] : memref<8192xf32, #tpu.memory_space<vmem>>[vector<16xi32>], vector<16xf32>,
      %bitcast_convert_type3A_1168 = tpu.bitcast %gather3A_1167 : vector<16xf32> -> vector<16xi32>
      %add3A_1169 = arith.constant 32767 : i32
      %add3A_1170 = vector.broadcast %add3A_1169 : i32 to vector<16xi32>
      %add3A_1171 = arith.addi %bitcast_convert_type3A_1168, %add3A_1170 : vector<16xi32>
      %shift_right_logical3A_1172 = arith.constant 16 : i32
      %shift_right_logical3A_1173 = vector.broadcast %shift_right_logical3A_1172 : i32 to vector<16xi32>
      %shift_right_logical3A_1174 = arith.shrui %bitcast_convert_type3A_1168, %shift_right_logical3A_1173 : vector<16xi32>
      %and3A_1175 = arith.constant 1 : i32
      %and3A_1176 = vector.broadcast %and3A_1175 : i32 to vector<16xi32>
      %and3A_1177 = arith.andi %shift_right_logical3A_1174, %and3A_1176 : vector<16xi32>
      %add3A_1178 = arith.addi %add3A_1171, %and3A_1177 : vector<16xi32>
      %and3A_1179 = arith.constant -65536 : i32
      %and3A_1180 = vector.broadcast %and3A_1179 : i32 to vector<16xi32>
      %and3A_1181 = arith.andi %add3A_1178, %and3A_1180 : vector<16xi32>
      %bitcast_convert_type3A_1182 = tpu.bitcast %and3A_1181 : vector<16xi32> -> vector<16xf32>
      %mul3A_1183 = arith.constant 32 : i32
      %mul3A_1184 = arith.muli %add3A_747, %mul3A_1183 : i32
      %add3A_1185 = arith.constant 19 : i32
      %add3A_1186 = arith.addi %mul3A_1184, %add3A_1185 : i32
      %broadcast_in_dim3A_1187 = vector.broadcast %add3A_1186 : i32 to vector<16xi32>
      %gather3A_1188 = tpu.vector_load_idx %arg10[%broadcast_in_dim3A_1187] : memref<8192xf32, #tpu.memory_space<vmem>>[vector<16xi32>], vector<16xf32>,
      %bitcast_convert_type3A_1189 = tpu.bitcast %gather3A_1188 : vector<16xf32> -> vector<16xi32>
      %add3A_1190 = arith.constant 32767 : i32
      %add3A_1191 = vector.broadcast %add3A_1190 : i32 to vector<16xi32>
      %add3A_1192 = arith.addi %bitcast_convert_type3A_1189, %add3A_1191 : vector<16xi32>
      %shift_right_logical3A_1193 = arith.constant 16 : i32
      %shift_right_logical3A_1194 = vector.broadcast %shift_right_logical3A_1193 : i32 to vector<16xi32>
      %shift_right_logical3A_1195 = arith.shrui %bitcast_convert_type3A_1189, %shift_right_logical3A_1194 : vector<16xi32>
      %and3A_1196 = arith.constant 1 : i32
      %and3A_1197 = vector.broadcast %and3A_1196 : i32 to vector<16xi32>
      %and3A_1198 = arith.andi %shift_right_logical3A_1195, %and3A_1197 : vector<16xi32>
      %add3A_1199 = arith.addi %add3A_1192, %and3A_1198 : vector<16xi32>
      %and3A_1200 = arith.constant -65536 : i32
      %and3A_1201 = vector.broadcast %and3A_1200 : i32 to vector<16xi32>
      %and3A_1202 = arith.andi %add3A_1199, %and3A_1201 : vector<16xi32>
      %bitcast_convert_type3A_1203 = tpu.bitcast %and3A_1202 : vector<16xi32> -> vector<16xf32>
      %mul3A_1204 = arith.constant 32 : i32
      %mul3A_1205 = arith.muli %add3A_747, %mul3A_1204 : i32
      %add3A_1206 = arith.constant 20 : i32
      %add3A_1207 = arith.addi %mul3A_1205, %add3A_1206 : i32
      %broadcast_in_dim3A_1208 = vector.broadcast %add3A_1207 : i32 to vector<16xi32>
      %gather3A_1209 = tpu.vector_load_idx %arg10[%broadcast_in_dim3A_1208] : memref<8192xf32, #tpu.memory_space<vmem>>[vector<16xi32>], vector<16xf32>,
      %bitcast_convert_type3A_1210 = tpu.bitcast %gather3A_1209 : vector<16xf32> -> vector<16xi32>
      %add3A_1211 = arith.constant 32767 : i32
      %add3A_1212 = vector.broadcast %add3A_1211 : i32 to vector<16xi32>
      %add3A_1213 = arith.addi %bitcast_convert_type3A_1210, %add3A_1212 : vector<16xi32>
      %shift_right_logical3A_1214 = arith.constant 16 : i32
      %shift_right_logical3A_1215 = vector.broadcast %shift_right_logical3A_1214 : i32 to vector<16xi32>
      %shift_right_logical3A_1216 = arith.shrui %bitcast_convert_type3A_1210, %shift_right_logical3A_1215 : vector<16xi32>
      %and3A_1217 = arith.constant 1 : i32
      %and3A_1218 = vector.broadcast %and3A_1217 : i32 to vector<16xi32>
      %and3A_1219 = arith.andi %shift_right_logical3A_1216, %and3A_1218 : vector<16xi32>
      %add3A_1220 = arith.addi %add3A_1213, %and3A_1219 : vector<16xi32>
      %and3A_1221 = arith.constant -65536 : i32
      %and3A_1222 = vector.broadcast %and3A_1221 : i32 to vector<16xi32>
      %and3A_1223 = arith.andi %add3A_1220, %and3A_1222 : vector<16xi32>
      %bitcast_convert_type3A_1224 = tpu.bitcast %and3A_1223 : vector<16xi32> -> vector<16xf32>
      %mul3A_1225 = arith.constant 32 : i32
      %mul3A_1226 = arith.muli %add3A_747, %mul3A_1225 : i32
      %add3A_1227 = arith.constant 21 : i32
      %add3A_1228 = arith.addi %mul3A_1226, %add3A_1227 : i32
      %broadcast_in_dim3A_1229 = vector.broadcast %add3A_1228 : i32 to vector<16xi32>
      %gather3A_1230 = tpu.vector_load_idx %arg10[%broadcast_in_dim3A_1229] : memref<8192xf32, #tpu.memory_space<vmem>>[vector<16xi32>], vector<16xf32>,
      %bitcast_convert_type3A_1231 = tpu.bitcast %gather3A_1230 : vector<16xf32> -> vector<16xi32>
      %add3A_1232 = arith.constant 32767 : i32
      %add3A_1233 = vector.broadcast %add3A_1232 : i32 to vector<16xi32>
      %add3A_1234 = arith.addi %bitcast_convert_type3A_1231, %add3A_1233 : vector<16xi32>
      %shift_right_logical3A_1235 = arith.constant 16 : i32
      %shift_right_logical3A_1236 = vector.broadcast %shift_right_logical3A_1235 : i32 to vector<16xi32>
      %shift_right_logical3A_1237 = arith.shrui %bitcast_convert_type3A_1231, %shift_right_logical3A_1236 : vector<16xi32>
      %and3A_1238 = arith.constant 1 : i32
      %and3A_1239 = vector.broadcast %and3A_1238 : i32 to vector<16xi32>
      %and3A_1240 = arith.andi %shift_right_logical3A_1237, %and3A_1239 : vector<16xi32>
      %add3A_1241 = arith.addi %add3A_1234, %and3A_1240 : vector<16xi32>
      %and3A_1242 = arith.constant -65536 : i32
      %and3A_1243 = vector.broadcast %and3A_1242 : i32 to vector<16xi32>
      %and3A_1244 = arith.andi %add3A_1241, %and3A_1243 : vector<16xi32>
      %bitcast_convert_type3A_1245 = tpu.bitcast %and3A_1244 : vector<16xi32> -> vector<16xf32>
      %mul3A_1246 = arith.constant 32 : i32
      %mul3A_1247 = arith.muli %add3A_747, %mul3A_1246 : i32
      %add3A_1248 = arith.constant 22 : i32
      %add3A_1249 = arith.addi %mul3A_1247, %add3A_1248 : i32
      %broadcast_in_dim3A_1250 = vector.broadcast %add3A_1249 : i32 to vector<16xi32>
      %gather3A_1251 = tpu.vector_load_idx %arg10[%broadcast_in_dim3A_1250] : memref<8192xf32, #tpu.memory_space<vmem>>[vector<16xi32>], vector<16xf32>,
      %bitcast_convert_type3A_1252 = tpu.bitcast %gather3A_1251 : vector<16xf32> -> vector<16xi32>
      %add3A_1253 = arith.constant 32767 : i32
      %add3A_1254 = vector.broadcast %add3A_1253 : i32 to vector<16xi32>
      %add3A_1255 = arith.addi %bitcast_convert_type3A_1252, %add3A_1254 : vector<16xi32>
      %shift_right_logical3A_1256 = arith.constant 16 : i32
      %shift_right_logical3A_1257 = vector.broadcast %shift_right_logical3A_1256 : i32 to vector<16xi32>
      %shift_right_logical3A_1258 = arith.shrui %bitcast_convert_type3A_1252, %shift_right_logical3A_1257 : vector<16xi32>
      %and3A_1259 = arith.constant 1 : i32
      %and3A_1260 = vector.broadcast %and3A_1259 : i32 to vector<16xi32>
      %and3A_1261 = arith.andi %shift_right_logical3A_1258, %and3A_1260 : vector<16xi32>
      %add3A_1262 = arith.addi %add3A_1255, %and3A_1261 : vector<16xi32>
      %and3A_1263 = arith.constant -65536 : i32
      %and3A_1264 = vector.broadcast %and3A_1263 : i32 to vector<16xi32>
      %and3A_1265 = arith.andi %add3A_1262, %and3A_1264 : vector<16xi32>
      %bitcast_convert_type3A_1266 = tpu.bitcast %and3A_1265 : vector<16xi32> -> vector<16xf32>
      %mul3A_1267 = arith.constant 32 : i32
      %mul3A_1268 = arith.muli %add3A_747, %mul3A_1267 : i32
      %add3A_1269 = arith.constant 23 : i32
      %add3A_1270 = arith.addi %mul3A_1268, %add3A_1269 : i32
      %broadcast_in_dim3A_1271 = vector.broadcast %add3A_1270 : i32 to vector<16xi32>
      %gather3A_1272 = tpu.vector_load_idx %arg10[%broadcast_in_dim3A_1271] : memref<8192xf32, #tpu.memory_space<vmem>>[vector<16xi32>], vector<16xf32>,
      %bitcast_convert_type3A_1273 = tpu.bitcast %gather3A_1272 : vector<16xf32> -> vector<16xi32>
      %add3A_1274 = arith.constant 32767 : i32
      %add3A_1275 = vector.broadcast %add3A_1274 : i32 to vector<16xi32>
      %add3A_1276 = arith.addi %bitcast_convert_type3A_1273, %add3A_1275 : vector<16xi32>
      %shift_right_logical3A_1277 = arith.constant 16 : i32
      %shift_right_logical3A_1278 = vector.broadcast %shift_right_logical3A_1277 : i32 to vector<16xi32>
      %shift_right_logical3A_1279 = arith.shrui %bitcast_convert_type3A_1273, %shift_right_logical3A_1278 : vector<16xi32>
      %and3A_1280 = arith.constant 1 : i32
      %and3A_1281 = vector.broadcast %and3A_1280 : i32 to vector<16xi32>
      %and3A_1282 = arith.andi %shift_right_logical3A_1279, %and3A_1281 : vector<16xi32>
      %add3A_1283 = arith.addi %add3A_1276, %and3A_1282 : vector<16xi32>
      %and3A_1284 = arith.constant -65536 : i32
      %and3A_1285 = vector.broadcast %and3A_1284 : i32 to vector<16xi32>
      %and3A_1286 = arith.andi %add3A_1283, %and3A_1285 : vector<16xi32>
      %bitcast_convert_type3A_1287 = tpu.bitcast %and3A_1286 : vector<16xi32> -> vector<16xf32>
      %mul3A_1288 = arith.constant 32 : i32
      %mul3A_1289 = arith.muli %add3A_747, %mul3A_1288 : i32
      %add3A_1290 = arith.constant 24 : i32
      %add3A_1291 = arith.addi %mul3A_1289, %add3A_1290 : i32
      %broadcast_in_dim3A_1292 = vector.broadcast %add3A_1291 : i32 to vector<16xi32>
      %gather3A_1293 = tpu.vector_load_idx %arg10[%broadcast_in_dim3A_1292] : memref<8192xf32, #tpu.memory_space<vmem>>[vector<16xi32>], vector<16xf32>,
      %bitcast_convert_type3A_1294 = tpu.bitcast %gather3A_1293 : vector<16xf32> -> vector<16xi32>
      %add3A_1295 = arith.constant 32767 : i32
      %add3A_1296 = vector.broadcast %add3A_1295 : i32 to vector<16xi32>
      %add3A_1297 = arith.addi %bitcast_convert_type3A_1294, %add3A_1296 : vector<16xi32>
      %shift_right_logical3A_1298 = arith.constant 16 : i32
      %shift_right_logical3A_1299 = vector.broadcast %shift_right_logical3A_1298 : i32 to vector<16xi32>
      %shift_right_logical3A_1300 = arith.shrui %bitcast_convert_type3A_1294, %shift_right_logical3A_1299 : vector<16xi32>
      %and3A_1301 = arith.constant 1 : i32
      %and3A_1302 = vector.broadcast %and3A_1301 : i32 to vector<16xi32>
      %and3A_1303 = arith.andi %shift_right_logical3A_1300, %and3A_1302 : vector<16xi32>
      %add3A_1304 = arith.addi %add3A_1297, %and3A_1303 : vector<16xi32>
      %and3A_1305 = arith.constant -65536 : i32
      %and3A_1306 = vector.broadcast %and3A_1305 : i32 to vector<16xi32>
      %and3A_1307 = arith.andi %add3A_1304, %and3A_1306 : vector<16xi32>
      %bitcast_convert_type3A_1308 = tpu.bitcast %and3A_1307 : vector<16xi32> -> vector<16xf32>
      %mul3A_1309 = arith.constant 32 : i32
      %mul3A_1310 = arith.muli %add3A_747, %mul3A_1309 : i32
      %add3A_1311 = arith.constant 25 : i32
      %add3A_1312 = arith.addi %mul3A_1310, %add3A_1311 : i32
      %broadcast_in_dim3A_1313 = vector.broadcast %add3A_1312 : i32 to vector<16xi32>
      %gather3A_1314 = tpu.vector_load_idx %arg10[%broadcast_in_dim3A_1313] : memref<8192xf32, #tpu.memory_space<vmem>>[vector<16xi32>], vector<16xf32>,
      %bitcast_convert_type3A_1315 = tpu.bitcast %gather3A_1314 : vector<16xf32> -> vector<16xi32>
      %add3A_1316 = arith.constant 32767 : i32
      %add3A_1317 = vector.broadcast %add3A_1316 : i32 to vector<16xi32>
      %add3A_1318 = arith.addi %bitcast_convert_type3A_1315, %add3A_1317 : vector<16xi32>
      %shift_right_logical3A_1319 = arith.constant 16 : i32
      %shift_right_logical3A_1320 = vector.broadcast %shift_right_logical3A_1319 : i32 to vector<16xi32>
      %shift_right_logical3A_1321 = arith.shrui %bitcast_convert_type3A_1315, %shift_right_logical3A_1320 : vector<16xi32>
      %and3A_1322 = arith.constant 1 : i32
      %and3A_1323 = vector.broadcast %and3A_1322 : i32 to vector<16xi32>
      %and3A_1324 = arith.andi %shift_right_logical3A_1321, %and3A_1323 : vector<16xi32>
      %add3A_1325 = arith.addi %add3A_1318, %and3A_1324 : vector<16xi32>
      %and3A_1326 = arith.constant -65536 : i32
      %and3A_1327 = vector.broadcast %and3A_1326 : i32 to vector<16xi32>
      %and3A_1328 = arith.andi %add3A_1325, %and3A_1327 : vector<16xi32>
      %bitcast_convert_type3A_1329 = tpu.bitcast %and3A_1328 : vector<16xi32> -> vector<16xf32>
      %mul3A_1330 = arith.constant 32 : i32
      %mul3A_1331 = arith.muli %add3A_747, %mul3A_1330 : i32
      %add3A_1332 = arith.constant 26 : i32
      %add3A_1333 = arith.addi %mul3A_1331, %add3A_1332 : i32
      %broadcast_in_dim3A_1334 = vector.broadcast %add3A_1333 : i32 to vector<16xi32>
      %gather3A_1335 = tpu.vector_load_idx %arg10[%broadcast_in_dim3A_1334] : memref<8192xf32, #tpu.memory_space<vmem>>[vector<16xi32>], vector<16xf32>,
      %bitcast_convert_type3A_1336 = tpu.bitcast %gather3A_1335 : vector<16xf32> -> vector<16xi32>
      %add3A_1337 = arith.constant 32767 : i32
      %add3A_1338 = vector.broadcast %add3A_1337 : i32 to vector<16xi32>
      %add3A_1339 = arith.addi %bitcast_convert_type3A_1336, %add3A_1338 : vector<16xi32>
      %shift_right_logical3A_1340 = arith.constant 16 : i32
      %shift_right_logical3A_1341 = vector.broadcast %shift_right_logical3A_1340 : i32 to vector<16xi32>
      %shift_right_logical3A_1342 = arith.shrui %bitcast_convert_type3A_1336, %shift_right_logical3A_1341 : vector<16xi32>
      %and3A_1343 = arith.constant 1 : i32
      %and3A_1344 = vector.broadcast %and3A_1343 : i32 to vector<16xi32>
      %and3A_1345 = arith.andi %shift_right_logical3A_1342, %and3A_1344 : vector<16xi32>
      %add3A_1346 = arith.addi %add3A_1339, %and3A_1345 : vector<16xi32>
      %and3A_1347 = arith.constant -65536 : i32
      %and3A_1348 = vector.broadcast %and3A_1347 : i32 to vector<16xi32>
      %and3A_1349 = arith.andi %add3A_1346, %and3A_1348 : vector<16xi32>
      %bitcast_convert_type3A_1350 = tpu.bitcast %and3A_1349 : vector<16xi32> -> vector<16xf32>
      %mul3A_1351 = arith.constant 32 : i32
      %mul3A_1352 = arith.muli %add3A_747, %mul3A_1351 : i32
      %add3A_1353 = arith.constant 27 : i32
      %add3A_1354 = arith.addi %mul3A_1352, %add3A_1353 : i32
      %broadcast_in_dim3A_1355 = vector.broadcast %add3A_1354 : i32 to vector<16xi32>
      %gather3A_1356 = tpu.vector_load_idx %arg10[%broadcast_in_dim3A_1355] : memref<8192xf32, #tpu.memory_space<vmem>>[vector<16xi32>], vector<16xf32>,
      %bitcast_convert_type3A_1357 = tpu.bitcast %gather3A_1356 : vector<16xf32> -> vector<16xi32>
      %add3A_1358 = arith.constant 32767 : i32
      %add3A_1359 = vector.broadcast %add3A_1358 : i32 to vector<16xi32>
      %add3A_1360 = arith.addi %bitcast_convert_type3A_1357, %add3A_1359 : vector<16xi32>
      %shift_right_logical3A_1361 = arith.constant 16 : i32
      %shift_right_logical3A_1362 = vector.broadcast %shift_right_logical3A_1361 : i32 to vector<16xi32>
      %shift_right_logical3A_1363 = arith.shrui %bitcast_convert_type3A_1357, %shift_right_logical3A_1362 : vector<16xi32>
      %and3A_1364 = arith.constant 1 : i32
      %and3A_1365 = vector.broadcast %and3A_1364 : i32 to vector<16xi32>
      %and3A_1366 = arith.andi %shift_right_logical3A_1363, %and3A_1365 : vector<16xi32>
      %add3A_1367 = arith.addi %add3A_1360, %and3A_1366 : vector<16xi32>
      %and3A_1368 = arith.constant -65536 : i32
      %and3A_1369 = vector.broadcast %and3A_1368 : i32 to vector<16xi32>
      %and3A_1370 = arith.andi %add3A_1367, %and3A_1369 : vector<16xi32>
      %bitcast_convert_type3A_1371 = tpu.bitcast %and3A_1370 : vector<16xi32> -> vector<16xf32>
      %mul3A_1372 = arith.constant 32 : i32
      %mul3A_1373 = arith.muli %add3A_747, %mul3A_1372 : i32
      %add3A_1374 = arith.constant 28 : i32
      %add3A_1375 = arith.addi %mul3A_1373, %add3A_1374 : i32
      %broadcast_in_dim3A_1376 = vector.broadcast %add3A_1375 : i32 to vector<16xi32>
      %gather3A_1377 = tpu.vector_load_idx %arg10[%broadcast_in_dim3A_1376] : memref<8192xf32, #tpu.memory_space<vmem>>[vector<16xi32>], vector<16xf32>,
      %bitcast_convert_type3A_1378 = tpu.bitcast %gather3A_1377 : vector<16xf32> -> vector<16xi32>
      %add3A_1379 = arith.constant 32767 : i32
      %add3A_1380 = vector.broadcast %add3A_1379 : i32 to vector<16xi32>
      %add3A_1381 = arith.addi %bitcast_convert_type3A_1378, %add3A_1380 : vector<16xi32>
      %shift_right_logical3A_1382 = arith.constant 16 : i32
      %shift_right_logical3A_1383 = vector.broadcast %shift_right_logical3A_1382 : i32 to vector<16xi32>
      %shift_right_logical3A_1384 = arith.shrui %bitcast_convert_type3A_1378, %shift_right_logical3A_1383 : vector<16xi32>
      %and3A_1385 = arith.constant 1 : i32
      %and3A_1386 = vector.broadcast %and3A_1385 : i32 to vector<16xi32>
      %and3A_1387 = arith.andi %shift_right_logical3A_1384, %and3A_1386 : vector<16xi32>
      %add3A_1388 = arith.addi %add3A_1381, %and3A_1387 : vector<16xi32>
      %and3A_1389 = arith.constant -65536 : i32
      %and3A_1390 = vector.broadcast %and3A_1389 : i32 to vector<16xi32>
      %and3A_1391 = arith.andi %add3A_1388, %and3A_1390 : vector<16xi32>
      %bitcast_convert_type3A_1392 = tpu.bitcast %and3A_1391 : vector<16xi32> -> vector<16xf32>
      %mul3A_1393 = arith.constant 32 : i32
      %mul3A_1394 = arith.muli %add3A_747, %mul3A_1393 : i32
      %add3A_1395 = arith.constant 29 : i32
      %add3A_1396 = arith.addi %mul3A_1394, %add3A_1395 : i32
      %broadcast_in_dim3A_1397 = vector.broadcast %add3A_1396 : i32 to vector<16xi32>
      %gather3A_1398 = tpu.vector_load_idx %arg10[%broadcast_in_dim3A_1397] : memref<8192xf32, #tpu.memory_space<vmem>>[vector<16xi32>], vector<16xf32>,
      %bitcast_convert_type3A_1399 = tpu.bitcast %gather3A_1398 : vector<16xf32> -> vector<16xi32>
      %add3A_1400 = arith.constant 32767 : i32
      %add3A_1401 = vector.broadcast %add3A_1400 : i32 to vector<16xi32>
      %add3A_1402 = arith.addi %bitcast_convert_type3A_1399, %add3A_1401 : vector<16xi32>
      %shift_right_logical3A_1403 = arith.constant 16 : i32
      %shift_right_logical3A_1404 = vector.broadcast %shift_right_logical3A_1403 : i32 to vector<16xi32>
      %shift_right_logical3A_1405 = arith.shrui %bitcast_convert_type3A_1399, %shift_right_logical3A_1404 : vector<16xi32>
      %and3A_1406 = arith.constant 1 : i32
      %and3A_1407 = vector.broadcast %and3A_1406 : i32 to vector<16xi32>
      %and3A_1408 = arith.andi %shift_right_logical3A_1405, %and3A_1407 : vector<16xi32>
      %add3A_1409 = arith.addi %add3A_1402, %and3A_1408 : vector<16xi32>
      %and3A_1410 = arith.constant -65536 : i32
      %and3A_1411 = vector.broadcast %and3A_1410 : i32 to vector<16xi32>
      %and3A_1412 = arith.andi %add3A_1409, %and3A_1411 : vector<16xi32>
      %bitcast_convert_type3A_1413 = tpu.bitcast %and3A_1412 : vector<16xi32> -> vector<16xf32>
      %mul3A_1414 = arith.constant 32 : i32
      %mul3A_1415 = arith.muli %add3A_747, %mul3A_1414 : i32
      %add3A_1416 = arith.constant 30 : i32
      %add3A_1417 = arith.addi %mul3A_1415, %add3A_1416 : i32
      %broadcast_in_dim3A_1418 = vector.broadcast %add3A_1417 : i32 to vector<16xi32>
      %gather3A_1419 = tpu.vector_load_idx %arg10[%broadcast_in_dim3A_1418] : memref<8192xf32, #tpu.memory_space<vmem>>[vector<16xi32>], vector<16xf32>,
      %bitcast_convert_type3A_1420 = tpu.bitcast %gather3A_1419 : vector<16xf32> -> vector<16xi32>
      %add3A_1421 = arith.constant 32767 : i32
      %add3A_1422 = vector.broadcast %add3A_1421 : i32 to vector<16xi32>
      %add3A_1423 = arith.addi %bitcast_convert_type3A_1420, %add3A_1422 : vector<16xi32>
      %shift_right_logical3A_1424 = arith.constant 16 : i32
      %shift_right_logical3A_1425 = vector.broadcast %shift_right_logical3A_1424 : i32 to vector<16xi32>
      %shift_right_logical3A_1426 = arith.shrui %bitcast_convert_type3A_1420, %shift_right_logical3A_1425 : vector<16xi32>
      %and3A_1427 = arith.constant 1 : i32
      %and3A_1428 = vector.broadcast %and3A_1427 : i32 to vector<16xi32>
      %and3A_1429 = arith.andi %shift_right_logical3A_1426, %and3A_1428 : vector<16xi32>
      %add3A_1430 = arith.addi %add3A_1423, %and3A_1429 : vector<16xi32>
      %and3A_1431 = arith.constant -65536 : i32
      %and3A_1432 = vector.broadcast %and3A_1431 : i32 to vector<16xi32>
      %and3A_1433 = arith.andi %add3A_1430, %and3A_1432 : vector<16xi32>
      %bitcast_convert_type3A_1434 = tpu.bitcast %and3A_1433 : vector<16xi32> -> vector<16xf32>
      %mul3A_1435 = arith.constant 32 : i32
      %mul3A_1436 = arith.muli %add3A_747, %mul3A_1435 : i32
      %add3A_1437 = arith.constant 31 : i32
      %add3A_1438 = arith.addi %mul3A_1436, %add3A_1437 : i32
      %broadcast_in_dim3A_1439 = vector.broadcast %add3A_1438 : i32 to vector<16xi32>
      %gather3A_1440 = tpu.vector_load_idx %arg10[%broadcast_in_dim3A_1439] : memref<8192xf32, #tpu.memory_space<vmem>>[vector<16xi32>], vector<16xf32>,
      %bitcast_convert_type3A_1441 = tpu.bitcast %gather3A_1440 : vector<16xf32> -> vector<16xi32>
      %add3A_1442 = arith.constant 32767 : i32
      %add3A_1443 = vector.broadcast %add3A_1442 : i32 to vector<16xi32>
      %add3A_1444 = arith.addi %bitcast_convert_type3A_1441, %add3A_1443 : vector<16xi32>
      %shift_right_logical3A_1445 = arith.constant 16 : i32
      %shift_right_logical3A_1446 = vector.broadcast %shift_right_logical3A_1445 : i32 to vector<16xi32>
      %shift_right_logical3A_1447 = arith.shrui %bitcast_convert_type3A_1441, %shift_right_logical3A_1446 : vector<16xi32>
      %and3A_1448 = arith.constant 1 : i32
      %and3A_1449 = vector.broadcast %and3A_1448 : i32 to vector<16xi32>
      %and3A_1450 = arith.andi %shift_right_logical3A_1447, %and3A_1449 : vector<16xi32>
      %add3A_1451 = arith.addi %add3A_1444, %and3A_1450 : vector<16xi32>
      %and3A_1452 = arith.constant -65536 : i32
      %and3A_1453 = vector.broadcast %and3A_1452 : i32 to vector<16xi32>
      %and3A_1454 = arith.andi %add3A_1451, %and3A_1453 : vector<16xi32>
      %bitcast_convert_type3A_1455 = tpu.bitcast %and3A_1454 : vector<16xi32> -> vector<16xf32>
      %gt3A_1456 = arith.constant 0 : i32
      %gt3A_1457 = arith.cmpi sgt, %sub3A_774, %gt3A_1456 : i32
      %broadcast_in_dim3A_1458 = vector.broadcast %gt3A_1457 : i1 to vector<16xi1>
      %scan3A_1459 = arith.constant 0 : i32
      %scan3A_1460 = arith.constant 64 : i32
      %scan3A_1461 = arith.addi %scan3A_1459, %scan3A_1460 : i32
      %scan3A_1462 = arith.constant 1 : i32
      scf.for %scan3A_1476 = %scan3A_1459 to %scan3A_1461 step %scan3A_1462  : i32 {
        %mul3A_1477 = arith.constant 16 : i32
        %mul3A_1478 = arith.muli %scan3A_1476, %mul3A_1477 : i32
        %add3A_1479 = arith.constant 0 : i32
        %add3A_1480 = arith.addi %add3A_1479, %mul3A_1478 : i32
        %get3A = arith.constant 0 : i32
        %get3A_1481 = arith.index_cast %get3A : i32 to index
        %get3A_1482 = arith.index_cast %add3A_1480 : i32 to index
        %get3A_1483 = tpu.vector_load %arg12[%get3A_1481, %get3A_1482] {strides = array<i32>} : memref<1x1024xf32, #tpu.memory_space<vmem>>, vector<16xf32>,
        %broadcast_in_dim3A_1484 = arith.constant 0.000000e+00 : f32
        %broadcast_in_dim3A_1485 = vector.broadcast %broadcast_in_dim3A_1484 : f32 to vector<16xf32>
        %select_n3A_1486 = arith.select %broadcast_in_dim3A_1458, %get3A_1483, %broadcast_in_dim3A_1485 : vector<16xi1>, vector<16xf32>
        %broadcast_in_dim3A_1487 = arith.constant 0.000000e+00 : f32
        %broadcast_in_dim3A_1488 = vector.broadcast %broadcast_in_dim3A_1487 : f32 to vector<16xf32>
        %get3A_1489 = arith.constant 32 : i32
        %get3A_1490 = arith.index_cast %get3A_1489 : i32 to index
        %get3A_1491 = arith.index_cast %add3A_1480 : i32 to index
        %get3A_1492 = tpu.vector_load %arg11[%get3A_1490, %get3A_1491] {strides = array<i32>} : memref<64x1024xf32, #tpu.memory_space<vmem>>, vector<16xf32>,
        %mul3A_1493 = arith.mulf %bitcast_convert_type3A_804, %get3A_1492 : vector<16xf32>
        %add3A_1494 = arith.addf %select_n3A_1486, %mul3A_1493 : vector<16xf32>
        %get3A_1495 = arith.constant 33 : i32
        %get3A_1496 = arith.index_cast %get3A_1495 : i32 to index
        %get3A_1497 = arith.index_cast %add3A_1480 : i32 to index
        %get3A_1498 = tpu.vector_load %arg11[%get3A_1496, %get3A_1497] {strides = array<i32>} : memref<64x1024xf32, #tpu.memory_space<vmem>>, vector<16xf32>,
        %mul3A_1499 = arith.mulf %bitcast_convert_type3A_825, %get3A_1498 : vector<16xf32>
        %add3A_1500 = arith.addf %broadcast_in_dim3A_1488, %mul3A_1499 : vector<16xf32>
        %get3A_1501 = arith.constant 34 : i32
        %get3A_1502 = arith.index_cast %get3A_1501 : i32 to index
        %get3A_1503 = arith.index_cast %add3A_1480 : i32 to index
        %get3A_1504 = tpu.vector_load %arg11[%get3A_1502, %get3A_1503] {strides = array<i32>} : memref<64x1024xf32, #tpu.memory_space<vmem>>, vector<16xf32>,
        %mul3A_1505 = arith.mulf %bitcast_convert_type3A_846, %get3A_1504 : vector<16xf32>
        %add3A_1506 = arith.addf %add3A_1494, %mul3A_1505 : vector<16xf32>
        %get3A_1507 = arith.constant 35 : i32
        %get3A_1508 = arith.index_cast %get3A_1507 : i32 to index
        %get3A_1509 = arith.index_cast %add3A_1480 : i32 to index
        %get3A_1510 = tpu.vector_load %arg11[%get3A_1508, %get3A_1509] {strides = array<i32>} : memref<64x1024xf32, #tpu.memory_space<vmem>>, vector<16xf32>,
        %mul3A_1511 = arith.mulf %bitcast_convert_type3A_867, %get3A_1510 : vector<16xf32>
        %add3A_1512 = arith.addf %add3A_1500, %mul3A_1511 : vector<16xf32>
        %get3A_1513 = arith.constant 36 : i32
        %get3A_1514 = arith.index_cast %get3A_1513 : i32 to index
        %get3A_1515 = arith.index_cast %add3A_1480 : i32 to index
        %get3A_1516 = tpu.vector_load %arg11[%get3A_1514, %get3A_1515] {strides = array<i32>} : memref<64x1024xf32, #tpu.memory_space<vmem>>, vector<16xf32>,
        %mul3A_1517 = arith.mulf %bitcast_convert_type3A_888, %get3A_1516 : vector<16xf32>
        %add3A_1518 = arith.addf %add3A_1506, %mul3A_1517 : vector<16xf32>
        %get3A_1519 = arith.constant 37 : i32
        %get3A_1520 = arith.index_cast %get3A_1519 : i32 to index
        %get3A_1521 = arith.index_cast %add3A_1480 : i32 to index
        %get3A_1522 = tpu.vector_load %arg11[%get3A_1520, %get3A_1521] {strides = array<i32>} : memref<64x1024xf32, #tpu.memory_space<vmem>>, vector<16xf32>,
        %mul3A_1523 = arith.mulf %bitcast_convert_type3A_909, %get3A_1522 : vector<16xf32>
        %add3A_1524 = arith.addf %add3A_1512, %mul3A_1523 : vector<16xf32>
        %get3A_1525 = arith.constant 38 : i32
        %get3A_1526 = arith.index_cast %get3A_1525 : i32 to index
        %get3A_1527 = arith.index_cast %add3A_1480 : i32 to index
        %get3A_1528 = tpu.vector_load %arg11[%get3A_1526, %get3A_1527] {strides = array<i32>} : memref<64x1024xf32, #tpu.memory_space<vmem>>, vector<16xf32>,
        %mul3A_1529 = arith.mulf %bitcast_convert_type3A_930, %get3A_1528 : vector<16xf32>
        %add3A_1530 = arith.addf %add3A_1518, %mul3A_1529 : vector<16xf32>
        %get3A_1531 = arith.constant 39 : i32
        %get3A_1532 = arith.index_cast %get3A_1531 : i32 to index
        %get3A_1533 = arith.index_cast %add3A_1480 : i32 to index
        %get3A_1534 = tpu.vector_load %arg11[%get3A_1532, %get3A_1533] {strides = array<i32>} : memref<64x1024xf32, #tpu.memory_space<vmem>>, vector<16xf32>,
        %mul3A_1535 = arith.mulf %bitcast_convert_type3A_951, %get3A_1534 : vector<16xf32>
        %add3A_1536 = arith.addf %add3A_1524, %mul3A_1535 : vector<16xf32>
        %get3A_1537 = arith.constant 40 : i32
        %get3A_1538 = arith.index_cast %get3A_1537 : i32 to index
        %get3A_1539 = arith.index_cast %add3A_1480 : i32 to index
        %get3A_1540 = tpu.vector_load %arg11[%get3A_1538, %get3A_1539] {strides = array<i32>} : memref<64x1024xf32, #tpu.memory_space<vmem>>, vector<16xf32>,
        %mul3A_1541 = arith.mulf %bitcast_convert_type3A_972, %get3A_1540 : vector<16xf32>
        %add3A_1542 = arith.addf %add3A_1530, %mul3A_1541 : vector<16xf32>
        %get3A_1543 = arith.constant 41 : i32
        %get3A_1544 = arith.index_cast %get3A_1543 : i32 to index
        %get3A_1545 = arith.index_cast %add3A_1480 : i32 to index
        %get3A_1546 = tpu.vector_load %arg11[%get3A_1544, %get3A_1545] {strides = array<i32>} : memref<64x1024xf32, #tpu.memory_space<vmem>>, vector<16xf32>,
        %mul3A_1547 = arith.mulf %bitcast_convert_type3A_993, %get3A_1546 : vector<16xf32>
        %add3A_1548 = arith.addf %add3A_1536, %mul3A_1547 : vector<16xf32>
        %get3A_1549 = arith.constant 42 : i32
        %get3A_1550 = arith.index_cast %get3A_1549 : i32 to index
        %get3A_1551 = arith.index_cast %add3A_1480 : i32 to index
        %get3A_1552 = tpu.vector_load %arg11[%get3A_1550, %get3A_1551] {strides = array<i32>} : memref<64x1024xf32, #tpu.memory_space<vmem>>, vector<16xf32>,
        %mul3A_1553 = arith.mulf %bitcast_convert_type3A_1014, %get3A_1552 : vector<16xf32>
        %add3A_1554 = arith.addf %add3A_1542, %mul3A_1553 : vector<16xf32>
        %get3A_1555 = arith.constant 43 : i32
        %get3A_1556 = arith.index_cast %get3A_1555 : i32 to index
        %get3A_1557 = arith.index_cast %add3A_1480 : i32 to index
        %get3A_1558 = tpu.vector_load %arg11[%get3A_1556, %get3A_1557] {strides = array<i32>} : memref<64x1024xf32, #tpu.memory_space<vmem>>, vector<16xf32>,
        %mul3A_1559 = arith.mulf %bitcast_convert_type3A_1035, %get3A_1558 : vector<16xf32>
        %add3A_1560 = arith.addf %add3A_1548, %mul3A_1559 : vector<16xf32>
        %get3A_1561 = arith.constant 44 : i32
        %get3A_1562 = arith.index_cast %get3A_1561 : i32 to index
        %get3A_1563 = arith.index_cast %add3A_1480 : i32 to index
        %get3A_1564 = tpu.vector_load %arg11[%get3A_1562, %get3A_1563] {strides = array<i32>} : memref<64x1024xf32, #tpu.memory_space<vmem>>, vector<16xf32>,
        %mul3A_1565 = arith.mulf %bitcast_convert_type3A_1056, %get3A_1564 : vector<16xf32>
        %add3A_1566 = arith.addf %add3A_1554, %mul3A_1565 : vector<16xf32>
        %get3A_1567 = arith.constant 45 : i32
        %get3A_1568 = arith.index_cast %get3A_1567 : i32 to index
        %get3A_1569 = arith.index_cast %add3A_1480 : i32 to index
        %get3A_1570 = tpu.vector_load %arg11[%get3A_1568, %get3A_1569] {strides = array<i32>} : memref<64x1024xf32, #tpu.memory_space<vmem>>, vector<16xf32>,
        %mul3A_1571 = arith.mulf %bitcast_convert_type3A_1077, %get3A_1570 : vector<16xf32>
        %add3A_1572 = arith.addf %add3A_1560, %mul3A_1571 : vector<16xf32>
        %get3A_1573 = arith.constant 46 : i32
        %get3A_1574 = arith.index_cast %get3A_1573 : i32 to index
        %get3A_1575 = arith.index_cast %add3A_1480 : i32 to index
        %get3A_1576 = tpu.vector_load %arg11[%get3A_1574, %get3A_1575] {strides = array<i32>} : memref<64x1024xf32, #tpu.memory_space<vmem>>, vector<16xf32>,
        %mul3A_1577 = arith.mulf %bitcast_convert_type3A_1098, %get3A_1576 : vector<16xf32>
        %add3A_1578 = arith.addf %add3A_1566, %mul3A_1577 : vector<16xf32>
        %get3A_1579 = arith.constant 47 : i32
        %get3A_1580 = arith.index_cast %get3A_1579 : i32 to index
        %get3A_1581 = arith.index_cast %add3A_1480 : i32 to index
        %get3A_1582 = tpu.vector_load %arg11[%get3A_1580, %get3A_1581] {strides = array<i32>} : memref<64x1024xf32, #tpu.memory_space<vmem>>, vector<16xf32>,
        %mul3A_1583 = arith.mulf %bitcast_convert_type3A_1119, %get3A_1582 : vector<16xf32>
        %add3A_1584 = arith.addf %add3A_1572, %mul3A_1583 : vector<16xf32>
        %get3A_1585 = arith.constant 48 : i32
        %get3A_1586 = arith.index_cast %get3A_1585 : i32 to index
        %get3A_1587 = arith.index_cast %add3A_1480 : i32 to index
        %get3A_1588 = tpu.vector_load %arg11[%get3A_1586, %get3A_1587] {strides = array<i32>} : memref<64x1024xf32, #tpu.memory_space<vmem>>, vector<16xf32>,
        %mul3A_1589 = arith.mulf %bitcast_convert_type3A_1140, %get3A_1588 : vector<16xf32>
        %add3A_1590 = arith.addf %add3A_1578, %mul3A_1589 : vector<16xf32>
        %get3A_1591 = arith.constant 49 : i32
        %get3A_1592 = arith.index_cast %get3A_1591 : i32 to index
        %get3A_1593 = arith.index_cast %add3A_1480 : i32 to index
        %get3A_1594 = tpu.vector_load %arg11[%get3A_1592, %get3A_1593] {strides = array<i32>} : memref<64x1024xf32, #tpu.memory_space<vmem>>, vector<16xf32>,
        %mul3A_1595 = arith.mulf %bitcast_convert_type3A_1161, %get3A_1594 : vector<16xf32>
        %add3A_1596 = arith.addf %add3A_1584, %mul3A_1595 : vector<16xf32>
        %get3A_1597 = arith.constant 50 : i32
        %get3A_1598 = arith.index_cast %get3A_1597 : i32 to index
        %get3A_1599 = arith.index_cast %add3A_1480 : i32 to index
        %get3A_1600 = tpu.vector_load %arg11[%get3A_1598, %get3A_1599] {strides = array<i32>} : memref<64x1024xf32, #tpu.memory_space<vmem>>, vector<16xf32>,
        %mul3A_1601 = arith.mulf %bitcast_convert_type3A_1182, %get3A_1600 : vector<16xf32>
        %add3A_1602 = arith.addf %add3A_1590, %mul3A_1601 : vector<16xf32>
        %get3A_1603 = arith.constant 51 : i32
        %get3A_1604 = arith.index_cast %get3A_1603 : i32 to index
        %get3A_1605 = arith.index_cast %add3A_1480 : i32 to index
        %get3A_1606 = tpu.vector_load %arg11[%get3A_1604, %get3A_1605] {strides = array<i32>} : memref<64x1024xf32, #tpu.memory_space<vmem>>, vector<16xf32>,
        %mul3A_1607 = arith.mulf %bitcast_convert_type3A_1203, %get3A_1606 : vector<16xf32>
        %add3A_1608 = arith.addf %add3A_1596, %mul3A_1607 : vector<16xf32>
        %get3A_1609 = arith.constant 52 : i32
        %get3A_1610 = arith.index_cast %get3A_1609 : i32 to index
        %get3A_1611 = arith.index_cast %add3A_1480 : i32 to index
        %get3A_1612 = tpu.vector_load %arg11[%get3A_1610, %get3A_1611] {strides = array<i32>} : memref<64x1024xf32, #tpu.memory_space<vmem>>, vector<16xf32>,
        %mul3A_1613 = arith.mulf %bitcast_convert_type3A_1224, %get3A_1612 : vector<16xf32>
        %add3A_1614 = arith.addf %add3A_1602, %mul3A_1613 : vector<16xf32>
        %get3A_1615 = arith.constant 53 : i32
        %get3A_1616 = arith.index_cast %get3A_1615 : i32 to index
        %get3A_1617 = arith.index_cast %add3A_1480 : i32 to index
        %get3A_1618 = tpu.vector_load %arg11[%get3A_1616, %get3A_1617] {strides = array<i32>} : memref<64x1024xf32, #tpu.memory_space<vmem>>, vector<16xf32>,
        %mul3A_1619 = arith.mulf %bitcast_convert_type3A_1245, %get3A_1618 : vector<16xf32>
        %add3A_1620 = arith.addf %add3A_1608, %mul3A_1619 : vector<16xf32>
        %get3A_1621 = arith.constant 54 : i32
        %get3A_1622 = arith.index_cast %get3A_1621 : i32 to index
        %get3A_1623 = arith.index_cast %add3A_1480 : i32 to index
        %get3A_1624 = tpu.vector_load %arg11[%get3A_1622, %get3A_1623] {strides = array<i32>} : memref<64x1024xf32, #tpu.memory_space<vmem>>, vector<16xf32>,
        %mul3A_1625 = arith.mulf %bitcast_convert_type3A_1266, %get3A_1624 : vector<16xf32>
        %add3A_1626 = arith.addf %add3A_1614, %mul3A_1625 : vector<16xf32>
        %get3A_1627 = arith.constant 55 : i32
        %get3A_1628 = arith.index_cast %get3A_1627 : i32 to index
        %get3A_1629 = arith.index_cast %add3A_1480 : i32 to index
        %get3A_1630 = tpu.vector_load %arg11[%get3A_1628, %get3A_1629] {strides = array<i32>} : memref<64x1024xf32, #tpu.memory_space<vmem>>, vector<16xf32>,
        %mul3A_1631 = arith.mulf %bitcast_convert_type3A_1287, %get3A_1630 : vector<16xf32>
        %add3A_1632 = arith.addf %add3A_1620, %mul3A_1631 : vector<16xf32>
        %get3A_1633 = arith.constant 56 : i32
        %get3A_1634 = arith.index_cast %get3A_1633 : i32 to index
        %get3A_1635 = arith.index_cast %add3A_1480 : i32 to index
        %get3A_1636 = tpu.vector_load %arg11[%get3A_1634, %get3A_1635] {strides = array<i32>} : memref<64x1024xf32, #tpu.memory_space<vmem>>, vector<16xf32>,
        %mul3A_1637 = arith.mulf %bitcast_convert_type3A_1308, %get3A_1636 : vector<16xf32>
        %add3A_1638 = arith.addf %add3A_1626, %mul3A_1637 : vector<16xf32>
        %get3A_1639 = arith.constant 57 : i32
        %get3A_1640 = arith.index_cast %get3A_1639 : i32 to index
        %get3A_1641 = arith.index_cast %add3A_1480 : i32 to index
        %get3A_1642 = tpu.vector_load %arg11[%get3A_1640, %get3A_1641] {strides = array<i32>} : memref<64x1024xf32, #tpu.memory_space<vmem>>, vector<16xf32>,
        %mul3A_1643 = arith.mulf %bitcast_convert_type3A_1329, %get3A_1642 : vector<16xf32>
        %add3A_1644 = arith.addf %add3A_1632, %mul3A_1643 : vector<16xf32>
        %get3A_1645 = arith.constant 58 : i32
        %get3A_1646 = arith.index_cast %get3A_1645 : i32 to index
        %get3A_1647 = arith.index_cast %add3A_1480 : i32 to index
        %get3A_1648 = tpu.vector_load %arg11[%get3A_1646, %get3A_1647] {strides = array<i32>} : memref<64x1024xf32, #tpu.memory_space<vmem>>, vector<16xf32>,
        %mul3A_1649 = arith.mulf %bitcast_convert_type3A_1350, %get3A_1648 : vector<16xf32>
        %add3A_1650 = arith.addf %add3A_1638, %mul3A_1649 : vector<16xf32>
        %get3A_1651 = arith.constant 59 : i32
        %get3A_1652 = arith.index_cast %get3A_1651 : i32 to index
        %get3A_1653 = arith.index_cast %add3A_1480 : i32 to index
        %get3A_1654 = tpu.vector_load %arg11[%get3A_1652, %get3A_1653] {strides = array<i32>} : memref<64x1024xf32, #tpu.memory_space<vmem>>, vector<16xf32>,
        %mul3A_1655 = arith.mulf %bitcast_convert_type3A_1371, %get3A_1654 : vector<16xf32>
        %add3A_1656 = arith.addf %add3A_1644, %mul3A_1655 : vector<16xf32>
        %get3A_1657 = arith.constant 60 : i32
        %get3A_1658 = arith.index_cast %get3A_1657 : i32 to index
        %get3A_1659 = arith.index_cast %add3A_1480 : i32 to index
        %get3A_1660 = tpu.vector_load %arg11[%get3A_1658, %get3A_1659] {strides = array<i32>} : memref<64x1024xf32, #tpu.memory_space<vmem>>, vector<16xf32>,
        %mul3A_1661 = arith.mulf %bitcast_convert_type3A_1392, %get3A_1660 : vector<16xf32>
        %add3A_1662 = arith.addf %add3A_1650, %mul3A_1661 : vector<16xf32>
        %get3A_1663 = arith.constant 61 : i32
        %get3A_1664 = arith.index_cast %get3A_1663 : i32 to index
        %get3A_1665 = arith.index_cast %add3A_1480 : i32 to index
        %get3A_1666 = tpu.vector_load %arg11[%get3A_1664, %get3A_1665] {strides = array<i32>} : memref<64x1024xf32, #tpu.memory_space<vmem>>, vector<16xf32>,
        %mul3A_1667 = arith.mulf %bitcast_convert_type3A_1413, %get3A_1666 : vector<16xf32>
        %add3A_1668 = arith.addf %add3A_1656, %mul3A_1667 : vector<16xf32>
        %get3A_1669 = arith.constant 62 : i32
        %get3A_1670 = arith.index_cast %get3A_1669 : i32 to index
        %get3A_1671 = arith.index_cast %add3A_1480 : i32 to index
        %get3A_1672 = tpu.vector_load %arg11[%get3A_1670, %get3A_1671] {strides = array<i32>} : memref<64x1024xf32, #tpu.memory_space<vmem>>, vector<16xf32>,
        %mul3A_1673 = arith.mulf %bitcast_convert_type3A_1434, %get3A_1672 : vector<16xf32>
        %add3A_1674 = arith.addf %add3A_1662, %mul3A_1673 : vector<16xf32>
        %get3A_1675 = arith.constant 63 : i32
        %get3A_1676 = arith.index_cast %get3A_1675 : i32 to index
        %get3A_1677 = arith.index_cast %add3A_1480 : i32 to index
        %get3A_1678 = tpu.vector_load %arg11[%get3A_1676, %get3A_1677] {strides = array<i32>} : memref<64x1024xf32, #tpu.memory_space<vmem>>, vector<16xf32>,
        %mul3A_1679 = arith.mulf %bitcast_convert_type3A_1455, %get3A_1678 : vector<16xf32>
        %add3A_1680 = arith.addf %add3A_1668, %mul3A_1679 : vector<16xf32>
        %add3A_1681 = arith.addf %add3A_1674, %add3A_1680 : vector<16xf32>
        %swap3A = arith.constant 0 : i32
        %swap3A_1682 = arith.index_cast %swap3A : i32 to index
        %swap3A_1683 = arith.index_cast %add3A_1480 : i32 to index
        %swap3A_1684 = tpu.vector_load %arg12[%swap3A_1682, %swap3A_1683] {strides = array<i32>} : memref<1x1024xf32, #tpu.memory_space<vmem>>, vector<16xf32>,
        tpu.vector_store %arg12[%swap3A_1682, %swap3A_1683], %add3A_1681 {strides = array<i32>} : memref<1x1024xf32, #tpu.memory_space<vmem>>, vector<16xf32>,
      }
      %scan3A_1463 = arith.constant 64 : i32
      %eq3A_1464 = arith.constant 3 : i32
      %eq3A_1465 = arith.cmpi eq, %sub3A_774, %eq3A_1464 : i32
      %convert_element_type3A_1466 = arith.extui %eq3A_1465 : i1 to i32
      %cond3A_1467 = arith.constant 0 : i32
      %cond3A_1468 = arith.cmpi ne, %convert_element_type3A_1466, %cond3A_1467 : i32
      scf.if %cond3A_1468 {
        %add3A_1476 = arith.addi %mul3A_4, %select_n3A_771 : i32
        "tpu.region"() ({
          %run_scoped3A = tpu.sem_alloc : memref<!tpu.dma_semaphore, #tpu.memory_space<semaphore_mem>>
          %dma_start3A_1477 = arith.constant 0 : i32
          %dma_start3A_1478 = tpu.memref_slice %arg6[%add3A_1476, %dma_start3A_1477] : memref<2048x1024xf32, #tpu.memory_space<hbm>> -> memref<1x1024xf32, #tpu.memory_space<hbm>>
          %dma_start3A_1479 = arith.constant 0 : i32
          %dma_start3A_1480 = tpu.memref_slice %arg6[%add3A_1476, %dma_start3A_1479] : memref<2048x1024xf32, #tpu.memory_space<hbm>> -> memref<1x1024xf32, #tpu.memory_space<hbm>>
          tpu.enqueue_dma source(%arg12 : memref<1x1024xf32, #tpu.memory_space<vmem>>) target(%dma_start3A_1480 : memref<1x1024xf32, #tpu.memory_space<hbm>>) target_semaphore(%run_scoped3A : memref<!tpu.dma_semaphore, #tpu.memory_space<semaphore_mem>>)
          %dma_wait3A_1481 = arith.constant 0 : i32
          %dma_wait3A_1482 = tpu.memref_slice %arg6[%add3A_1476, %dma_wait3A_1481] : memref<2048x1024xf32, #tpu.memory_space<hbm>> -> memref<1x1024xf32, #tpu.memory_space<hbm>>
          %dma_wait3A_1483 = arith.constant 0 : i32
          %dma_wait3A_1484 = tpu.memref_slice %arg6[%add3A_1476, %dma_wait3A_1483] : memref<2048x1024xf32, #tpu.memory_space<hbm>> -> memref<1x1024xf32, #tpu.memory_space<hbm>>
          tpu.wait_dma2 semaphore(%run_scoped3A : memref<!tpu.dma_semaphore, #tpu.memory_space<semaphore_mem>>) src(%arg12 : memref<1x1024xf32, #tpu.memory_space<vmem>>) dst(%dma_wait3A_1484 : memref<1x1024xf32, #tpu.memory_space<hbm>>)
          tpu.yield
        }) : () -> ()
      } else {
      }
      %add3A_1469 = arith.constant 2 : i32
      %add3A_1470 = arith.addi %add3A_747, %add3A_1469 : i32
      %lt3A_1471 = arith.constant 256 : i32
      %lt3A_1472 = arith.cmpi slt, %add3A_1470, %lt3A_1471 : i32
      %convert_element_type3A_1473 = arith.extui %lt3A_1472 : i1 to i32
      %cond3A_1474 = arith.constant 0 : i32
      %cond3A_1475 = arith.cmpi ne, %convert_element_type3A_1473, %cond3A_1474 : i32
      scf.if %cond3A_1475 {
        %add3A_1476 = arith.constant 2 : i32
        %add3A_1477 = arith.addi %add3A_747, %add3A_1476 : i32
        %mul3A_1478 = arith.constant 32 : i32
        %mul3A_1479 = arith.muli %add3A_1477, %mul3A_1478 : i32
        %dma_start3A_1480 = arith.constant 32 : i32
        %dma_start3A_1481 = arith.constant 0 : i32
        %dma_start3A_1482 = tpu.memref_slice %arg11[%dma_start3A_1480, %dma_start3A_1481] : memref<64x1024xf32, #tpu.memory_space<vmem>> -> memref<32x1024xf32, #tpu.memory_space<vmem>>
        %dma_start3A_1483 = tpu.memref_slice %arg9[%mul3A_1479] : memref<8192xi32, #tpu.memory_space<vmem>> -> memref<32xi32, #tpu.memory_space<vmem>>
        %dma_start3A_1484 = arith.constant 0 : i32
        %dma_start3A_1485 = arith.constant 0 : i32
        %dma_start3A_1486 = tpu.memref_slice %arg2[%dma_start3A_1484, %dma_start3A_1485] : memref<16384x1024xf32, #tpu.memory_space<hbm>> -> memref<16384x1024xf32, #tpu.memory_space<hbm>>
        tpu.enqueue_indirect_dma source(%dma_start3A_1486 : memref<16384x1024xf32, #tpu.memory_space<hbm>>) target(%dma_start3A_1482 : memref<32x1024xf32, #tpu.memory_space<vmem>>) offsets(%dma_start3A_1483 : memref<32xi32, #tpu.memory_space<vmem>>) semaphore(%arg14 : memref<!tpu.dma_semaphore, #tpu.memory_space<semaphore_mem>>)
      } else {
      }
    }
    %scan3A_28 = arith.constant 128 : i32
    return
  }
}

module attributes {stable_mosaic.version = 14 : i64} {
  func.func @_round_vals_body(%arg0: i32, %arg1: memref<512x1024xf32, #tpu.memory_space<vmem>>, %arg2: memref<512x1024xf32, #tpu.memory_space<vmem>>) attributes {dimension_semantics = [#tpu.dimension_semantics<parallel>], iteration_bounds = array<i64: 32>, scalar_prefetch = 0 : i64, scratch_operands = 0 : i64, tpu.core_type = #tpu.core_type<tc>, window_params = [{transform_indices = @transform_0, window_bounds = array<i64: 512, 1024>}, {transform_indices = @transform_1, window_bounds = array<i64: 512, 1024>}]} {
    %get3A = arith.constant 0 : index
    %get3A_0 = arith.constant 0 : index
    %get3A_1 = vector.load %arg1[%get3A, %get3A_0] : memref<512x1024xf32, #tpu.memory_space<vmem>>, vector<512x1024xf32>
    %convert_element_type3A = arith.truncf %get3A_1 : vector<512x1024xf32> to vector<512x1024xbf16>
    %convert_element_type3A_2 = arith.extf %convert_element_type3A : vector<512x1024xbf16> to vector<512x1024xf32>
    %swap3A = arith.constant 0 : index
    %swap3A_3 = arith.constant 0 : index
    %swap3A_4 = vector.load %arg2[%swap3A, %swap3A_3] : memref<512x1024xf32, #tpu.memory_space<vmem>>, vector<512x1024xf32>
    tpu.vector_store %arg2[%swap3A, %swap3A_3], %convert_element_type3A_2 {strides = array<i32>} : memref<512x1024xf32, #tpu.memory_space<vmem>>, vector<512x1024xf32>,
    return
  }
  func.func @transform_0(%arg0: i32) -> (i32, i32) {
    %c0_i32 = arith.constant 0 : i32
    %c0_i32_0 = arith.constant 0 : i32
    return %arg0, %c0_i32 : i32, i32
  }
  func.func @transform_1(%arg0: i32) -> (i32, i32) {
    %c0_i32 = arith.constant 0 : i32
    %c0_i32_0 = arith.constant 0 : i32
    return %arg0, %c0_i32 : i32, i32
  }
}

module attributes {stable_mosaic.version = 14 : i64} {
  func.func @_stage_a_body(%arg0: i32, %arg1: memref<256x4096xf32, #tpu.memory_space<vmem>>, %arg2: memref<4096x256xf32, #tpu.memory_space<vmem>>, %arg3: memref<2x128x512xf32, #tpu.memory_space<vmem>>, %arg4: memref<1x128xf32, #tpu.memory_space<vmem>>, %arg5: memref<1x128x1xf32, #tpu.memory_space<vmem>>, %arg6: memref<16xf32, #tpu.memory_space<smem>>, %arg7: memref<256x128xf32, #tpu.memory_space<vmem>>, %arg8: memref<256x128xi32, #tpu.memory_space<vmem>>) attributes {dimension_semantics = [#tpu.dimension_semantics<parallel>], iteration_bounds = array<i64: 8>, scalar_prefetch = 0 : i64, scratch_operands = 0 : i64, tpu.core_type = #tpu.core_type<tc>, window_params = [{transform_indices = @transform_0, window_bounds = array<i64: 256, 4096>}, {pipeline_mode = #tpu.pipeline_mode<synchronous>, transform_indices = @transform_1, window_bounds = array<i64: 4096, 256>}, {pipeline_mode = #tpu.pipeline_mode<synchronous>, transform_indices = @transform_2, window_bounds = array<i64: 2, 128, 512>}, {pipeline_mode = #tpu.pipeline_mode<synchronous>, transform_indices = @transform_3, window_bounds = array<i64: 1, 128>}, {pipeline_mode = #tpu.pipeline_mode<synchronous>, transform_indices = @transform_4, window_bounds = array<i64: 1, 128, 1>}, {transform_indices = @transform_5, window_bounds = array<i64: 16>}, {transform_indices = @transform_6, window_bounds = array<i64: 256, 128>}, {transform_indices = @transform_7, window_bounds = array<i64: 256, 128>}]} {
    %get3A = arith.constant 0 : index
    %get3A_0 = arith.constant 0 : index
    %get3A_1 = vector.load %arg1[%get3A, %get3A_0] : memref<256x4096xf32, #tpu.memory_space<vmem>>, vector<256x4096xf32>
    %convert_element_type3A = arith.truncf %get3A_1 : vector<256x4096xf32> to vector<256x4096xbf16>
    %get3A_2 = arith.constant 0 : index
    %get3A_3 = arith.constant 0 : index
    %get3A_4 = vector.load %arg2[%get3A_2, %get3A_3] : memref<4096x256xf32, #tpu.memory_space<vmem>>, vector<4096x256xf32>
    %convert_element_type3A_5 = arith.truncf %get3A_4 : vector<4096x256xf32> to vector<4096x256xbf16>
    %dot_general3A = arith.constant dense<0.000000e+00> : vector<256x256xf32>
    %dot_general3A_6 = tpu.matmul %convert_element_type3A, %convert_element_type3A_5, %dot_general3A {dimension_numbers = #tpu.dot_dimension_numbers<[1], [0], [0], [1], [0, 0, 1, 1], [], []>, transpose_lhs_hint = false} : vector<256x4096xbf16>, vector<4096x256xbf16>, vector<256x256xf32> -> vector<256x256xf32>
    %slice3A = vector.extract_strided_slice %dot_general3A_6 {offsets = [0, 0], sizes = [256, 128], strides = [1, 1]} : vector<256x256xf32> to vector<256x128xf32>
    %get3A_7 = arith.constant 0 : index
    %get3A_8 = arith.constant 0 : index
    %get3A_9 = vector.load %arg4[%get3A_7, %get3A_8] : memref<1x128xf32, #tpu.memory_space<vmem>>, vector<1x128xf32>
    %reduce_sum3A = arith.constant dense<0.000000e+00> : vector<256xf32>
    %reduce_sum3A_10 = vector.multi_reduction <add>, %slice3A, %reduce_sum3A [1] : vector<256x128xf32> to vector<256xf32>
    %broadcast_in_dim3A = vector.shape_cast %reduce_sum3A_10 : vector<256xf32> to vector<256x1xf32>
    %div3A = arith.constant 1.280000e+02 : f32
    %div3A_11 = vector.broadcast %div3A : f32 to vector<256x1xf32>
    %div3A_12 = arith.divf %broadcast_in_dim3A, %div3A_11 : vector<256x1xf32>
    %sub3A = vector.broadcast %div3A_12 : vector<256x1xf32> to vector<256x128xf32>
    %sub3A_13 = arith.subf %slice3A, %sub3A : vector<256x128xf32>
    %mul3A = arith.mulf %sub3A_13, %sub3A_13 : vector<256x128xf32>
    %reduce_sum3A_14 = arith.constant dense<0.000000e+00> : vector<256xf32>
    %reduce_sum3A_15 = vector.multi_reduction <add>, %mul3A, %reduce_sum3A_14 [1] : vector<256x128xf32> to vector<256xf32>
    %broadcast_in_dim3A_16 = vector.shape_cast %reduce_sum3A_15 : vector<256xf32> to vector<256x1xf32>
    %div3A_17 = arith.constant 1.280000e+02 : f32
    %div3A_18 = vector.broadcast %div3A_17 : f32 to vector<256x1xf32>
    %div3A_19 = arith.divf %broadcast_in_dim3A_16, %div3A_18 : vector<256x1xf32>
    %add3A = arith.constant 9.99999974E-6 : f32
    %add3A_20 = vector.broadcast %add3A : f32 to vector<256x1xf32>
    %add3A_21 = arith.addf %div3A_19, %add3A_20 : vector<256x1xf32>
    %rsqrt3A = math.rsqrt %add3A_21 : vector<256x1xf32>
    %mul3A_22 = vector.broadcast %rsqrt3A : vector<256x1xf32> to vector<256x128xf32>
    %mul3A_23 = arith.mulf %sub3A_13, %mul3A_22 : vector<256x128xf32>
    %mul3A_24 = vector.broadcast %get3A_9 : vector<1x128xf32> to vector<256x128xf32>
    %mul3A_25 = arith.mulf %mul3A_23, %mul3A_24 : vector<256x128xf32>
    %slice3A_26 = vector.extract_strided_slice %dot_general3A_6 {offsets = [0, 128], sizes = [256, 128], strides = [1, 1]} : vector<256x256xf32> to vector<256x128xf32>
    %get3A_27 = arith.constant 0 : index
    %get3A_28 = arith.constant 0 : index
    %get3A_29 = vector.load %arg4[%get3A_27, %get3A_28] : memref<1x128xf32, #tpu.memory_space<vmem>>, vector<1x128xf32>
    %reduce_sum3A_30 = arith.constant dense<0.000000e+00> : vector<256xf32>
    %reduce_sum3A_31 = vector.multi_reduction <add>, %slice3A_26, %reduce_sum3A_30 [1] : vector<256x128xf32> to vector<256xf32>
    %broadcast_in_dim3A_32 = vector.shape_cast %reduce_sum3A_31 : vector<256xf32> to vector<256x1xf32>
    %div3A_33 = arith.constant 1.280000e+02 : f32
    %div3A_34 = vector.broadcast %div3A_33 : f32 to vector<256x1xf32>
    %div3A_35 = arith.divf %broadcast_in_dim3A_32, %div3A_34 : vector<256x1xf32>
    %sub3A_36 = vector.broadcast %div3A_35 : vector<256x1xf32> to vector<256x128xf32>
    %sub3A_37 = arith.subf %slice3A_26, %sub3A_36 : vector<256x128xf32>
    %mul3A_38 = arith.mulf %sub3A_37, %sub3A_37 : vector<256x128xf32>
    %reduce_sum3A_39 = arith.constant dense<0.000000e+00> : vector<256xf32>
    %reduce_sum3A_40 = vector.multi_reduction <add>, %mul3A_38, %reduce_sum3A_39 [1] : vector<256x128xf32> to vector<256xf32>
    %broadcast_in_dim3A_41 = vector.shape_cast %reduce_sum3A_40 : vector<256xf32> to vector<256x1xf32>
    %div3A_42 = arith.constant 1.280000e+02 : f32
    %div3A_43 = vector.broadcast %div3A_42 : f32 to vector<256x1xf32>
    %div3A_44 = arith.divf %broadcast_in_dim3A_41, %div3A_43 : vector<256x1xf32>
    %add3A_45 = arith.constant 9.99999974E-6 : f32
    %add3A_46 = vector.broadcast %add3A_45 : f32 to vector<256x1xf32>
    %add3A_47 = arith.addf %div3A_44, %add3A_46 : vector<256x1xf32>
    %rsqrt3A_48 = math.rsqrt %add3A_47 : vector<256x1xf32>
    %mul3A_49 = vector.broadcast %rsqrt3A_48 : vector<256x1xf32> to vector<256x128xf32>
    %mul3A_50 = arith.mulf %sub3A_37, %mul3A_49 : vector<256x128xf32>
    %mul3A_51 = vector.broadcast %get3A_29 : vector<1x128xf32> to vector<256x128xf32>
    %mul3A_52 = arith.mulf %mul3A_50, %mul3A_51 : vector<256x128xf32>
    %get3A_53 = arith.constant 0 : index
    %get3A_54 = arith.constant 0 : index
    %get3A_55 = arith.constant 0 : index
    %get3A_56 = vector.load %arg3[%get3A_53, %get3A_54, %get3A_55] : memref<2x128x512xf32, #tpu.memory_space<vmem>>, vector<2x128x512xf32>
    %reduce_sum3A_57 = arith.constant dense<0.000000e+00> : vector<2x512xf32>
    %reduce_sum3A_58 = vector.multi_reduction <add>, %get3A_56, %reduce_sum3A_57 [1] : vector<2x128x512xf32> to vector<2x512xf32>
    %broadcast_in_dim3A_59 = vector.shape_cast %reduce_sum3A_58 : vector<2x512xf32> to vector<2x1x512xf32>
    %div3A_60 = arith.constant 1.280000e+02 : f32
    %div3A_61 = vector.broadcast %div3A_60 : f32 to vector<2x1x512xf32>
    %div3A_62 = arith.divf %broadcast_in_dim3A_59, %div3A_61 : vector<2x1x512xf32>
    %sub3A_63 = vector.broadcast %div3A_62 : vector<2x1x512xf32> to vector<2x128x512xf32>
    %sub3A_64 = arith.subf %get3A_56, %sub3A_63 : vector<2x128x512xf32>
    %mul3A_65 = arith.mulf %sub3A_64, %sub3A_64 : vector<2x128x512xf32>
    %reduce_sum3A_66 = arith.constant dense<0.000000e+00> : vector<2x512xf32>
    %reduce_sum3A_67 = vector.multi_reduction <add>, %mul3A_65, %reduce_sum3A_66 [1] : vector<2x128x512xf32> to vector<2x512xf32>
    %broadcast_in_dim3A_68 = vector.shape_cast %reduce_sum3A_67 : vector<2x512xf32> to vector<2x1x512xf32>
    %div3A_69 = arith.constant 1.280000e+02 : f32
    %div3A_70 = vector.broadcast %div3A_69 : f32 to vector<2x1x512xf32>
    %div3A_71 = arith.divf %broadcast_in_dim3A_68, %div3A_70 : vector<2x1x512xf32>
    %add3A_72 = arith.constant 9.99999974E-6 : f32
    %add3A_73 = vector.broadcast %add3A_72 : f32 to vector<2x1x512xf32>
    %add3A_74 = arith.addf %div3A_71, %add3A_73 : vector<2x1x512xf32>
    %rsqrt3A_75 = math.rsqrt %add3A_74 : vector<2x1x512xf32>
    %mul3A_76 = vector.broadcast %rsqrt3A_75 : vector<2x1x512xf32> to vector<2x128x512xf32>
    %mul3A_77 = arith.mulf %sub3A_64, %mul3A_76 : vector<2x128x512xf32>
    %get3A_78 = arith.constant 0 : index
    %get3A_79 = arith.constant 0 : index
    %get3A_80 = arith.constant 0 : index
    %get3A_81 = vector.load %arg5[%get3A_78, %get3A_79, %get3A_80] : memref<1x128x1xf32, #tpu.memory_space<vmem>>, vector<1x128x1xf32>
    %mul3A_82 = vector.broadcast %get3A_81 : vector<1x128x1xf32> to vector<2x128x512xf32>
    %mul3A_83 = arith.mulf %mul3A_77, %mul3A_82 : vector<2x128x512xf32>
    %convert_element_type3A_84 = arith.truncf %mul3A_83 : vector<2x128x512xf32> to vector<2x128x512xbf16>
    %convert_element_type3A_85 = arith.truncf %mul3A_25 : vector<256x128xf32> to vector<256x128xbf16>
    %slice3A_86 = vector.extract_strided_slice %convert_element_type3A_84 {offsets = [0, 0, 0], sizes = [1, 128, 512], strides = [1, 1, 1]} : vector<2x128x512xbf16> to vector<1x128x512xbf16>
    %squeeze3A = vector.shape_cast %slice3A_86 : vector<1x128x512xbf16> to vector<128x512xbf16>
    %dot_general3A_87 = arith.constant dense<0.000000e+00> : vector<256x512xf32>
    %dot_general3A_88 = tpu.matmul %convert_element_type3A_85, %squeeze3A, %dot_general3A_87 {dimension_numbers = #tpu.dot_dimension_numbers<[1], [0], [0], [1], [0, 0, 1, 1], [], []>, transpose_lhs_hint = false} : vector<256x128xbf16>, vector<128x512xbf16>, vector<256x512xf32> -> vector<256x512xf32>
    %convert_element_type3A_89 = arith.truncf %mul3A_52 : vector<256x128xf32> to vector<256x128xbf16>
    %slice3A_90 = vector.extract_strided_slice %convert_element_type3A_84 {offsets = [1, 0, 0], sizes = [1, 128, 512], strides = [1, 1, 1]} : vector<2x128x512xbf16> to vector<1x128x512xbf16>
    %squeeze3A_91 = vector.shape_cast %slice3A_90 : vector<1x128x512xbf16> to vector<128x512xbf16>
    %dot_general3A_92 = arith.constant dense<0.000000e+00> : vector<256x512xf32>
    %dot_general3A_93 = tpu.matmul %convert_element_type3A_89, %squeeze3A_91, %dot_general3A_92 {dimension_numbers = #tpu.dot_dimension_numbers<[1], [0], [0], [1], [0, 0, 1, 1], [], []>, transpose_lhs_hint = false} : vector<256x128xbf16>, vector<128x512xbf16>, vector<256x512xf32> -> vector<256x512xf32>
    %iota3A = tpu.iota {dimensions = array<i32: 0>} : vector<32x1024xi32>
    %iota3A_94 = tpu.iota {dimensions = array<i32: 1>} : vector<32x1024xi32>
    %jit3A = arith.constant 32 : i32
    %div3A_95 = vector.broadcast %jit3A : i32 to vector<32x1024xi32>
    %div3A_96 = arith.divsi %iota3A_94, %div3A_95 : vector<32x1024xi32>
    %sign3A = arith.constant 0 : i32
    %sign3A_97 = vector.broadcast %sign3A : i32 to vector<32x1024xi32>
    %sign3A_98 = arith.cmpi sgt, %iota3A_94, %sign3A_97 : vector<32x1024xi32>
    %sign3A_99 = arith.extui %sign3A_98 : vector<32x1024xi1> to vector<32x1024xi32>
    %sign3A_100 = arith.constant 0 : i32
    %sign3A_101 = vector.broadcast %sign3A_100 : i32 to vector<32x1024xi32>
    %sign3A_102 = arith.cmpi slt, %iota3A_94, %sign3A_101 : vector<32x1024xi32>
    %sign3A_103 = arith.extui %sign3A_102 : vector<32x1024xi1> to vector<32x1024xi32>
    %sign3A_104 = arith.subi %sign3A_99, %sign3A_103 : vector<32x1024xi32>
    %sign3A_105 = arith.constant 0 : i32
    %sign3A_106 = arith.cmpi sgt, %jit3A, %sign3A_105 : i32
    %sign3A_107 = arith.extui %sign3A_106 : i1 to i32
    %sign3A_108 = arith.constant 0 : i32
    %sign3A_109 = arith.cmpi slt, %jit3A, %sign3A_108 : i32
    %sign3A_110 = arith.extui %sign3A_109 : i1 to i32
    %sign3A_111 = arith.subi %sign3A_107, %sign3A_110 : i32
    %ne3A = vector.broadcast %sign3A_111 : i32 to vector<32x1024xi32>
    %ne3A_112 = arith.cmpi ne, %sign3A_104, %ne3A : vector<32x1024xi32>
    %rem3A = vector.broadcast %jit3A : i32 to vector<32x1024xi32>
    %rem3A_113 = arith.remsi %iota3A_94, %rem3A : vector<32x1024xi32>
    %ne3A_114 = arith.constant 0 : i32
    %ne3A_115 = vector.broadcast %ne3A_114 : i32 to vector<32x1024xi32>
    %ne3A_116 = arith.cmpi ne, %rem3A_113, %ne3A_115 : vector<32x1024xi32>
    %and3A = arith.andi %ne3A_112, %ne3A_116 : vector<32x1024xi1>
    %sub3A_117 = arith.constant 1 : i32
    %sub3A_118 = vector.broadcast %sub3A_117 : i32 to vector<32x1024xi32>
    %sub3A_119 = arith.subi %div3A_96, %sub3A_118 : vector<32x1024xi32>
    %select_n3A = arith.select %and3A, %sub3A_119, %div3A_96 : vector<32x1024xi1>, vector<32x1024xi32>
    %eq3A = arith.cmpi eq, %iota3A, %select_n3A : vector<32x1024xi32>
    %convert_element_type3A_120 = arith.extui %eq3A : vector<32x1024xi1> to vector<32x1024xi32>
    %convert_element_type3A_121 = arith.sitofp %convert_element_type3A_120 : vector<32x1024xi32> to vector<32x1024xf32>
    %convert_element_type3A_122 = arith.truncf %convert_element_type3A_121 : vector<32x1024xf32> to vector<32x1024xbf16>
    %jit3A_123 = arith.constant 32 : i32
    %eq3A_124 = arith.constant 0 : i32
    %eq3A_125 = arith.cmpi eq, %jit3A_123, %eq3A_124 : i32
    %jit3A_126 = arith.constant 1 : i32
    %select_n3A_127 = arith.select %eq3A_125, %jit3A_126, %jit3A_123 : i32
    %rem3A_128 = vector.broadcast %select_n3A_127 : i32 to vector<32x1024xi32>
    %rem3A_129 = arith.remsi %iota3A_94, %rem3A_128 : vector<32x1024xi32>
    %ne3A_130 = arith.constant 0 : i32
    %ne3A_131 = vector.broadcast %ne3A_130 : i32 to vector<32x1024xi32>
    %ne3A_132 = arith.cmpi ne, %rem3A_129, %ne3A_131 : vector<32x1024xi32>
    %lt3A = arith.constant 0 : i32
    %lt3A_133 = vector.broadcast %lt3A : i32 to vector<32x1024xi32>
    %lt3A_134 = arith.cmpi slt, %rem3A_129, %lt3A_133 : vector<32x1024xi32>
    %lt3A_135 = arith.constant 0 : i32
    %lt3A_136 = arith.cmpi slt, %select_n3A_127, %lt3A_135 : i32
    %ne3A_137 = vector.broadcast %lt3A_136 : i1 to vector<32x1024xi1>
    %ne3A_138 = vector.broadcast %ne3A_137 : vector<32x1024xi1> to vector<32x1024xi1>
    %ne3A_139 = arith.xori %lt3A_134, %ne3A_138 : vector<32x1024xi1>
    %and3A_140 = arith.andi %ne3A_139, %ne3A_132 : vector<32x1024xi1>
    %add3A_141 = vector.broadcast %select_n3A_127 : i32 to vector<32x1024xi32>
    %add3A_142 = arith.addi %rem3A_129, %add3A_141 : vector<32x1024xi32>
    %select_n3A_143 = arith.select %and3A_140, %add3A_142, %rem3A_129 : vector<32x1024xi1>, vector<32x1024xi32>
    %eq3A_144 = arith.cmpi eq, %iota3A, %select_n3A_143 : vector<32x1024xi32>
    %convert_element_type3A_145 = arith.extui %eq3A_144 : vector<32x1024xi1> to vector<32x1024xi32>
    %convert_element_type3A_146 = arith.sitofp %convert_element_type3A_145 : vector<32x1024xi32> to vector<32x1024xf32>
    %convert_element_type3A_147 = arith.truncf %convert_element_type3A_146 : vector<32x1024xf32> to vector<32x1024xbf16>
    %iota3A_148 = tpu.iota {dimensions = array<i32: 1>} : vector<256x1024xi32>
    %convert_element_type3A_149 = arith.sitofp %iota3A_148 : vector<256x1024xi32> to vector<256x1024xf32>
    %iota3A_150 = tpu.iota {dimensions = array<i32: 1>} : vector<256x32xi32>
    %convert_element_type3A_151 = arith.sitofp %iota3A_150 : vector<256x32xi32> to vector<256x32xf32>
    %iota3A_152 = tpu.iota {dimensions = array<i32: 1>} : vector<256x32xi32>
    %slice3A_153 = vector.extract_strided_slice %dot_general3A_88 {offsets = [0, 0], sizes = [256, 128], strides = [1, 1]} : vector<256x512xf32> to vector<256x128xf32>
    %slice3A_154 = vector.extract_strided_slice %dot_general3A_88 {offsets = [0, 256], sizes = [256, 128], strides = [1, 1]} : vector<256x512xf32> to vector<256x128xf32>
    %add3A_155 = arith.addf %slice3A_153, %slice3A_154 : vector<256x128xf32>
    %iota3A_156 = tpu.iota {dimensions = array<i32: 1>} : vector<256x128xi32>
    %convert_element_type3A_157 = arith.sitofp %iota3A_156 : vector<256x128xi32> to vector<256x128xf32>
    %iota3A_158 = tpu.iota {dimensions = array<i32: 1>} : vector<256x32xi32>
    %broadcast_in_dim3A_159 = arith.constant 0.000000e+00 : f32
    %broadcast_in_dim3A_160 = vector.broadcast %broadcast_in_dim3A_159 : f32 to vector<256x32xf32>
    %scan3A = arith.constant 0 : i32
    %scan3A_161 = arith.constant 32 : i32
    %scan3A_162 = arith.addi %scan3A, %scan3A_161 : i32
    %scan3A_163 = arith.constant 1 : i32
    %scan3A_164:4 = scf.for %scan3A_481 = %scan3A to %scan3A_162 step %scan3A_163 iter_args(%scan3A_482 = %add3A_155, %scan3A_483 = %broadcast_in_dim3A_160, %scan3A_484 = %broadcast_in_dim3A_160, %scan3A_485 = %broadcast_in_dim3A_160) -> (vector<256x128xf32>, vector<256x32xf32>, vector<256x32xf32>, vector<256x32xf32>)  : i32 {
      %reduce_max3A_486 = arith.constant dense<0xFF800000> : vector<256xf32>
      %reduce_max3A_487 = vector.multi_reduction <maximumf>, %scan3A_482, %reduce_max3A_486 [1] : vector<256x128xf32> to vector<256xf32>
      %broadcast_in_dim3A_488 = vector.shape_cast %reduce_max3A_487 : vector<256xf32> to vector<256x1xf32>
      %eq3A_489 = vector.broadcast %broadcast_in_dim3A_488 : vector<256x1xf32> to vector<256x128xf32>
      %eq3A_490 = arith.cmpf oeq, %scan3A_482, %eq3A_489 : vector<256x128xf32>
      %jit3A_491 = arith.constant 1.000000e+09 : f32
      %broadcast_in_dim3A_492 = vector.broadcast %jit3A_491 : f32 to vector<256x128xf32>
      %select_n3A_493 = arith.select %eq3A_490, %convert_element_type3A_157, %broadcast_in_dim3A_492 : vector<256x128xi1>, vector<256x128xf32>
      %reduce_min3A = arith.constant dense<0x7F800000> : vector<256xf32>
      %reduce_min3A_494 = vector.multi_reduction <minimumf>, %select_n3A_493, %reduce_min3A [1] : vector<256x128xf32> to vector<256xf32>
      %broadcast_in_dim3A_495 = vector.shape_cast %reduce_min3A_494 : vector<256xf32> to vector<256x1xf32>
      %eq3A_496 = vector.broadcast %broadcast_in_dim3A_495 : vector<256x1xf32> to vector<256x128xf32>
      %eq3A_497 = arith.cmpf oeq, %convert_element_type3A_157, %eq3A_496 : vector<256x128xf32>
      %jit3A_498 = arith.constant -1.000000e+30 : f32
      %broadcast_in_dim3A_499 = vector.broadcast %jit3A_498 : f32 to vector<256x128xf32>
      %select_n3A_500 = arith.select %eq3A_497, %broadcast_in_dim3A_499, %scan3A_482 : vector<256x128xi1>, vector<256x128xf32>
      %convert_element_type3A_501 = arith.extui %eq3A_497 : vector<256x128xi1> to vector<256x128xi32>
      %convert_element_type3A_502 = arith.sitofp %convert_element_type3A_501 : vector<256x128xi32> to vector<256x128xf32>
      %mul3A_503 = arith.mulf %convert_element_type3A_502, %slice3A_153 : vector<256x128xf32>
      %reduce_sum3A_504 = arith.constant dense<0.000000e+00> : vector<256xf32>
      %reduce_sum3A_505 = vector.multi_reduction <add>, %mul3A_503, %reduce_sum3A_504 [1] : vector<256x128xf32> to vector<256xf32>
      %broadcast_in_dim3A_506 = vector.shape_cast %reduce_sum3A_505 : vector<256xf32> to vector<256x1xf32>
      %mul3A_507 = arith.mulf %convert_element_type3A_502, %slice3A_154 : vector<256x128xf32>
      %reduce_sum3A_508 = arith.constant dense<0.000000e+00> : vector<256xf32>
      %reduce_sum3A_509 = vector.multi_reduction <add>, %mul3A_507, %reduce_sum3A_508 [1] : vector<256x128xf32> to vector<256xf32>
      %broadcast_in_dim3A_510 = vector.shape_cast %reduce_sum3A_509 : vector<256xf32> to vector<256x1xf32>
      %eq3A_511 = vector.broadcast %scan3A_481 : i32 to vector<256x32xi32>
      %eq3A_512 = arith.cmpi eq, %iota3A_158, %eq3A_511 : vector<256x32xi32>
      %broadcast_in_dim3A_513 = vector.shape_cast %broadcast_in_dim3A_495 : vector<256x1xf32> to vector<256x1xf32>
      %broadcast_in_dim3A_514 = vector.broadcast %broadcast_in_dim3A_513 : vector<256x1xf32> to vector<256x32xf32>
      %select_n3A_515 = arith.select %eq3A_512, %broadcast_in_dim3A_514, %scan3A_483 : vector<256x32xi1>, vector<256x32xf32>
      %broadcast_in_dim3A_516 = vector.shape_cast %broadcast_in_dim3A_506 : vector<256x1xf32> to vector<256x1xf32>
      %broadcast_in_dim3A_517 = vector.broadcast %broadcast_in_dim3A_516 : vector<256x1xf32> to vector<256x32xf32>
      %select_n3A_518 = arith.select %eq3A_512, %broadcast_in_dim3A_517, %scan3A_484 : vector<256x32xi1>, vector<256x32xf32>
      %broadcast_in_dim3A_519 = vector.shape_cast %broadcast_in_dim3A_510 : vector<256x1xf32> to vector<256x1xf32>
      %broadcast_in_dim3A_520 = vector.broadcast %broadcast_in_dim3A_519 : vector<256x1xf32> to vector<256x32xf32>
      %select_n3A_521 = arith.select %eq3A_512, %broadcast_in_dim3A_520, %scan3A_485 : vector<256x32xi1>, vector<256x32xf32>
      scf.yield %select_n3A_500, %select_n3A_515, %select_n3A_518, %select_n3A_521 : vector<256x128xf32>, vector<256x32xf32>, vector<256x32xf32>, vector<256x32xf32>
    }
    %scan3A_165 = arith.constant 32 : i32
    %slice3A_166 = vector.extract_strided_slice %dot_general3A_93 {offsets = [0, 0], sizes = [256, 128], strides = [1, 1]} : vector<256x512xf32> to vector<256x128xf32>
    %slice3A_167 = vector.extract_strided_slice %dot_general3A_93 {offsets = [0, 256], sizes = [256, 128], strides = [1, 1]} : vector<256x512xf32> to vector<256x128xf32>
    %add3A_168 = arith.addf %slice3A_166, %slice3A_167 : vector<256x128xf32>
    %iota3A_169 = tpu.iota {dimensions = array<i32: 1>} : vector<256x128xi32>
    %convert_element_type3A_170 = arith.sitofp %iota3A_169 : vector<256x128xi32> to vector<256x128xf32>
    %iota3A_171 = tpu.iota {dimensions = array<i32: 1>} : vector<256x32xi32>
    %broadcast_in_dim3A_172 = arith.constant 0.000000e+00 : f32
    %broadcast_in_dim3A_173 = vector.broadcast %broadcast_in_dim3A_172 : f32 to vector<256x32xf32>
    %scan3A_174 = arith.constant 0 : i32
    %scan3A_175 = arith.constant 32 : i32
    %scan3A_176 = arith.addi %scan3A_174, %scan3A_175 : i32
    %scan3A_177 = arith.constant 1 : i32
    %scan3A_178:4 = scf.for %scan3A_481 = %scan3A_174 to %scan3A_176 step %scan3A_177 iter_args(%scan3A_482 = %add3A_168, %scan3A_483 = %broadcast_in_dim3A_173, %scan3A_484 = %broadcast_in_dim3A_173, %scan3A_485 = %broadcast_in_dim3A_173) -> (vector<256x128xf32>, vector<256x32xf32>, vector<256x32xf32>, vector<256x32xf32>)  : i32 {
      %reduce_max3A_486 = arith.constant dense<0xFF800000> : vector<256xf32>
      %reduce_max3A_487 = vector.multi_reduction <maximumf>, %scan3A_482, %reduce_max3A_486 [1] : vector<256x128xf32> to vector<256xf32>
      %broadcast_in_dim3A_488 = vector.shape_cast %reduce_max3A_487 : vector<256xf32> to vector<256x1xf32>
      %eq3A_489 = vector.broadcast %broadcast_in_dim3A_488 : vector<256x1xf32> to vector<256x128xf32>
      %eq3A_490 = arith.cmpf oeq, %scan3A_482, %eq3A_489 : vector<256x128xf32>
      %jit3A_491 = arith.constant 1.000000e+09 : f32
      %broadcast_in_dim3A_492 = vector.broadcast %jit3A_491 : f32 to vector<256x128xf32>
      %select_n3A_493 = arith.select %eq3A_490, %convert_element_type3A_170, %broadcast_in_dim3A_492 : vector<256x128xi1>, vector<256x128xf32>
      %reduce_min3A = arith.constant dense<0x7F800000> : vector<256xf32>
      %reduce_min3A_494 = vector.multi_reduction <minimumf>, %select_n3A_493, %reduce_min3A [1] : vector<256x128xf32> to vector<256xf32>
      %broadcast_in_dim3A_495 = vector.shape_cast %reduce_min3A_494 : vector<256xf32> to vector<256x1xf32>
      %eq3A_496 = vector.broadcast %broadcast_in_dim3A_495 : vector<256x1xf32> to vector<256x128xf32>
      %eq3A_497 = arith.cmpf oeq, %convert_element_type3A_170, %eq3A_496 : vector<256x128xf32>
      %jit3A_498 = arith.constant -1.000000e+30 : f32
      %broadcast_in_dim3A_499 = vector.broadcast %jit3A_498 : f32 to vector<256x128xf32>
      %select_n3A_500 = arith.select %eq3A_497, %broadcast_in_dim3A_499, %scan3A_482 : vector<256x128xi1>, vector<256x128xf32>
      %convert_element_type3A_501 = arith.extui %eq3A_497 : vector<256x128xi1> to vector<256x128xi32>
      %convert_element_type3A_502 = arith.sitofp %convert_element_type3A_501 : vector<256x128xi32> to vector<256x128xf32>
      %mul3A_503 = arith.mulf %convert_element_type3A_502, %slice3A_166 : vector<256x128xf32>
      %reduce_sum3A_504 = arith.constant dense<0.000000e+00> : vector<256xf32>
      %reduce_sum3A_505 = vector.multi_reduction <add>, %mul3A_503, %reduce_sum3A_504 [1] : vector<256x128xf32> to vector<256xf32>
      %broadcast_in_dim3A_506 = vector.shape_cast %reduce_sum3A_505 : vector<256xf32> to vector<256x1xf32>
      %mul3A_507 = arith.mulf %convert_element_type3A_502, %slice3A_167 : vector<256x128xf32>
      %reduce_sum3A_508 = arith.constant dense<0.000000e+00> : vector<256xf32>
      %reduce_sum3A_509 = vector.multi_reduction <add>, %mul3A_507, %reduce_sum3A_508 [1] : vector<256x128xf32> to vector<256xf32>
      %broadcast_in_dim3A_510 = vector.shape_cast %reduce_sum3A_509 : vector<256xf32> to vector<256x1xf32>
      %eq3A_511 = vector.broadcast %scan3A_481 : i32 to vector<256x32xi32>
      %eq3A_512 = arith.cmpi eq, %iota3A_171, %eq3A_511 : vector<256x32xi32>
      %broadcast_in_dim3A_513 = vector.shape_cast %broadcast_in_dim3A_495 : vector<256x1xf32> to vector<256x1xf32>
      %broadcast_in_dim3A_514 = vector.broadcast %broadcast_in_dim3A_513 : vector<256x1xf32> to vector<256x32xf32>
      %select_n3A_515 = arith.select %eq3A_512, %broadcast_in_dim3A_514, %scan3A_483 : vector<256x32xi1>, vector<256x32xf32>
      %broadcast_in_dim3A_516 = vector.shape_cast %broadcast_in_dim3A_506 : vector<256x1xf32> to vector<256x1xf32>
      %broadcast_in_dim3A_517 = vector.broadcast %broadcast_in_dim3A_516 : vector<256x1xf32> to vector<256x32xf32>
      %select_n3A_518 = arith.select %eq3A_512, %broadcast_in_dim3A_517, %scan3A_484 : vector<256x32xi1>, vector<256x32xf32>
      %broadcast_in_dim3A_519 = vector.shape_cast %broadcast_in_dim3A_510 : vector<256x1xf32> to vector<256x1xf32>
      %broadcast_in_dim3A_520 = vector.broadcast %broadcast_in_dim3A_519 : vector<256x1xf32> to vector<256x32xf32>
      %select_n3A_521 = arith.select %eq3A_512, %broadcast_in_dim3A_520, %scan3A_485 : vector<256x32xi1>, vector<256x32xf32>
      scf.yield %select_n3A_500, %select_n3A_515, %select_n3A_518, %select_n3A_521 : vector<256x128xf32>, vector<256x32xf32>, vector<256x32xf32>, vector<256x32xf32>
    }
    %scan3A_179 = arith.constant 32 : i32
    %convert_element_type3A_180 = arith.truncf %scan3A_164#2 : vector<256x32xf32> to vector<256x32xbf16>
    %convert_element_type3A_181 = arith.extf %convert_element_type3A_180 : vector<256x32xbf16> to vector<256x32xf32>
    %convert_element_type3A_182 = arith.truncf %scan3A_164#3 : vector<256x32xf32> to vector<256x32xbf16>
    %convert_element_type3A_183 = arith.extf %convert_element_type3A_182 : vector<256x32xbf16> to vector<256x32xf32>
    %convert_element_type3A_184 = arith.truncf %scan3A_178#2 : vector<256x32xf32> to vector<256x32xbf16>
    %dot_general3A_185 = arith.constant dense<0.000000e+00> : vector<256x1024xf32>
    %dot_general3A_186 = tpu.matmul %convert_element_type3A_184, %convert_element_type3A_147, %dot_general3A_185 {dimension_numbers = #tpu.dot_dimension_numbers<[1], [0], [0], [1], [0, 0, 1, 1], [], []>, transpose_lhs_hint = false} : vector<256x32xbf16>, vector<32x1024xbf16>, vector<256x1024xf32> -> vector<256x1024xf32>
    %convert_element_type3A_187 = arith.truncf %scan3A_178#3 : vector<256x32xf32> to vector<256x32xbf16>
    %dot_general3A_188 = arith.constant dense<0.000000e+00> : vector<256x1024xf32>
    %dot_general3A_189 = tpu.matmul %convert_element_type3A_187, %convert_element_type3A_147, %dot_general3A_188 {dimension_numbers = #tpu.dot_dimension_numbers<[1], [0], [0], [1], [0, 0, 1, 1], [], []>, transpose_lhs_hint = false} : vector<256x32xbf16>, vector<32x1024xbf16>, vector<256x1024xf32> -> vector<256x1024xf32>
    %get3A_190 = arith.constant 0 : index
    %get3A_191 = memref.load %arg6[%get3A_190] : memref<16xf32, #tpu.memory_space<smem>>
    %convert_element_type3A_192 = arith.truncf %get3A_191 : f32 to bf16
    %convert_element_type3A_193 = arith.extf %convert_element_type3A_192 : bf16 to f32
    %get3A_194 = arith.constant 1 : index
    %get3A_195 = memref.load %arg6[%get3A_194] : memref<16xf32, #tpu.memory_space<smem>>
    %convert_element_type3A_196 = arith.truncf %get3A_195 : f32 to bf16
    %convert_element_type3A_197 = arith.extf %convert_element_type3A_196 : bf16 to f32
    %get3A_198 = arith.constant 2 : index
    %get3A_199 = memref.load %arg6[%get3A_198] : memref<16xf32, #tpu.memory_space<smem>>
    %convert_element_type3A_200 = arith.truncf %get3A_199 : f32 to bf16
    %convert_element_type3A_201 = arith.extf %convert_element_type3A_200 : bf16 to f32
    %get3A_202 = arith.constant 3 : index
    %get3A_203 = memref.load %arg6[%get3A_202] : memref<16xf32, #tpu.memory_space<smem>>
    %convert_element_type3A_204 = arith.truncf %get3A_203 : f32 to bf16
    %convert_element_type3A_205 = arith.extf %convert_element_type3A_204 : bf16 to f32
    %mul3A_206 = vector.broadcast %convert_element_type3A_193 : f32 to vector<256x32xf32>
    %mul3A_207 = arith.mulf %convert_element_type3A_181, %mul3A_206 : vector<256x32xf32>
    %mul3A_208 = vector.broadcast %convert_element_type3A_201 : f32 to vector<256x32xf32>
    %mul3A_209 = arith.mulf %convert_element_type3A_183, %mul3A_208 : vector<256x32xf32>
    %add3A_210 = arith.addf %mul3A_207, %mul3A_209 : vector<256x32xf32>
    %mul3A_211 = vector.broadcast %convert_element_type3A_197 : f32 to vector<256x32xf32>
    %mul3A_212 = arith.mulf %convert_element_type3A_181, %mul3A_211 : vector<256x32xf32>
    %mul3A_213 = vector.broadcast %convert_element_type3A_205 : f32 to vector<256x32xf32>
    %mul3A_214 = arith.mulf %convert_element_type3A_183, %mul3A_213 : vector<256x32xf32>
    %add3A_215 = arith.addf %mul3A_212, %mul3A_214 : vector<256x32xf32>
    %convert_element_type3A_216 = arith.truncf %add3A_210 : vector<256x32xf32> to vector<256x32xbf16>
    %dot_general3A_217 = arith.constant dense<0.000000e+00> : vector<256x1024xf32>
    %dot_general3A_218 = tpu.matmul %convert_element_type3A_216, %convert_element_type3A_122, %dot_general3A_217 {dimension_numbers = #tpu.dot_dimension_numbers<[1], [0], [0], [1], [0, 0, 1, 1], [], []>, transpose_lhs_hint = false} : vector<256x32xbf16>, vector<32x1024xbf16>, vector<256x1024xf32> -> vector<256x1024xf32>
    %convert_element_type3A_219 = arith.truncf %add3A_215 : vector<256x32xf32> to vector<256x32xbf16>
    %dot_general3A_220 = arith.constant dense<0.000000e+00> : vector<256x1024xf32>
    %dot_general3A_221 = tpu.matmul %convert_element_type3A_219, %convert_element_type3A_122, %dot_general3A_220 {dimension_numbers = #tpu.dot_dimension_numbers<[1], [0], [0], [1], [0, 0, 1, 1], [], []>, transpose_lhs_hint = false} : vector<256x32xbf16>, vector<32x1024xbf16>, vector<256x1024xf32> -> vector<256x1024xf32>
    %mul3A_222 = arith.mulf %dot_general3A_218, %dot_general3A_186 : vector<256x1024xf32>
    %mul3A_223 = arith.mulf %dot_general3A_221, %dot_general3A_189 : vector<256x1024xf32>
    %add3A_224 = arith.addf %mul3A_222, %mul3A_223 : vector<256x1024xf32>
    %broadcast_in_dim3A_225 = arith.constant 0.000000e+00 : f32
    %broadcast_in_dim3A_226 = vector.broadcast %broadcast_in_dim3A_225 : f32 to vector<256x32xf32>
    %scan3A_227 = arith.constant 0 : i32
    %scan3A_228 = arith.constant 32 : i32
    %scan3A_229 = arith.addi %scan3A_227, %scan3A_228 : i32
    %scan3A_230 = arith.constant 1 : i32
    %scan3A_231:3 = scf.for %scan3A_481 = %scan3A_227 to %scan3A_229 step %scan3A_230 iter_args(%scan3A_482 = %add3A_224, %scan3A_483 = %broadcast_in_dim3A_226, %scan3A_484 = %broadcast_in_dim3A_226) -> (vector<256x1024xf32>, vector<256x32xf32>, vector<256x32xf32>)  : i32 {
      %reduce_max3A_485 = arith.constant dense<0xFF800000> : vector<256xf32>
      %reduce_max3A_486 = vector.multi_reduction <maximumf>, %scan3A_482, %reduce_max3A_485 [1] : vector<256x1024xf32> to vector<256xf32>
      %broadcast_in_dim3A_487 = vector.shape_cast %reduce_max3A_486 : vector<256xf32> to vector<256x1xf32>
      %eq3A_488 = vector.broadcast %broadcast_in_dim3A_487 : vector<256x1xf32> to vector<256x1024xf32>
      %eq3A_489 = arith.cmpf oeq, %scan3A_482, %eq3A_488 : vector<256x1024xf32>
      %jit3A_490 = arith.constant 1.000000e+09 : f32
      %broadcast_in_dim3A_491 = vector.broadcast %jit3A_490 : f32 to vector<256x1024xf32>
      %select_n3A_492 = arith.select %eq3A_489, %convert_element_type3A_149, %broadcast_in_dim3A_491 : vector<256x1024xi1>, vector<256x1024xf32>
      %reduce_min3A = arith.constant dense<0x7F800000> : vector<256xf32>
      %reduce_min3A_493 = vector.multi_reduction <minimumf>, %select_n3A_492, %reduce_min3A [1] : vector<256x1024xf32> to vector<256xf32>
      %broadcast_in_dim3A_494 = vector.shape_cast %reduce_min3A_493 : vector<256xf32> to vector<256x1xf32>
      %eq3A_495 = vector.broadcast %broadcast_in_dim3A_494 : vector<256x1xf32> to vector<256x1024xf32>
      %eq3A_496 = arith.cmpf oeq, %convert_element_type3A_149, %eq3A_495 : vector<256x1024xf32>
      %jit3A_497 = arith.constant -1.000000e+30 : f32
      %broadcast_in_dim3A_498 = vector.broadcast %jit3A_497 : f32 to vector<256x1024xf32>
      %select_n3A_499 = arith.select %eq3A_496, %broadcast_in_dim3A_498, %scan3A_482 : vector<256x1024xi1>, vector<256x1024xf32>
      %mul3A_500 = arith.constant 3.125000e-02 : f32
      %mul3A_501 = vector.broadcast %mul3A_500 : f32 to vector<256x1xf32>
      %mul3A_502 = arith.mulf %broadcast_in_dim3A_494, %mul3A_501 : vector<256x1xf32>
      %floor3A = math.floor %mul3A_502 : vector<256x1xf32>
      %mul3A_503 = arith.constant 3.200000e+01 : f32
      %mul3A_504 = vector.broadcast %mul3A_503 : f32 to vector<256x1xf32>
      %mul3A_505 = arith.mulf %floor3A, %mul3A_504 : vector<256x1xf32>
      %sub3A_506 = arith.subf %broadcast_in_dim3A_494, %mul3A_505 : vector<256x1xf32>
      %eq3A_507 = vector.broadcast %floor3A : vector<256x1xf32> to vector<256x32xf32>
      %eq3A_508 = arith.cmpf oeq, %convert_element_type3A_151, %eq3A_507 : vector<256x32xf32>
      %convert_element_type3A_509 = arith.extui %eq3A_508 : vector<256x32xi1> to vector<256x32xi32>
      %convert_element_type3A_510 = arith.sitofp %convert_element_type3A_509 : vector<256x32xi32> to vector<256x32xf32>
      %eq3A_511 = vector.broadcast %sub3A_506 : vector<256x1xf32> to vector<256x32xf32>
      %eq3A_512 = arith.cmpf oeq, %convert_element_type3A_151, %eq3A_511 : vector<256x32xf32>
      %convert_element_type3A_513 = arith.extui %eq3A_512 : vector<256x32xi1> to vector<256x32xi32>
      %convert_element_type3A_514 = arith.sitofp %convert_element_type3A_513 : vector<256x32xi32> to vector<256x32xf32>
      %mul3A_515 = arith.mulf %convert_element_type3A_510, %scan3A_164#1 : vector<256x32xf32>
      %reduce_sum3A_516 = arith.constant dense<0.000000e+00> : vector<256xf32>
      %reduce_sum3A_517 = vector.multi_reduction <add>, %mul3A_515, %reduce_sum3A_516 [1] : vector<256x32xf32> to vector<256xf32>
      %broadcast_in_dim3A_518 = vector.shape_cast %reduce_sum3A_517 : vector<256xf32> to vector<256x1xf32>
      %mul3A_519 = arith.mulf %convert_element_type3A_514, %scan3A_178#1 : vector<256x32xf32>
      %reduce_sum3A_520 = arith.constant dense<0.000000e+00> : vector<256xf32>
      %reduce_sum3A_521 = vector.multi_reduction <add>, %mul3A_519, %reduce_sum3A_520 [1] : vector<256x32xf32> to vector<256xf32>
      %broadcast_in_dim3A_522 = vector.shape_cast %reduce_sum3A_521 : vector<256xf32> to vector<256x1xf32>
      %eq3A_523 = vector.broadcast %scan3A_481 : i32 to vector<256x32xi32>
      %eq3A_524 = arith.cmpi eq, %iota3A_152, %eq3A_523 : vector<256x32xi32>
      %broadcast_in_dim3A_525 = vector.shape_cast %broadcast_in_dim3A_487 : vector<256x1xf32> to vector<256x1xf32>
      %broadcast_in_dim3A_526 = vector.broadcast %broadcast_in_dim3A_525 : vector<256x1xf32> to vector<256x32xf32>
      %select_n3A_527 = arith.select %eq3A_524, %broadcast_in_dim3A_526, %scan3A_483 : vector<256x32xi1>, vector<256x32xf32>
      %mul3A_528 = arith.constant 1.280000e+02 : f32
      %mul3A_529 = vector.broadcast %mul3A_528 : f32 to vector<256x1xf32>
      %mul3A_530 = arith.mulf %broadcast_in_dim3A_518, %mul3A_529 : vector<256x1xf32>
      %add3A_531 = arith.addf %mul3A_530, %broadcast_in_dim3A_522 : vector<256x1xf32>
      %broadcast_in_dim3A_532 = vector.shape_cast %add3A_531 : vector<256x1xf32> to vector<256x1xf32>
      %broadcast_in_dim3A_533 = vector.broadcast %broadcast_in_dim3A_532 : vector<256x1xf32> to vector<256x32xf32>
      %select_n3A_534 = arith.select %eq3A_524, %broadcast_in_dim3A_533, %scan3A_484 : vector<256x32xi1>, vector<256x32xf32>
      scf.yield %select_n3A_499, %select_n3A_527, %select_n3A_534 : vector<256x1024xf32>, vector<256x32xf32>, vector<256x32xf32>
    }
    %scan3A_232 = arith.constant 32 : i32
    %reduce_max3A = arith.constant dense<0xFF800000> : vector<256xf32>
    %reduce_max3A_233 = vector.multi_reduction <maximumf>, %scan3A_231#1, %reduce_max3A [1] : vector<256x32xf32> to vector<256xf32>
    %broadcast_in_dim3A_234 = vector.shape_cast %reduce_max3A_233 : vector<256xf32> to vector<256x1xf32>
    %sub3A_235 = vector.broadcast %broadcast_in_dim3A_234 : vector<256x1xf32> to vector<256x32xf32>
    %sub3A_236 = arith.subf %scan3A_231#1, %sub3A_235 : vector<256x32xf32>
    %exp3A = math.exp %sub3A_236 : vector<256x32xf32>
    %reduce_sum3A_237 = arith.constant dense<0.000000e+00> : vector<256xf32>
    %reduce_sum3A_238 = vector.multi_reduction <add>, %exp3A, %reduce_sum3A_237 [1] : vector<256x32xf32> to vector<256xf32>
    %broadcast_in_dim3A_239 = vector.shape_cast %reduce_sum3A_238 : vector<256xf32> to vector<256x1xf32>
    %div3A_240 = vector.broadcast %broadcast_in_dim3A_239 : vector<256x1xf32> to vector<256x32xf32>
    %div3A_241 = arith.divf %exp3A, %div3A_240 : vector<256x32xf32>
    %mul3A_242 = arith.constant 2.500000e-01 : f32
    %mul3A_243 = vector.broadcast %mul3A_242 : f32 to vector<256x32xf32>
    %mul3A_244 = arith.mulf %div3A_241, %mul3A_243 : vector<256x32xf32>
    %swap3A = arith.constant 0 : index
    %swap3A_245 = arith.constant 0 : index
    %swap3A_246 = vector.load %arg7[%swap3A, %swap3A_245] : memref<256x128xf32, #tpu.memory_space<vmem>>, vector<256x32xf32>
    tpu.vector_store %arg7[%swap3A, %swap3A_245], %mul3A_244 {strides = array<i32>} : memref<256x128xf32, #tpu.memory_space<vmem>>, vector<256x32xf32>,
    %convert_element_type3A_247 = arith.fptosi %scan3A_231#2 : vector<256x32xf32> to vector<256x32xi32>
    %swap3A_248 = arith.constant 0 : index
    %swap3A_249 = arith.constant 0 : index
    %swap3A_250 = vector.load %arg8[%swap3A_248, %swap3A_249] : memref<256x128xi32, #tpu.memory_space<vmem>>, vector<256x32xi32>
    tpu.vector_store %arg8[%swap3A_248, %swap3A_249], %convert_element_type3A_247 {strides = array<i32>} : memref<256x128xi32, #tpu.memory_space<vmem>>, vector<256x32xi32>,
    %get3A_251 = arith.constant 8 : index
    %get3A_252 = memref.load %arg6[%get3A_251] : memref<16xf32, #tpu.memory_space<smem>>
    %convert_element_type3A_253 = arith.truncf %get3A_252 : f32 to bf16
    %convert_element_type3A_254 = arith.extf %convert_element_type3A_253 : bf16 to f32
    %get3A_255 = arith.constant 9 : index
    %get3A_256 = memref.load %arg6[%get3A_255] : memref<16xf32, #tpu.memory_space<smem>>
    %convert_element_type3A_257 = arith.truncf %get3A_256 : f32 to bf16
    %convert_element_type3A_258 = arith.extf %convert_element_type3A_257 : bf16 to f32
    %get3A_259 = arith.constant 10 : index
    %get3A_260 = memref.load %arg6[%get3A_259] : memref<16xf32, #tpu.memory_space<smem>>
    %convert_element_type3A_261 = arith.truncf %get3A_260 : f32 to bf16
    %convert_element_type3A_262 = arith.extf %convert_element_type3A_261 : bf16 to f32
    %get3A_263 = arith.constant 11 : index
    %get3A_264 = memref.load %arg6[%get3A_263] : memref<16xf32, #tpu.memory_space<smem>>
    %convert_element_type3A_265 = arith.truncf %get3A_264 : f32 to bf16
    %convert_element_type3A_266 = arith.extf %convert_element_type3A_265 : bf16 to f32
    %mul3A_267 = vector.broadcast %convert_element_type3A_254 : f32 to vector<256x32xf32>
    %mul3A_268 = arith.mulf %convert_element_type3A_181, %mul3A_267 : vector<256x32xf32>
    %mul3A_269 = vector.broadcast %convert_element_type3A_262 : f32 to vector<256x32xf32>
    %mul3A_270 = arith.mulf %convert_element_type3A_183, %mul3A_269 : vector<256x32xf32>
    %add3A_271 = arith.addf %mul3A_268, %mul3A_270 : vector<256x32xf32>
    %mul3A_272 = vector.broadcast %convert_element_type3A_258 : f32 to vector<256x32xf32>
    %mul3A_273 = arith.mulf %convert_element_type3A_181, %mul3A_272 : vector<256x32xf32>
    %mul3A_274 = vector.broadcast %convert_element_type3A_266 : f32 to vector<256x32xf32>
    %mul3A_275 = arith.mulf %convert_element_type3A_183, %mul3A_274 : vector<256x32xf32>
    %add3A_276 = arith.addf %mul3A_273, %mul3A_275 : vector<256x32xf32>
    %convert_element_type3A_277 = arith.truncf %add3A_271 : vector<256x32xf32> to vector<256x32xbf16>
    %dot_general3A_278 = arith.constant dense<0.000000e+00> : vector<256x1024xf32>
    %dot_general3A_279 = tpu.matmul %convert_element_type3A_277, %convert_element_type3A_122, %dot_general3A_278 {dimension_numbers = #tpu.dot_dimension_numbers<[1], [0], [0], [1], [0, 0, 1, 1], [], []>, transpose_lhs_hint = false} : vector<256x32xbf16>, vector<32x1024xbf16>, vector<256x1024xf32> -> vector<256x1024xf32>
    %convert_element_type3A_280 = arith.truncf %add3A_276 : vector<256x32xf32> to vector<256x32xbf16>
    %dot_general3A_281 = arith.constant dense<0.000000e+00> : vector<256x1024xf32>
    %dot_general3A_282 = tpu.matmul %convert_element_type3A_280, %convert_element_type3A_122, %dot_general3A_281 {dimension_numbers = #tpu.dot_dimension_numbers<[1], [0], [0], [1], [0, 0, 1, 1], [], []>, transpose_lhs_hint = false} : vector<256x32xbf16>, vector<32x1024xbf16>, vector<256x1024xf32> -> vector<256x1024xf32>
    %mul3A_283 = arith.mulf %dot_general3A_279, %dot_general3A_186 : vector<256x1024xf32>
    %mul3A_284 = arith.mulf %dot_general3A_282, %dot_general3A_189 : vector<256x1024xf32>
    %add3A_285 = arith.addf %mul3A_283, %mul3A_284 : vector<256x1024xf32>
    %broadcast_in_dim3A_286 = arith.constant 0.000000e+00 : f32
    %broadcast_in_dim3A_287 = vector.broadcast %broadcast_in_dim3A_286 : f32 to vector<256x32xf32>
    %scan3A_288 = arith.constant 0 : i32
    %scan3A_289 = arith.constant 32 : i32
    %scan3A_290 = arith.addi %scan3A_288, %scan3A_289 : i32
    %scan3A_291 = arith.constant 1 : i32
    %scan3A_292:3 = scf.for %scan3A_481 = %scan3A_288 to %scan3A_290 step %scan3A_291 iter_args(%scan3A_482 = %add3A_285, %scan3A_483 = %broadcast_in_dim3A_287, %scan3A_484 = %broadcast_in_dim3A_287) -> (vector<256x1024xf32>, vector<256x32xf32>, vector<256x32xf32>)  : i32 {
      %reduce_max3A_485 = arith.constant dense<0xFF800000> : vector<256xf32>
      %reduce_max3A_486 = vector.multi_reduction <maximumf>, %scan3A_482, %reduce_max3A_485 [1] : vector<256x1024xf32> to vector<256xf32>
      %broadcast_in_dim3A_487 = vector.shape_cast %reduce_max3A_486 : vector<256xf32> to vector<256x1xf32>
      %eq3A_488 = vector.broadcast %broadcast_in_dim3A_487 : vector<256x1xf32> to vector<256x1024xf32>
      %eq3A_489 = arith.cmpf oeq, %scan3A_482, %eq3A_488 : vector<256x1024xf32>
      %jit3A_490 = arith.constant 1.000000e+09 : f32
      %broadcast_in_dim3A_491 = vector.broadcast %jit3A_490 : f32 to vector<256x1024xf32>
      %select_n3A_492 = arith.select %eq3A_489, %convert_element_type3A_149, %broadcast_in_dim3A_491 : vector<256x1024xi1>, vector<256x1024xf32>
      %reduce_min3A = arith.constant dense<0x7F800000> : vector<256xf32>
      %reduce_min3A_493 = vector.multi_reduction <minimumf>, %select_n3A_492, %reduce_min3A [1] : vector<256x1024xf32> to vector<256xf32>
      %broadcast_in_dim3A_494 = vector.shape_cast %reduce_min3A_493 : vector<256xf32> to vector<256x1xf32>
      %eq3A_495 = vector.broadcast %broadcast_in_dim3A_494 : vector<256x1xf32> to vector<256x1024xf32>
      %eq3A_496 = arith.cmpf oeq, %convert_element_type3A_149, %eq3A_495 : vector<256x1024xf32>
      %jit3A_497 = arith.constant -1.000000e+30 : f32
      %broadcast_in_dim3A_498 = vector.broadcast %jit3A_497 : f32 to vector<256x1024xf32>
      %select_n3A_499 = arith.select %eq3A_496, %broadcast_in_dim3A_498, %scan3A_482 : vector<256x1024xi1>, vector<256x1024xf32>
      %mul3A_500 = arith.constant 3.125000e-02 : f32
      %mul3A_501 = vector.broadcast %mul3A_500 : f32 to vector<256x1xf32>
      %mul3A_502 = arith.mulf %broadcast_in_dim3A_494, %mul3A_501 : vector<256x1xf32>
      %floor3A = math.floor %mul3A_502 : vector<256x1xf32>
      %mul3A_503 = arith.constant 3.200000e+01 : f32
      %mul3A_504 = vector.broadcast %mul3A_503 : f32 to vector<256x1xf32>
      %mul3A_505 = arith.mulf %floor3A, %mul3A_504 : vector<256x1xf32>
      %sub3A_506 = arith.subf %broadcast_in_dim3A_494, %mul3A_505 : vector<256x1xf32>
      %eq3A_507 = vector.broadcast %floor3A : vector<256x1xf32> to vector<256x32xf32>
      %eq3A_508 = arith.cmpf oeq, %convert_element_type3A_151, %eq3A_507 : vector<256x32xf32>
      %convert_element_type3A_509 = arith.extui %eq3A_508 : vector<256x32xi1> to vector<256x32xi32>
      %convert_element_type3A_510 = arith.sitofp %convert_element_type3A_509 : vector<256x32xi32> to vector<256x32xf32>
      %eq3A_511 = vector.broadcast %sub3A_506 : vector<256x1xf32> to vector<256x32xf32>
      %eq3A_512 = arith.cmpf oeq, %convert_element_type3A_151, %eq3A_511 : vector<256x32xf32>
      %convert_element_type3A_513 = arith.extui %eq3A_512 : vector<256x32xi1> to vector<256x32xi32>
      %convert_element_type3A_514 = arith.sitofp %convert_element_type3A_513 : vector<256x32xi32> to vector<256x32xf32>
      %mul3A_515 = arith.mulf %convert_element_type3A_510, %scan3A_164#1 : vector<256x32xf32>
      %reduce_sum3A_516 = arith.constant dense<0.000000e+00> : vector<256xf32>
      %reduce_sum3A_517 = vector.multi_reduction <add>, %mul3A_515, %reduce_sum3A_516 [1] : vector<256x32xf32> to vector<256xf32>
      %broadcast_in_dim3A_518 = vector.shape_cast %reduce_sum3A_517 : vector<256xf32> to vector<256x1xf32>
      %mul3A_519 = arith.mulf %convert_element_type3A_514, %scan3A_178#1 : vector<256x32xf32>
      %reduce_sum3A_520 = arith.constant dense<0.000000e+00> : vector<256xf32>
      %reduce_sum3A_521 = vector.multi_reduction <add>, %mul3A_519, %reduce_sum3A_520 [1] : vector<256x32xf32> to vector<256xf32>
      %broadcast_in_dim3A_522 = vector.shape_cast %reduce_sum3A_521 : vector<256xf32> to vector<256x1xf32>
      %eq3A_523 = vector.broadcast %scan3A_481 : i32 to vector<256x32xi32>
      %eq3A_524 = arith.cmpi eq, %iota3A_152, %eq3A_523 : vector<256x32xi32>
      %broadcast_in_dim3A_525 = vector.shape_cast %broadcast_in_dim3A_487 : vector<256x1xf32> to vector<256x1xf32>
      %broadcast_in_dim3A_526 = vector.broadcast %broadcast_in_dim3A_525 : vector<256x1xf32> to vector<256x32xf32>
      %select_n3A_527 = arith.select %eq3A_524, %broadcast_in_dim3A_526, %scan3A_483 : vector<256x32xi1>, vector<256x32xf32>
      %mul3A_528 = arith.constant 1.280000e+02 : f32
      %mul3A_529 = vector.broadcast %mul3A_528 : f32 to vector<256x1xf32>
      %mul3A_530 = arith.mulf %broadcast_in_dim3A_518, %mul3A_529 : vector<256x1xf32>
      %add3A_531 = arith.addf %mul3A_530, %broadcast_in_dim3A_522 : vector<256x1xf32>
      %broadcast_in_dim3A_532 = vector.shape_cast %add3A_531 : vector<256x1xf32> to vector<256x1xf32>
      %broadcast_in_dim3A_533 = vector.broadcast %broadcast_in_dim3A_532 : vector<256x1xf32> to vector<256x32xf32>
      %select_n3A_534 = arith.select %eq3A_524, %broadcast_in_dim3A_533, %scan3A_484 : vector<256x32xi1>, vector<256x32xf32>
      scf.yield %select_n3A_499, %select_n3A_527, %select_n3A_534 : vector<256x1024xf32>, vector<256x32xf32>, vector<256x32xf32>
    }
    %scan3A_293 = arith.constant 32 : i32
    %reduce_max3A_294 = arith.constant dense<0xFF800000> : vector<256xf32>
    %reduce_max3A_295 = vector.multi_reduction <maximumf>, %scan3A_292#1, %reduce_max3A_294 [1] : vector<256x32xf32> to vector<256xf32>
    %broadcast_in_dim3A_296 = vector.shape_cast %reduce_max3A_295 : vector<256xf32> to vector<256x1xf32>
    %sub3A_297 = vector.broadcast %broadcast_in_dim3A_296 : vector<256x1xf32> to vector<256x32xf32>
    %sub3A_298 = arith.subf %scan3A_292#1, %sub3A_297 : vector<256x32xf32>
    %exp3A_299 = math.exp %sub3A_298 : vector<256x32xf32>
    %reduce_sum3A_300 = arith.constant dense<0.000000e+00> : vector<256xf32>
    %reduce_sum3A_301 = vector.multi_reduction <add>, %exp3A_299, %reduce_sum3A_300 [1] : vector<256x32xf32> to vector<256xf32>
    %broadcast_in_dim3A_302 = vector.shape_cast %reduce_sum3A_301 : vector<256xf32> to vector<256x1xf32>
    %div3A_303 = vector.broadcast %broadcast_in_dim3A_302 : vector<256x1xf32> to vector<256x32xf32>
    %div3A_304 = arith.divf %exp3A_299, %div3A_303 : vector<256x32xf32>
    %mul3A_305 = arith.constant 2.500000e-01 : f32
    %mul3A_306 = vector.broadcast %mul3A_305 : f32 to vector<256x32xf32>
    %mul3A_307 = arith.mulf %div3A_304, %mul3A_306 : vector<256x32xf32>
    %swap3A_308 = arith.constant 0 : index
    %swap3A_309 = arith.constant 32 : index
    %swap3A_310 = vector.load %arg7[%swap3A_308, %swap3A_309] : memref<256x128xf32, #tpu.memory_space<vmem>>, vector<256x32xf32>
    tpu.vector_store %arg7[%swap3A_308, %swap3A_309], %mul3A_307 {strides = array<i32>} : memref<256x128xf32, #tpu.memory_space<vmem>>, vector<256x32xf32>,
    %convert_element_type3A_311 = arith.fptosi %scan3A_292#2 : vector<256x32xf32> to vector<256x32xi32>
    %swap3A_312 = arith.constant 0 : index
    %swap3A_313 = arith.constant 32 : index
    %swap3A_314 = vector.load %arg8[%swap3A_312, %swap3A_313] : memref<256x128xi32, #tpu.memory_space<vmem>>, vector<256x32xi32>
    tpu.vector_store %arg8[%swap3A_312, %swap3A_313], %convert_element_type3A_311 {strides = array<i32>} : memref<256x128xi32, #tpu.memory_space<vmem>>, vector<256x32xi32>,
    %slice3A_315 = vector.extract_strided_slice %dot_general3A_88 {offsets = [0, 128], sizes = [256, 128], strides = [1, 1]} : vector<256x512xf32> to vector<256x128xf32>
    %slice3A_316 = vector.extract_strided_slice %dot_general3A_88 {offsets = [0, 384], sizes = [256, 128], strides = [1, 1]} : vector<256x512xf32> to vector<256x128xf32>
    %add3A_317 = arith.addf %slice3A_315, %slice3A_316 : vector<256x128xf32>
    %iota3A_318 = tpu.iota {dimensions = array<i32: 1>} : vector<256x128xi32>
    %convert_element_type3A_319 = arith.sitofp %iota3A_318 : vector<256x128xi32> to vector<256x128xf32>
    %iota3A_320 = tpu.iota {dimensions = array<i32: 1>} : vector<256x32xi32>
    %broadcast_in_dim3A_321 = arith.constant 0.000000e+00 : f32
    %broadcast_in_dim3A_322 = vector.broadcast %broadcast_in_dim3A_321 : f32 to vector<256x32xf32>
    %scan3A_323 = arith.constant 0 : i32
    %scan3A_324 = arith.constant 32 : i32
    %scan3A_325 = arith.addi %scan3A_323, %scan3A_324 : i32
    %scan3A_326 = arith.constant 1 : i32
    %scan3A_327:4 = scf.for %scan3A_481 = %scan3A_323 to %scan3A_325 step %scan3A_326 iter_args(%scan3A_482 = %add3A_317, %scan3A_483 = %broadcast_in_dim3A_322, %scan3A_484 = %broadcast_in_dim3A_322, %scan3A_485 = %broadcast_in_dim3A_322) -> (vector<256x128xf32>, vector<256x32xf32>, vector<256x32xf32>, vector<256x32xf32>)  : i32 {
      %reduce_max3A_486 = arith.constant dense<0xFF800000> : vector<256xf32>
      %reduce_max3A_487 = vector.multi_reduction <maximumf>, %scan3A_482, %reduce_max3A_486 [1] : vector<256x128xf32> to vector<256xf32>
      %broadcast_in_dim3A_488 = vector.shape_cast %reduce_max3A_487 : vector<256xf32> to vector<256x1xf32>
      %eq3A_489 = vector.broadcast %broadcast_in_dim3A_488 : vector<256x1xf32> to vector<256x128xf32>
      %eq3A_490 = arith.cmpf oeq, %scan3A_482, %eq3A_489 : vector<256x128xf32>
      %jit3A_491 = arith.constant 1.000000e+09 : f32
      %broadcast_in_dim3A_492 = vector.broadcast %jit3A_491 : f32 to vector<256x128xf32>
      %select_n3A_493 = arith.select %eq3A_490, %convert_element_type3A_319, %broadcast_in_dim3A_492 : vector<256x128xi1>, vector<256x128xf32>
      %reduce_min3A = arith.constant dense<0x7F800000> : vector<256xf32>
      %reduce_min3A_494 = vector.multi_reduction <minimumf>, %select_n3A_493, %reduce_min3A [1] : vector<256x128xf32> to vector<256xf32>
      %broadcast_in_dim3A_495 = vector.shape_cast %reduce_min3A_494 : vector<256xf32> to vector<256x1xf32>
      %eq3A_496 = vector.broadcast %broadcast_in_dim3A_495 : vector<256x1xf32> to vector<256x128xf32>
      %eq3A_497 = arith.cmpf oeq, %convert_element_type3A_319, %eq3A_496 : vector<256x128xf32>
      %jit3A_498 = arith.constant -1.000000e+30 : f32
      %broadcast_in_dim3A_499 = vector.broadcast %jit3A_498 : f32 to vector<256x128xf32>
      %select_n3A_500 = arith.select %eq3A_497, %broadcast_in_dim3A_499, %scan3A_482 : vector<256x128xi1>, vector<256x128xf32>
      %convert_element_type3A_501 = arith.extui %eq3A_497 : vector<256x128xi1> to vector<256x128xi32>
      %convert_element_type3A_502 = arith.sitofp %convert_element_type3A_501 : vector<256x128xi32> to vector<256x128xf32>
      %mul3A_503 = arith.mulf %convert_element_type3A_502, %slice3A_315 : vector<256x128xf32>
      %reduce_sum3A_504 = arith.constant dense<0.000000e+00> : vector<256xf32>
      %reduce_sum3A_505 = vector.multi_reduction <add>, %mul3A_503, %reduce_sum3A_504 [1] : vector<256x128xf32> to vector<256xf32>
      %broadcast_in_dim3A_506 = vector.shape_cast %reduce_sum3A_505 : vector<256xf32> to vector<256x1xf32>
      %mul3A_507 = arith.mulf %convert_element_type3A_502, %slice3A_316 : vector<256x128xf32>
      %reduce_sum3A_508 = arith.constant dense<0.000000e+00> : vector<256xf32>
      %reduce_sum3A_509 = vector.multi_reduction <add>, %mul3A_507, %reduce_sum3A_508 [1] : vector<256x128xf32> to vector<256xf32>
      %broadcast_in_dim3A_510 = vector.shape_cast %reduce_sum3A_509 : vector<256xf32> to vector<256x1xf32>
      %eq3A_511 = vector.broadcast %scan3A_481 : i32 to vector<256x32xi32>
      %eq3A_512 = arith.cmpi eq, %iota3A_320, %eq3A_511 : vector<256x32xi32>
      %broadcast_in_dim3A_513 = vector.shape_cast %broadcast_in_dim3A_495 : vector<256x1xf32> to vector<256x1xf32>
      %broadcast_in_dim3A_514 = vector.broadcast %broadcast_in_dim3A_513 : vector<256x1xf32> to vector<256x32xf32>
      %select_n3A_515 = arith.select %eq3A_512, %broadcast_in_dim3A_514, %scan3A_483 : vector<256x32xi1>, vector<256x32xf32>
      %broadcast_in_dim3A_516 = vector.shape_cast %broadcast_in_dim3A_506 : vector<256x1xf32> to vector<256x1xf32>
      %broadcast_in_dim3A_517 = vector.broadcast %broadcast_in_dim3A_516 : vector<256x1xf32> to vector<256x32xf32>
      %select_n3A_518 = arith.select %eq3A_512, %broadcast_in_dim3A_517, %scan3A_484 : vector<256x32xi1>, vector<256x32xf32>
      %broadcast_in_dim3A_519 = vector.shape_cast %broadcast_in_dim3A_510 : vector<256x1xf32> to vector<256x1xf32>
      %broadcast_in_dim3A_520 = vector.broadcast %broadcast_in_dim3A_519 : vector<256x1xf32> to vector<256x32xf32>
      %select_n3A_521 = arith.select %eq3A_512, %broadcast_in_dim3A_520, %scan3A_485 : vector<256x32xi1>, vector<256x32xf32>
      scf.yield %select_n3A_500, %select_n3A_515, %select_n3A_518, %select_n3A_521 : vector<256x128xf32>, vector<256x32xf32>, vector<256x32xf32>, vector<256x32xf32>
    }
    %scan3A_328 = arith.constant 32 : i32
    %slice3A_329 = vector.extract_strided_slice %dot_general3A_93 {offsets = [0, 128], sizes = [256, 128], strides = [1, 1]} : vector<256x512xf32> to vector<256x128xf32>
    %slice3A_330 = vector.extract_strided_slice %dot_general3A_93 {offsets = [0, 384], sizes = [256, 128], strides = [1, 1]} : vector<256x512xf32> to vector<256x128xf32>
    %add3A_331 = arith.addf %slice3A_329, %slice3A_330 : vector<256x128xf32>
    %iota3A_332 = tpu.iota {dimensions = array<i32: 1>} : vector<256x128xi32>
    %convert_element_type3A_333 = arith.sitofp %iota3A_332 : vector<256x128xi32> to vector<256x128xf32>
    %iota3A_334 = tpu.iota {dimensions = array<i32: 1>} : vector<256x32xi32>
    %broadcast_in_dim3A_335 = arith.constant 0.000000e+00 : f32
    %broadcast_in_dim3A_336 = vector.broadcast %broadcast_in_dim3A_335 : f32 to vector<256x32xf32>
    %scan3A_337 = arith.constant 0 : i32
    %scan3A_338 = arith.constant 32 : i32
    %scan3A_339 = arith.addi %scan3A_337, %scan3A_338 : i32
    %scan3A_340 = arith.constant 1 : i32
    %scan3A_341:4 = scf.for %scan3A_481 = %scan3A_337 to %scan3A_339 step %scan3A_340 iter_args(%scan3A_482 = %add3A_331, %scan3A_483 = %broadcast_in_dim3A_336, %scan3A_484 = %broadcast_in_dim3A_336, %scan3A_485 = %broadcast_in_dim3A_336) -> (vector<256x128xf32>, vector<256x32xf32>, vector<256x32xf32>, vector<256x32xf32>)  : i32 {
      %reduce_max3A_486 = arith.constant dense<0xFF800000> : vector<256xf32>
      %reduce_max3A_487 = vector.multi_reduction <maximumf>, %scan3A_482, %reduce_max3A_486 [1] : vector<256x128xf32> to vector<256xf32>
      %broadcast_in_dim3A_488 = vector.shape_cast %reduce_max3A_487 : vector<256xf32> to vector<256x1xf32>
      %eq3A_489 = vector.broadcast %broadcast_in_dim3A_488 : vector<256x1xf32> to vector<256x128xf32>
      %eq3A_490 = arith.cmpf oeq, %scan3A_482, %eq3A_489 : vector<256x128xf32>
      %jit3A_491 = arith.constant 1.000000e+09 : f32
      %broadcast_in_dim3A_492 = vector.broadcast %jit3A_491 : f32 to vector<256x128xf32>
      %select_n3A_493 = arith.select %eq3A_490, %convert_element_type3A_333, %broadcast_in_dim3A_492 : vector<256x128xi1>, vector<256x128xf32>
      %reduce_min3A = arith.constant dense<0x7F800000> : vector<256xf32>
      %reduce_min3A_494 = vector.multi_reduction <minimumf>, %select_n3A_493, %reduce_min3A [1] : vector<256x128xf32> to vector<256xf32>
      %broadcast_in_dim3A_495 = vector.shape_cast %reduce_min3A_494 : vector<256xf32> to vector<256x1xf32>
      %eq3A_496 = vector.broadcast %broadcast_in_dim3A_495 : vector<256x1xf32> to vector<256x128xf32>
      %eq3A_497 = arith.cmpf oeq, %convert_element_type3A_333, %eq3A_496 : vector<256x128xf32>
      %jit3A_498 = arith.constant -1.000000e+30 : f32
      %broadcast_in_dim3A_499 = vector.broadcast %jit3A_498 : f32 to vector<256x128xf32>
      %select_n3A_500 = arith.select %eq3A_497, %broadcast_in_dim3A_499, %scan3A_482 : vector<256x128xi1>, vector<256x128xf32>
      %convert_element_type3A_501 = arith.extui %eq3A_497 : vector<256x128xi1> to vector<256x128xi32>
      %convert_element_type3A_502 = arith.sitofp %convert_element_type3A_501 : vector<256x128xi32> to vector<256x128xf32>
      %mul3A_503 = arith.mulf %convert_element_type3A_502, %slice3A_329 : vector<256x128xf32>
      %reduce_sum3A_504 = arith.constant dense<0.000000e+00> : vector<256xf32>
      %reduce_sum3A_505 = vector.multi_reduction <add>, %mul3A_503, %reduce_sum3A_504 [1] : vector<256x128xf32> to vector<256xf32>
      %broadcast_in_dim3A_506 = vector.shape_cast %reduce_sum3A_505 : vector<256xf32> to vector<256x1xf32>
      %mul3A_507 = arith.mulf %convert_element_type3A_502, %slice3A_330 : vector<256x128xf32>
      %reduce_sum3A_508 = arith.constant dense<0.000000e+00> : vector<256xf32>
      %reduce_sum3A_509 = vector.multi_reduction <add>, %mul3A_507, %reduce_sum3A_508 [1] : vector<256x128xf32> to vector<256xf32>
      %broadcast_in_dim3A_510 = vector.shape_cast %reduce_sum3A_509 : vector<256xf32> to vector<256x1xf32>
      %eq3A_511 = vector.broadcast %scan3A_481 : i32 to vector<256x32xi32>
      %eq3A_512 = arith.cmpi eq, %iota3A_334, %eq3A_511 : vector<256x32xi32>
      %broadcast_in_dim3A_513 = vector.shape_cast %broadcast_in_dim3A_495 : vector<256x1xf32> to vector<256x1xf32>
      %broadcast_in_dim3A_514 = vector.broadcast %broadcast_in_dim3A_513 : vector<256x1xf32> to vector<256x32xf32>
      %select_n3A_515 = arith.select %eq3A_512, %broadcast_in_dim3A_514, %scan3A_483 : vector<256x32xi1>, vector<256x32xf32>
      %broadcast_in_dim3A_516 = vector.shape_cast %broadcast_in_dim3A_506 : vector<256x1xf32> to vector<256x1xf32>
      %broadcast_in_dim3A_517 = vector.broadcast %broadcast_in_dim3A_516 : vector<256x1xf32> to vector<256x32xf32>
      %select_n3A_518 = arith.select %eq3A_512, %broadcast_in_dim3A_517, %scan3A_484 : vector<256x32xi1>, vector<256x32xf32>
      %broadcast_in_dim3A_519 = vector.shape_cast %broadcast_in_dim3A_510 : vector<256x1xf32> to vector<256x1xf32>
      %broadcast_in_dim3A_520 = vector.broadcast %broadcast_in_dim3A_519 : vector<256x1xf32> to vector<256x32xf32>
      %select_n3A_521 = arith.select %eq3A_512, %broadcast_in_dim3A_520, %scan3A_485 : vector<256x32xi1>, vector<256x32xf32>
      scf.yield %select_n3A_500, %select_n3A_515, %select_n3A_518, %select_n3A_521 : vector<256x128xf32>, vector<256x32xf32>, vector<256x32xf32>, vector<256x32xf32>
    }
    %scan3A_342 = arith.constant 32 : i32
    %convert_element_type3A_343 = arith.truncf %scan3A_327#2 : vector<256x32xf32> to vector<256x32xbf16>
    %convert_element_type3A_344 = arith.extf %convert_element_type3A_343 : vector<256x32xbf16> to vector<256x32xf32>
    %convert_element_type3A_345 = arith.truncf %scan3A_327#3 : vector<256x32xf32> to vector<256x32xbf16>
    %convert_element_type3A_346 = arith.extf %convert_element_type3A_345 : vector<256x32xbf16> to vector<256x32xf32>
    %convert_element_type3A_347 = arith.truncf %scan3A_341#2 : vector<256x32xf32> to vector<256x32xbf16>
    %dot_general3A_348 = arith.constant dense<0.000000e+00> : vector<256x1024xf32>
    %dot_general3A_349 = tpu.matmul %convert_element_type3A_347, %convert_element_type3A_147, %dot_general3A_348 {dimension_numbers = #tpu.dot_dimension_numbers<[1], [0], [0], [1], [0, 0, 1, 1], [], []>, transpose_lhs_hint = false} : vector<256x32xbf16>, vector<32x1024xbf16>, vector<256x1024xf32> -> vector<256x1024xf32>
    %convert_element_type3A_350 = arith.truncf %scan3A_341#3 : vector<256x32xf32> to vector<256x32xbf16>
    %dot_general3A_351 = arith.constant dense<0.000000e+00> : vector<256x1024xf32>
    %dot_general3A_352 = tpu.matmul %convert_element_type3A_350, %convert_element_type3A_147, %dot_general3A_351 {dimension_numbers = #tpu.dot_dimension_numbers<[1], [0], [0], [1], [0, 0, 1, 1], [], []>, transpose_lhs_hint = false} : vector<256x32xbf16>, vector<32x1024xbf16>, vector<256x1024xf32> -> vector<256x1024xf32>
    %get3A_353 = arith.constant 4 : index
    %get3A_354 = memref.load %arg6[%get3A_353] : memref<16xf32, #tpu.memory_space<smem>>
    %convert_element_type3A_355 = arith.truncf %get3A_354 : f32 to bf16
    %convert_element_type3A_356 = arith.extf %convert_element_type3A_355 : bf16 to f32
    %get3A_357 = arith.constant 5 : index
    %get3A_358 = memref.load %arg6[%get3A_357] : memref<16xf32, #tpu.memory_space<smem>>
    %convert_element_type3A_359 = arith.truncf %get3A_358 : f32 to bf16
    %convert_element_type3A_360 = arith.extf %convert_element_type3A_359 : bf16 to f32
    %get3A_361 = arith.constant 6 : index
    %get3A_362 = memref.load %arg6[%get3A_361] : memref<16xf32, #tpu.memory_space<smem>>
    %convert_element_type3A_363 = arith.truncf %get3A_362 : f32 to bf16
    %convert_element_type3A_364 = arith.extf %convert_element_type3A_363 : bf16 to f32
    %get3A_365 = arith.constant 7 : index
    %get3A_366 = memref.load %arg6[%get3A_365] : memref<16xf32, #tpu.memory_space<smem>>
    %convert_element_type3A_367 = arith.truncf %get3A_366 : f32 to bf16
    %convert_element_type3A_368 = arith.extf %convert_element_type3A_367 : bf16 to f32
    %mul3A_369 = vector.broadcast %convert_element_type3A_356 : f32 to vector<256x32xf32>
    %mul3A_370 = arith.mulf %convert_element_type3A_344, %mul3A_369 : vector<256x32xf32>
    %mul3A_371 = vector.broadcast %convert_element_type3A_364 : f32 to vector<256x32xf32>
    %mul3A_372 = arith.mulf %convert_element_type3A_346, %mul3A_371 : vector<256x32xf32>
    %add3A_373 = arith.addf %mul3A_370, %mul3A_372 : vector<256x32xf32>
    %mul3A_374 = vector.broadcast %convert_element_type3A_360 : f32 to vector<256x32xf32>
    %mul3A_375 = arith.mulf %convert_element_type3A_344, %mul3A_374 : vector<256x32xf32>
    %mul3A_376 = vector.broadcast %convert_element_type3A_368 : f32 to vector<256x32xf32>
    %mul3A_377 = arith.mulf %convert_element_type3A_346, %mul3A_376 : vector<256x32xf32>
    %add3A_378 = arith.addf %mul3A_375, %mul3A_377 : vector<256x32xf32>
    %convert_element_type3A_379 = arith.truncf %add3A_373 : vector<256x32xf32> to vector<256x32xbf16>
    %dot_general3A_380 = arith.constant dense<0.000000e+00> : vector<256x1024xf32>
    %dot_general3A_381 = tpu.matmul %convert_element_type3A_379, %convert_element_type3A_122, %dot_general3A_380 {dimension_numbers = #tpu.dot_dimension_numbers<[1], [0], [0], [1], [0, 0, 1, 1], [], []>, transpose_lhs_hint = false} : vector<256x32xbf16>, vector<32x1024xbf16>, vector<256x1024xf32> -> vector<256x1024xf32>
    %convert_element_type3A_382 = arith.truncf %add3A_378 : vector<256x32xf32> to vector<256x32xbf16>
    %dot_general3A_383 = arith.constant dense<0.000000e+00> : vector<256x1024xf32>
    %dot_general3A_384 = tpu.matmul %convert_element_type3A_382, %convert_element_type3A_122, %dot_general3A_383 {dimension_numbers = #tpu.dot_dimension_numbers<[1], [0], [0], [1], [0, 0, 1, 1], [], []>, transpose_lhs_hint = false} : vector<256x32xbf16>, vector<32x1024xbf16>, vector<256x1024xf32> -> vector<256x1024xf32>
    %mul3A_385 = arith.mulf %dot_general3A_381, %dot_general3A_349 : vector<256x1024xf32>
    %mul3A_386 = arith.mulf %dot_general3A_384, %dot_general3A_352 : vector<256x1024xf32>
    %add3A_387 = arith.addf %mul3A_385, %mul3A_386 : vector<256x1024xf32>
    %broadcast_in_dim3A_388 = arith.constant 0.000000e+00 : f32
    %broadcast_in_dim3A_389 = vector.broadcast %broadcast_in_dim3A_388 : f32 to vector<256x32xf32>
    %scan3A_390 = arith.constant 0 : i32
    %scan3A_391 = arith.constant 32 : i32
    %scan3A_392 = arith.addi %scan3A_390, %scan3A_391 : i32
    %scan3A_393 = arith.constant 1 : i32
    %scan3A_394:3 = scf.for %scan3A_481 = %scan3A_390 to %scan3A_392 step %scan3A_393 iter_args(%scan3A_482 = %add3A_387, %scan3A_483 = %broadcast_in_dim3A_389, %scan3A_484 = %broadcast_in_dim3A_389) -> (vector<256x1024xf32>, vector<256x32xf32>, vector<256x32xf32>)  : i32 {
      %reduce_max3A_485 = arith.constant dense<0xFF800000> : vector<256xf32>
      %reduce_max3A_486 = vector.multi_reduction <maximumf>, %scan3A_482, %reduce_max3A_485 [1] : vector<256x1024xf32> to vector<256xf32>
      %broadcast_in_dim3A_487 = vector.shape_cast %reduce_max3A_486 : vector<256xf32> to vector<256x1xf32>
      %eq3A_488 = vector.broadcast %broadcast_in_dim3A_487 : vector<256x1xf32> to vector<256x1024xf32>
      %eq3A_489 = arith.cmpf oeq, %scan3A_482, %eq3A_488 : vector<256x1024xf32>
      %jit3A_490 = arith.constant 1.000000e+09 : f32
      %broadcast_in_dim3A_491 = vector.broadcast %jit3A_490 : f32 to vector<256x1024xf32>
      %select_n3A_492 = arith.select %eq3A_489, %convert_element_type3A_149, %broadcast_in_dim3A_491 : vector<256x1024xi1>, vector<256x1024xf32>
      %reduce_min3A = arith.constant dense<0x7F800000> : vector<256xf32>
      %reduce_min3A_493 = vector.multi_reduction <minimumf>, %select_n3A_492, %reduce_min3A [1] : vector<256x1024xf32> to vector<256xf32>
      %broadcast_in_dim3A_494 = vector.shape_cast %reduce_min3A_493 : vector<256xf32> to vector<256x1xf32>
      %eq3A_495 = vector.broadcast %broadcast_in_dim3A_494 : vector<256x1xf32> to vector<256x1024xf32>
      %eq3A_496 = arith.cmpf oeq, %convert_element_type3A_149, %eq3A_495 : vector<256x1024xf32>
      %jit3A_497 = arith.constant -1.000000e+30 : f32
      %broadcast_in_dim3A_498 = vector.broadcast %jit3A_497 : f32 to vector<256x1024xf32>
      %select_n3A_499 = arith.select %eq3A_496, %broadcast_in_dim3A_498, %scan3A_482 : vector<256x1024xi1>, vector<256x1024xf32>
      %mul3A_500 = arith.constant 3.125000e-02 : f32
      %mul3A_501 = vector.broadcast %mul3A_500 : f32 to vector<256x1xf32>
      %mul3A_502 = arith.mulf %broadcast_in_dim3A_494, %mul3A_501 : vector<256x1xf32>
      %floor3A = math.floor %mul3A_502 : vector<256x1xf32>
      %mul3A_503 = arith.constant 3.200000e+01 : f32
      %mul3A_504 = vector.broadcast %mul3A_503 : f32 to vector<256x1xf32>
      %mul3A_505 = arith.mulf %floor3A, %mul3A_504 : vector<256x1xf32>
      %sub3A_506 = arith.subf %broadcast_in_dim3A_494, %mul3A_505 : vector<256x1xf32>
      %eq3A_507 = vector.broadcast %floor3A : vector<256x1xf32> to vector<256x32xf32>
      %eq3A_508 = arith.cmpf oeq, %convert_element_type3A_151, %eq3A_507 : vector<256x32xf32>
      %convert_element_type3A_509 = arith.extui %eq3A_508 : vector<256x32xi1> to vector<256x32xi32>
      %convert_element_type3A_510 = arith.sitofp %convert_element_type3A_509 : vector<256x32xi32> to vector<256x32xf32>
      %eq3A_511 = vector.broadcast %sub3A_506 : vector<256x1xf32> to vector<256x32xf32>
      %eq3A_512 = arith.cmpf oeq, %convert_element_type3A_151, %eq3A_511 : vector<256x32xf32>
      %convert_element_type3A_513 = arith.extui %eq3A_512 : vector<256x32xi1> to vector<256x32xi32>
      %convert_element_type3A_514 = arith.sitofp %convert_element_type3A_513 : vector<256x32xi32> to vector<256x32xf32>
      %mul3A_515 = arith.mulf %convert_element_type3A_510, %scan3A_327#1 : vector<256x32xf32>
      %reduce_sum3A_516 = arith.constant dense<0.000000e+00> : vector<256xf32>
      %reduce_sum3A_517 = vector.multi_reduction <add>, %mul3A_515, %reduce_sum3A_516 [1] : vector<256x32xf32> to vector<256xf32>
      %broadcast_in_dim3A_518 = vector.shape_cast %reduce_sum3A_517 : vector<256xf32> to vector<256x1xf32>
      %mul3A_519 = arith.mulf %convert_element_type3A_514, %scan3A_341#1 : vector<256x32xf32>
      %reduce_sum3A_520 = arith.constant dense<0.000000e+00> : vector<256xf32>
      %reduce_sum3A_521 = vector.multi_reduction <add>, %mul3A_519, %reduce_sum3A_520 [1] : vector<256x32xf32> to vector<256xf32>
      %broadcast_in_dim3A_522 = vector.shape_cast %reduce_sum3A_521 : vector<256xf32> to vector<256x1xf32>
      %eq3A_523 = vector.broadcast %scan3A_481 : i32 to vector<256x32xi32>
      %eq3A_524 = arith.cmpi eq, %iota3A_152, %eq3A_523 : vector<256x32xi32>
      %broadcast_in_dim3A_525 = vector.shape_cast %broadcast_in_dim3A_487 : vector<256x1xf32> to vector<256x1xf32>
      %broadcast_in_dim3A_526 = vector.broadcast %broadcast_in_dim3A_525 : vector<256x1xf32> to vector<256x32xf32>
      %select_n3A_527 = arith.select %eq3A_524, %broadcast_in_dim3A_526, %scan3A_483 : vector<256x32xi1>, vector<256x32xf32>
      %mul3A_528 = arith.constant 1.280000e+02 : f32
      %mul3A_529 = vector.broadcast %mul3A_528 : f32 to vector<256x1xf32>
      %mul3A_530 = arith.mulf %broadcast_in_dim3A_518, %mul3A_529 : vector<256x1xf32>
      %add3A_531 = arith.addf %mul3A_530, %broadcast_in_dim3A_522 : vector<256x1xf32>
      %broadcast_in_dim3A_532 = vector.shape_cast %add3A_531 : vector<256x1xf32> to vector<256x1xf32>
      %broadcast_in_dim3A_533 = vector.broadcast %broadcast_in_dim3A_532 : vector<256x1xf32> to vector<256x32xf32>
      %select_n3A_534 = arith.select %eq3A_524, %broadcast_in_dim3A_533, %scan3A_484 : vector<256x32xi1>, vector<256x32xf32>
      scf.yield %select_n3A_499, %select_n3A_527, %select_n3A_534 : vector<256x1024xf32>, vector<256x32xf32>, vector<256x32xf32>
    }
    %scan3A_395 = arith.constant 32 : i32
    %reduce_max3A_396 = arith.constant dense<0xFF800000> : vector<256xf32>
    %reduce_max3A_397 = vector.multi_reduction <maximumf>, %scan3A_394#1, %reduce_max3A_396 [1] : vector<256x32xf32> to vector<256xf32>
    %broadcast_in_dim3A_398 = vector.shape_cast %reduce_max3A_397 : vector<256xf32> to vector<256x1xf32>
    %sub3A_399 = vector.broadcast %broadcast_in_dim3A_398 : vector<256x1xf32> to vector<256x32xf32>
    %sub3A_400 = arith.subf %scan3A_394#1, %sub3A_399 : vector<256x32xf32>
    %exp3A_401 = math.exp %sub3A_400 : vector<256x32xf32>
    %reduce_sum3A_402 = arith.constant dense<0.000000e+00> : vector<256xf32>
    %reduce_sum3A_403 = vector.multi_reduction <add>, %exp3A_401, %reduce_sum3A_402 [1] : vector<256x32xf32> to vector<256xf32>
    %broadcast_in_dim3A_404 = vector.shape_cast %reduce_sum3A_403 : vector<256xf32> to vector<256x1xf32>
    %div3A_405 = vector.broadcast %broadcast_in_dim3A_404 : vector<256x1xf32> to vector<256x32xf32>
    %div3A_406 = arith.divf %exp3A_401, %div3A_405 : vector<256x32xf32>
    %mul3A_407 = arith.constant 2.500000e-01 : f32
    %mul3A_408 = vector.broadcast %mul3A_407 : f32 to vector<256x32xf32>
    %mul3A_409 = arith.mulf %div3A_406, %mul3A_408 : vector<256x32xf32>
    %swap3A_410 = arith.constant 0 : index
    %swap3A_411 = arith.constant 64 : index
    %swap3A_412 = vector.load %arg7[%swap3A_410, %swap3A_411] : memref<256x128xf32, #tpu.memory_space<vmem>>, vector<256x32xf32>
    tpu.vector_store %arg7[%swap3A_410, %swap3A_411], %mul3A_409 {strides = array<i32>} : memref<256x128xf32, #tpu.memory_space<vmem>>, vector<256x32xf32>,
    %convert_element_type3A_413 = arith.fptosi %scan3A_394#2 : vector<256x32xf32> to vector<256x32xi32>
    %swap3A_414 = arith.constant 0 : index
    %swap3A_415 = arith.constant 64 : index
    %swap3A_416 = vector.load %arg8[%swap3A_414, %swap3A_415] : memref<256x128xi32, #tpu.memory_space<vmem>>, vector<256x32xi32>
    tpu.vector_store %arg8[%swap3A_414, %swap3A_415], %convert_element_type3A_413 {strides = array<i32>} : memref<256x128xi32, #tpu.memory_space<vmem>>, vector<256x32xi32>,
    %get3A_417 = arith.constant 12 : index
    %get3A_418 = memref.load %arg6[%get3A_417] : memref<16xf32, #tpu.memory_space<smem>>
    %convert_element_type3A_419 = arith.truncf %get3A_418 : f32 to bf16
    %convert_element_type3A_420 = arith.extf %convert_element_type3A_419 : bf16 to f32
    %get3A_421 = arith.constant 13 : index
    %get3A_422 = memref.load %arg6[%get3A_421] : memref<16xf32, #tpu.memory_space<smem>>
    %convert_element_type3A_423 = arith.truncf %get3A_422 : f32 to bf16
    %convert_element_type3A_424 = arith.extf %convert_element_type3A_423 : bf16 to f32
    %get3A_425 = arith.constant 14 : index
    %get3A_426 = memref.load %arg6[%get3A_425] : memref<16xf32, #tpu.memory_space<smem>>
    %convert_element_type3A_427 = arith.truncf %get3A_426 : f32 to bf16
    %convert_element_type3A_428 = arith.extf %convert_element_type3A_427 : bf16 to f32
    %get3A_429 = arith.constant 15 : index
    %get3A_430 = memref.load %arg6[%get3A_429] : memref<16xf32, #tpu.memory_space<smem>>
    %convert_element_type3A_431 = arith.truncf %get3A_430 : f32 to bf16
    %convert_element_type3A_432 = arith.extf %convert_element_type3A_431 : bf16 to f32
    %mul3A_433 = vector.broadcast %convert_element_type3A_420 : f32 to vector<256x32xf32>
    %mul3A_434 = arith.mulf %convert_element_type3A_344, %mul3A_433 : vector<256x32xf32>
    %mul3A_435 = vector.broadcast %convert_element_type3A_428 : f32 to vector<256x32xf32>
    %mul3A_436 = arith.mulf %convert_element_type3A_346, %mul3A_435 : vector<256x32xf32>
    %add3A_437 = arith.addf %mul3A_434, %mul3A_436 : vector<256x32xf32>
    %mul3A_438 = vector.broadcast %convert_element_type3A_424 : f32 to vector<256x32xf32>
    %mul3A_439 = arith.mulf %convert_element_type3A_344, %mul3A_438 : vector<256x32xf32>
    %mul3A_440 = vector.broadcast %convert_element_type3A_432 : f32 to vector<256x32xf32>
    %mul3A_441 = arith.mulf %convert_element_type3A_346, %mul3A_440 : vector<256x32xf32>
    %add3A_442 = arith.addf %mul3A_439, %mul3A_441 : vector<256x32xf32>
    %convert_element_type3A_443 = arith.truncf %add3A_437 : vector<256x32xf32> to vector<256x32xbf16>
    %dot_general3A_444 = arith.constant dense<0.000000e+00> : vector<256x1024xf32>
    %dot_general3A_445 = tpu.matmul %convert_element_type3A_443, %convert_element_type3A_122, %dot_general3A_444 {dimension_numbers = #tpu.dot_dimension_numbers<[1], [0], [0], [1], [0, 0, 1, 1], [], []>, transpose_lhs_hint = false} : vector<256x32xbf16>, vector<32x1024xbf16>, vector<256x1024xf32> -> vector<256x1024xf32>
    %convert_element_type3A_446 = arith.truncf %add3A_442 : vector<256x32xf32> to vector<256x32xbf16>
    %dot_general3A_447 = arith.constant dense<0.000000e+00> : vector<256x1024xf32>
    %dot_general3A_448 = tpu.matmul %convert_element_type3A_446, %convert_element_type3A_122, %dot_general3A_447 {dimension_numbers = #tpu.dot_dimension_numbers<[1], [0], [0], [1], [0, 0, 1, 1], [], []>, transpose_lhs_hint = false} : vector<256x32xbf16>, vector<32x1024xbf16>, vector<256x1024xf32> -> vector<256x1024xf32>
    %mul3A_449 = arith.mulf %dot_general3A_445, %dot_general3A_349 : vector<256x1024xf32>
    %mul3A_450 = arith.mulf %dot_general3A_448, %dot_general3A_352 : vector<256x1024xf32>
    %add3A_451 = arith.addf %mul3A_449, %mul3A_450 : vector<256x1024xf32>
    %broadcast_in_dim3A_452 = arith.constant 0.000000e+00 : f32
    %broadcast_in_dim3A_453 = vector.broadcast %broadcast_in_dim3A_452 : f32 to vector<256x32xf32>
    %scan3A_454 = arith.constant 0 : i32
    %scan3A_455 = arith.constant 32 : i32
    %scan3A_456 = arith.addi %scan3A_454, %scan3A_455 : i32
    %scan3A_457 = arith.constant 1 : i32
    %scan3A_458:3 = scf.for %scan3A_481 = %scan3A_454 to %scan3A_456 step %scan3A_457 iter_args(%scan3A_482 = %add3A_451, %scan3A_483 = %broadcast_in_dim3A_453, %scan3A_484 = %broadcast_in_dim3A_453) -> (vector<256x1024xf32>, vector<256x32xf32>, vector<256x32xf32>)  : i32 {
      %reduce_max3A_485 = arith.constant dense<0xFF800000> : vector<256xf32>
      %reduce_max3A_486 = vector.multi_reduction <maximumf>, %scan3A_482, %reduce_max3A_485 [1] : vector<256x1024xf32> to vector<256xf32>
      %broadcast_in_dim3A_487 = vector.shape_cast %reduce_max3A_486 : vector<256xf32> to vector<256x1xf32>
      %eq3A_488 = vector.broadcast %broadcast_in_dim3A_487 : vector<256x1xf32> to vector<256x1024xf32>
      %eq3A_489 = arith.cmpf oeq, %scan3A_482, %eq3A_488 : vector<256x1024xf32>
      %jit3A_490 = arith.constant 1.000000e+09 : f32
      %broadcast_in_dim3A_491 = vector.broadcast %jit3A_490 : f32 to vector<256x1024xf32>
      %select_n3A_492 = arith.select %eq3A_489, %convert_element_type3A_149, %broadcast_in_dim3A_491 : vector<256x1024xi1>, vector<256x1024xf32>
      %reduce_min3A = arith.constant dense<0x7F800000> : vector<256xf32>
      %reduce_min3A_493 = vector.multi_reduction <minimumf>, %select_n3A_492, %reduce_min3A [1] : vector<256x1024xf32> to vector<256xf32>
      %broadcast_in_dim3A_494 = vector.shape_cast %reduce_min3A_493 : vector<256xf32> to vector<256x1xf32>
      %eq3A_495 = vector.broadcast %broadcast_in_dim3A_494 : vector<256x1xf32> to vector<256x1024xf32>
      %eq3A_496 = arith.cmpf oeq, %convert_element_type3A_149, %eq3A_495 : vector<256x1024xf32>
      %jit3A_497 = arith.constant -1.000000e+30 : f32
      %broadcast_in_dim3A_498 = vector.broadcast %jit3A_497 : f32 to vector<256x1024xf32>
      %select_n3A_499 = arith.select %eq3A_496, %broadcast_in_dim3A_498, %scan3A_482 : vector<256x1024xi1>, vector<256x1024xf32>
      %mul3A_500 = arith.constant 3.125000e-02 : f32
      %mul3A_501 = vector.broadcast %mul3A_500 : f32 to vector<256x1xf32>
      %mul3A_502 = arith.mulf %broadcast_in_dim3A_494, %mul3A_501 : vector<256x1xf32>
      %floor3A = math.floor %mul3A_502 : vector<256x1xf32>
      %mul3A_503 = arith.constant 3.200000e+01 : f32
      %mul3A_504 = vector.broadcast %mul3A_503 : f32 to vector<256x1xf32>
      %mul3A_505 = arith.mulf %floor3A, %mul3A_504 : vector<256x1xf32>
      %sub3A_506 = arith.subf %broadcast_in_dim3A_494, %mul3A_505 : vector<256x1xf32>
      %eq3A_507 = vector.broadcast %floor3A : vector<256x1xf32> to vector<256x32xf32>
      %eq3A_508 = arith.cmpf oeq, %convert_element_type3A_151, %eq3A_507 : vector<256x32xf32>
      %convert_element_type3A_509 = arith.extui %eq3A_508 : vector<256x32xi1> to vector<256x32xi32>
      %convert_element_type3A_510 = arith.sitofp %convert_element_type3A_509 : vector<256x32xi32> to vector<256x32xf32>
      %eq3A_511 = vector.broadcast %sub3A_506 : vector<256x1xf32> to vector<256x32xf32>
      %eq3A_512 = arith.cmpf oeq, %convert_element_type3A_151, %eq3A_511 : vector<256x32xf32>
      %convert_element_type3A_513 = arith.extui %eq3A_512 : vector<256x32xi1> to vector<256x32xi32>
      %convert_element_type3A_514 = arith.sitofp %convert_element_type3A_513 : vector<256x32xi32> to vector<256x32xf32>
      %mul3A_515 = arith.mulf %convert_element_type3A_510, %scan3A_327#1 : vector<256x32xf32>
      %reduce_sum3A_516 = arith.constant dense<0.000000e+00> : vector<256xf32>
      %reduce_sum3A_517 = vector.multi_reduction <add>, %mul3A_515, %reduce_sum3A_516 [1] : vector<256x32xf32> to vector<256xf32>
      %broadcast_in_dim3A_518 = vector.shape_cast %reduce_sum3A_517 : vector<256xf32> to vector<256x1xf32>
      %mul3A_519 = arith.mulf %convert_element_type3A_514, %scan3A_341#1 : vector<256x32xf32>
      %reduce_sum3A_520 = arith.constant dense<0.000000e+00> : vector<256xf32>
      %reduce_sum3A_521 = vector.multi_reduction <add>, %mul3A_519, %reduce_sum3A_520 [1] : vector<256x32xf32> to vector<256xf32>
      %broadcast_in_dim3A_522 = vector.shape_cast %reduce_sum3A_521 : vector<256xf32> to vector<256x1xf32>
      %eq3A_523 = vector.broadcast %scan3A_481 : i32 to vector<256x32xi32>
      %eq3A_524 = arith.cmpi eq, %iota3A_152, %eq3A_523 : vector<256x32xi32>
      %broadcast_in_dim3A_525 = vector.shape_cast %broadcast_in_dim3A_487 : vector<256x1xf32> to vector<256x1xf32>
      %broadcast_in_dim3A_526 = vector.broadcast %broadcast_in_dim3A_525 : vector<256x1xf32> to vector<256x32xf32>
      %select_n3A_527 = arith.select %eq3A_524, %broadcast_in_dim3A_526, %scan3A_483 : vector<256x32xi1>, vector<256x32xf32>
      %mul3A_528 = arith.constant 1.280000e+02 : f32
      %mul3A_529 = vector.broadcast %mul3A_528 : f32 to vector<256x1xf32>
      %mul3A_530 = arith.mulf %broadcast_in_dim3A_518, %mul3A_529 : vector<256x1xf32>
      %add3A_531 = arith.addf %mul3A_530, %broadcast_in_dim3A_522 : vector<256x1xf32>
      %broadcast_in_dim3A_532 = vector.shape_cast %add3A_531 : vector<256x1xf32> to vector<256x1xf32>
      %broadcast_in_dim3A_533 = vector.broadcast %broadcast_in_dim3A_532 : vector<256x1xf32> to vector<256x32xf32>
      %select_n3A_534 = arith.select %eq3A_524, %broadcast_in_dim3A_533, %scan3A_484 : vector<256x32xi1>, vector<256x32xf32>
      scf.yield %select_n3A_499, %select_n3A_527, %select_n3A_534 : vector<256x1024xf32>, vector<256x32xf32>, vector<256x32xf32>
    }
    %scan3A_459 = arith.constant 32 : i32
    %reduce_max3A_460 = arith.constant dense<0xFF800000> : vector<256xf32>
    %reduce_max3A_461 = vector.multi_reduction <maximumf>, %scan3A_458#1, %reduce_max3A_460 [1] : vector<256x32xf32> to vector<256xf32>
    %broadcast_in_dim3A_462 = vector.shape_cast %reduce_max3A_461 : vector<256xf32> to vector<256x1xf32>
    %sub3A_463 = vector.broadcast %broadcast_in_dim3A_462 : vector<256x1xf32> to vector<256x32xf32>
    %sub3A_464 = arith.subf %scan3A_458#1, %sub3A_463 : vector<256x32xf32>
    %exp3A_465 = math.exp %sub3A_464 : vector<256x32xf32>
    %reduce_sum3A_466 = arith.constant dense<0.000000e+00> : vector<256xf32>
    %reduce_sum3A_467 = vector.multi_reduction <add>, %exp3A_465, %reduce_sum3A_466 [1] : vector<256x32xf32> to vector<256xf32>
    %broadcast_in_dim3A_468 = vector.shape_cast %reduce_sum3A_467 : vector<256xf32> to vector<256x1xf32>
    %div3A_469 = vector.broadcast %broadcast_in_dim3A_468 : vector<256x1xf32> to vector<256x32xf32>
    %div3A_470 = arith.divf %exp3A_465, %div3A_469 : vector<256x32xf32>
    %mul3A_471 = arith.constant 2.500000e-01 : f32
    %mul3A_472 = vector.broadcast %mul3A_471 : f32 to vector<256x32xf32>
    %mul3A_473 = arith.mulf %div3A_470, %mul3A_472 : vector<256x32xf32>
    %swap3A_474 = arith.constant 0 : index
    %swap3A_475 = arith.constant 96 : index
    %swap3A_476 = vector.load %arg7[%swap3A_474, %swap3A_475] : memref<256x128xf32, #tpu.memory_space<vmem>>, vector<256x32xf32>
    tpu.vector_store %arg7[%swap3A_474, %swap3A_475], %mul3A_473 {strides = array<i32>} : memref<256x128xf32, #tpu.memory_space<vmem>>, vector<256x32xf32>,
    %convert_element_type3A_477 = arith.fptosi %scan3A_458#2 : vector<256x32xf32> to vector<256x32xi32>
    %swap3A_478 = arith.constant 0 : index
    %swap3A_479 = arith.constant 96 : index
    %swap3A_480 = vector.load %arg8[%swap3A_478, %swap3A_479] : memref<256x128xi32, #tpu.memory_space<vmem>>, vector<256x32xi32>
    tpu.vector_store %arg8[%swap3A_478, %swap3A_479], %convert_element_type3A_477 {strides = array<i32>} : memref<256x128xi32, #tpu.memory_space<vmem>>, vector<256x32xi32>,
    return
  }
  func.func @transform_0(%arg0: i32) -> (i32, i32) {
    %c0_i32 = arith.constant 0 : i32
    %c0_i32_0 = arith.constant 0 : i32
    return %arg0, %c0_i32 : i32, i32
  }
  func.func @transform_1(%arg0: i32) -> (i32, i32) {
    %c0_i32 = arith.constant 0 : i32
    %c0_i32_0 = arith.constant 0 : i32
    %c0_i32_1 = arith.constant 0 : i32
    return %c0_i32, %c0_i32_0 : i32, i32
  }
  func.func @transform_2(%arg0: i32) -> (i32, i32, i32) {
    %c0_i32 = arith.constant 0 : i32
    %c0_i32_0 = arith.constant 0 : i32
    %c0_i32_1 = arith.constant 0 : i32
    %c0_i32_2 = arith.constant 0 : i32
    return %c0_i32, %c0_i32_0, %c0_i32_1 : i32, i32, i32
  }
  func.func @transform_3(%arg0: i32) -> (i32, i32) {
    %c0_i32 = arith.constant 0 : i32
    %c0_i32_0 = arith.constant 0 : i32
    %c0_i32_1 = arith.constant 0 : i32
    return %c0_i32, %c0_i32_0 : i32, i32
  }
  func.func @transform_4(%arg0: i32) -> (i32, i32, i32) {
    %c0_i32 = arith.constant 0 : i32
    %c0_i32_0 = arith.constant 0 : i32
    %c0_i32_1 = arith.constant 0 : i32
    %c0_i32_2 = arith.constant 0 : i32
    return %c0_i32, %c0_i32_0, %c0_i32_1 : i32, i32, i32
  }
  func.func @transform_5(%arg0: i32) -> i32 {
    %c0_i32 = arith.constant 0 : i32
    %c0_i32_0 = arith.constant 0 : i32
    return %c0_i32 : i32
  }
  func.func @transform_6(%arg0: i32) -> (i32, i32) {
    %c0_i32 = arith.constant 0 : i32
    %c0_i32_0 = arith.constant 0 : i32
    return %arg0, %c0_i32 : i32, i32
  }
  func.func @transform_7(%arg0: i32) -> (i32, i32) {
    %c0_i32 = arith.constant 0 : i32
    %c0_i32_0 = arith.constant 0 : i32
    return %arg0, %c0_i32 : i32, i32
  }
}

module attributes {stable_mosaic.version = 14 : i64} {
  func.func @_stage_proj_body(%arg0: i32, %arg1: memref<256x1024xf32, #tpu.memory_space<vmem>>, %arg2: memref<1024x4096xbf16, #tpu.memory_space<vmem>>, %arg3: memref<256x4096xf32, #tpu.memory_space<vmem>>) attributes {dimension_semantics = [#tpu.dimension_semantics<parallel>], iteration_bounds = array<i64: 8>, scalar_prefetch = 0 : i64, scratch_operands = 0 : i64, tpu.core_type = #tpu.core_type<tc>, window_params = [{transform_indices = @transform_0, window_bounds = array<i64: 256, 1024>}, {pipeline_mode = #tpu.pipeline_mode<synchronous>, transform_indices = @transform_1, window_bounds = array<i64: 1024, 4096>}, {transform_indices = @transform_2, window_bounds = array<i64: 256, 4096>}]} {
    %get3A = arith.constant 0 : index
    %get3A_0 = arith.constant 0 : index
    %get3A_1 = vector.load %arg1[%get3A, %get3A_0] : memref<256x1024xf32, #tpu.memory_space<vmem>>, vector<256x1024xf32>
    %convert_element_type3A = arith.truncf %get3A_1 : vector<256x1024xf32> to vector<256x1024xbf16>
    %get3A_2 = arith.constant 0 : index
    %get3A_3 = arith.constant 0 : index
    %get3A_4 = vector.load %arg2[%get3A_2, %get3A_3] : memref<1024x4096xbf16, #tpu.memory_space<vmem>>, vector<1024x4096xbf16>
    %dot_general3A = arith.constant dense<0.000000e+00> : vector<256x4096xf32>
    %dot_general3A_5 = tpu.matmul %convert_element_type3A, %get3A_4, %dot_general3A {dimension_numbers = #tpu.dot_dimension_numbers<[1], [0], [0], [1], [0, 0, 1, 1], [], []>, transpose_lhs_hint = false} : vector<256x1024xbf16>, vector<1024x4096xbf16>, vector<256x4096xf32> -> vector<256x4096xf32>
    %swap3A = arith.constant 0 : index
    %swap3A_6 = arith.constant 0 : index
    %swap3A_7 = vector.load %arg3[%swap3A, %swap3A_6] : memref<256x4096xf32, #tpu.memory_space<vmem>>, vector<256x4096xf32>
    tpu.vector_store %arg3[%swap3A, %swap3A_6], %dot_general3A_5 {strides = array<i32>} : memref<256x4096xf32, #tpu.memory_space<vmem>>, vector<256x4096xf32>,
    return
  }
  func.func @transform_0(%arg0: i32) -> (i32, i32) {
    %c0_i32 = arith.constant 0 : i32
    %c0_i32_0 = arith.constant 0 : i32
    return %arg0, %c0_i32 : i32, i32
  }
  func.func @transform_1(%arg0: i32) -> (i32, i32) {
    %c0_i32 = arith.constant 0 : i32
    %c0_i32_0 = arith.constant 0 : i32
    %c0_i32_1 = arith.constant 0 : i32
    return %c0_i32, %c0_i32_0 : i32, i32
  }
  func.func @transform_2(%arg0: i32) -> (i32, i32) {
    %c0_i32 = arith.constant 0 : i32
    %c0_i32_0 = arith.constant 0 : i32
    return %arg0, %c0_i32 : i32, i32
  }
}

</mosaic_0001>

<sc_bundles>
// kernel: kernel.6.cloned.1.call-start
scs
__scs_entry_jumppad:
0x0: {  	(pc) =	sbr.rel $0x88, $3  }
0x1: {  	(tag) =	ssettag $0x0;
	lr =	simm.s32 $0x1  }
0x2: {  	[smem:$0x3F97] =	sst lr;
	_ =	strace $0xD0000000  }
0x3: {  	_ = 	snop  }
0x4: {  	_ = 	snop  }
0x5: {  	_ = 	snop  }
0x6: {  	_ = 	snop  }
0x7: {  	_ = 	snop  }
__scs_overlays_trampoline_lowered:
0x8: {  	[smem:$0x3FA6] =	sst s0  }
0x9: {  	[smem:$0x3FA7] =	sst s1  }
0xa: {  	[smem:$0x3FA8] =	sst s2  }
0xb: {  	[smem:$0x3FA9] =	sst s3  }
0xc: {  	[smem:$0x3FAA] =	sst s4  }
0xd: {  	[smem:$0x3FAB] =	sst s5  }
0xe: {  	[smem:$0x3FAC] =	sst s6  }
0xf: {  	[smem:$0x3FAD] =	sst s7  }
0x10: {  	[smem:$0x3FAE] =	sst s8  }
0x11: {  	[smem:$0x3FAF] =	sst s9;
	s0 =	simm.s32 @!p0 $0x0  }
0x12: {  	s1 =	sld [smem:$0x3F95];
	s0 =	simm.s32 @p0 $0x1  }
0x13: {  	[smem:$0x3FB0] =	sst s0;
	s0 =	simm.s32 @!p1 $0x0  }
0x14: {  	s2 =	sld [smem:$0x3F94];
	s0 =	simm.s32 @p1 $0x1  }
0x15: {  	[smem:$0x3FB1] =	sst s0;
	s0 =	simm.s32 @!p2 $0x0  }
0x16: {  	s3 =	sld [smem:$0x3FDB];
	s0 =	simm.s32 @p2 $0x1  }
0x17: {  	s4 =	simm.s32 $0x1BF5;
	[smem:$0x3FB3] =	sst s0  }
0x18: {  	s0 =	sld [smem:$0x3F96];
	_ =	swait.ge [sflag:s4], $0x0  }
0x19: {  	s7 =	sld [smem:$0x3F97]  }
0x1a: {  	s8 =	sadd.s32 $0xFFFFE003, lr  }
0x1b: {  	s9 =	sadd.s32 $0xFFFFFEF7, lr;
	s5 =	simm.s32 $0xFFFFFFFF;
	p2 =	slt.u32 s8, $0xFFFFF086  }
0x1c: {  	p1 =	slt.u32 s9, $0xF7A;
	s5 =	simm.s32 @!p2 $0x0  }
0x1d: {  	s5 =	simm.s32 @p1 $0x1;
	p0 =	seq.s32 s7, s2  }
0x1e: {  	s7 =	smul.u32 @!p0 $0xF7A, s2;
	p2 =	seq.s32 @!p0 s5, $0x0  }
0x1f: {  	s9 =	smul.u32 $0xF7A, s1;
	s8 =	simm.s32 @!p0 $0x1BF5;
	p2 =	por !p2, p0  }
0x20: {  	[sflag:s8] =	ssyncset.s32 @!p0 $0xFFFFF086;
	s6 =	sadd.s32 @!p0 s3, s7;
	s7 =	simm.s32 @!p0 $0x108  }
0x21: {  	s3 =	sadd.s32 s3, s9;
	s6 =	sadd.s32 @!p0 $0x88, s6;
	s7 =	simm.s32 @p2 $0x1082  }
0x22: {  	[simem:s7], [sflag:s8] =	dma.local @!p0 [hbm:s6], $0xF7A  }
0x23: {  	s9 =	sor.u32 $0xD0000000, s2;
	s6 =	simm.s32 $0x108;
	_ =	swait.ge @!p0 [sflag:s8], $0x0  }
0x24: {  	s3 =	sadd.s32 $0x88, s3;
	s6 =	simm.s32 @!p1 $0x1082;
	[sflag:s4] =	ssyncset.s32 $0xFFFFF086  }
0x25: {  	[simem:s6], [sflag:s4] =	dma.local [hbm:s3], $0xF7A  }
0x26: {  	[smem:$0x3F97] =	sst s1;
	(tag) =	ssettag s2;
	_ =	strace s9  }
0x27: {  	s1 =	sld [smem:$0x3FA7]  }
0x28: {  	s2 =	sld [smem:$0x3FA8]  }
0x29: {  	s4 =	sld [smem:$0x3FAA]  }
0x2a: {  	p0 =	seq.s32 s5, $0x0;
	s5 =	sld [smem:$0x3FAB]  }
0x2b: {  	s6 =	sld [smem:$0x3FAC]  }
0x2c: {  	s7 =	sld [smem:$0x3FAD]  }
0x2d: {  	s3 =	simm.s32 $0x108;
	s8 =	sld [smem:$0x3FAE]  }
0x2e: {  	s3 =	simm.s32 @!p0 $0x1082;
	s9 =	sld [smem:$0x3FAF]  }
0x2f: {  	lr =	sadd.s32 s0, s3;
	s0 =	sld [smem:$0x3FA6]  }
0x30: {  	s3 =	sld [smem:$0x3FA9]  }
0x31: {  	[smem:$0x3FB2] =	sst s10  }
0x32: {  	s10 =	sld [smem:$0x3FB0];
	_ =	sdelay $0x3  }
0x33: {  	p0 =	seq.s32 s10, $0x1;
	s10 =	sld [smem:$0x3FB2];
	_ =	sdelay $0x3  }
0x34: {  	[smem:$0x3FB2] =	sst s10  }
0x35: {  	s10 =	sld [smem:$0x3FB1];
	_ =	sdelay $0x3  }
0x36: {  	p1 =	seq.s32 s10, $0x1;
	s10 =	sld [smem:$0x3FB2];
	_ =	sdelay $0x3  }
0x37: {  	[smem:$0x3FB2] =	sst s10  }
0x38: {  	s10 =	sld [smem:$0x3FB3]  }
0x39: {  	_ = 	snop;
	(pc) =	sbr.ind lr, $3  }
0x3a: {  	_ = 	snop  }
0x3b: {  	_ = 	snop  }
0x3c: {  	p2 =	seq.s32 s10, $0x1;
	s10 =	sld [smem:$0x3FB2]  }
0x3d: {  	_ =	shalt  }
0x3e: {  	_ =	shalt  }
0x3f: {  	_ =	shalt  }
0x40: {  	_ =	shalt  }
0x41: {  	_ =	shalt  }
0x42: {  	_ =	shalt  }
0x43: {  	_ =	shalt  }
0x44: {  	_ =	shalt  }
0x45: {  	_ =	shalt  }
0x46: {  	_ =	shalt  }
0x47: {  	_ =	shalt  }
0x48: {  	_ =	shalt  }
0x49: {  	_ =	shalt  }
0x4a: {  	_ =	shalt  }
0x4b: {  	_ =	shalt  }
0x4c: {  	_ =	shalt  }
0x4d: {  	_ =	shalt  }
0x4e: {  	_ =	shalt  }
0x4f: {  	_ =	shalt  }
0x50: {  	_ =	shalt  }
0x51: {  	_ =	shalt  }
0x52: {  	_ =	shalt  }
0x53: {  	_ =	shalt  }
0x54: {  	_ =	shalt  }
0x55: {  	_ =	shalt  }
0x56: {  	_ =	shalt  }
0x57: {  	_ =	shalt  }
0x58: {  	_ =	shalt  }
0x59: {  	_ =	shalt  }
0x5a: {  	_ =	shalt  }
0x5b: {  	_ =	shalt  }
0x5c: {  	_ =	shalt  }
0x5d: {  	_ =	shalt  }
0x5e: {  	_ =	shalt  }
0x5f: {  	_ =	shalt  }
0x60: {  	_ =	shalt  }
0x61: {  	_ =	shalt  }
0x62: {  	_ =	shalt  }
0x63: {  	_ =	shalt  }
0x64: {  	_ =	shalt  }
0x65: {  	_ =	shalt  }
0x66: {  	_ =	shalt  }
0x67: {  	_ =	shalt  }
0x68: {  	_ =	shalt  }
0x69: {  	_ =	shalt  }
0x6a: {  	_ =	shalt  }
0x6b: {  	_ =	shalt  }
0x6c: {  	_ =	shalt  }
0x6d: {  	_ =	shalt  }
0x6e: {  	_ =	shalt  }
0x6f: {  	_ =	shalt  }
0x70: {  	_ =	shalt  }
0x71: {  	_ =	shalt  }
0x72: {  	_ =	shalt  }
0x73: {  	_ =	shalt  }
0x74: {  	_ =	shalt  }
0x75: {  	_ =	shalt  }
0x76: {  	_ =	shalt  }
0x77: {  	_ =	shalt  }
0x78: {  	_ =	shalt  }
0x79: {  	_ =	shalt  }
0x7a: {  	_ =	shalt  }
0x7b: {  	_ =	shalt  }
0x7c: {  	_ =	shalt  }
0x7d: {  	_ =	shalt  }
0x7e: {  	_ =	shalt  }
0x7f: {  	_ =	shalt  }
0x80: {  	_ =	shalt  }
0x81: {  	_ =	shalt  }
0x82: {  	_ =	shalt  }
0x83: {  	_ =	shalt  }
0x84: {  	_ =	shalt  }
0x85: {  	_ =	shalt  }
0x86: {  	_ =	shalt  }
0x87: {  	_ =	shalt  }
.Lfunc_end0:
.L_simem_size_0:
called_computation_lowered:
.L_overlay_start_0:
0x88: {  	s2 =	sld [smem:$0x3FD9]  }
0x89: {  	s3 =	sld [smem:$0x3FFE];
	_ =	sdelay $0x1  }
0x8a: {  	s1 =	srdreg.scid  }
0x8b: {  	s0 =	sand.u32 $0x1, s1  }
0x8c: {  	s17 =	sshll.u32 s0, $0xA;
	s2 =	sadd.s32 s3, s2  }
0x8d: {  	s2 =	sadd.s32 s2, s17  }
0x8e: {  	[smem:$0x3FBE] =	sst s2  }
0x8f: {  	_ = 	snop  }
0x90: {  	s2 =	sld [smem:$0x3FC0]  }
0x91: {  	s18 =	sld [smem:$0x3FD0];
	(tm) =	ssettm $0x1  }
0x92: {  	s4 =	sld [smem:$0x3FFB];
	_ =	sdelay $0x3  }
0x93: {  	_ =	strace s4  }
0x94: {  	s4 =	sld [smem:$0x3FFC];
	_ =	sdelay $0x3  }
0x95: {  	_ =	strace s4  }
0x96: {  	s4 =	sld [smem:$0x3FFD];
	_ =	sdelay $0x3  }
0x97: {  	_ =	strace s4  }
0x98: {  	_ =	strace $0x8FFFFFFF  }
0x99: {  	s19 =	sld [smem:$0x3FDB];
	_ =	sdelay $0x1  }
0x9a: {  	s5 =	simm.s32 $_scs_section_size  }
0x9b: {  	s6 =	simm.s32 $_size__tile_overlayer_lowered;
	s7 =	simm.s32 $_tile_overlayer_lowered  }
0x9c: {  	s22 =	simm.s32 $0x1BFF;
	s21 =	sshll.u32 s7, $0x1;
	s4 =	sadd.s32 s5, s19  }
0x9d: {  	s8 =	simm.s32 $0x0;
	s20 =	sshll.u32 s6, $0x1;
	s6 =	sadd.s32 s21, s4  }
0x9e: {  	[timem:s8], [sflag:s22] =	dma.local [hbm:s6], s20  }
0x9f: {  	_ =	swait.ge [sflag:s22], s20  }
0xa0: {  	s5 =	ssub.s32 $0x0, s20;
	[sflag:s22] =	ssyncset.done $0x0  }
0xa1: {  	[sflag:s22] =	ssyncadd.s32 s5;
	_ =	sdelay $0x1  }
0xa2: {  	s23 =	simm.s32 $0x1B8B  }
0xa3: {  	_ =	swait.ge [sflag:s23], $0x1  }
0xa4: {  	[sflag:s23] =	ssyncset.done $0x0  }
0xa5: {  	s25 =	simm.s32 $0x1B8E;
	s24 =	sld [smem:$0x3FFE];
	[sflag:s23] =	ssyncadd.s32 $0xFFFFFFFF  }
0xa6: {  	s26 =	simm.s32 $execute0_lowered;
	[smem:$0x3FD2] =	sst s25  }
0xa7: {  	s6 =	sshll.u32 s26, $0x1;
	_ =	strace $0x80000046;
	[dreg:$0x1] =	wrdreg $0xFFFFFFFF  }
0xa8: {  	s28 =	simm.s32 $_size_execute0_lowered;
	s4 =	sadd.s32 s4, s6;
	[dreg:$0x0] =	wrdreg $0x0  }
0xa9: {  	s6 =	sshll.u32 s28, $0x1;
	[dreg:$0x2] =	wrdreg s4  }
0xaa: {  	[dreg:$0x3] =	wrdreg s6  }
0xab: {  	[dreg:$0x4] =	wrdreg $0xC0  }
0xac: {  	_ =	task [dreg:s8], $0x5FFFF  }
0xad: {  	[dreg:$0x1] =	wrdreg $0xFFFFFFFF  }
0xae: {  	[dreg:$0x0] =	wrdreg $0x60  }
0xaf: {  	[dreg:$0x2] =	wrdreg s24  }
0xb0: {  	[dreg:$0x3] =	wrdreg s2  }
0xb1: {  	[dreg:$0x4] =	wrdreg s18  }
0xb2: {  	[dreg:$0x5] =	wrdreg $0x9  }
0xb3: {  	_ =	task.clear_ibuf [dreg:s8], $0x6FFFF;
	_ =	strace $0x90000046  }
0xb4: {  	s29 =	simm.s32 $0x9;
	_ =	strace $0x80000048  }
0xb5: {  	_ =	swait.ge [sflag:s29], $0x1  }
0xb6: {  	[sflag:s29] =	ssyncadd.s32 $0xFFFFFFFF  }
0xb7: {  	_ =	strace $0x90000048  }
0xb8: {  	_ =	sfence  }
0xb9: {  	s30 =	sld [smem:$0x0];
	_ =	sdelay $0x2  }
0xba: {  	s31 =	sshll.u32 s1, $0xD;
	s1 =	sshrl.u32 s1, $0x2  }
0xbb: {  	s3 =	sand.u32 $0x4000, s31;
	s1 =	sadd.s32 s1, s30  }
0xbc: {  	s0 =	sor.u32 s3, s0;
	s1 =	sshll.u32 s1, $0x11  }
0xbd: {  	s0 =	sor.u32 s1, s0  }
0xbe: {  	s0 =	sadd.s32 $0x8F2B, s0  }
0xbf: {  	[sflag:s0] =	ssyncadd.remote.s32 $0x1  }
0xc0: {  	_ =	sfence.sel $0xFFFF  }
0xc1: {  	[dreg:$0x0] =	wrdreg $0xFFFFFFFF;
	(pc) =	sbr.abs _section_cstart, $3  }
0xc2: {  	[dreg:$0x1] =	wrdreg $0xFFFFFFFF  }
0xc3: {  	_ =	task.clear_ibuf [dreg:s8], $0x2FFFF;
	_ =	strace $0x9FFFFFFF  }
0xc4: {  	(tm) =	ssettm $0x7FFFFFFF  }
0xc5: {  	_ =	shalt  }
tec
execute0_lowered:
.L_overlay_start_1:
0x0: {  	(tag) =	ssettag $0x1  }
0x1: {  	s0 =	rddreg [dreg:$0x0]  }
0x2: {  	s1 =	srdreg.scid;
	s3 =	stileid.u32  }
0x3: {  	s2 =	rddreg [dreg:$0x2];
	s14 =	simm.s32 $0x8000;
	s15 =	simm.s32 $0x14000  }
0x4: {  	s16 =	simm.s32 $0x14800;
	s17 =	simm.s32 $0x15000;
	s18 =	simm.s32 $0x15800  }
0x5: {  	s19 =	simm.s32 $0x16000;
	s20 =	simm.s32 $0x16800;
	s21 =	simm.s32 $0x17000  }
0x6: {  	s22 =	simm.s32 $0x17800;
	s23 =	simm.s32 $0x18000;
	s24 =	simm.s32 $0x18800  }
0x7: {  	s25 =	simm.s32 $0x19000;
	s28 =	simm.s32 $0x1;
	s29 =	simm.s32 $0x2  }
0x8: {  	s31 =	simm.s32 $0x0;
	s1 =	sand.u32 $0x1, s1;
	s4 =	sshll.u32 s3, $0x1  }
0x9: {  	s3 =	simm.s32 $0x0;
	s8 =	sadd.s32 $0x2000, s0;
	s9 =	sadd.s32 $0x2100, s0  }
0xa: {  	s5 =	sor.u32 s1, s4;
	[smem:$0x7FF] =	sst s3;
	s1 =	ssub.s32 $0x2, s1  }
0xb: {  	s4 =	sshll.u32 s5, $0xA;
	_ =	strace $0x80000047;
	s7 =	sshrl.u32 s1, $0x1  }
.Ltmp0:
0xc: {  	s5 =	sshll.u32 s5, $0xD;
	s6 =	sadd.s32 s4, s0;
	(pc) =	sbr.rel .LBB2_1-.Ltmp0, $4  }
0xd: {  	s4 =	sadd.s32 $0x1E00, s0;
	s1 =	ssub.s32 s1, s7;
	s26 =	sadd.s32 $0x209E00, s6  }
0xe: {  	v2 =	vlaneseq.u32;
	s7 =	sadd.s32 $0x1F00, s0;
	s6 =	sadd.s32 $0x201E00, s6;
	[dreg:$0x4] =	wrdreg s26  }
0xf: {  	vm0 =	vmmov $0xffff;
	v1 =	vshrl.u32 v2, $0x3;
	s10 =	sadd.s32 s2, s5;
	s30 =	smax.u32 s1, $0x1;
	[dreg:$0x5] =	wrdreg s6  }
0x10: {  	v0 =	vand.u32 $0x7, v2;
	v2 =	vor.u32 $0x8, v2;
	v1 =	vmul.u32 $0x8, v1;
	s1 =	simm.s32 $0x0;
	[dreg:$0x6] =	wrdreg s30;
	s26 =	simm.s32 $0x19800  }
.LBB2_10:
0x11: {  	s1 =	rddreg [dreg:$0x7]  }
0x12: {  	s0 =	rddreg [dreg:$0x6];
	s1 =	sadd.s32 $0x1, s1  }
0x13: {  	p0 =	sne.s32 s1, s0  }
.Ltmp1:
0x14: {  	_ = 	snop;
	(pc) =	sbr.rel @!p0 .LBB2_11-.Ltmp1, $1  }
0x15: {  	_ =	sdelay $0x3  }
.LBB2_1:
0x16: {  	[dreg:$0x7] =	wrdreg s1  }
0x17: {  	s0 =	rddreg [dreg:$0x1];
	s12 =	simm.s32 $0x3  }
0x18: {  	[tilespmem:s3], [sflag:$0x3] =	stream.linear.gather [hbm4b:s0+s3], $0x4000, $0x38;
	[tilespmem:$0x1A400] =	vst v63  }
0x19: {  	_ =	swait.ge [sflag:s12], $0x4000  }
0x1a: {  	[sflag:s12] =	ssyncset.done $0x0  }
0x1b: {  	s2 =	simm.s32 $0x4000;
	s13 =	rddreg [dreg:$0x4];
	[sflag:s12] =	ssyncadd.s32 $0xFFFFC000  }
0x1c: {  	[tilespmem:s2], [sflag:$0x3] =	stream.linear.gather [hbm4b:s13+s3], $0x2000, $0x38;
	[tilespmem:$0x1A400] =	vst v63  }
0x1d: {  	_ =	swait.ge [sflag:s12], $0x2000  }
0x1e: {  	[sflag:s12] =	ssyncset.done $0x0  }
0x1f: {  	s30 =	rddreg [dreg:$0x5];
	[sflag:s12] =	ssyncadd.s32 $0xFFFFE000  }
0x20: {  	[tilespmem:s14], [sflag:$0x3] =	stream.linear.gather [hbm4b:s30+s3], $0x2000, $0x38;
	[tilespmem:$0x1A400] =	vst v63  }
0x21: {  	_ =	swait.ge [sflag:s12], $0x2000  }
0x22: {  	[sflag:s12] =	ssyncset.done $0x0  }
0x23: {  	s0 =	simm.s32 $0x0;
	[sflag:s12] =	ssyncadd.s32 $0xFFFFE000  }
0x24: {  	v3 =	vld [tilespmem:s0+$0x4000];
	_ =	sdelay $0x7  }
0x25: {  	s1 =	simm.s32 $0x10;
	s2 =	simm.s32 $0x80;
	v3 =	vld.idx.msk [tilespmem:v3+s3+$0x0], $0xffff  }
.LBB2_2:
0x26: {  	p0 =	sne.s32 s2, $0x7FC0;
	v4 =	vld [tilespmem:s1+$0x4000];
	_ =	sdelay $0x3  }
.Ltmp2:
0x27: {  	(pc) =	sbr.rel @p0 .LBB2_2-.Ltmp2, $2  }
0x28: {  	[tilespmem:s0+$0x6000] =	vst v3;
	s0 =	smov.u32 s1;
	_ =	sdelay $0x2  }
0x29: {  	s1 =	sshra.s32 s2, $0x2;
	s2 =	sadd.s32 $0x40, s2;
	v3 =	vld.idx.msk [tilespmem:v4+s3+$0x0], $0xffff  }
0x2a: {  	v4 =	vld [tilespmem:s1+$0x4000];
	_ =	sdelay $0x6  }
0x2b: {  	[tilespmem:s0+$0x6000] =	vst v3  }
0x2c: {  	v3 =	vld.idx.msk [tilespmem:v4+s3+$0x0], $0xffff;
	_ =	sdelay $0x4  }
0x2d: {  	[tilespmem:s1+$0x6000] =	vst v3  }
0x2e: {  	v3 =	vld [tilespmem:$0x6000];
	_ =	sdelay $0x4  }
0x2f: {  	v60 =	vshll.u32 v3, $0x3  }
0x30: {  	v3 =	vand.u32 $0x7, v3;
	v4 =	vand.u32 $0xFFFFFFC0, v60  }
0x31: {  	v3 =	vor.u32 v3, v4  }
0x32: {  	v4 =	vperm.xlane v3, v0;
	_ =	sdelay $0x1  }
0x33: {  	v4 =	vadd.s32 v1, v4;
	_ =	sdelay $0x3  }
0x34: {  	s11 =	simm.s32 $0xA000  }
0x35: {  	[tilespmem:s11], [sflag:$0x1] =	stream.indirect_vreg.gather [hbm4b:s4+s31], $0x80, v4, vm0, $0xb8;
	[tilespmem:$0x1A400] =	vst v63  }
0x36: {  	s12 =	simm.s32 $0xA800;
	v3 =	vperm.xlane v3, v2  }
0x37: {  	[tilespmem:s12], [sflag:$0x1] =	stream.indirect_vreg.gather [hbm4b:s7+s31], $0x80, v4, vm0, $0xb8;
	[tilespmem:$0x1A400] =	vst v63  }
0x38: {  	s13 =	simm.s32 $0xB000;
	v3 =	vadd.s32 v1, v3  }
0x39: {  	[tilespmem:s13], [sflag:$0x1] =	stream.indirect_vreg.gather [hbm4b:s8+s31], $0x80, v4, vm0, $0xb8;
	[tilespmem:$0x1A400] =	vst v63  }
0x3a: {  	s30 =	simm.s32 $0xB800  }
0x3b: {  	[tilespmem:s30], [sflag:$0x1] =	stream.indirect_vreg.gather [hbm4b:s9+s31], $0x80, v4, vm0, $0xb8;
	[tilespmem:$0x1A400] =	vst v63  }
0x3c: {  	s1 =	simm.s32 $0xC000  }
0x3d: {  	[tilespmem:s1], [sflag:$0x1] =	stream.indirect_vreg.gather [hbm4b:s4+s31], $0x80, v3, vm0, $0xb8;
	[tilespmem:$0x1A400] =	vst v63  }
0x3e: {  	s2 =	simm.s32 $0xC800  }
0x3f: {  	[tilespmem:s2], [sflag:$0x1] =	stream.indirect_vreg.gather [hbm4b:s7+s31], $0x80, v3, vm0, $0xb8;
	[tilespmem:$0x1A400] =	vst v63  }
0x40: {  	s5 =	simm.s32 $0xD000  }
0x41: {  	[tilespmem:s5], [sflag:$0x1] =	stream.indirect_vreg.gather [hbm4b:s8+s31], $0x80, v3, vm0, $0xb8;
	[tilespmem:$0x1A400] =	vst v63  }
0x42: {  	s6 =	simm.s32 $0xD800  }
0x43: {  	[tilespmem:s6], [sflag:$0x1] =	stream.indirect_vreg.gather [hbm4b:s9+s31], $0x80, v3, vm0, $0xb8;
	[tilespmem:$0x1A400] =	vst v63  }
0x44: {  	v3 =	vld [tilespmem:$0x6010];
	_ =	sdelay $0x4  }
0x45: {  	v61 =	vshll.u32 v3, $0x3  }
0x46: {  	v3 =	vand.u32 $0x7, v3;
	v4 =	vand.u32 $0xFFFFFFC0, v61  }
0x47: {  	v3 =	vor.u32 v3, v4  }
0x48: {  	v4 =	vperm.xlane v3, v0;
	_ =	sdelay $0x1  }
0x49: {  	v4 =	vadd.s32 v1, v4;
	_ =	sdelay $0x3  }
0x4a: {  	s11 =	simm.s32 $0xE000  }
0x4b: {  	[tilespmem:s11], [sflag:$0x1] =	stream.indirect_vreg.gather [hbm4b:s4+s31], $0x80, v4, vm0, $0xb8;
	[tilespmem:$0x1A400] =	vst v63  }
0x4c: {  	s12 =	simm.s32 $0xE800;
	v3 =	vperm.xlane v3, v2  }
0x4d: {  	[tilespmem:s12], [sflag:$0x1] =	stream.indirect_vreg.gather [hbm4b:s7+s31], $0x80, v4, vm0, $0xb8;
	[tilespmem:$0x1A400] =	vst v63  }
0x4e: {  	s13 =	simm.s32 $0xF000;
	v3 =	vadd.s32 v1, v3  }
0x4f: {  	[tilespmem:s13], [sflag:$0x1] =	stream.indirect_vreg.gather [hbm4b:s8+s31], $0x80, v4, vm0, $0xb8;
	[tilespmem:$0x1A400] =	vst v63  }
0x50: {  	s30 =	simm.s32 $0xF800  }
0x51: {  	[tilespmem:s30], [sflag:$0x1] =	stream.indirect_vreg.gather [hbm4b:s9+s31], $0x80, v4, vm0, $0xb8;
	[tilespmem:$0x1A400] =	vst v63  }
0x52: {  	s1 =	simm.s32 $0x10000  }
0x53: {  	[tilespmem:s1], [sflag:$0x1] =	stream.indirect_vreg.gather [hbm4b:s4+s31], $0x80, v3, vm0, $0xb8;
	[tilespmem:$0x1A400] =	vst v63  }
0x54: {  	s2 =	simm.s32 $0x10800  }
0x55: {  	[tilespmem:s2], [sflag:$0x1] =	stream.indirect_vreg.gather [hbm4b:s7+s31], $0x80, v3, vm0, $0xb8;
	[tilespmem:$0x1A400] =	vst v63  }
0x56: {  	s5 =	simm.s32 $0x11000  }
0x57: {  	[tilespmem:s5], [sflag:$0x1] =	stream.indirect_vreg.gather [hbm4b:s8+s31], $0x80, v3, vm0, $0xb8;
	[tilespmem:$0x1A400] =	vst v63  }
0x58: {  	s6 =	simm.s32 $0x11800  }
0x59: {  	[tilespmem:s6], [sflag:$0x1] =	stream.indirect_vreg.gather [hbm4b:s9+s31], $0x80, v3, vm0, $0xb8;
	[tilespmem:$0x1A400] =	vst v63  }
0x5a: {  	v3 =	vld [tilespmem:$0x6020];
	_ =	sdelay $0x4  }
0x5b: {  	v62 =	vshll.u32 v3, $0x3  }
0x5c: {  	v3 =	vand.u32 $0x7, v3;
	v4 =	vand.u32 $0xFFFFFFC0, v62  }
0x5d: {  	v3 =	vor.u32 v3, v4  }
0x5e: {  	v4 =	vperm.xlane v3, v0;
	_ =	sdelay $0x1  }
0x5f: {  	v4 =	vadd.s32 v1, v4;
	_ =	sdelay $0x3  }
0x60: {  	s11 =	simm.s32 $0x12000  }
0x61: {  	[tilespmem:s11], [sflag:$0x2] =	stream.indirect_vreg.gather [hbm4b:s4+s31], $0x80, v4, vm0, $0xb8;
	[tilespmem:$0x1A400] =	vst v63  }
0x62: {  	s12 =	simm.s32 $0x12800;
	v3 =	vperm.xlane v3, v2  }
0x63: {  	[tilespmem:s12], [sflag:$0x2] =	stream.indirect_vreg.gather [hbm4b:s7+s31], $0x80, v4, vm0, $0xb8;
	[tilespmem:$0x1A400] =	vst v63  }
0x64: {  	s13 =	simm.s32 $0x13000;
	v3 =	vadd.s32 v1, v3  }
0x65: {  	[tilespmem:s13], [sflag:$0x2] =	stream.indirect_vreg.gather [hbm4b:s8+s31], $0x80, v4, vm0, $0xb8;
	[tilespmem:$0x1A400] =	vst v63  }
0x66: {  	s30 =	simm.s32 $0x13800  }
0x67: {  	[tilespmem:s30], [sflag:$0x2] =	stream.indirect_vreg.gather [hbm4b:s9+s31], $0x80, v4, vm0, $0xb8;
	[tilespmem:$0x1A400] =	vst v63  }
0x68: {  	_ = 	snop  }
0x69: {  	[tilespmem:s15], [sflag:$0x2] =	stream.indirect_vreg.gather [hbm4b:s4+s31], $0x80, v3, vm0, $0xb8;
	[tilespmem:$0x1A400] =	vst v63  }
0x6a: {  	_ = 	snop  }
0x6b: {  	[tilespmem:s16], [sflag:$0x2] =	stream.indirect_vreg.gather [hbm4b:s7+s31], $0x80, v3, vm0, $0xb8;
	[tilespmem:$0x1A400] =	vst v63  }
0x6c: {  	_ = 	snop  }
0x6d: {  	[tilespmem:s17], [sflag:$0x2] =	stream.indirect_vreg.gather [hbm4b:s8+s31], $0x80, v3, vm0, $0xb8;
	[tilespmem:$0x1A400] =	vst v63  }
0x6e: {  	_ = 	snop  }
0x6f: {  	[tilespmem:s18], [sflag:$0x2] =	stream.indirect_vreg.gather [hbm4b:s9+s31], $0x80, v3, vm0, $0xb8;
	[tilespmem:$0x1A400] =	vst v63  }
0x70: {  	v3 =	vld [tilespmem:$0x6030];
	_ =	sdelay $0x4  }
0x71: {  	v63 =	vshll.u32 v3, $0x3  }
0x72: {  	v3 =	vand.u32 $0x7, v3;
	v4 =	vand.u32 $0xFFFFFFC0, v63  }
0x73: {  	v3 =	vor.u32 v3, v4  }
0x74: {  	v4 =	vperm.xlane v3, v0;
	_ =	sdelay $0x1  }
0x75: {  	v4 =	vadd.s32 v1, v4;
	_ =	sdelay $0x4  }
0x76: {  	[tilespmem:s19], [sflag:$0x2] =	stream.indirect_vreg.gather [hbm4b:s4+s31], $0x80, v4, vm0, $0xb8;
	[tilespmem:$0x1A400] =	vst v63  }
0x77: {  	v3 =	vperm.xlane v3, v2  }
0x78: {  	[tilespmem:s20], [sflag:$0x2] =	stream.indirect_vreg.gather [hbm4b:s7+s31], $0x80, v4, vm0, $0xb8;
	[tilespmem:$0x1A400] =	vst v63  }
0x79: {  	v3 =	vadd.s32 v1, v3  }
0x7a: {  	[tilespmem:s21], [sflag:$0x2] =	stream.indirect_vreg.gather [hbm4b:s8+s31], $0x80, v4, vm0, $0xb8;
	[tilespmem:$0x1A400] =	vst v63  }
0x7b: {  	_ = 	snop  }
0x7c: {  	[tilespmem:s22], [sflag:$0x2] =	stream.indirect_vreg.gather [hbm4b:s9+s31], $0x80, v4, vm0, $0xb8;
	[tilespmem:$0x1A400] =	vst v63  }
0x7d: {  	_ = 	snop  }
0x7e: {  	[tilespmem:s23], [sflag:$0x2] =	stream.indirect_vreg.gather [hbm4b:s4+s31], $0x80, v3, vm0, $0xb8;
	[tilespmem:$0x1A400] =	vst v63  }
0x7f: {  	_ = 	snop  }
0x80: {  	[tilespmem:s24], [sflag:$0x2] =	stream.indirect_vreg.gather [hbm4b:s7+s31], $0x80, v3, vm0, $0xb8;
	[tilespmem:$0x1A400] =	vst v63  }
0x81: {  	_ = 	snop  }
0x82: {  	[tilespmem:s25], [sflag:$0x2] =	stream.indirect_vreg.gather [hbm4b:s8+s31], $0x80, v3, vm0, $0xb8;
	[tilespmem:$0x1A400] =	vst v63  }
0x83: {  	s5 =	simm.s32 $0x0  }
0x84: {  	[tilespmem:s26], [sflag:$0x2] =	stream.indirect_vreg.gather [hbm4b:s9+s31], $0x80, v3, vm0, $0xb8;
	[tilespmem:$0x1A400] =	vst v63  }
.LBB2_4:
0x85: {  	s6 =	sshll.u32 s5, $0x6  }
0x86: {  	v3 =	vmov s6  }
0x87: {  	s0 =	sor.u32 $0x1, s6;
	v3 =	vbroadcast v3, $0x0  }
0x88: {  	v4 =	vmov s0  }
0x89: {  	s13 =	sor.u32 $0x2, s6;
	v4 =	vbroadcast v4, $0x0  }
0x8a: {  	_ =	swait.ge [sflag:s28], $0x8000;
	v5 =	vmov s13  }
0x8b: {  	[sflag:s28] =	ssyncset.done $0x0;
	s1 =	sor.u32 $0x3, s6;
	v5 =	vbroadcast v5, $0x0  }
0x8c: {  	[sflag:s28] =	ssyncadd.s32 $0xFFFF8000;
	v6 =	vmov s1  }
0x8d: {  	v6 =	vbroadcast v6, $0x0;
	v3 =	vld.idx.msk [tilespmem:v3+s14+$0x0], $0xffff  }
0x8e: {  	s2 =	sor.u32 $0x4, s6  }
0x8f: {  	v7 =	vmov s2;
	v4 =	vld.idx.msk [tilespmem:v4+s14+$0x0], $0xffff  }
0x90: {  	s11 =	sor.u32 $0x5, s6;
	v7 =	vbroadcast v7, $0x0  }
0x91: {  	v9 =	vmov s11;
	v5 =	vld.idx.msk [tilespmem:v5+s14+$0x0], $0xffff  }
0x92: {  	v9 =	vbroadcast v9, $0x0;
	v8 =	vshrl.u32 v3, $0x10  }
0x93: {  	s12 =	sor.u32 $0x6, s6;
	v6 =	vld.idx.msk [tilespmem:v6+s14+$0x0], $0xffff;
	v8 =	vand.u32 $0x1, v8  }
0x94: {  	v10 =	vmov s12;
	v3 =	vadd.s32 v8, v3;
	v8 =	vshrl.u32 v4, $0x10  }
0x95: {  	s13 =	sor.u32 $0x7, s6;
	v10 =	vbroadcast v10, $0x0;
	v8 =	vand.u32 $0x1, v8  }
0x96: {  	v11 =	vmov s13;
	v7 =	vld.idx.msk [tilespmem:v7+s14+$0x0], $0xffff;
	v4 =	vadd.s32 v8, v4;
	v8 =	vshrl.u32 v5, $0x10  }
0x97: {  	v11 =	vbroadcast v11, $0x0;
	v8 =	vand.u32 $0x1, v8  }
0x98: {  	s1 =	sor.u32 $0x8, s6;
	v9 =	vld.idx.msk [tilespmem:v9+s14+$0x0], $0xffff;
	v5 =	vadd.s32 v8, v5;
	v8 =	vshrl.u32 v6, $0x10  }
0x99: {  	v12 =	vmov s1;
	v8 =	vand.u32 $0x1, v8  }
0x9a: {  	v6 =	vadd.s32 v8, v6;
	v8 =	vbroadcast v12, $0x0  }
0x9b: {  	s2 =	sor.u32 $0x9, s6;
	s11 =	sor.u32 $0xA, s6;
	v10 =	vld.idx.msk [tilespmem:v10+s14+$0x0], $0xffff;
	v12 =	vshrl.u32 v7, $0x10  }
0x9c: {  	v13 =	vmov s2;
	v14 =	vmov s11;
	v12 =	vand.u32 $0x1, v12  }
0x9d: {  	v13 =	vbroadcast v13, $0x0;
	v11 =	vld.idx.msk [tilespmem:v11+s14+$0x0], $0xffff;
	v7 =	vadd.s32 v12, v7;
	v12 =	vshrl.u32 v9, $0x10  }
0x9e: {  	s12 =	sor.u32 $0xB, s6;
	v14 =	vbroadcast v14, $0x0;
	v12 =	vand.u32 $0x1, v12  }
0x9f: {  	s13 =	sor.u32 $0xC, s6;
	v9 =	vadd.s32 v12, v9;
	v12 =	vmov s12  }
0xa0: {  	v15 =	vshrl.u32 v10, $0x10;
	v12 =	vbroadcast v12, $0x0;
	v16 =	vld.idx.msk [tilespmem:v8+s14+$0x0], $0xffff;
	v8 =	vmov s13  }
0xa1: {  	v15 =	vand.u32 $0x1, v15;
	v9 =	vadd.s32 $0x7FFF, v9;
	v17 =	vbroadcast v8, $0x0  }
0xa2: {  	s1 =	sor.u32 $0xD, s6;
	v8 =	vand.u32 $0xFFFF0000, v9;
	v9 =	vadd.s32 v15, v10;
	v10 =	vshrl.u32 v11, $0x10  }
0xa3: {  	s2 =	sor.u32 $0xE, s6;
	v13 =	vld.idx.msk [tilespmem:v13+s14+$0x0], $0xffff;
	v15 =	vmov s1;
	v9 =	vadd.s32 $0x7FFF, v9;
	v10 =	vand.u32 $0x1, v10  }
0xa4: {  	v14 =	vld.idx.msk [tilespmem:v14+s14+$0x0], $0xffff;
	v15 =	vbroadcast v15, $0x0;
	v10 =	vadd.s32 v10, v11;
	v11 =	vmov s2  }
0xa5: {  	v18 =	vadd.s32 $0x7FFF, v10;
	v20 =	vbroadcast v11, $0x0;
	v19 =	vshrl.u32 v16, $0x10  }
0xa6: {  	s11 =	sor.u32 $0xF, s6;
	v10 =	vand.u32 $0xFFFF0000, v9;
	v9 =	vand.u32 $0xFFFF0000, v18;
	v18 =	vld.idx.msk [tilespmem:v12+s14+$0x0], $0xffff;
	v11 =	vand.u32 $0x1, v19  }
0xa7: {  	v11 =	vadd.s32 v11, v16;
	v16 =	vld.idx.msk [tilespmem:v17+s14+$0x0], $0xffff;
	v17 =	vmov s11  }
0xa8: {  	v12 =	vshrl.u32 v13, $0x10;
	v17 =	vbroadcast v17, $0x0  }
0xa9: {  	v12 =	vand.u32 $0x1, v12;
	v19 =	vshrl.u32 v14, $0x10  }
0xaa: {  	v3 =	vadd.s32 $0x7FFF, v3;
	v12 =	vadd.s32 v12, v13;
	v13 =	vand.u32 $0x1, v19;
	v19 =	vld.idx.msk [tilespmem:v15+s14+$0x0], $0xffff  }
0xab: {  	v3 =	vand.u32 $0xFFFF0000, v3  }
0xac: {  	v4 =	vadd.s32 $0x7FFF, v4;
	s12 =	sor.u32 $0x10, s6;
	v13 =	vadd.s32 v13, v14;
	v14 =	vshrl.u32 v18, $0x10;
	v20 =	vld.idx.msk [tilespmem:v20+s14+$0x0], $0xffff  }
0xad: {  	v21 =	vmov s12;
	v14 =	vand.u32 $0x1, v14;
	v15 =	vshrl.u32 v16, $0x10  }
0xae: {  	s12 =	sor.u32 $0x15, s6;
	v14 =	vadd.s32 v14, v18;
	v18 =	vbroadcast v21, $0x0;
	v15 =	vand.u32 $0x1, v15;
	v21 =	vld.idx.msk [tilespmem:v17+s14+$0x0], $0xffff  }
0xaf: {  	v24 =	vmov s12;
	v15 =	vadd.s32 v15, v16;
	v16 =	vshrl.u32 v19, $0x10  }
0xb0: {  	v4 =	vand.u32 $0xFFFF0000, v4;
	s13 =	sor.u32 $0x11, s6;
	v24 =	vbroadcast v24, $0x0;
	v16 =	vand.u32 $0x1, v16  }
0xb1: {  	v17 =	vshrl.u32 v20, $0x10;
	v16 =	vadd.s32 v16, v19;
	v19 =	vmov s13  }
0xb2: {  	v5 =	vadd.s32 $0x7FFF, v5;
	s11 =	sor.u32 $0x14, s6;
	v17 =	vand.u32 $0x1, v17;
	v19 =	vbroadcast v19, $0x0  }
0xb3: {  	s1 =	sor.u32 $0x12, s6;
	v23 =	vmov s11;
	v17 =	vadd.s32 v17, v20;
	v20 =	vshrl.u32 v21, $0x10  }
0xb4: {  	v23 =	vbroadcast v23, $0x0;
	v22 =	vld.idx.msk [tilespmem:v18+s14+$0x0], $0xffff;
	v18 =	vand.u32 $0x1, v20;
	v20 =	vmov s1  }
0xb5: {  	v6 =	vadd.s32 $0x7FFF, v6;
	v7 =	vadd.s32 $0x7FFF, v7;
	v20 =	vbroadcast v20, $0x0  }
0xb6: {  	v5 =	vand.u32 $0xFFFF0000, v5;
	v6 =	vand.u32 $0xFFFF0000, v6;
	v7 =	vand.u32 $0xFFFF0000, v7;
	s11 =	sor.u32 $0x19, s6  }
0xb7: {  	v24 =	vld.idx.msk [tilespmem:v24+s14+$0x0], $0xffff;
	v11 =	vadd.s32 $0x7FFF, v11;
	v12 =	vadd.s32 $0x7FFF, v12;
	v29 =	vmov s11;
	s11 =	sor.u32 $0x1E, s6;
	s13 =	sor.u32 $0x16, s6  }
0xb8: {  	v11 =	vand.u32 $0xFFFF0000, v11;
	v47 =	vmov s11;
	s11 =	simm.s32 $0x1A000;
	s1 =	sor.u32 $0x17, s6;
	v26 =	vld.idx.msk [tilespmem:v19+s14+$0x0], $0xffff;
	v19 =	vmov s13  }
0xb9: {  	v13 =	vadd.s32 $0x7FFF, v13;
	v40 =	vld [tilespmem:s11+$0x0];
	s13 =	sor.u32 $0x1B, s6;
	v27 =	vbroadcast v19, $0x0;
	v19 =	vmov s1;
	s1 =	sor.u32 $0x1C, s6  }
0xba: {  	v14 =	vadd.s32 $0x7FFF, v14;
	v23 =	vld.idx.msk [tilespmem:v23+s14+$0x0], $0xffff;
	v31 =	vmov s13;
	s13 =	sand.u32 $0x70, s31;
	v32 =	vmov s1;
	s1 =	sand.u32 $0x1C00, s31  }
0xbb: {  	s2 =	sor.u32 $0x13, s6;
	v12 =	vand.u32 $0xFFFF0000, v12;
	v13 =	vand.u32 $0xFFFF0000, v13;
	v14 =	vand.u32 $0xFFFF0000, v14;
	s0 =	sor.u32 s13, s1;
	v20 =	vld.idx.msk [tilespmem:v20+s14+$0x0], $0xffff  }
0xbc: {  	v15 =	vadd.s32 $0x7FFF, v15;
	v18 =	vadd.s32 v18, v21;
	v21 =	vmov s2;
	v49 =	vld [tilespmem:s0+$0xA080]  }
0xbd: {  	v15 =	vand.u32 $0xFFFF0000, v15;
	v16 =	vadd.s32 $0x7FFF, v16;
	v21 =	vbroadcast v21, $0x0;
	v51 =	vld [tilespmem:s0+$0xA100]  }
0xbe: {  	v16 =	vand.u32 $0xFFFF0000, v16;
	v17 =	vadd.s32 $0x7FFF, v17;
	v25 =	vshrl.u32 v22, $0x10;
	v41 =	vld [tilespmem:s0+$0xA200]  }
0xbf: {  	v17 =	vand.u32 $0xFFFF0000, v17;
	v18 =	vadd.s32 $0x7FFF, v18;
	v25 =	vand.u32 $0x1, v25;
	v53 =	vld [tilespmem:s0+$0xA280]  }
0xc0: {  	s2 =	sor.u32 $0x18, s6;
	v18 =	vand.u32 $0xFFFF0000, v18;
	v22 =	vadd.s32 v25, v22;
	v25 =	vbroadcast v19, $0x0;
	v43 =	vld [tilespmem:s0+$0xA300]  }
0xc1: {  	v19 =	vmov s2;
	v31 =	vbroadcast v31, $0x0;
	s2 =	sor.u32 $0x1D, s6;
	v22 =	vadd.s32 $0x7FFF, v22;
	v54 =	vld [tilespmem:s0+$0xC000]  }
0xc2: {  	s12 =	sor.u32 $0x1A, s6;
	v28 =	vbroadcast v19, $0x0;
	v46 =	vmov s2;
	v19 =	vand.u32 $0xFFFF0000, v22;
	v55 =	vld [tilespmem:s0+$0xC080]  }
0xc3: {  	v22 =	vbroadcast v29, $0x0;
	v29 =	vmov s12;
	s12 =	sor.u32 $0x1F, s6;
	v21 =	vld.idx.msk [tilespmem:v21+s14+$0x0], $0xffff;
	v30 =	vshrl.u32 v26, $0x10  }
0xc4: {  	s2 =	sand.u32 $0x1, s5;
	v61 =	vld [tilespmem:s0+$0xC200];
	v29 =	vbroadcast v29, $0x0;
	v36 =	vmov s12;
	v30 =	vand.u32 $0x1, v30  }
0xc5: {  	p0 =	seq.s32 s2, $0x1;
	s12 =	sor.u32 s31, s31;
	v36 =	vbroadcast v36, $0x0;
	v26 =	vadd.s32 v30, v26;
	v27 =	vld.idx.msk [tilespmem:v27+s14+$0x0], $0xffff;
	v30 =	vbroadcast v32, $0x0  }
0xc6: {  	v40 =	vpsel !p0, $0x0, v40;
	s1 =	sor.u32 $0x380, s12;
	v32 =	vbroadcast v47, $0x0;
	v34 =	vld.idx.msk [tilespmem:v25+s14+$0x0], $0xffff;
	v25 =	vbroadcast v46, $0x0  }
0xc7: {  	v44 =	vld [tilespmem:s1+$0xA000];
	v33 =	vshrl.u32 v20, $0x10;
	v41 =	vmul.f32 v7, v41;
	v56 =	vmul.f32 v8, v53  }
0xc8: {  	v59 =	vld [tilespmem:s0+$0xC180];
	v43 =	vmul.f32 v10, v43;
	v62 =	vmul.f32 v11, v54;
	v35 =	vshrl.u32 v21, $0x10  }
0xc9: {  	v31 =	vld.idx.msk [tilespmem:v31+s14+$0x0], $0xffff;
	v47 =	vmul.f32 v12, v55;
	v33 =	vand.u32 $0x1, v33;
	v35 =	vand.u32 $0x1, v35  }
0xca: {  	v37 =	vld.idx.msk [tilespmem:v22+s14+$0x0], $0xffff;
	v22 =	vadd.s32 $0x7FFF, v26;
	v20 =	vadd.s32 v33, v20;
	v26 =	vadd.s32 v35, v21  }
0xcb: {  	v21 =	vand.u32 $0xFFFF0000, v22;
	v20 =	vadd.s32 $0x7FFF, v20;
	v33 =	vld.idx.msk [tilespmem:v36+s14+$0x0], $0xffff;
	v36 =	vmul.f32 v4, v49  }
0xcc: {  	v29 =	vld.idx.msk [tilespmem:v29+s14+$0x0], $0xffff;
	v48 =	vshrl.u32 v27, $0x10;
	v60 =	vmul.f32 v9, v44;
	v44 =	vmul.f32 v15, v61  }
0xcd: {  	v26 =	vadd.s32 $0x7FFF, v26;
	v22 =	vand.u32 $0xFFFF0000, v20;
	v35 =	vld.idx.msk [tilespmem:v30+s14+$0x0], $0xffff;
	v30 =	vshrl.u32 v24, $0x10  }
0xce: {  	v28 =	vld.idx.msk [tilespmem:v28+s14+$0x0], $0xffff;
	v58 =	vshrl.u32 v31, $0x10;
	v20 =	vand.u32 $0xFFFF0000, v26;
	v26 =	vshrl.u32 v23, $0x10  }
0xcf: {  	v38 =	vld.idx.msk [tilespmem:v25+s14+$0x0], $0xffff;
	v25 =	vand.u32 $0x1, v30;
	v36 =	vadd.f32 $0.0e+00, v36;
	v26 =	vand.u32 $0x1, v26  }
0xd0: {  	v30 =	vld [tilespmem:s0+$0xA000];
	v25 =	vadd.s32 v25, v24;
	v39 =	vshrl.u32 v37, $0x10;
	v23 =	vadd.s32 v26, v23  }
0xd1: {  	v26 =	vand.u32 $0x1, v48;
	v50 =	vand.u32 $0x1, v39;
	v42 =	vshrl.u32 v29, $0x10  }
0xd2: {  	v52 =	vld [tilespmem:s0+$0xA180];
	v39 =	vmul.f32 v5, v51;
	v51 =	vmul.f32 v14, v59;
	v23 =	vadd.s32 $0x7FFF, v23  }
0xd3: {  	v26 =	vadd.s32 v26, v27;
	v24 =	vand.u32 $0xFFFF0000, v23;
	v23 =	vadd.s32 $0x7FFF, v25  }
0xd4: {  	v27 =	vshrl.u32 v28, $0x10;
	v26 =	vadd.s32 $0x7FFF, v26;
	v25 =	vand.u32 $0xFFFF0000, v23  }
0xd5: {  	v23 =	vand.u32 $0xFFFF0000, v26;
	v26 =	vshrl.u32 v34, $0x10;
	v30 =	vmul.f32 v3, v30  }
0xd6: {  	v42 =	vand.u32 $0x1, v42;
	v27 =	vand.u32 $0x1, v27;
	v26 =	vand.u32 $0x1, v26  }
0xd7: {  	v57 =	vld [tilespmem:s0+$0xC100];
	v26 =	vadd.s32 v26, v34;
	v30 =	vadd.f32 v30, v40;
	v34 =	vmul.f32 v6, v52  }
0xd8: {  	v63 =	vld [tilespmem:s0+$0xC280];
	v29 =	vadd.s32 v42, v29;
	v27 =	vadd.s32 v27, v28;
	v28 =	vadd.s32 v50, v37  }
0xd9: {  	v53 =	vld [tilespmem:s0+$0xE080];
	v29 =	vadd.s32 $0x7FFF, v29;
	v30 =	vadd.f32 v39, v30;
	v34 =	vadd.f32 v34, v36  }
0xda: {  	v49 =	vld [tilespmem:s0+$0xC380];
	v50 =	vshrl.u32 v35, $0x10;
	v59 =	vshrl.u32 v38, $0x10;
	v27 =	vadd.s32 $0x7FFF, v27  }
0xdb: {  	v48 =	vld [tilespmem:s0+$0xC300];
	v39 =	vand.u32 $0x1, v58;
	v30 =	vadd.f32 v41, v30;
	v34 =	vadd.f32 v56, v34  }
0xdc: {  	v54 =	vld [tilespmem:s0+$0xE100];
	v37 =	vadd.s32 $0x7FFF, v28;
	v29 =	vand.u32 $0xFFFF0000, v29;
	v31 =	vadd.s32 v39, v31  }
0xdd: {  	v52 =	vld [tilespmem:s0+$0xE000];
	v43 =	vadd.f32 v43, v30;
	v30 =	vadd.s32 $0x7FFF, v31;
	v31 =	vadd.f32 v60, v34  }
0xde: {  	v32 =	vld.idx.msk [tilespmem:v32+s14+$0x0], $0xffff;
	v28 =	vand.u32 $0xFFFF0000, v27;
	v27 =	vand.u32 $0xFFFF0000, v37;
	v37 =	vmul.f32 v13, v57  }
0xdf: {  	v40 =	vmul.f32 v16, v63;
	v58 =	vld [tilespmem:s0+$0xE200];
	v39 =	vadd.f32 v62, v43;
	v31 =	vadd.f32 v47, v31  }
0xe0: {  	v55 =	vmul.f32 v17, v48;
	v57 =	vmul.f32 v18, v49;
	v48 =	vld [tilespmem:s0+$0x10080];
	v26 =	vadd.s32 $0x7FFF, v26  }
0xe1: {  	v26 =	vand.u32 $0xFFFF0000, v26;
	v56 =	vld [tilespmem:s0+$0xE180];
	v37 =	vadd.f32 v37, v39;
	v34 =	vadd.f32 v51, v31  }
0xe2: {  	v41 =	vmul.f32 v19, v52;
	v30 =	vand.u32 $0xFFFF0000, v30;
	v43 =	vand.u32 $0x1, v50  }
0xe3: {  	v60 =	vld [tilespmem:s0+$0xE280];
	v35 =	vadd.s32 v43, v35;
	v37 =	vadd.f32 v44, v37;
	v34 =	vadd.f32 v40, v34  }
0xe4: {  	v45 =	vld [tilespmem:s0+$0x10180];
	v42 =	vmul.f32 v24, v58;
	v43 =	vmul.f32 v22, v54;
	v31 =	vadd.s32 $0x7FFF, v35  }
0xe5: {  	v61 =	vld [tilespmem:s0+$0xE300];
	v39 =	vmul.f32 v21, v53;
	v35 =	vadd.f32 v55, v37;
	v34 =	vadd.f32 v57, v34  }
0xe6: {  	v62 =	vld [tilespmem:s0+$0xE380];
	v47 =	vshrl.u32 v32, $0x10;
	v36 =	vmul.f32 v20, v56;
	v56 =	vmul.f32 v27, v48  }
0xe7: {  	v50 =	vld [tilespmem:s0+$0x10100];
	v51 =	vshrl.u32 v33, $0x10;
	v35 =	vadd.f32 v41, v35;
	v34 =	vadd.f32 v39, v34  }
0xe8: {  	v63 =	vld [tilespmem:s0+$0x10000];
	v31 =	vand.u32 $0xFFFF0000, v31;
	v49 =	vmul.f32 v25, v60;
	v54 =	vand.u32 $0x1, v51  }
0xe9: {  	v44 =	vand.u32 $0x1, v59;
	v35 =	vadd.f32 v43, v35;
	v34 =	vadd.f32 v36, v34  }
0xea: {  	v40 =	vmul.f32 v23, v61;
	v59 =	vmul.f32 v30, v45;
	v38 =	vadd.s32 v44, v38  }
0xeb: {  	v53 =	vld [tilespmem:s0+$0x10200];
	v52 =	vmul.f32 v26, v62;
	v35 =	vadd.f32 v42, v35;
	v34 =	vadd.f32 v49, v34  }
0xec: {  	v38 =	vadd.s32 $0x7FFF, v38;
	v55 =	vld [tilespmem:s0+$0x10280];
	v37 =	vmul.f32 v29, v50;
	v41 =	vand.u32 $0x1, v47  }
0xed: {  	v57 =	vld [tilespmem:s0+$0x10300];
	v39 =	vmul.f32 v28, v63;
	v35 =	vadd.f32 v40, v35;
	v34 =	vadd.f32 v52, v34  }
0xee: {  	v58 =	vld [tilespmem:s0+$0x10380];
	v41 =	vadd.s32 v41, v32;
	v32 =	vand.u32 $0xFFFF0000, v38;
	v38 =	vadd.s32 v54, v33  }
0xef: {  	v41 =	vadd.s32 $0x7FFF, v41;
	v35 =	vadd.f32 v39, v35;
	v34 =	vadd.f32 v56, v34  }
0xf0: {  	v60 =	vmul.f32 v31, v53;
	v38 =	vadd.s32 $0x7FFF, v38;
	v33 =	vand.u32 $0xFFFF0000, v41  }
0xf1: {  	v61 =	vmul.f32 v32, v55;
	v35 =	vadd.f32 v37, v35;
	v36 =	vadd.f32 v59, v34  }
0xf2: {  	v62 =	vmul.f32 v33, v57;
	v34 =	vand.u32 $0xFFFF0000, v38  }
0xf3: {  	v63 =	vmul.f32 v34, v58;
	v35 =	vadd.f32 v60, v35;
	v36 =	vadd.f32 v61, v36;
	_ =	sdelay $0x1  }
0xf4: {  	v35 =	vadd.f32 v62, v35;
	v36 =	vadd.f32 v63, v36;
	_ =	sdelay $0x1  }
0xf5: {  	s30 =	simm.s32 $0x80;
	s1 =	simm.s32 $0x10;
	v35 =	vadd.f32 v36, v35  }
0xf6: {  	s2 =	sand.u32 $0x1C00, s30;
	s13 =	sand.u32 $0x70, s1  }
0xf7: {  	s12 =	sor.u32 s13, s2;
	[tilespmem:s11+$0x0] =	vst v35  }
0xf8: {  	s0 =	simm.s32 $0x20;
	v35 =	vld [tilespmem:s12+$0xA100]  }
.LBB2_5:
0xf9: {  	p1 =	sne.s32 s0, $0x3F0;
	v36 =	vld [tilespmem:s12+$0xA000]  }
0xfa: {  	s11 =	sadd.s32 $0x10, s11;
	v37 =	vld [tilespmem:s12+$0xA080]  }
0xfb: {  	v38 =	vld [tilespmem:s11+$0x0]  }
0xfc: {  	v39 =	vld [tilespmem:s12+$0xA180]  }
0xfd: {  	v40 =	vld [tilespmem:s12+$0xA200]  }
0xfe: {  	s2 =	sor.u32 s30, s1;
	s1 =	smov.u32 s0;
	v41 =	vld [tilespmem:s12+$0xA280]  }
0xff: {  	s2 =	sor.u32 $0x380, s2;
	v36 =	vmul.f32 v3, v36;
	v37 =	vmul.f32 v4, v37;
	v42 =	vld [tilespmem:s12+$0xA300]  }
0x100: {  	v35 =	vmul.f32 v5, v35;
	v38 =	vpsel !p0, $0x0, v38;
	v43 =	vld [tilespmem:s2+$0xA000]  }
0x101: {  	v36 =	vadd.f32 v36, v38;
	v37 =	vadd.f32 $0.0e+00, v37;
	v38 =	vmul.f32 v6, v39;
	v39 =	vld [tilespmem:s12+$0xC000]  }
0x102: {  	v40 =	vmul.f32 v7, v40;
	v44 =	vld [tilespmem:s12+$0xC080]  }
0x103: {  	v35 =	vadd.f32 v35, v36;
	v36 =	vadd.f32 v38, v37;
	v37 =	vmul.f32 v8, v41;
	v38 =	vld [tilespmem:s12+$0xC100]  }
0x104: {  	v41 =	vmul.f32 v10, v42;
	v42 =	vld [tilespmem:s12+$0xC180]  }
0x105: {  	v35 =	vadd.f32 v40, v35;
	v36 =	vadd.f32 v37, v36;
	v37 =	vmul.f32 v9, v43;
	v40 =	vld [tilespmem:s12+$0xC200]  }
0x106: {  	v39 =	vmul.f32 v11, v39;
	v43 =	vld [tilespmem:s12+$0xC280]  }
0x107: {  	v35 =	vadd.f32 v41, v35;
	v36 =	vadd.f32 v37, v36;
	v37 =	vmul.f32 v12, v44;
	v41 =	vld [tilespmem:s12+$0xC300]  }
0x108: {  	v38 =	vmul.f32 v13, v38;
	v44 =	vld [tilespmem:s12+$0xC380]  }
0x109: {  	v35 =	vadd.f32 v39, v35;
	v36 =	vadd.f32 v37, v36;
	v37 =	vmul.f32 v14, v42;
	v39 =	vld [tilespmem:s12+$0xE000]  }
0x10a: {  	v40 =	vmul.f32 v15, v40;
	v42 =	vld [tilespmem:s12+$0xE080]  }
0x10b: {  	v35 =	vadd.f32 v38, v35;
	v36 =	vadd.f32 v37, v36;
	v37 =	vmul.f32 v16, v43;
	v38 =	vld [tilespmem:s12+$0xE100]  }
0x10c: {  	v41 =	vmul.f32 v17, v41;
	v43 =	vld [tilespmem:s12+$0xE180]  }
0x10d: {  	v35 =	vadd.f32 v40, v35;
	v36 =	vadd.f32 v37, v36;
	v37 =	vmul.f32 v18, v44;
	v40 =	vld [tilespmem:s12+$0xE200]  }
0x10e: {  	v39 =	vmul.f32 v19, v39;
	v44 =	vld [tilespmem:s12+$0xE280]  }
0x10f: {  	v35 =	vadd.f32 v41, v35;
	v36 =	vadd.f32 v37, v36;
	v37 =	vmul.f32 v21, v42;
	v41 =	vld [tilespmem:s12+$0xE300]  }
0x110: {  	v38 =	vmul.f32 v22, v38;
	v42 =	vld [tilespmem:s12+$0xE380]  }
0x111: {  	v35 =	vadd.f32 v39, v35;
	v36 =	vadd.f32 v37, v36;
	v37 =	vmul.f32 v20, v43;
	v39 =	vld [tilespmem:s12+$0x10000]  }
0x112: {  	v40 =	vmul.f32 v24, v40;
	v43 =	vld [tilespmem:s12+$0x10080]  }
0x113: {  	v35 =	vadd.f32 v38, v35;
	v36 =	vadd.f32 v37, v36;
	v37 =	vmul.f32 v25, v44;
	v38 =	vld [tilespmem:s12+$0x10100]  }
0x114: {  	v41 =	vmul.f32 v23, v41;
	v44 =	vld [tilespmem:s12+$0x10180]  }
0x115: {  	v35 =	vadd.f32 v40, v35;
	v36 =	vadd.f32 v37, v36;
	v37 =	vmul.f32 v26, v42;
	v40 =	vld [tilespmem:s12+$0x10200]  }
0x116: {  	v39 =	vmul.f32 v28, v39;
	v42 =	vld [tilespmem:s12+$0x10280]  }
0x117: {  	v35 =	vadd.f32 v41, v35;
	v36 =	vadd.f32 v37, v36;
	v37 =	vmul.f32 v27, v43;
	v41 =	vld [tilespmem:s12+$0x10300]  }
0x118: {  	v38 =	vmul.f32 v29, v38;
	v43 =	vld [tilespmem:s12+$0x10380]  }
0x119: {  	v35 =	vadd.f32 v39, v35;
	v36 =	vadd.f32 v37, v36;
	v37 =	vmul.f32 v30, v44  }
0x11a: {  	v39 =	vmul.f32 v31, v40  }
0x11b: {  	v35 =	vadd.f32 v38, v35;
	v36 =	vadd.f32 v37, v36;
	v37 =	vmul.f32 v32, v42  }
0x11c: {  	v38 =	vmul.f32 v33, v41  }
0x11d: {  	v35 =	vadd.f32 v39, v35;
	v36 =	vadd.f32 v37, v36;
	v37 =	vmul.f32 v34, v43;
	_ =	sdelay $0x1  }
0x11e: {  	v35 =	vadd.f32 v38, v35;
	v36 =	vadd.f32 v37, v36  }
.Ltmp3:
0x11f: {  	(pc) =	sbr.rel @p1 .LBB2_5-.Ltmp3, $4  }
0x120: {  	s30 =	sadd.s32 $0x80, s30;
	v35 =	vadd.f32 v36, v35  }
0x121: {  	s2 =	sand.u32 $0x70, s0;
	s12 =	sand.u32 $0x1C00, s30  }
0x122: {  	s12 =	sor.u32 s2, s12;
	[tilespmem:s11+$0x0] =	vst v35  }
0x123: {  	s0 =	sadd.s32 $0x10, s0;
	v35 =	vld [tilespmem:s12+$0xA100]  }
0x124: {  	v36 =	vld [tilespmem:s12+$0xA000]  }
0x125: {  	v37 =	vld [tilespmem:s12+$0xA080];
	s0 =	sadd.s32 $0x10, s11  }
0x126: {  	v38 =	vld [tilespmem:s0+$0x0]  }
0x127: {  	v39 =	vld [tilespmem:s12+$0xA180]  }
0x128: {  	v40 =	vld [tilespmem:s12+$0xA200]  }
0x129: {  	v41 =	vld [tilespmem:s12+$0xA280];
	s1 =	sor.u32 s30, s1  }
0x12a: {  	v50 =	vld [tilespmem:s12+$0xA300];
	s1 =	sor.u32 $0x380, s1;
	v3 =	vmul.f32 v3, v36;
	v4 =	vmul.f32 v4, v37  }
0x12b: {  	v52 =	vld [tilespmem:s1+$0xA000];
	v5 =	vmul.f32 v5, v35;
	v51 =	vpsel !p0, $0x0, v38  }
0x12c: {  	v53 =	vld [tilespmem:s12+$0xC000];
	v6 =	vmul.f32 v6, v39;
	v3 =	vadd.f32 v3, v51;
	v4 =	vadd.f32 $0.0e+00, v4  }
0x12d: {  	v54 =	vld [tilespmem:s12+$0xC080];
	v7 =	vmul.f32 v7, v40  }
0x12e: {  	v3 =	vadd.f32 v5, v3;
	v4 =	vadd.f32 v6, v4;
	v5 =	vmul.f32 v8, v41;
	v6 =	vld [tilespmem:s12+$0xC100]  }
0x12f: {  	v8 =	vmul.f32 v10, v50;
	v10 =	vld [tilespmem:s12+$0xC180]  }
0x130: {  	v3 =	vadd.f32 v7, v3;
	v4 =	vadd.f32 v5, v4;
	v5 =	vmul.f32 v9, v52;
	v7 =	vld [tilespmem:s12+$0xC200]  }
0x131: {  	v9 =	vmul.f32 v11, v53;
	v11 =	vld [tilespmem:s12+$0xC280]  }
0x132: {  	v3 =	vadd.f32 v8, v3;
	v4 =	vadd.f32 v5, v4;
	v5 =	vmul.f32 v12, v54;
	v8 =	vld [tilespmem:s12+$0xC300]  }
0x133: {  	v12 =	vld [tilespmem:s12+$0xC380];
	v6 =	vmul.f32 v13, v6  }
0x134: {  	v3 =	vadd.f32 v9, v3;
	v4 =	vadd.f32 v5, v4;
	v5 =	vmul.f32 v14, v10;
	v9 =	vld [tilespmem:s12+$0xE000]  }
0x135: {  	v10 =	vld [tilespmem:s12+$0xE080];
	v7 =	vmul.f32 v15, v7  }
0x136: {  	v3 =	vadd.f32 v6, v3;
	v4 =	vadd.f32 v5, v4;
	v5 =	vmul.f32 v16, v11;
	v6 =	vld [tilespmem:s12+$0xE100]  }
0x137: {  	v11 =	vld [tilespmem:s12+$0xE180];
	v8 =	vmul.f32 v17, v8  }
0x138: {  	v3 =	vadd.f32 v7, v3;
	v4 =	vadd.f32 v5, v4;
	v5 =	vmul.f32 v18, v12;
	v7 =	vld [tilespmem:s12+$0xE200]  }
0x139: {  	v12 =	vld [tilespmem:s12+$0xE280];
	v9 =	vmul.f32 v19, v9  }
0x13a: {  	v3 =	vadd.f32 v8, v3;
	v4 =	vadd.f32 v5, v4;
	v5 =	vmul.f32 v21, v10;
	v8 =	vld [tilespmem:s12+$0xE300]  }
0x13b: {  	v10 =	vld [tilespmem:s12+$0xE380];
	v6 =	vmul.f32 v22, v6  }
0x13c: {  	v3 =	vadd.f32 v9, v3;
	v4 =	vadd.f32 v5, v4;
	v5 =	vmul.f32 v20, v11;
	v9 =	vld [tilespmem:s12+$0x10000]  }
0x13d: {  	v11 =	vld [tilespmem:s12+$0x10080];
	v7 =	vmul.f32 v24, v7  }
0x13e: {  	v3 =	vadd.f32 v6, v3;
	v4 =	vadd.f32 v5, v4;
	v5 =	vmul.f32 v25, v12;
	v6 =	vld [tilespmem:s12+$0x10100]  }
0x13f: {  	v12 =	vld [tilespmem:s12+$0x10180];
	v8 =	vmul.f32 v23, v8  }
0x140: {  	v3 =	vadd.f32 v7, v3;
	v4 =	vadd.f32 v5, v4;
	v5 =	vmul.f32 v26, v10;
	v7 =	vld [tilespmem:s12+$0x10200]  }
0x141: {  	v10 =	vld [tilespmem:s12+$0x10280];
	v9 =	vmul.f32 v28, v9  }
0x142: {  	v3 =	vadd.f32 v8, v3;
	v4 =	vadd.f32 v5, v4;
	v5 =	vmul.f32 v27, v11;
	v8 =	vld [tilespmem:s12+$0x10300]  }
0x143: {  	v11 =	vld [tilespmem:s12+$0x10380];
	v6 =	vmul.f32 v29, v6  }
0x144: {  	v3 =	vadd.f32 v9, v3;
	v4 =	vadd.f32 v5, v4;
	v5 =	vmul.f32 v30, v12  }
0x145: {  	v7 =	vmul.f32 v31, v7  }
0x146: {  	v3 =	vadd.f32 v6, v3;
	v4 =	vadd.f32 v5, v4;
	v5 =	vmul.f32 v32, v10  }
0x147: {  	v6 =	vmul.f32 v33, v8  }
0x148: {  	v3 =	vadd.f32 v7, v3;
	v4 =	vadd.f32 v5, v4;
	v5 =	vmul.f32 v34, v11;
	_ =	sdelay $0x1  }
0x149: {  	v3 =	vadd.f32 v6, v3;
	v4 =	vadd.f32 v5, v4;
	_ =	sdelay $0x1  }
0x14a: {  	p0 =	seq.s32 s5, $0x7F;
	v3 =	vadd.f32 v4, v3  }
0x14b: {  	s1 =	sshll.u32 @!p0 s5, $0x6  }
0x14c: {  	[tilespmem:s0+$0x0] =	vst v3;
	s0 =	sand.u32 @!p0 $0x3FFFFFC0, s1  }
0x14d: {  	v3 =	vld @!p0 [tilespmem:s0+$0x6040];
	_ =	sdelay $0x4  }
0x14e: {  	v4 =	vshll.u32 @!p0 v3, $0x3  }
0x14f: {  	v5 =	vlaneseq.u32 @!p0;
	v3 =	vand.u32 @!p0 $0x7, v3;
	v4 =	vand.u32 @!p0 $0xFFFFFFC0, v4  }
0x150: {  	v6 =	vshrl.u32 @!p0 v5, $0x3;
	v3 =	vor.u32 @!p0 v3, v4;
	v4 =	vand.u32 @!p0 $0x7, v5  }
0x151: {  	v6 =	vmul.u32 @!p0 $0x8, v6;
	v7 =	vperm.xlane @!p0 v3, v4;
	_ =	sdelay $0x1  }
0x152: {  	v7 =	vadd.s32 @!p0 v6, v7;
	_ =	sdelay $0x3  }
0x153: {  	vm1 =	vmmov @!p0 $0xffff;
	s2 =	simm.s32 @!p0 $0x0;
	s1 =	simm.s32 @!p0 $0xA000  }
0x154: {  	v5 =	vor.u32 @!p0 $0x8, v5;
	[tilespmem:s1], [sflag:$0x1] =	stream.indirect_vreg.gather @!p0 [hbm4b:s4+s2], $0x80, v7, vm1, $0xb8;
	[tilespmem:$0x1A400] =	vst v63  }
0x155: {  	v3 =	vperm.xlane @!p0 v3, v5;
	s1 =	simm.s32 @!p0 $0xA800  }
0x156: {  	[tilespmem:s1], [sflag:$0x1] =	stream.indirect_vreg.gather @!p0 [hbm4b:s7+s2], $0x80, v7, vm1, $0xb8;
	[tilespmem:$0x1A400] =	vst v63  }
0x157: {  	v3 =	vadd.s32 @!p0 v6, v3;
	s1 =	simm.s32 @!p0 $0xB000  }
0x158: {  	[tilespmem:s1], [sflag:$0x1] =	stream.indirect_vreg.gather @!p0 [hbm4b:s8+s2], $0x80, v7, vm1, $0xb8;
	[tilespmem:$0x1A400] =	vst v63  }
0x159: {  	s1 =	simm.s32 @!p0 $0xB800  }
0x15a: {  	[tilespmem:s1], [sflag:$0x1] =	stream.indirect_vreg.gather @!p0 [hbm4b:s9+s2], $0x80, v7, vm1, $0xb8;
	[tilespmem:$0x1A400] =	vst v63  }
0x15b: {  	s1 =	simm.s32 @!p0 $0xC000  }
0x15c: {  	[tilespmem:s1], [sflag:$0x1] =	stream.indirect_vreg.gather @!p0 [hbm4b:s4+s2], $0x80, v3, vm1, $0xb8;
	[tilespmem:$0x1A400] =	vst v63  }
0x15d: {  	s1 =	simm.s32 @!p0 $0xC800  }
0x15e: {  	[tilespmem:s1], [sflag:$0x1] =	stream.indirect_vreg.gather @!p0 [hbm4b:s7+s2], $0x80, v3, vm1, $0xb8;
	[tilespmem:$0x1A400] =	vst v63  }
0x15f: {  	s1 =	simm.s32 @!p0 $0xD000  }
0x160: {  	[tilespmem:s1], [sflag:$0x1] =	stream.indirect_vreg.gather @!p0 [hbm4b:s8+s2], $0x80, v3, vm1, $0xb8;
	[tilespmem:$0x1A400] =	vst v63  }
0x161: {  	s1 =	simm.s32 @!p0 $0xD800  }
0x162: {  	[tilespmem:s1], [sflag:$0x1] =	stream.indirect_vreg.gather @!p0 [hbm4b:s9+s2], $0x80, v3, vm1, $0xb8;
	[tilespmem:$0x1A400] =	vst v63  }
0x163: {  	v3 =	vld @!p0 [tilespmem:s0+$0x6050];
	_ =	sdelay $0x4  }
0x164: {  	v7 =	vshll.u32 @!p0 v3, $0x3  }
0x165: {  	v3 =	vand.u32 @!p0 $0x7, v3;
	v7 =	vand.u32 @!p0 $0xFFFFFFC0, v7  }
0x166: {  	v3 =	vor.u32 @!p0 v3, v7  }
0x167: {  	v4 =	vperm.xlane @!p0 v3, v4;
	_ =	sdelay $0x1  }
0x168: {  	v4 =	vadd.s32 @!p0 v6, v4;
	_ =	sdelay $0x3  }
0x169: {  	s0 =	simm.s32 @!p0 $0xE000  }
0x16a: {  	[tilespmem:s0], [sflag:$0x1] =	stream.indirect_vreg.gather @!p0 [hbm4b:s4+s2], $0x80, v4, vm1, $0xb8;
	[tilespmem:$0x1A400] =	vst v63  }
0x16b: {  	v3 =	vperm.xlane @!p0 v3, v5;
	s0 =	simm.s32 @!p0 $0xE800  }
0x16c: {  	[tilespmem:s0], [sflag:$0x1] =	stream.indirect_vreg.gather @!p0 [hbm4b:s7+s2], $0x80, v4, vm1, $0xb8;
	[tilespmem:$0x1A400] =	vst v63  }
0x16d: {  	v3 =	vadd.s32 @!p0 v6, v3;
	s0 =	simm.s32 @!p0 $0xF000  }
0x16e: {  	[tilespmem:s0], [sflag:$0x1] =	stream.indirect_vreg.gather @!p0 [hbm4b:s8+s2], $0x80, v4, vm1, $0xb8;
	[tilespmem:$0x1A400] =	vst v63  }
0x16f: {  	s0 =	simm.s32 @!p0 $0xF800  }
0x170: {  	[tilespmem:s0], [sflag:$0x1] =	stream.indirect_vreg.gather @!p0 [hbm4b:s9+s2], $0x80, v4, vm1, $0xb8;
	[tilespmem:$0x1A400] =	vst v63  }
0x171: {  	s12 =	sshll.u32 s5, $0x1;
	s0 =	simm.s32 @!p0 $0x10000  }
0x172: {  	[tilespmem:s0], [sflag:$0x1] =	stream.indirect_vreg.gather @!p0 [hbm4b:s4+s2], $0x80, v3, vm1, $0xb8;
	[tilespmem:$0x1A400] =	vst v63  }
0x173: {  	s12 =	sor.u32 $0x1, s12;
	s1 =	simm.s32 @!p0 $0x10800  }
0x174: {  	[tilespmem:s1], [sflag:$0x1] =	stream.indirect_vreg.gather @!p0 [hbm4b:s7+s2], $0x80, v3, vm1, $0xb8;
	[tilespmem:$0x1A400] =	vst v63  }
0x175: {  	s0 =	simm.s32 @!p0 $0x11000;
	s1 =	sshll.u32 s12, $0x5  }
0x176: {  	v4 =	vmov s1;
	[tilespmem:s0], [sflag:$0x1] =	stream.indirect_vreg.gather @!p0 [hbm4b:s8+s2], $0x80, v3, vm1, $0xb8;
	[tilespmem:$0x1A400] =	vst v63  }
0x177: {  	s13 =	sor.u32 $0x1, s1;
	s11 =	sor.u32 $0x2, s1;
	v4 =	vbroadcast v4, $0x0;
	s0 =	simm.s32 @!p0 $0x11800  }
0x178: {  	[tilespmem:s0], [sflag:$0x1] =	stream.indirect_vreg.gather @!p0 [hbm4b:s9+s2], $0x80, v3, vm1, $0xb8;
	v3 =	vmov s13;
	[tilespmem:$0x1A400] =	vst v63  }
0x179: {  	v5 =	vmov s11;
	v3 =	vbroadcast v3, $0x0  }
0x17a: {  	v5 =	vbroadcast v5, $0x0;
	s13 =	sor.u32 $0x3, s1;
	_ =	swait.ge [sflag:s29], $0x8000  }
0x17b: {  	v6 =	vmov s13;
	[sflag:s29] =	ssyncset.done $0x0  }
0x17c: {  	v6 =	vbroadcast v6, $0x0;
	[sflag:s29] =	ssyncadd.s32 $0xFFFF8000  }
0x17d: {  	v4 =	vld.idx.msk [tilespmem:v4+s14+$0x0], $0xffff;
	_ =	sdelay $0x1  }
0x17e: {  	v7 =	vld.idx.msk [tilespmem:v3+s14+$0x0], $0xffff  }
0x17f: {  	s2 =	sor.u32 $0x4, s1;
	v5 =	vld.idx.msk [tilespmem:v5+s14+$0x0], $0xffff  }
0x180: {  	s11 =	sor.u32 $0x5, s1;
	v3 =	vmov s2  }
0x181: {  	v9 =	vbroadcast v3, $0x0;
	v3 =	vmov s11;
	v6 =	vld.idx.msk [tilespmem:v6+s14+$0x0], $0xffff;
	v8 =	vshrl.u32 v4, $0x10  }
0x182: {  	v10 =	vbroadcast v3, $0x0;
	v8 =	vand.u32 $0x1, v8  }
0x183: {  	s13 =	sor.u32 $0x6, s1;
	v3 =	vadd.s32 v8, v4;
	v4 =	vshrl.u32 v7, $0x10  }
0x184: {  	s2 =	sor.u32 $0x7, s1;
	v11 =	vshrl.u32 v5, $0x10;
	v8 =	vmov s13;
	v4 =	vand.u32 $0x1, v4  }
0x185: {  	v4 =	vadd.s32 v4, v7;
	v7 =	vbroadcast v8, $0x0;
	v8 =	vmov s2  }
0x186: {  	s11 =	sor.u32 $0x8, s1;
	v11 =	vand.u32 $0x1, v11;
	v12 =	vshrl.u32 v6, $0x10;
	v8 =	vbroadcast v8, $0x0  }
0x187: {  	v13 =	vmov s11;
	s13 =	sor.u32 $0x9, s1;
	v5 =	vadd.s32 v11, v5;
	v9 =	vld.idx.msk [tilespmem:v9+s14+$0x0], $0xffff;
	v11 =	vand.u32 $0x1, v12  }
0x188: {  	v12 =	vbroadcast v13, $0x0;
	v10 =	vld.idx.msk [tilespmem:v10+s14+$0x0], $0xffff;
	v6 =	vadd.s32 v11, v6;
	v11 =	vmov s13  }
0x189: {  	v11 =	vbroadcast v11, $0x0  }
0x18a: {  	v3 =	vadd.s32 $0x7FFF, v3;
	s2 =	sor.u32 $0xA, s1  }
0x18b: {  	v3 =	vand.u32 $0xFFFF0000, v3;
	v14 =	vld.idx.msk [tilespmem:v7+s14+$0x0], $0xffff;
	v7 =	vmov s2  }
0x18c: {  	v5 =	vadd.s32 $0x7FFF, v5;
	v13 =	vshrl.u32 v9, $0x10;
	v16 =	vld.idx.msk [tilespmem:v8+s14+$0x0], $0xffff;
	v17 =	vbroadcast v7, $0x0  }
0x18d: {  	v5 =	vand.u32 $0xFFFF0000, v5;
	s13 =	sor.u32 $0xC, s1;
	v13 =	vand.u32 $0x1, v13;
	v15 =	vshrl.u32 v10, $0x10  }
0x18e: {  	s11 =	sor.u32 $0xB, s1;
	v7 =	vadd.s32 v13, v9;
	v8 =	vand.u32 $0x1, v15;
	v9 =	vld.idx.msk [tilespmem:v12+s14+$0x0], $0xffff;
	v13 =	vmov s13  }
0x18f: {  	v8 =	vadd.s32 v8, v10;
	v10 =	vmov s11;
	v18 =	vld.idx.msk [tilespmem:v11+s14+$0x0], $0xffff;
	v11 =	vbroadcast v13, $0x0  }
0x190: {  	v4 =	vadd.s32 $0x7FFF, v4;
	v10 =	vbroadcast v10, $0x0;
	v12 =	vshrl.u32 v14, $0x10  }
0x191: {  	v4 =	vand.u32 $0xFFFF0000, v4;
	s2 =	sor.u32 $0xD, s1;
	v12 =	vand.u32 $0x1, v12;
	v15 =	vshrl.u32 v16, $0x10  }
0x192: {  	s11 =	sor.u32 $0xE, s1;
	v12 =	vadd.s32 v12, v14;
	v13 =	vand.u32 $0x1, v15;
	v14 =	vld.idx.msk [tilespmem:v17+s14+$0x0], $0xffff;
	v15 =	vmov s2  }
0x193: {  	v19 =	vmov s11;
	v17 =	vshrl.u32 v9, $0x10;
	v15 =	vbroadcast v15, $0x0  }
0x194: {  	s13 =	sor.u32 $0xF, s1;
	v13 =	vadd.s32 v13, v16;
	v16 =	vand.u32 $0x1, v17;
	v17 =	vbroadcast v19, $0x0  }
0x195: {  	v12 =	vadd.s32 $0x7FFF, v12;
	v20 =	vld.idx.msk [tilespmem:v11+s14+$0x0], $0xffff;
	v11 =	vmov s13;
	v13 =	vadd.s32 $0x7FFF, v13  }
0x196: {  	v16 =	vadd.s32 v16, v9;
	v19 =	vld.idx.msk [tilespmem:v10+s14+$0x0], $0xffff;
	v10 =	vand.u32 $0xFFFF0000, v12;
	v9 =	vand.u32 $0xFFFF0000, v13  }
0x197: {  	v12 =	vadd.s32 $0x7FFF, v16;
	v13 =	vshrl.u32 v18, $0x10;
	v16 =	vshrl.u32 v14, $0x10  }
0x198: {  	v21 =	vbroadcast v11, $0x0;
	v13 =	vand.u32 $0x1, v13;
	v16 =	vand.u32 $0x1, v16  }
0x199: {  	s2 =	sor.u32 $0x10, s1;
	v11 =	vand.u32 $0xFFFF0000, v12;
	v12 =	vadd.s32 v13, v18;
	v13 =	vadd.s32 v16, v14;
	v16 =	vld.idx.msk [tilespmem:v15+s14+$0x0], $0xffff  }
0x19a: {  	v6 =	vadd.s32 $0x7FFF, v6;
	v18 =	vmov s2;
	v12 =	vadd.s32 $0x7FFF, v12;
	v17 =	vld.idx.msk [tilespmem:v17+s14+$0x0], $0xffff  }
0x19b: {  	v15 =	vshrl.u32 v19, $0x10;
	v14 =	vadd.s32 $0x7FFF, v13;
	v13 =	vand.u32 $0xFFFF0000, v12  }
0x19c: {  	v12 =	vand.u32 $0xFFFF0000, v14;
	v14 =	vand.u32 $0x1, v15;
	v15 =	vshrl.u32 v20, $0x10  }
0x19d: {  	v6 =	vand.u32 $0xFFFF0000, v6;
	v18 =	vbroadcast v18, $0x0;
	v15 =	vand.u32 $0x1, v15  }
0x19e: {  	v14 =	vadd.s32 v14, v19;
	v15 =	vadd.s32 v15, v20;
	v20 =	vld.idx.msk [tilespmem:v21+s14+$0x0], $0xffff;
	v19 =	vshrl.u32 v16, $0x10  }
0x19f: {  	v7 =	vadd.s32 $0x7FFF, v7;
	v21 =	vshrl.u32 v17, $0x10;
	v19 =	vand.u32 $0x1, v19  }
0x1a0: {  	v7 =	vand.u32 $0xFFFF0000, v7;
	s11 =	sor.u32 $0x11, s1;
	v16 =	vadd.s32 v19, v16;
	v19 =	vand.u32 $0x1, v21  }
0x1a1: {  	v8 =	vadd.s32 $0x7FFF, v8;
	v17 =	vadd.s32 v19, v17;
	v19 =	vmov s11  }
0x1a2: {  	v8 =	vand.u32 $0xFFFF0000, v8;
	s13 =	sor.u32 $0x12, s1;
	v14 =	vadd.s32 $0x7FFF, v14;
	v19 =	vbroadcast v19, $0x0  }
0x1a3: {  	s2 =	sor.u32 $0x13, s1;
	v14 =	vand.u32 $0xFFFF0000, v14;
	v22 =	vld.idx.msk [tilespmem:v18+s14+$0x0], $0xffff;
	v18 =	vmov s13;
	v21 =	vshrl.u32 v20, $0x10  }
0x1a4: {  	v23 =	vbroadcast v18, $0x0;
	v18 =	vmov s2;
	s11 =	sor.u32 $0x14, s1;
	v21 =	vand.u32 $0x1, v21  }
0x1a5: {  	s13 =	sor.u32 $0x15, s1;
	v20 =	vadd.s32 v21, v20;
	v21 =	vbroadcast v18, $0x0;
	v18 =	vmov s11  }
0x1a6: {  	v25 =	vmov s13;
	s2 =	sor.u32 $0x16, s1;
	v20 =	vadd.s32 $0x7FFF, v20;
	v24 =	vbroadcast v18, $0x0  }
0x1a7: {  	s11 =	sor.u32 $0x17, s1;
	v18 =	vand.u32 $0xFFFF0000, v20;
	v20 =	vbroadcast v25, $0x0;
	v25 =	vmov s2  }
0x1a8: {  	s30 =	simm.s32 $0x1A000;
	s13 =	sor.u32 $0x18, s1;
	v26 =	vshrl.u32 v22, $0x10;
	v25 =	vbroadcast v25, $0x0;
	v27 =	vld.idx.msk [tilespmem:v19+s14+$0x0], $0xffff;
	v19 =	vmov s11  }
0x1a9: {  	v48 =	vld [tilespmem:s30+$0x0];
	v26 =	vand.u32 $0x1, v26;
	s2 =	sor.u32 $0x19, s1;
	v28 =	vbroadcast v19, $0x0;
	v19 =	vmov s13  }
0x1aa: {  	v22 =	vadd.s32 v26, v22;
	v23 =	vld.idx.msk [tilespmem:v23+s14+$0x0], $0xffff;
	s11 =	sor.u32 $0x1A, s1;
	v26 =	vbroadcast v19, $0x0;
	v19 =	vmov s2  }
0x1ab: {  	v22 =	vadd.s32 $0x7FFF, v22;
	v30 =	vmov s11;
	s13 =	sor.u32 $0x1B, s1;
	v21 =	vld.idx.msk [tilespmem:v21+s14+$0x0], $0xffff;
	v29 =	vbroadcast v19, $0x0  }
0x1ac: {  	s2 =	sor.u32 $0x1C, s1;
	v19 =	vand.u32 $0xFFFF0000, v22;
	v24 =	vld.idx.msk [tilespmem:v24+s14+$0x0], $0xffff;
	v22 =	vbroadcast v30, $0x0;
	v30 =	vmov s13  }
0x1ad: {  	v15 =	vadd.s32 $0x7FFF, v15;
	s11 =	sor.u32 $0x1D, s1;
	v55 =	vld.idx.msk [tilespmem:v20+s14+$0x0], $0xffff;
	v20 =	vbroadcast v30, $0x0;
	v30 =	vmov s2;
	s2 =	simm.s32 $0x0  }
0x1ae: {  	v15 =	vand.u32 $0xFFFF0000, v15;
	v16 =	vadd.s32 $0x7FFF, v16;
	v56 =	vmov s11;
	v25 =	vld.idx.msk [tilespmem:v25+s14+$0x0], $0xffff;
	s11 =	sand.u32 $0x70, s2;
	s0 =	sand.u32 $0x1C00, s2  }
0x1af: {  	v16 =	vand.u32 $0xFFFF0000, v16;
	v17 =	vadd.s32 $0x7FFF, v17;
	v58 =	vshrl.u32 v23, $0x10;
	s13 =	sor.u32 $0x1E, s1;
	s0 =	sor.u32 s11, s0;
	v28 =	vld.idx.msk [tilespmem:v28+s14+$0x0], $0xffff  }
0x1b0: {  	v17 =	vand.u32 $0xFFFF0000, v17;
	v34 =	vand.u32 $0x1, v58;
	v57 =	vmov s13;
	v50 =	vld [tilespmem:s0+$0x12100]  }
0x1b1: {  	s1 =	sshllo.u32 s12, $0x5;
	v23 =	vadd.s32 v34, v23;
	v31 =	vshrl.u32 v27, $0x10;
	v30 =	vbroadcast v30, $0x0;
	v51 =	vld [tilespmem:s0+$0x12200]  }
0x1b2: {  	v62 =	vmov s1;
	v31 =	vand.u32 $0x1, v31;
	v59 =	vshrl.u32 v21, $0x10;
	v43 =	vld [tilespmem:s0+$0x12300]  }
0x1b3: {  	v33 =	vbroadcast v57, $0x0;
	v27 =	vadd.s32 v31, v27;
	v26 =	vld.idx.msk [tilespmem:v26+s14+$0x0], $0xffff;
	v35 =	vand.u32 $0x1, v59  }
0x1b4: {  	v31 =	vbroadcast v56, $0x0;
	v27 =	vadd.s32 $0x7FFF, v27;
	v29 =	vld.idx.msk [tilespmem:v29+s14+$0x0], $0xffff;
	v60 =	vadd.s32 v35, v21  }
0x1b5: {  	v61 =	vld.idx.msk [tilespmem:v22+s14+$0x0], $0xffff;
	v21 =	vand.u32 $0xFFFF0000, v27;
	v22 =	vadd.s32 $0x7FFF, v23;
	v23 =	vadd.s32 $0x7FFF, v60  }
0x1b6: {  	v27 =	vshrl.u32 v55, $0x10;
	v63 =	vld.idx.msk [tilespmem:v20+s14+$0x0], $0xffff;
	v20 =	vand.u32 $0xFFFF0000, v23;
	v23 =	vshrl.u32 v24, $0x10  }
0x1b7: {  	v22 =	vand.u32 $0xFFFF0000, v22;
	v37 =	vld.idx.msk [tilespmem:v30+s14+$0x0], $0xffff;
	v30 =	vshrl.u32 v25, $0x10;
	v23 =	vand.u32 $0x1, v23  }
0x1b8: {  	v44 =	vld [tilespmem:s0+$0x12380];
	v23 =	vadd.s32 v23, v24;
	v24 =	vand.u32 $0x1, v27;
	v27 =	vand.u32 $0x1, v30  }
0x1b9: {  	v54 =	vld [tilespmem:s0+$0x14000];
	v23 =	vadd.s32 $0x7FFF, v23;
	v30 =	vadd.s32 v24, v55;
	v25 =	vadd.s32 v27, v25  }
0x1ba: {  	v38 =	vld.idx.msk [tilespmem:v31+s14+$0x0], $0xffff;
	v24 =	vand.u32 $0xFFFF0000, v23;
	v23 =	vadd.s32 $0x7FFF, v30;
	v27 =	vadd.s32 $0x7FFF, v25  }
0x1bb: {  	s11 =	sshrl.u32 s5, $0x1;
	v31 =	vld [tilespmem:s0+$0x12080];
	v25 =	vand.u32 $0xFFFF0000, v23;
	v23 =	vand.u32 $0xFFFF0000, v27;
	v27 =	vshrl.u32 v28, $0x10  }
0x1bc: {  	s13 =	sshll.u32 s11, $0x2;
	v46 =	vshrl.u32 v26, $0x10;
	v47 =	vshrl.u32 v29, $0x10;
	v30 =	vld [tilespmem:s0+$0x12000];
	v27 =	vand.u32 $0x1, v27  }
0x1bd: {  	v52 =	vld [tilespmem:s0+$0x12280];
	s12 =	ssub.s32 s12, s13;
	v49 =	vand.u32 $0x1, v47;
	v27 =	vadd.s32 v27, v28;
	v28 =	vand.u32 $0x1, v46  }
0x1be: {  	p1 =	sgt.s32 s12, $0x0;
	v36 =	vmul.f32 v5, v50;
	v26 =	vadd.s32 v28, v26;
	v28 =	vadd.s32 v49, v29;
	v29 =	vld [tilespmem:s0+$0x12180]  }
0x1bf: {  	v40 =	vpsel !p1, $0x0, v48;
	v39 =	vld.idx.msk [tilespmem:v33+s14+$0x0], $0xffff;
	v43 =	vmul.f32 v10, v43;
	v60 =	vmul.f32 v9, v44  }
0x1c0: {  	v33 =	vld.idx.msk [tilespmem:v62+s14+$0x0], $0xffff;
	v62 =	vmul.f32 v11, v54;
	v42 =	vshrl.u32 v61, $0x10;
	v55 =	vmul.f32 v7, v51  }
0x1c1: {  	v56 =	vld [tilespmem:s0+$0x14080];
	v42 =	vand.u32 $0x1, v42;
	v31 =	vmul.f32 v4, v31;
	v30 =	vmul.f32 v3, v30  }
0x1c2: {  	v58 =	vshrl.u32 v63, $0x10;
	v26 =	vadd.s32 $0x7FFF, v26;
	v32 =	vadd.s32 $0x7FFF, v28  }
0x1c3: {  	v50 =	vld [tilespmem:s0+$0x14380];
	v31 =	vadd.f32 $0.0e+00, v31;
	v30 =	vadd.f32 v30, v40;
	v53 =	vmul.f32 v6, v29  }
0x1c4: {  	v59 =	vld [tilespmem:s0+$0x14180];
	v35 =	vadd.s32 v42, v61;
	v28 =	vand.u32 $0xFFFF0000, v26;
	v26 =	vand.u32 $0xFFFF0000, v32  }
0x1c5: {  	v61 =	vld [tilespmem:s0+$0x14200];
	v32 =	vmul.f32 v8, v52;
	v30 =	vadd.f32 v36, v30;
	v31 =	vadd.f32 v53, v31  }
0x1c6: {  	v57 =	vld [tilespmem:s0+$0x14100];
	v48 =	vmul.f32 v13, v56;
	v27 =	vadd.s32 $0x7FFF, v27;
	v40 =	vand.u32 $0x1, v58  }
0x1c7: {  	v34 =	vadd.s32 v40, v63;
	v63 =	vld [tilespmem:s0+$0x14280];
	v30 =	vadd.f32 v55, v30;
	v31 =	vadd.f32 v32, v31  }
0x1c8: {  	v54 =	vld [tilespmem:s0+$0x16080];
	v51 =	vshrl.u32 v37, $0x10;
	v41 =	vmul.f32 v18, v50;
	v27 =	vand.u32 $0xFFFF0000, v27  }
0x1c9: {  	v49 =	vld [tilespmem:s0+$0x14300];
	v52 =	vmul.f32 v14, v59;
	v43 =	vadd.f32 v43, v30;
	v31 =	vadd.f32 v60, v31  }
0x1ca: {  	v44 =	vmul.f32 v15, v61;
	v58 =	vshrl.u32 v38, $0x10;
	v29 =	vadd.s32 $0x7FFF, v35;
	v53 =	vld [tilespmem:s0+$0x16000]  }
0x1cb: {  	v36 =	vmul.f32 v12, v57;
	v55 =	vld [tilespmem:s0+$0x16100];
	v40 =	vadd.f32 v62, v43;
	v31 =	vadd.f32 v48, v31  }
0x1cc: {  	v56 =	vld [tilespmem:s0+$0x16180];
	v29 =	vand.u32 $0xFFFF0000, v29;
	v30 =	vadd.s32 $0x7FFF, v34;
	v42 =	vmul.f32 v16, v63  }
0x1cd: {  	v59 =	vld [tilespmem:s0+$0x16280];
	v43 =	vand.u32 $0x1, v51;
	v36 =	vadd.f32 v36, v40;
	v32 =	vadd.f32 v52, v31  }
0x1ce: {  	v57 =	vld [tilespmem:s0+$0x16200];
	v34 =	vmul.f32 v17, v49;
	v30 =	vand.u32 $0xFFFF0000, v30;
	v37 =	vadd.s32 v43, v37  }
0x1cf: {  	v49 =	vld [tilespmem:s0+$0x18080];
	v35 =	vmul.f32 v19, v53;
	v36 =	vadd.f32 v44, v36;
	v32 =	vadd.f32 v42, v32  }
0x1d0: {  	v61 =	vld [tilespmem:s0+$0x16380];
	v43 =	vmul.f32 v22, v55;
	v53 =	vshrl.u32 v33, $0x10;
	v40 =	vmul.f32 v21, v54  }
0x1d1: {  	v60 =	vld [tilespmem:s0+$0x16300];
	v48 =	vshrl.u32 v39, $0x10;
	v34 =	vadd.f32 v34, v36;
	v32 =	vadd.f32 v41, v32  }
0x1d2: {  	v45 =	vld [tilespmem:s0+$0x18200];
	v54 =	vand.u32 $0x1, v53;
	v31 =	vadd.s32 $0x7FFF, v37;
	v44 =	vand.u32 $0x1, v58  }
0x1d3: {  	v63 =	vld [tilespmem:s0+$0x18000];
	v37 =	vmul.f32 v20, v56;
	v34 =	vadd.f32 v35, v34;
	v32 =	vadd.f32 v40, v32  }
0x1d4: {  	v56 =	vmul.f32 v26, v49;
	v31 =	vand.u32 $0xFFFF0000, v31;
	v42 =	vmul.f32 v24, v57  }
0x1d5: {  	v52 =	vld [tilespmem:s0+$0x18180];
	v36 =	vmul.f32 v25, v59;
	v34 =	vadd.f32 v43, v34;
	v32 =	vadd.f32 v37, v32  }
0x1d6: {  	v50 =	vld [tilespmem:s0+$0x18100];
	v38 =	vadd.s32 v44, v38;
	v51 =	vmul.f32 v23, v60;
	v44 =	vmul.f32 v27, v61  }
0x1d7: {  	v62 =	vadd.s32 $0x7FFF, v38;
	v34 =	vadd.f32 v42, v34;
	v36 =	vadd.f32 v36, v32  }
0x1d8: {  	v55 =	vld [tilespmem:s0+$0x18280];
	v38 =	vmul.f32 v28, v63;
	v60 =	vmul.f32 v31, v45;
	v40 =	vand.u32 $0x1, v48  }
0x1d9: {  	v57 =	vld [tilespmem:s0+$0x18300];
	v39 =	vadd.s32 v40, v39;
	v34 =	vadd.f32 v51, v34;
	v36 =	vadd.f32 v44, v36  }
0x1da: {  	v58 =	vld [tilespmem:s0+$0x18380];
	v35 =	vadd.s32 v54, v33;
	v59 =	vmul.f32 v30, v52;
	v39 =	vadd.s32 $0x7FFF, v39  }
0x1db: {  	v37 =	vmul.f32 v29, v50;
	v34 =	vadd.f32 v38, v34;
	v36 =	vadd.f32 v56, v36  }
0x1dc: {  	v35 =	vadd.s32 $0x7FFF, v35;
	v33 =	vand.u32 $0xFFFF0000, v39;
	v32 =	vand.u32 $0xFFFF0000, v62  }
0x1dd: {  	v61 =	vmul.f32 v32, v55;
	v37 =	vadd.f32 v37, v34;
	v36 =	vadd.f32 v59, v36  }
0x1de: {  	v62 =	vmul.f32 v33, v57;
	v34 =	vand.u32 $0xFFFF0000, v35  }
0x1df: {  	v63 =	vmul.f32 v34, v58;
	v37 =	vadd.f32 v60, v37;
	v36 =	vadd.f32 v61, v36;
	_ =	sdelay $0x1  }
0x1e0: {  	v35 =	vadd.f32 v62, v37;
	v36 =	vadd.f32 v63, v36;
	_ =	sdelay $0x1  }
0x1e1: {  	s2 =	simm.s32 $0x10;
	s0 =	simm.s32 $0x80;
	v35 =	vadd.f32 v36, v35  }
0x1e2: {  	s1 =	sand.u32 $0x70, s2;
	s13 =	sand.u32 $0x1C00, s0  }
0x1e3: {  	s1 =	sor.u32 s1, s13;
	[tilespmem:s30+$0x0] =	vst v35  }
0x1e4: {  	s2 =	simm.s32 $0x20;
	v35 =	vld [tilespmem:s1+$0x12100]  }
.LBB2_7:
0x1e5: {  	p2 =	sne.s32 s2, $0x3F0;
	v36 =	vld [tilespmem:s1+$0x12000]  }
0x1e6: {  	s30 =	sadd.s32 $0x10, s30;
	v37 =	vld [tilespmem:s1+$0x12080]  }
0x1e7: {  	v38 =	vld [tilespmem:s30+$0x0]  }
0x1e8: {  	v39 =	vld [tilespmem:s1+$0x12180]  }
0x1e9: {  	v40 =	vld [tilespmem:s1+$0x12200]  }
0x1ea: {  	v41 =	vld [tilespmem:s1+$0x12280]  }
0x1eb: {  	v36 =	vmul.f32 v3, v36;
	v37 =	vmul.f32 v4, v37;
	v42 =	vld [tilespmem:s1+$0x12300]  }
0x1ec: {  	v35 =	vmul.f32 v5, v35;
	v38 =	vpsel !p1, $0x0, v38;
	v43 =	vld [tilespmem:s1+$0x12380]  }
0x1ed: {  	v36 =	vadd.f32 v36, v38;
	v37 =	vadd.f32 $0.0e+00, v37;
	v38 =	vmul.f32 v6, v39;
	v39 =	vld [tilespmem:s1+$0x14000]  }
0x1ee: {  	v40 =	vmul.f32 v7, v40;
	v44 =	vld [tilespmem:s1+$0x14080]  }
0x1ef: {  	v35 =	vadd.f32 v35, v36;
	v36 =	vadd.f32 v38, v37;
	v37 =	vmul.f32 v8, v41;
	v38 =	vld [tilespmem:s1+$0x14100]  }
0x1f0: {  	v41 =	vmul.f32 v10, v42;
	v42 =	vld [tilespmem:s1+$0x14180]  }
0x1f1: {  	v35 =	vadd.f32 v40, v35;
	v36 =	vadd.f32 v37, v36;
	v37 =	vmul.f32 v9, v43;
	v40 =	vld [tilespmem:s1+$0x14200]  }
0x1f2: {  	v39 =	vmul.f32 v11, v39;
	v43 =	vld [tilespmem:s1+$0x14280]  }
0x1f3: {  	v35 =	vadd.f32 v41, v35;
	v36 =	vadd.f32 v37, v36;
	v37 =	vmul.f32 v13, v44;
	v41 =	vld [tilespmem:s1+$0x14300]  }
0x1f4: {  	v38 =	vmul.f32 v12, v38;
	v44 =	vld [tilespmem:s1+$0x14380]  }
0x1f5: {  	v35 =	vadd.f32 v39, v35;
	v36 =	vadd.f32 v37, v36;
	v37 =	vmul.f32 v14, v42;
	v39 =	vld [tilespmem:s1+$0x16000]  }
0x1f6: {  	v40 =	vmul.f32 v15, v40;
	v42 =	vld [tilespmem:s1+$0x16080]  }
0x1f7: {  	v35 =	vadd.f32 v38, v35;
	v36 =	vadd.f32 v37, v36;
	v37 =	vmul.f32 v16, v43;
	v38 =	vld [tilespmem:s1+$0x16100]  }
0x1f8: {  	v41 =	vmul.f32 v17, v41;
	v43 =	vld [tilespmem:s1+$0x16180]  }
0x1f9: {  	v35 =	vadd.f32 v40, v35;
	v36 =	vadd.f32 v37, v36;
	v37 =	vmul.f32 v18, v44;
	v40 =	vld [tilespmem:s1+$0x16200]  }
0x1fa: {  	v39 =	vmul.f32 v19, v39;
	v44 =	vld [tilespmem:s1+$0x16280]  }
0x1fb: {  	v35 =	vadd.f32 v41, v35;
	v36 =	vadd.f32 v37, v36;
	v37 =	vmul.f32 v21, v42;
	v41 =	vld [tilespmem:s1+$0x16300]  }
0x1fc: {  	v38 =	vmul.f32 v22, v38;
	v42 =	vld [tilespmem:s1+$0x16380]  }
0x1fd: {  	v35 =	vadd.f32 v39, v35;
	v36 =	vadd.f32 v37, v36;
	v37 =	vmul.f32 v20, v43;
	v39 =	vld [tilespmem:s1+$0x18000]  }
0x1fe: {  	v40 =	vmul.f32 v24, v40;
	v43 =	vld [tilespmem:s1+$0x18080]  }
0x1ff: {  	v35 =	vadd.f32 v38, v35;
	v36 =	vadd.f32 v37, v36;
	v37 =	vmul.f32 v25, v44;
	v38 =	vld [tilespmem:s1+$0x18100]  }
0x200: {  	v41 =	vmul.f32 v23, v41;
	v44 =	vld [tilespmem:s1+$0x18180]  }
0x201: {  	v35 =	vadd.f32 v40, v35;
	v36 =	vadd.f32 v37, v36;
	v37 =	vmul.f32 v27, v42;
	v40 =	vld [tilespmem:s1+$0x18200]  }
0x202: {  	v39 =	vmul.f32 v28, v39;
	v42 =	vld [tilespmem:s1+$0x18280]  }
0x203: {  	v35 =	vadd.f32 v41, v35;
	v36 =	vadd.f32 v37, v36;
	v37 =	vmul.f32 v26, v43;
	v41 =	vld [tilespmem:s1+$0x18300]  }
0x204: {  	v38 =	vmul.f32 v29, v38;
	v43 =	vld [tilespmem:s1+$0x18380]  }
0x205: {  	v35 =	vadd.f32 v39, v35;
	v36 =	vadd.f32 v37, v36;
	v37 =	vmul.f32 v30, v44  }
0x206: {  	v39 =	vmul.f32 v31, v40  }
0x207: {  	v35 =	vadd.f32 v38, v35;
	v36 =	vadd.f32 v37, v36;
	v37 =	vmul.f32 v32, v42  }
0x208: {  	v38 =	vmul.f32 v33, v41  }
0x209: {  	v35 =	vadd.f32 v39, v35;
	v36 =	vadd.f32 v37, v36;
	v37 =	vmul.f32 v34, v43;
	_ =	sdelay $0x1  }
0x20a: {  	v35 =	vadd.f32 v38, v35;
	v36 =	vadd.f32 v37, v36  }
.Ltmp4:
0x20b: {  	(pc) =	sbr.rel @p2 .LBB2_7-.Ltmp4, $4  }
0x20c: {  	s0 =	sadd.s32 $0x80, s0;
	v35 =	vadd.f32 v36, v35  }
0x20d: {  	s13 =	sand.u32 $0x1C00, s0;
	s1 =	sand.u32 $0x70, s2  }
0x20e: {  	s1 =	sor.u32 s1, s13;
	[tilespmem:s30+$0x0] =	vst v35  }
0x20f: {  	s2 =	sadd.s32 $0x10, s2;
	v35 =	vld [tilespmem:s1+$0x12100]  }
0x210: {  	v36 =	vld [tilespmem:s1+$0x12000]  }
0x211: {  	v37 =	vld [tilespmem:s1+$0x12080];
	s0 =	sadd.s32 $0x10, s30  }
0x212: {  	v38 =	vld [tilespmem:s0+$0x0]  }
0x213: {  	v39 =	vld [tilespmem:s1+$0x12180]  }
0x214: {  	v40 =	vld [tilespmem:s1+$0x12200]  }
0x215: {  	v41 =	vld [tilespmem:s1+$0x12280]  }
0x216: {  	v49 =	vld [tilespmem:s1+$0x12300];
	v3 =	vmul.f32 v3, v36;
	v4 =	vmul.f32 v4, v37  }
0x217: {  	v51 =	vld [tilespmem:s1+$0x12380];
	v5 =	vmul.f32 v5, v35;
	v50 =	vpsel !p1, $0x0, v38  }
0x218: {  	v52 =	vld [tilespmem:s1+$0x14000];
	v6 =	vmul.f32 v6, v39;
	v3 =	vadd.f32 v3, v50;
	v4 =	vadd.f32 $0.0e+00, v4  }
0x219: {  	v53 =	vld [tilespmem:s1+$0x14080];
	v7 =	vmul.f32 v7, v40  }
0x21a: {  	v57 =	vld [tilespmem:s1+$0x14180];
	v54 =	vmul.f32 v8, v41;
	v3 =	vadd.f32 v5, v3;
	v4 =	vadd.f32 v6, v4  }
0x21b: {  	v55 =	vld [tilespmem:s1+$0x14100];
	v56 =	vmul.f32 v10, v49  }
0x21c: {  	v61 =	vld [tilespmem:s1+$0x14280];
	v58 =	vmul.f32 v9, v51;
	v3 =	vadd.f32 v7, v3;
	v4 =	vadd.f32 v54, v4  }
0x21d: {  	v59 =	vld [tilespmem:s1+$0x14200];
	v60 =	vmul.f32 v11, v52  }
0x21e: {  	v63 =	vld [tilespmem:s1+$0x14300];
	v62 =	vmul.f32 v13, v53;
	v3 =	vadd.f32 v56, v3;
	v4 =	vadd.f32 v58, v4  }
0x21f: {  	v35 =	vld [tilespmem:s1+$0x14380];
	v36 =	vmul.f32 v14, v57  }
0x220: {  	v37 =	vld [tilespmem:s1+$0x16000];
	v6 =	vmul.f32 v12, v55;
	v3 =	vadd.f32 v60, v3;
	v4 =	vadd.f32 v62, v4  }
0x221: {  	v39 =	vmul.f32 v16, v61;
	v38 =	vld [tilespmem:s1+$0x16080]  }
0x222: {  	v41 =	vld [tilespmem:s1+$0x16180];
	v7 =	vmul.f32 v15, v59;
	v3 =	vadd.f32 v6, v3;
	v4 =	vadd.f32 v36, v4  }
0x223: {  	v40 =	vld [tilespmem:s1+$0x16100];
	v8 =	vmul.f32 v17, v63  }
0x224: {  	v44 =	vld [tilespmem:s1+$0x16280];
	v42 =	vmul.f32 v18, v35;
	v3 =	vadd.f32 v7, v3;
	v4 =	vadd.f32 v39, v4  }
0x225: {  	v43 =	vld [tilespmem:s1+$0x16200];
	v9 =	vmul.f32 v19, v37  }
0x226: {  	v47 =	vld [tilespmem:s1+$0x16380];
	v45 =	vmul.f32 v21, v38;
	v3 =	vadd.f32 v8, v3;
	v4 =	vadd.f32 v42, v4  }
0x227: {  	v46 =	vld [tilespmem:s1+$0x16300];
	v48 =	vmul.f32 v20, v41  }
0x228: {  	v50 =	vld [tilespmem:s1+$0x18080];
	v6 =	vmul.f32 v22, v40;
	v3 =	vadd.f32 v9, v3;
	v4 =	vadd.f32 v45, v4  }
0x229: {  	v49 =	vld [tilespmem:s1+$0x18000];
	v51 =	vmul.f32 v25, v44  }
0x22a: {  	v53 =	vld [tilespmem:s1+$0x18180];
	v7 =	vmul.f32 v24, v43;
	v3 =	vadd.f32 v6, v3;
	v4 =	vadd.f32 v48, v4  }
0x22b: {  	v52 =	vld [tilespmem:s1+$0x18100];
	v54 =	vmul.f32 v27, v47  }
0x22c: {  	v56 =	vld [tilespmem:s1+$0x18280];
	v8 =	vmul.f32 v23, v46;
	v3 =	vadd.f32 v7, v3;
	v4 =	vadd.f32 v51, v4  }
0x22d: {  	v55 =	vld [tilespmem:s1+$0x18200];
	v57 =	vmul.f32 v26, v50  }
0x22e: {  	v59 =	vld [tilespmem:s1+$0x18380];
	v9 =	vmul.f32 v28, v49;
	v3 =	vadd.f32 v8, v3;
	v4 =	vadd.f32 v54, v4  }
0x22f: {  	v58 =	vld [tilespmem:s1+$0x18300];
	v60 =	vmul.f32 v30, v53  }
0x230: {  	v6 =	vmul.f32 v29, v52;
	v3 =	vadd.f32 v9, v3;
	v4 =	vadd.f32 v57, v4  }
0x231: {  	v61 =	vmul.f32 v32, v56  }
0x232: {  	v7 =	vmul.f32 v31, v55;
	v3 =	vadd.f32 v6, v3;
	v4 =	vadd.f32 v60, v4  }
0x233: {  	v63 =	vmul.f32 v34, v59  }
0x234: {  	v62 =	vmul.f32 v33, v58;
	v3 =	vadd.f32 v7, v3;
	v4 =	vadd.f32 v61, v4;
	_ =	sdelay $0x1  }
0x235: {  	p1 =	sne.s32 s12, $0x3;
	v3 =	vadd.f32 v62, v3;
	v4 =	vadd.f32 v63, v4  }
0x236: {  	s1 =	sshll.u32 @!p1 s11, $0x7  }
0x237: {  	s2 =	sshll.u32 @!p1 s11, $0x4;
	s1 =	sand.u32 @!p1 $0x1C00, s1;
	v3 =	vadd.f32 v4, v3  }
0x238: {  	s2 =	sand.u32 @!p1 $0x70, s2;
	s11 =	simm.s32 @!p1 $0x1A000;
	s1 =	sadd.s32 @!p1 s1, s10  }
0x239: {  	s1 =	sadd.s32 @!p1 s2, s1;
	s2 =	simm.s32 @!p1 $0x400;
	[tilespmem:s0+$0x0] =	vst v3;
	s0 =	simm.s32 @!p1 $0x80  }
0x23a: {  	[hbm4b:s1+s0] =	stream.strided.scatter @!p1 [tilespmem:s11], [sflag:$0x3], $0x400, s2, s0, $0x38;
	[tilespmem:$0x1A400] =	vst v63  }
.Ltmp5:
0x23b: {  	_ = 	snop;
	(pc) =	sbr.rel @p0 .LBB2_10-.Ltmp5, $4  }
0x23c: {  	s0 =	simm.s32 @!p1 $0x3  }
0x23d: {  	_ =	swait.ge @!p1 [sflag:s0], $0x400  }
0x23e: {  	[sflag:s0] =	ssyncset.done @!p1 $0x0  }
0x23f: {  	[sflag:s0] =	ssyncadd.s32 @!p1 $0xFFFFFC00  }
0x240: {  	s0 =	sand.u32 $0x3FFFFFC0, s6  }
0x241: {  	v3 =	vld [tilespmem:s0+$0x6060];
	_ =	sdelay $0x4  }
0x242: {  	v4 =	vshll.u32 v3, $0x3  }
0x243: {  	v3 =	vand.u32 $0x7, v3;
	v4 =	vand.u32 $0xFFFFFFC0, v4  }
0x244: {  	v3 =	vor.u32 v3, v4  }
0x245: {  	v4 =	vperm.xlane v3, v0;
	_ =	sdelay $0x1  }
0x246: {  	v4 =	vadd.s32 v1, v4;
	_ =	sdelay $0x3  }
0x247: {  	s1 =	simm.s32 $0x12000  }
0x248: {  	[tilespmem:s1], [sflag:$0x2] =	stream.indirect_vreg.gather [hbm4b:s4+s3], $0x80, v4, vm0, $0xb8;
	[tilespmem:$0x1A400] =	vst v63  }
0x249: {  	s12 =	simm.s32 $0x12800;
	v3 =	vperm.xlane v3, v2  }
0x24a: {  	[tilespmem:s12], [sflag:$0x2] =	stream.indirect_vreg.gather [hbm4b:s7+s3], $0x80, v4, vm0, $0xb8;
	[tilespmem:$0x1A400] =	vst v63  }
0x24b: {  	s13 =	simm.s32 $0x13000;
	v3 =	vadd.s32 v1, v3  }
0x24c: {  	[tilespmem:s13], [sflag:$0x2] =	stream.indirect_vreg.gather [hbm4b:s8+s3], $0x80, v4, vm0, $0xb8;
	[tilespmem:$0x1A400] =	vst v63  }
0x24d: {  	s30 =	simm.s32 $0x13800  }
0x24e: {  	[tilespmem:s30], [sflag:$0x2] =	stream.indirect_vreg.gather [hbm4b:s9+s3], $0x80, v4, vm0, $0xb8;
	[tilespmem:$0x1A400] =	vst v63  }
0x24f: {  	_ = 	snop  }
0x250: {  	[tilespmem:s15], [sflag:$0x2] =	stream.indirect_vreg.gather [hbm4b:s4+s3], $0x80, v3, vm0, $0xb8;
	[tilespmem:$0x1A400] =	vst v63  }
0x251: {  	_ = 	snop  }
0x252: {  	[tilespmem:s16], [sflag:$0x2] =	stream.indirect_vreg.gather [hbm4b:s7+s3], $0x80, v3, vm0, $0xb8;
	[tilespmem:$0x1A400] =	vst v63  }
0x253: {  	_ = 	snop  }
0x254: {  	[tilespmem:s17], [sflag:$0x2] =	stream.indirect_vreg.gather [hbm4b:s8+s3], $0x80, v3, vm0, $0xb8;
	[tilespmem:$0x1A400] =	vst v63  }
0x255: {  	_ = 	snop  }
0x256: {  	[tilespmem:s18], [sflag:$0x2] =	stream.indirect_vreg.gather [hbm4b:s9+s3], $0x80, v3, vm0, $0xb8;
	[tilespmem:$0x1A400] =	vst v63  }
0x257: {  	v3 =	vld [tilespmem:s0+$0x6070];
	_ =	sdelay $0x4  }
0x258: {  	v63 =	vshll.u32 v3, $0x3  }
0x259: {  	v3 =	vand.u32 $0x7, v3;
	v4 =	vand.u32 $0xFFFFFFC0, v63  }
0x25a: {  	v3 =	vor.u32 v3, v4  }
0x25b: {  	v4 =	vperm.xlane v3, v0;
	_ =	sdelay $0x1  }
0x25c: {  	v4 =	vadd.s32 v1, v4;
	_ =	sdelay $0x4  }
0x25d: {  	[tilespmem:s19], [sflag:$0x2] =	stream.indirect_vreg.gather [hbm4b:s4+s3], $0x80, v4, vm0, $0xb8;
	[tilespmem:$0x1A400] =	vst v63  }
0x25e: {  	v3 =	vperm.xlane v3, v2  }
0x25f: {  	[tilespmem:s20], [sflag:$0x2] =	stream.indirect_vreg.gather [hbm4b:s7+s3], $0x80, v4, vm0, $0xb8;
	[tilespmem:$0x1A400] =	vst v63  }
0x260: {  	v3 =	vadd.s32 v1, v3  }
0x261: {  	[tilespmem:s21], [sflag:$0x2] =	stream.indirect_vreg.gather [hbm4b:s8+s3], $0x80, v4, vm0, $0xb8;
	[tilespmem:$0x1A400] =	vst v63  }
0x262: {  	_ = 	snop  }
0x263: {  	[tilespmem:s22], [sflag:$0x2] =	stream.indirect_vreg.gather [hbm4b:s9+s3], $0x80, v4, vm0, $0xb8;
	[tilespmem:$0x1A400] =	vst v63  }
0x264: {  	_ = 	snop  }
0x265: {  	[tilespmem:s23], [sflag:$0x2] =	stream.indirect_vreg.gather [hbm4b:s4+s3], $0x80, v3, vm0, $0xb8;
	[tilespmem:$0x1A400] =	vst v63  }
0x266: {  	_ = 	snop  }
0x267: {  	[tilespmem:s24], [sflag:$0x2] =	stream.indirect_vreg.gather [hbm4b:s7+s3], $0x80, v3, vm0, $0xb8;
	[tilespmem:$0x1A400] =	vst v63  }
.Ltmp6:
0x268: {  	_ = 	snop;
	(pc) =	sbr.rel .LBB2_4-.Ltmp6, $4  }
0x269: {  	_ = 	snop  }
0x26a: {  	[tilespmem:s25], [sflag:$0x2] =	stream.indirect_vreg.gather [hbm4b:s8+s3], $0x80, v3, vm0, $0xb8;
	[tilespmem:$0x1A400] =	vst v63  }
0x26b: {  	s5 =	sadd.s32 $0x1, s5  }
0x26c: {  	[tilespmem:s26], [sflag:$0x2] =	stream.indirect_vreg.gather [hbm4b:s9+s3], $0x80, v3, vm0, $0xb8;
	[tilespmem:$0x1A400] =	vst v63  }
.LBB2_11:
0x26d: {  	_ =	sfence.sel $0x180000  }
0x26e: {  	[bflag:$0x0] =	sbarrier.arrive $0xFFFF  }
0x26f: {  	_ =	strace $0x90000047  }
0x270: {  	s0 =	stileid.u32;
	[bflag:$0x2] =	sbarrier.arrive $0xFFFF  }
0x271: {  	p0 =	sne.s32 s0, $0x0;
	s0 =	rddreg [dreg:$0x3]  }
0x272: {  	s0 =	sadd.s32 @!p0 $0x100000, s0  }
0x273: {  	[sflag:s0] =	ssyncadd.tile.s32 @!p0 $0x1;
	_ =	shalt  }
.Lfunc_end2:
_tile_overlayer_lowered:
.L_overlay_start_2:
0x274: {  	(tag) =	ssettag $0x2  }
0x275: {  	s0 =	rddreg [dreg:$0x0];
	s2 =	stileid.u32  }
0x276: {  	s1 =	rddreg [dreg:$0x1];
	p0 =	sne.s32 s2, $0x0  }
0x277: {  	s3 =	rddreg [dreg:$0x2];
	[bflag:$0x3] =	sbarrier.arrive $0xFFFF;
	s2 =	simm.s32 @!p0 $0x1C03  }
0x278: {  	[timem:s3], [sflag:s2] =	dma.local @!p0 [hbm:s0], s1  }
0x279: {  	s0 =	simm.s32 @!p0 $0x3  }
0x27a: {  	_ =	swait.ge @!p0 [sflag:s0], s1  }
0x27b: {  	s1 =	ssub.s32 @!p0 $0x0, s1;
	[sflag:s0] =	ssyncset.done @!p0 $0x0  }
0x27c: {  	[sflag:s0] =	ssyncadd.s32 @!p0 s1  }
0x27d: {  	[bflag:$0x3] =	sbarrier.arrive $0xFFFF  }
0x27e: {  	_ =	shalt  }

</sc_bundles>
